<compile_context>
chip_gen: v7x
topology: tpu7x:2x2x1
jax: 0.10.2.dev20260603
libtpu: 0.0.44.dev20260713+nightly
codegen_flags: <defaults>
</compile_context>

<pallas_src>
import functools

import jax
import jax.numpy as jnp
from jax import lax
from jax.experimental import pallas as pl
from jax.experimental.pallas import tpu as pltpu
from jax.experimental.pallas import tpu_sc as plsc

N_NODES = 10000
N_EDGES = 320000
D = 128

NC = 2
NS = 16
NW = NC * NS

CH = 256
KROWS = CH // 128
N_CHUNKS = N_EDGES // CH


def _normalize_body(x_ref, d_ref, s_ref, ew_ref, e_ref):
    x = x_ref[...]
    norm = jnp.sqrt(jnp.sum(x * x, axis=1, keepdims=True))
    e = x / jnp.maximum(norm, 1e-12)
    e_ref[...] = e
    ew_ref[...] = e * (d_ref[...] * s_ref[0, 0])


def _make_tables(emb, d2, s2):
    return pl.pallas_call(
        _normalize_body,
        out_shape=(
            jax.ShapeDtypeStruct((N_NODES, D), jnp.float32),
            jax.ShapeDtypeStruct((N_NODES, D), jnp.float32),
        ),
    )(emb, d2, s2)


def _sc_body(ew_hbm, e_hbm, src_hbm, dst_hbm, out_hbm,
             sidx, didx, srows, drows, outv, sem, isem, osem):
    wid = lax.axis_index("s") * NC + lax.axis_index("c")
    n_my = (N_CHUNKS - wid - 1) // NW + 1

    def chunk_body(j, _):
        c = wid + j * NW
        i1 = pltpu.async_copy(src_hbm.at[c], sidx, isem)
        i2 = pltpu.async_copy(dst_hbm.at[c], didx, isem)
        i1.wait()
        i2.wait()
        copies = []
        for k in range(KROWS):
            sl = pl.ds(k * 128, 128)
            copies.append(pltpu.async_copy(ew_hbm.at[sidx.at[k]], srows.at[sl], sem))
            copies.append(pltpu.async_copy(e_hbm.at[didx.at[k]], drows.at[sl], sem))
        for cp in copies:
            cp.wait()

        @pl.when(j > 0)
        def _():
            pltpu.make_async_copy(outv, out_hbm.at[pl.ds(0, CH)], osem).wait()

        def group_body(g, _):
            base = g * 16
            lane = lax.iota(jnp.int32, 16)
            res = jnp.zeros((16,), jnp.float32)
            for jj in range(16):
                i = base + jj
                acc = jnp.zeros((16,), jnp.float32)
                for c2 in range(D // 16):
                    sl = pl.ds(c2 * 16, 16)
                    acc = acc + srows[i, sl] * drows[i, sl]
                dot = jnp.sum(acc)
                res = jnp.where(lane == jj, dot, res)
            outv[pl.ds(base, 16)] = res
            return 0

        lax.fori_loop(0, CH // 16, group_body, 0)
        pltpu.async_copy(outv, out_hbm.at[pl.ds(c * CH, CH)], osem)
        return 0

    lax.fori_loop(0, n_my, chunk_body, 0)
    pltpu.make_async_copy(outv, out_hbm.at[pl.ds(0, CH)], osem).wait()


_sc_dot = functools.partial(
    pl.kernel,
    out_type=jax.ShapeDtypeStruct((N_EDGES,), jnp.float32),
    mesh=plsc.VectorSubcoreMesh(
        core_axis_name="c", subcore_axis_name="s", num_cores=NC, num_subcores=NS
    ),
    scratch_types=[
        pltpu.VMEM((KROWS, 128), jnp.int32),
        pltpu.VMEM((KROWS, 128), jnp.int32),
        pltpu.VMEM((CH, D), jnp.float32),
        pltpu.VMEM((CH, D), jnp.float32),
        pltpu.VMEM((CH,), jnp.float32),
        pltpu.SemaphoreType.DMA,
        pltpu.SemaphoreType.DMA,
        pltpu.SemaphoreType.DMA,
    ],
    compiler_params=pltpu.CompilerParams(needs_layout_passes=False),
)(_sc_body)


def kernel(emb, edge_index, d, scale):
    d2 = d.astype(jnp.float32).reshape(1, D)
    s2 = scale.astype(jnp.float32).reshape(1, 1)
    ew, e = _make_tables(emb, d2, s2)
    src = edge_index[0].astype(jnp.int32).reshape(N_CHUNKS, KROWS, 128)
    dst = edge_index[1].astype(jnp.int32).reshape(N_CHUNKS, KROWS, 128)
    pair = _sc_dot(ew, e, src, dst)
    return pair.reshape(N_EDGES, 1)

# --- scband reference (transcript-rebuilt; emitter-appended) ---
"""Pipeline reference for scband-local-emb-d-17205638988465 (READ-ONLY COPY).

The authoritative reference and input builder live on the scoring server;
editing this copy changes nothing except your own understanding.
"""

import jax, jax.numpy as jnp
import numpy as np

N_NODES = 10000
N_EDGES = 320000
N_HIDDEN = 128


def setup_inputs(seed: int = 0) -> dict:
    key = jax.random.key(seed)
    k1, k2 = jax.random.split(key)
    emb = jax.random.normal(k1, (N_NODES, N_HIDDEN), dtype=jnp.float32)
    edge_index = jax.random.randint(k2, (2, N_EDGES), 0, N_NODES, dtype=jnp.int64)
    # learned parameters per __init__: d = ones(n_hidden), scale = full((1,), 0.5)
    d = jnp.ones((N_HIDDEN,), dtype=jnp.float32)
    scale = jnp.full((1,), 0.5, dtype=jnp.float32)
    return {"emb": emb, "edge_index": edge_index, "d": d, "scale": scale}


def reference(emb, edge_index, d, scale):
    # F.normalize(emb, p=2, dim=1): x / max(||x||_2, eps)
    eps = 1e-12
    norm = jnp.linalg.norm(emb, ord=2, axis=1, keepdims=True)
    e = emb / jnp.maximum(norm, eps)
    # emb @ torch.diag(d) == elementwise scale of columns by d
    ew = e * d[None, :]
    src = edge_index[0]
    dst = edge_index[1]
    # dgl fn.u_dot_v('ew', 'e', 'z'): per-edge dot product, shape [E, 1]
    ew_u = jnp.take(ew, src, axis=0)
    e_v = jnp.take(e, dst, axis=0)
    pair_dis = jnp.sum(ew_u * e_v, axis=-1, keepdims=True)
    return pair_dis * scale

if __name__ == "__main__":
    import jax
    _d = setup_inputs()
    print(jax.jit(kernel)(*tuple(_d.values())))

</pallas_src>

<mosaic_0001>
#map = affine_map<(d0, d1) -> (0, 0)>
#map1 = affine_map<(d0, d1) -> (0, 0, 0)>
#map2 = affine_map<(d0, d1) -> (0)>
module attributes {stable_mosaic.version = 14 : i64} {
  func.func @_sc_body(%arg0: i32, %arg1: i32, %arg2: memref<10000x128xf32, #tpu.memory_space<hbm>>, %arg3: memref<10000x128xf32, #tpu.memory_space<hbm>>, %arg4: memref<1250x2x128xi32, #tpu.memory_space<hbm>>, %arg5: memref<1250x2x128xi32, #tpu.memory_space<hbm>>, %arg6: memref<320000xf32, #tpu.memory_space<hbm>>, %arg7: memref<2x128xi32, #tpu.memory_space<vmem>>, %arg8: memref<2x128xi32, #tpu.memory_space<vmem>>, %arg9: memref<256x128xf32, #tpu.memory_space<vmem>>, %arg10: memref<256x128xf32, #tpu.memory_space<vmem>>, %arg11: memref<256xf32, #tpu.memory_space<vmem>>, %arg12: memref<!tpu.dma_semaphore, #tpu.memory_space<semaphore_mem>>, %arg13: memref<!tpu.dma_semaphore, #tpu.memory_space<semaphore_mem>>, %arg14: memref<!tpu.dma_semaphore, #tpu.memory_space<semaphore_mem>>) attributes {dimension_semantics = [#tpu.dimension_semantics<core_parallel>, #tpu.dimension_semantics<subcore_parallel>], iteration_bounds = array<i64: 2, 16>, scalar_prefetch = 0 : i64, scratch_operands = 8 : i64, tpu.core_type = #tpu.core_type<sc_vector_subcore>, window_params = [{transform_indices = #map}, {transform_indices = #map}, {transform_indices = #map1}, {transform_indices = #map1}, {transform_indices = #map2}]} {
    %mul3A = arith.constant 2 : i32
    %mul3A_0 = arith.muli %arg1, %mul3A : i32
    %add3A = arith.addi %mul3A_0, %arg0 : i32
    %sub3A = arith.constant 1250 : i32
    %sub3A_1 = arith.subi %sub3A, %add3A : i32
    %sub3A_2 = arith.constant 1 : i32
    %sub3A_3 = arith.subi %sub3A_1, %sub3A_2 : i32
    %jit3A = arith.constant 32 : i32
    %div3A = arith.divsi %sub3A_3, %jit3A : i32
    %sign3A = arith.constant 0 : i32
    %sign3A_4 = arith.cmpi sgt, %sub3A_3, %sign3A : i32
    %sign3A_5 = arith.extui %sign3A_4 : i1 to i32
    %sign3A_6 = arith.constant 0 : i32
    %sign3A_7 = arith.cmpi slt, %sub3A_3, %sign3A_6 : i32
    %sign3A_8 = arith.extui %sign3A_7 : i1 to i32
    %sign3A_9 = arith.subi %sign3A_5, %sign3A_8 : i32
    %sign3A_10 = arith.constant 0 : i32
    %sign3A_11 = arith.cmpi sgt, %jit3A, %sign3A_10 : i32
    %sign3A_12 = arith.extui %sign3A_11 : i1 to i32
    %sign3A_13 = arith.constant 0 : i32
    %sign3A_14 = arith.cmpi slt, %jit3A, %sign3A_13 : i32
    %sign3A_15 = arith.extui %sign3A_14 : i1 to i32
    %sign3A_16 = arith.subi %sign3A_12, %sign3A_15 : i32
    %ne3A = arith.cmpi ne, %sign3A_9, %sign3A_16 : i32
    %rem3A = arith.remsi %sub3A_3, %jit3A : i32
    %ne3A_17 = arith.constant 0 : i32
    %ne3A_18 = arith.cmpi ne, %rem3A, %ne3A_17 : i32
    %and3A = arith.andi %ne3A, %ne3A_18 : i1
    %sub3A_19 = arith.constant 1 : i32
    %sub3A_20 = arith.subi %div3A, %sub3A_19 : i32
    %select_n3A = arith.select %and3A, %sub3A_20, %div3A : i32
    %add3A_21 = arith.constant 1 : i32
    %add3A_22 = arith.addi %select_n3A, %add3A_21 : i32
    %while3A = arith.constant 0 : i32
    %while3A_23 = arith.constant 0 : i32
    %while3A_24 = arith.subi %add3A_22, %while3A : i32
    %while3A_25 = arith.addi %while3A, %while3A_24 : i32
    %while3A_26 = arith.constant 1 : i32
    %while3A_27 = arith.divsi %while3A_24, %while3A_26 : i32
    %while3A_28 = arith.muli %while3A_27, %while3A_26 : i32
    %while3A_29 = arith.addi %while3A, %while3A_28 : i32
    %while3A_30 = arith.constant 1 : i32
    %while3A_31 = scf.for %while3A_37 = %while3A to %while3A_29 step %while3A_30 iter_args(%while3A_38 = %while3A_23) -> (i32)  : i32 {
      %mul3A_39 = arith.constant 32 : i32
      %mul3A_40 = arith.muli %while3A_37, %mul3A_39 : i32
      %add3A_41 = arith.addi %add3A, %mul3A_40 : i32
      %dma_start3A = arith.constant 0 : i32
      %dma_start3A_42 = arith.constant 0 : i32
      %dma_start3A_43 = tpu.memref_slice %arg4[%add3A_41, %dma_start3A, %dma_start3A_42] : memref<1250x2x128xi32, #tpu.memory_space<hbm>> -> memref<1x2x128xi32, #tpu.memory_space<hbm>>
      %dma_start3A_44 = tpu.memref_squeeze %dma_start3A_43 : memref<1x2x128xi32, #tpu.memory_space<hbm>> -> memref<2x128xi32, #tpu.memory_space<hbm>>
      %dma_start3A_45 = arith.constant 0 : i32
      %dma_start3A_46 = arith.constant 0 : i32
      %dma_start3A_47 = tpu.memref_slice %arg4[%add3A_41, %dma_start3A_45, %dma_start3A_46] : memref<1250x2x128xi32, #tpu.memory_space<hbm>> -> memref<1x2x128xi32, #tpu.memory_space<hbm>>
      %dma_start3A_48 = tpu.memref_squeeze %dma_start3A_47 : memref<1x2x128xi32, #tpu.memory_space<hbm>> -> memref<2x128xi32, #tpu.memory_space<hbm>>
      tpu.enqueue_dma source(%dma_start3A_48 : memref<2x128xi32, #tpu.memory_space<hbm>>) target(%arg7 : memref<2x128xi32, #tpu.memory_space<vmem>>) target_semaphore(%arg13 : memref<!tpu.dma_semaphore, #tpu.memory_space<semaphore_mem>>)
      %dma_start3A_49 = arith.constant 0 : i32
      %dma_start3A_50 = arith.constant 0 : i32
      %dma_start3A_51 = tpu.memref_slice %arg5[%add3A_41, %dma_start3A_49, %dma_start3A_50] : memref<1250x2x128xi32, #tpu.memory_space<hbm>> -> memref<1x2x128xi32, #tpu.memory_space<hbm>>
      %dma_start3A_52 = tpu.memref_squeeze %dma_start3A_51 : memref<1x2x128xi32, #tpu.memory_space<hbm>> -> memref<2x128xi32, #tpu.memory_space<hbm>>
      %dma_start3A_53 = arith.constant 0 : i32
      %dma_start3A_54 = arith.constant 0 : i32
      %dma_start3A_55 = tpu.memref_slice %arg5[%add3A_41, %dma_start3A_53, %dma_start3A_54] : memref<1250x2x128xi32, #tpu.memory_space<hbm>> -> memref<1x2x128xi32, #tpu.memory_space<hbm>>
      %dma_start3A_56 = tpu.memref_squeeze %dma_start3A_55 : memref<1x2x128xi32, #tpu.memory_space<hbm>> -> memref<2x128xi32, #tpu.memory_space<hbm>>
      tpu.enqueue_dma source(%dma_start3A_56 : memref<2x128xi32, #tpu.memory_space<hbm>>) target(%arg8 : memref<2x128xi32, #tpu.memory_space<vmem>>) target_semaphore(%arg13 : memref<!tpu.dma_semaphore, #tpu.memory_space<semaphore_mem>>)
      %dma_wait3A_57 = arith.constant 0 : i32
      %dma_wait3A_58 = arith.constant 0 : i32
      %dma_wait3A_59 = tpu.memref_slice %arg4[%add3A_41, %dma_wait3A_57, %dma_wait3A_58] : memref<1250x2x128xi32, #tpu.memory_space<hbm>> -> memref<1x2x128xi32, #tpu.memory_space<hbm>>
      %dma_wait3A_60 = tpu.memref_squeeze %dma_wait3A_59 : memref<1x2x128xi32, #tpu.memory_space<hbm>> -> memref<2x128xi32, #tpu.memory_space<hbm>>
      %dma_wait3A_61 = arith.constant 0 : i32
      %dma_wait3A_62 = arith.constant 0 : i32
      %dma_wait3A_63 = tpu.memref_slice %arg4[%add3A_41, %dma_wait3A_61, %dma_wait3A_62] : memref<1250x2x128xi32, #tpu.memory_space<hbm>> -> memref<1x2x128xi32, #tpu.memory_space<hbm>>
      %dma_wait3A_64 = tpu.memref_squeeze %dma_wait3A_63 : memref<1x2x128xi32, #tpu.memory_space<hbm>> -> memref<2x128xi32, #tpu.memory_space<hbm>>
      tpu.wait_dma2 semaphore(%arg13 : memref<!tpu.dma_semaphore, #tpu.memory_space<semaphore_mem>>) src(%dma_wait3A_64 : memref<2x128xi32, #tpu.memory_space<hbm>>) dst(%arg7 : memref<2x128xi32, #tpu.memory_space<vmem>>)
      %dma_wait3A_65 = arith.constant 0 : i32
      %dma_wait3A_66 = arith.constant 0 : i32
      %dma_wait3A_67 = tpu.memref_slice %arg5[%add3A_41, %dma_wait3A_65, %dma_wait3A_66] : memref<1250x2x128xi32, #tpu.memory_space<hbm>> -> memref<1x2x128xi32, #tpu.memory_space<hbm>>
      %dma_wait3A_68 = tpu.memref_squeeze %dma_wait3A_67 : memref<1x2x128xi32, #tpu.memory_space<hbm>> -> memref<2x128xi32, #tpu.memory_space<hbm>>
      %dma_wait3A_69 = arith.constant 0 : i32
      %dma_wait3A_70 = arith.constant 0 : i32
      %dma_wait3A_71 = tpu.memref_slice %arg5[%add3A_41, %dma_wait3A_69, %dma_wait3A_70] : memref<1250x2x128xi32, #tpu.memory_space<hbm>> -> memref<1x2x128xi32, #tpu.memory_space<hbm>>
      %dma_wait3A_72 = tpu.memref_squeeze %dma_wait3A_71 : memref<1x2x128xi32, #tpu.memory_space<hbm>> -> memref<2x128xi32, #tpu.memory_space<hbm>>
      tpu.wait_dma2 semaphore(%arg13 : memref<!tpu.dma_semaphore, #tpu.memory_space<semaphore_mem>>) src(%dma_wait3A_72 : memref<2x128xi32, #tpu.memory_space<hbm>>) dst(%arg8 : memref<2x128xi32, #tpu.memory_space<vmem>>)
      %dma_start3A_73 = arith.constant 0 : i32
      %dma_start3A_74 = arith.constant 0 : i32
      %dma_start3A_75 = arith.constant 0 : i32
      %dma_start3A_76 = tpu.memref_slice %arg9[%dma_start3A_74, %dma_start3A_75] : memref<256x128xf32, #tpu.memory_space<vmem>> -> memref<128x128xf32, #tpu.memory_space<vmem>>
      %dma_start3A_77 = arith.constant 0 : i32
      %dma_start3A_78 = tpu.memref_slice %arg7[%dma_start3A_73, %dma_start3A_77] : memref<2x128xi32, #tpu.memory_space<vmem>> -> memref<1x128xi32, #tpu.memory_space<vmem>>
      %dma_start3A_79 = tpu.memref_squeeze %dma_start3A_78 : memref<1x128xi32, #tpu.memory_space<vmem>> -> memref<128xi32, #tpu.memory_space<vmem>>
      %dma_start3A_80 = arith.constant 0 : i32
      %dma_start3A_81 = arith.constant 0 : i32
      %dma_start3A_82 = tpu.memref_slice %arg2[%dma_start3A_80, %dma_start3A_81] : memref<10000x128xf32, #tpu.memory_space<hbm>> -> memref<10000x128xf32, #tpu.memory_space<hbm>>
      tpu.enqueue_indirect_dma source(%dma_start3A_82 : memref<10000x128xf32, #tpu.memory_space<hbm>>) target(%dma_start3A_76 : memref<128x128xf32, #tpu.memory_space<vmem>>) offsets(%dma_start3A_79 : memref<128xi32, #tpu.memory_space<vmem>>) semaphore(%arg12 : memref<!tpu.dma_semaphore, #tpu.memory_space<semaphore_mem>>)
      %dma_start3A_83 = arith.constant 0 : i32
      %dma_start3A_84 = arith.constant 0 : i32
      %dma_start3A_85 = arith.constant 0 : i32
      %dma_start3A_86 = tpu.memref_slice %arg10[%dma_start3A_84, %dma_start3A_85] : memref<256x128xf32, #tpu.memory_space<vmem>> -> memref<128x128xf32, #tpu.memory_space<vmem>>
      %dma_start3A_87 = arith.constant 0 : i32
      %dma_start3A_88 = tpu.memref_slice %arg8[%dma_start3A_83, %dma_start3A_87] : memref<2x128xi32, #tpu.memory_space<vmem>> -> memref<1x128xi32, #tpu.memory_space<vmem>>
      %dma_start3A_89 = tpu.memref_squeeze %dma_start3A_88 : memref<1x128xi32, #tpu.memory_space<vmem>> -> memref<128xi32, #tpu.memory_space<vmem>>
      %dma_start3A_90 = arith.constant 0 : i32
      %dma_start3A_91 = arith.constant 0 : i32
      %dma_start3A_92 = tpu.memref_slice %arg3[%dma_start3A_90, %dma_start3A_91] : memref<10000x128xf32, #tpu.memory_space<hbm>> -> memref<10000x128xf32, #tpu.memory_space<hbm>>
      tpu.enqueue_indirect_dma source(%dma_start3A_92 : memref<10000x128xf32, #tpu.memory_space<hbm>>) target(%dma_start3A_86 : memref<128x128xf32, #tpu.memory_space<vmem>>) offsets(%dma_start3A_89 : memref<128xi32, #tpu.memory_space<vmem>>) semaphore(%arg12 : memref<!tpu.dma_semaphore, #tpu.memory_space<semaphore_mem>>)
      %dma_start3A_93 = arith.constant 1 : i32
      %dma_start3A_94 = arith.constant 128 : i32
      %dma_start3A_95 = arith.constant 0 : i32
      %dma_start3A_96 = tpu.memref_slice %arg9[%dma_start3A_94, %dma_start3A_95] : memref<256x128xf32, #tpu.memory_space<vmem>> -> memref<128x128xf32, #tpu.memory_space<vmem>>
      %dma_start3A_97 = arith.constant 0 : i32
      %dma_start3A_98 = tpu.memref_slice %arg7[%dma_start3A_93, %dma_start3A_97] : memref<2x128xi32, #tpu.memory_space<vmem>> -> memref<1x128xi32, #tpu.memory_space<vmem>>
      %dma_start3A_99 = tpu.memref_squeeze %dma_start3A_98 : memref<1x128xi32, #tpu.memory_space<vmem>> -> memref<128xi32, #tpu.memory_space<vmem>>
      %dma_start3A_100 = arith.constant 0 : i32
      %dma_start3A_101 = arith.constant 0 : i32
      %dma_start3A_102 = tpu.memref_slice %arg2[%dma_start3A_100, %dma_start3A_101] : memref<10000x128xf32, #tpu.memory_space<hbm>> -> memref<10000x128xf32, #tpu.memory_space<hbm>>
      tpu.enqueue_indirect_dma source(%dma_start3A_102 : memref<10000x128xf32, #tpu.memory_space<hbm>>) target(%dma_start3A_96 : memref<128x128xf32, #tpu.memory_space<vmem>>) offsets(%dma_start3A_99 : memref<128xi32, #tpu.memory_space<vmem>>) semaphore(%arg12 : memref<!tpu.dma_semaphore, #tpu.memory_space<semaphore_mem>>)
      %dma_start3A_103 = arith.constant 1 : i32
      %dma_start3A_104 = arith.constant 128 : i32
      %dma_start3A_105 = arith.constant 0 : i32
      %dma_start3A_106 = tpu.memref_slice %arg10[%dma_start3A_104, %dma_start3A_105] : memref<256x128xf32, #tpu.memory_space<vmem>> -> memref<128x128xf32, #tpu.memory_space<vmem>>
      %dma_start3A_107 = arith.constant 0 : i32
      %dma_start3A_108 = tpu.memref_slice %arg8[%dma_start3A_103, %dma_start3A_107] : memref<2x128xi32, #tpu.memory_space<vmem>> -> memref<1x128xi32, #tpu.memory_space<vmem>>
      %dma_start3A_109 = tpu.memref_squeeze %dma_start3A_108 : memref<1x128xi32, #tpu.memory_space<vmem>> -> memref<128xi32, #tpu.memory_space<vmem>>
      %dma_start3A_110 = arith.constant 0 : i32
      %dma_start3A_111 = arith.constant 0 : i32
      %dma_start3A_112 = tpu.memref_slice %arg3[%dma_start3A_110, %dma_start3A_111] : memref<10000x128xf32, #tpu.memory_space<hbm>> -> memref<10000x128xf32, #tpu.memory_space<hbm>>
      tpu.enqueue_indirect_dma source(%dma_start3A_112 : memref<10000x128xf32, #tpu.memory_space<hbm>>) target(%dma_start3A_106 : memref<128x128xf32, #tpu.memory_space<vmem>>) offsets(%dma_start3A_109 : memref<128xi32, #tpu.memory_space<vmem>>) semaphore(%arg12 : memref<!tpu.dma_semaphore, #tpu.memory_space<semaphore_mem>>)
      %dma_wait3A_113 = arith.constant 0 : i32
      %dma_wait3A_114 = arith.constant 0 : i32
      %dma_wait3A_115 = arith.constant 0 : i32
      %dma_wait3A_116 = tpu.memref_slice %arg9[%dma_wait3A_114, %dma_wait3A_115] : memref<256x128xf32, #tpu.memory_space<vmem>> -> memref<128x128xf32, #tpu.memory_space<vmem>>
      %dma_wait3A_117 = arith.constant 0 : i32
      %dma_wait3A_118 = tpu.memref_slice %arg7[%dma_wait3A_113, %dma_wait3A_117] : memref<2x128xi32, #tpu.memory_space<vmem>> -> memref<1x128xi32, #tpu.memory_space<vmem>>
      %dma_wait3A_119 = tpu.memref_squeeze %dma_wait3A_118 : memref<1x128xi32, #tpu.memory_space<vmem>> -> memref<128xi32, #tpu.memory_space<vmem>>
      %dma_wait3A_120 = arith.constant 0 : i32
      %dma_wait3A_121 = arith.constant 0 : i32
      %dma_wait3A_122 = tpu.memref_slice %arg2[%dma_wait3A_120, %dma_wait3A_121] : memref<10000x128xf32, #tpu.memory_space<hbm>> -> memref<10000x128xf32, #tpu.memory_space<hbm>>
      tpu.wait_indirect_dma semaphore(%arg12 : memref<!tpu.dma_semaphore, #tpu.memory_space<semaphore_mem>>) src(%dma_wait3A_122 : memref<10000x128xf32, #tpu.memory_space<hbm>>) dst(%dma_wait3A_116 : memref<128x128xf32, #tpu.memory_space<vmem>>)
      %dma_wait3A_123 = arith.constant 0 : i32
      %dma_wait3A_124 = arith.constant 0 : i32
      %dma_wait3A_125 = arith.constant 0 : i32
      %dma_wait3A_126 = tpu.memref_slice %arg10[%dma_wait3A_124, %dma_wait3A_125] : memref<256x128xf32, #tpu.memory_space<vmem>> -> memref<128x128xf32, #tpu.memory_space<vmem>>
      %dma_wait3A_127 = arith.constant 0 : i32
      %dma_wait3A_128 = tpu.memref_slice %arg8[%dma_wait3A_123, %dma_wait3A_127] : memref<2x128xi32, #tpu.memory_space<vmem>> -> memref<1x128xi32, #tpu.memory_space<vmem>>
      %dma_wait3A_129 = tpu.memref_squeeze %dma_wait3A_128 : memref<1x128xi32, #tpu.memory_space<vmem>> -> memref<128xi32, #tpu.memory_space<vmem>>
      %dma_wait3A_130 = arith.constant 0 : i32
      %dma_wait3A_131 = arith.constant 0 : i32
      %dma_wait3A_132 = tpu.memref_slice %arg3[%dma_wait3A_130, %dma_wait3A_131] : memref<10000x128xf32, #tpu.memory_space<hbm>> -> memref<10000x128xf32, #tpu.memory_space<hbm>>
      tpu.wait_indirect_dma semaphore(%arg12 : memref<!tpu.dma_semaphore, #tpu.memory_space<semaphore_mem>>) src(%dma_wait3A_132 : memref<10000x128xf32, #tpu.memory_space<hbm>>) dst(%dma_wait3A_126 : memref<128x128xf32, #tpu.memory_space<vmem>>)
      %dma_wait3A_133 = arith.constant 1 : i32
      %dma_wait3A_134 = arith.constant 128 : i32
      %dma_wait3A_135 = arith.constant 0 : i32
      %dma_wait3A_136 = tpu.memref_slice %arg9[%dma_wait3A_134, %dma_wait3A_135] : memref<256x128xf32, #tpu.memory_space<vmem>> -> memref<128x128xf32, #tpu.memory_space<vmem>>
      %dma_wait3A_137 = arith.constant 0 : i32
      %dma_wait3A_138 = tpu.memref_slice %arg7[%dma_wait3A_133, %dma_wait3A_137] : memref<2x128xi32, #tpu.memory_space<vmem>> -> memref<1x128xi32, #tpu.memory_space<vmem>>
      %dma_wait3A_139 = tpu.memref_squeeze %dma_wait3A_138 : memref<1x128xi32, #tpu.memory_space<vmem>> -> memref<128xi32, #tpu.memory_space<vmem>>
      %dma_wait3A_140 = arith.constant 0 : i32
      %dma_wait3A_141 = arith.constant 0 : i32
      %dma_wait3A_142 = tpu.memref_slice %arg2[%dma_wait3A_140, %dma_wait3A_141] : memref<10000x128xf32, #tpu.memory_space<hbm>> -> memref<10000x128xf32, #tpu.memory_space<hbm>>
      tpu.wait_indirect_dma semaphore(%arg12 : memref<!tpu.dma_semaphore, #tpu.memory_space<semaphore_mem>>) src(%dma_wait3A_142 : memref<10000x128xf32, #tpu.memory_space<hbm>>) dst(%dma_wait3A_136 : memref<128x128xf32, #tpu.memory_space<vmem>>)
      %dma_wait3A_143 = arith.constant 1 : i32
      %dma_wait3A_144 = arith.constant 128 : i32
      %dma_wait3A_145 = arith.constant 0 : i32
      %dma_wait3A_146 = tpu.memref_slice %arg10[%dma_wait3A_144, %dma_wait3A_145] : memref<256x128xf32, #tpu.memory_space<vmem>> -> memref<128x128xf32, #tpu.memory_space<vmem>>
      %dma_wait3A_147 = arith.constant 0 : i32
      %dma_wait3A_148 = tpu.memref_slice %arg8[%dma_wait3A_143, %dma_wait3A_147] : memref<2x128xi32, #tpu.memory_space<vmem>> -> memref<1x128xi32, #tpu.memory_space<vmem>>
      %dma_wait3A_149 = tpu.memref_squeeze %dma_wait3A_148 : memref<1x128xi32, #tpu.memory_space<vmem>> -> memref<128xi32, #tpu.memory_space<vmem>>
      %dma_wait3A_150 = arith.constant 0 : i32
      %dma_wait3A_151 = arith.constant 0 : i32
      %dma_wait3A_152 = tpu.memref_slice %arg3[%dma_wait3A_150, %dma_wait3A_151] : memref<10000x128xf32, #tpu.memory_space<hbm>> -> memref<10000x128xf32, #tpu.memory_space<hbm>>
      tpu.wait_indirect_dma semaphore(%arg12 : memref<!tpu.dma_semaphore, #tpu.memory_space<semaphore_mem>>) src(%dma_wait3A_152 : memref<10000x128xf32, #tpu.memory_space<hbm>>) dst(%dma_wait3A_146 : memref<128x128xf32, #tpu.memory_space<vmem>>)
      %gt3A = arith.constant 0 : i32
      %gt3A_153 = arith.cmpi sgt, %while3A_37, %gt3A : i32
      %convert_element_type3A = arith.extui %gt3A_153 : i1 to i32
      %cond3A = arith.constant 0 : i32
      %cond3A_154 = arith.cmpi ne, %convert_element_type3A, %cond3A : i32
      scf.if %cond3A_154 {
        %dma_wait3A_166 = arith.constant 0 : i32
        %dma_wait3A_167 = tpu.memref_slice %arg6[%dma_wait3A_166] : memref<320000xf32, #tpu.memory_space<hbm>> -> memref<256xf32, #tpu.memory_space<hbm>>
        %dma_wait3A_168 = arith.constant 0 : i32
        %dma_wait3A_169 = tpu.memref_slice %arg6[%dma_wait3A_168] : memref<320000xf32, #tpu.memory_space<hbm>> -> memref<256xf32, #tpu.memory_space<hbm>>
        tpu.wait_dma2 semaphore(%arg14 : memref<!tpu.dma_semaphore, #tpu.memory_space<semaphore_mem>>) src(%arg11 : memref<256xf32, #tpu.memory_space<vmem>>) dst(%dma_wait3A_169 : memref<256xf32, #tpu.memory_space<hbm>>)
      } else {
      }
      %scan3A = arith.constant 0 : i32
      %scan3A_155 = arith.constant 0 : i32
      %scan3A_156 = arith.constant 16 : i32
      %scan3A_157 = arith.addi %scan3A_155, %scan3A_156 : i32
      %scan3A_158 = arith.constant 1 : i32
      %scan3A_159 = scf.for %scan3A_166 = %scan3A_155 to %scan3A_157 step %scan3A_158 iter_args(%scan3A_167 = %scan3A) -> (i32)  : i32 {
        %mul3A_168 = arith.constant 16 : i32
        %mul3A_169 = arith.muli %scan3A_166, %mul3A_168 : i32
        %iota3A = tpu.iota {dimensions = array<i32: 0>} : vector<16xi32>
        %broadcast_in_dim3A = arith.constant 0.000000e+00 : f32
        %broadcast_in_dim3A_170 = vector.broadcast %broadcast_in_dim3A : f32 to vector<16xf32>
        %add3A_171 = arith.constant 0 : i32
        %add3A_172 = arith.addi %mul3A_169, %add3A_171 : i32
        %broadcast_in_dim3A_173 = arith.constant 0.000000e+00 : f32
        %broadcast_in_dim3A_174 = vector.broadcast %broadcast_in_dim3A_173 : f32 to vector<16xf32>
        %get3A = arith.index_cast %add3A_172 : i32 to index
        %get3A_175 = arith.constant 0 : index
        %get3A_176 = tpu.vector_load %arg9[%get3A, %get3A_175] {strides = array<i32>} : memref<256x128xf32, #tpu.memory_space<vmem>>, vector<16xf32>,
        %get3A_177 = arith.index_cast %add3A_172 : i32 to index
        %get3A_178 = arith.constant 0 : index
        %get3A_179 = tpu.vector_load %arg10[%get3A_177, %get3A_178] {strides = array<i32>} : memref<256x128xf32, #tpu.memory_space<vmem>>, vector<16xf32>,
        %mul3A_180 = arith.mulf %get3A_176, %get3A_179 : vector<16xf32>
        %add3A_181 = arith.addf %broadcast_in_dim3A_174, %mul3A_180 : vector<16xf32>
        %get3A_182 = arith.index_cast %add3A_172 : i32 to index
        %get3A_183 = arith.constant 16 : index
        %get3A_184 = tpu.vector_load %arg9[%get3A_182, %get3A_183] {strides = array<i32>} : memref<256x128xf32, #tpu.memory_space<vmem>>, vector<16xf32>,
        %get3A_185 = arith.index_cast %add3A_172 : i32 to index
        %get3A_186 = arith.constant 16 : index
        %get3A_187 = tpu.vector_load %arg10[%get3A_185, %get3A_186] {strides = array<i32>} : memref<256x128xf32, #tpu.memory_space<vmem>>, vector<16xf32>,
        %mul3A_188 = arith.mulf %get3A_184, %get3A_187 : vector<16xf32>
        %add3A_189 = arith.addf %add3A_181, %mul3A_188 : vector<16xf32>
        %get3A_190 = arith.index_cast %add3A_172 : i32 to index
        %get3A_191 = arith.constant 32 : index
        %get3A_192 = tpu.vector_load %arg9[%get3A_190, %get3A_191] {strides = array<i32>} : memref<256x128xf32, #tpu.memory_space<vmem>>, vector<16xf32>,
        %get3A_193 = arith.index_cast %add3A_172 : i32 to index
        %get3A_194 = arith.constant 32 : index
        %get3A_195 = tpu.vector_load %arg10[%get3A_193, %get3A_194] {strides = array<i32>} : memref<256x128xf32, #tpu.memory_space<vmem>>, vector<16xf32>,
        %mul3A_196 = arith.mulf %get3A_192, %get3A_195 : vector<16xf32>
        %add3A_197 = arith.addf %add3A_189, %mul3A_196 : vector<16xf32>
        %get3A_198 = arith.index_cast %add3A_172 : i32 to index
        %get3A_199 = arith.constant 48 : index
        %get3A_200 = tpu.vector_load %arg9[%get3A_198, %get3A_199] {strides = array<i32>} : memref<256x128xf32, #tpu.memory_space<vmem>>, vector<16xf32>,
        %get3A_201 = arith.index_cast %add3A_172 : i32 to index
        %get3A_202 = arith.constant 48 : index
        %get3A_203 = tpu.vector_load %arg10[%get3A_201, %get3A_202] {strides = array<i32>} : memref<256x128xf32, #tpu.memory_space<vmem>>, vector<16xf32>,
        %mul3A_204 = arith.mulf %get3A_200, %get3A_203 : vector<16xf32>
        %add3A_205 = arith.addf %add3A_197, %mul3A_204 : vector<16xf32>
        %get3A_206 = arith.index_cast %add3A_172 : i32 to index
        %get3A_207 = arith.constant 64 : index
        %get3A_208 = tpu.vector_load %arg9[%get3A_206, %get3A_207] {strides = array<i32>} : memref<256x128xf32, #tpu.memory_space<vmem>>, vector<16xf32>,
        %get3A_209 = arith.index_cast %add3A_172 : i32 to index
        %get3A_210 = arith.constant 64 : index
        %get3A_211 = tpu.vector_load %arg10[%get3A_209, %get3A_210] {strides = array<i32>} : memref<256x128xf32, #tpu.memory_space<vmem>>, vector<16xf32>,
        %mul3A_212 = arith.mulf %get3A_208, %get3A_211 : vector<16xf32>
        %add3A_213 = arith.addf %add3A_205, %mul3A_212 : vector<16xf32>
        %get3A_214 = arith.index_cast %add3A_172 : i32 to index
        %get3A_215 = arith.constant 80 : index
        %get3A_216 = tpu.vector_load %arg9[%get3A_214, %get3A_215] {strides = array<i32>} : memref<256x128xf32, #tpu.memory_space<vmem>>, vector<16xf32>,
        %get3A_217 = arith.index_cast %add3A_172 : i32 to index
        %get3A_218 = arith.constant 80 : index
        %get3A_219 = tpu.vector_load %arg10[%get3A_217, %get3A_218] {strides = array<i32>} : memref<256x128xf32, #tpu.memory_space<vmem>>, vector<16xf32>,
        %mul3A_220 = arith.mulf %get3A_216, %get3A_219 : vector<16xf32>
        %add3A_221 = arith.addf %add3A_213, %mul3A_220 : vector<16xf32>
        %get3A_222 = arith.index_cast %add3A_172 : i32 to index
        %get3A_223 = arith.constant 96 : index
        %get3A_224 = tpu.vector_load %arg9[%get3A_222, %get3A_223] {strides = array<i32>} : memref<256x128xf32, #tpu.memory_space<vmem>>, vector<16xf32>,
        %get3A_225 = arith.index_cast %add3A_172 : i32 to index
        %get3A_226 = arith.constant 96 : index
        %get3A_227 = tpu.vector_load %arg10[%get3A_225, %get3A_226] {strides = array<i32>} : memref<256x128xf32, #tpu.memory_space<vmem>>, vector<16xf32>,
        %mul3A_228 = arith.mulf %get3A_224, %get3A_227 : vector<16xf32>
        %add3A_229 = arith.addf %add3A_221, %mul3A_228 : vector<16xf32>
        %get3A_230 = arith.index_cast %add3A_172 : i32 to index
        %get3A_231 = arith.constant 112 : index
        %get3A_232 = tpu.vector_load %arg9[%get3A_230, %get3A_231] {strides = array<i32>} : memref<256x128xf32, #tpu.memory_space<vmem>>, vector<16xf32>,
        %get3A_233 = arith.index_cast %add3A_172 : i32 to index
        %get3A_234 = arith.constant 112 : index
        %get3A_235 = tpu.vector_load %arg10[%get3A_233, %get3A_234] {strides = array<i32>} : memref<256x128xf32, #tpu.memory_space<vmem>>, vector<16xf32>,
        %mul3A_236 = arith.mulf %get3A_232, %get3A_235 : vector<16xf32>
        %add3A_237 = arith.addf %add3A_229, %mul3A_236 : vector<16xf32>
        %reduce_sum3A = arith.constant true
        %reduce_sum3A_238 = vector.broadcast %reduce_sum3A : i1 to vector<16xi1>
        %reduce_sum3A_239 = tpu.scan <sum>, %add3A_237 masked %reduce_sum3A_238 : vector<16xf32>, vector<16xi1> -> vector<16xf32>
        %reduce_sum3A_240 = vector.extract %reduce_sum3A_239[15] : f32 from vector<16xf32>
        %eq3A = arith.constant 0 : i32
        %eq3A_241 = vector.broadcast %eq3A : i32 to vector<16xi32>
        %eq3A_242 = arith.cmpi eq, %iota3A, %eq3A_241 : vector<16xi32>
        %broadcast_in_dim3A_243 = vector.broadcast %reduce_sum3A_240 : f32 to vector<16xf32>
        %select_n3A_244 = arith.select %eq3A_242, %broadcast_in_dim3A_243, %broadcast_in_dim3A_170 : vector<16xi1>, vector<16xf32>
        %add3A_245 = arith.constant 1 : i32
        %add3A_246 = arith.addi %mul3A_169, %add3A_245 : i32
        %broadcast_in_dim3A_247 = arith.constant 0.000000e+00 : f32
        %broadcast_in_dim3A_248 = vector.broadcast %broadcast_in_dim3A_247 : f32 to vector<16xf32>
        %get3A_249 = arith.index_cast %add3A_246 : i32 to index
        %get3A_250 = arith.constant 0 : index
        %get3A_251 = tpu.vector_load %arg9[%get3A_249, %get3A_250] {strides = array<i32>} : memref<256x128xf32, #tpu.memory_space<vmem>>, vector<16xf32>,
        %get3A_252 = arith.index_cast %add3A_246 : i32 to index
        %get3A_253 = arith.constant 0 : index
        %get3A_254 = tpu.vector_load %arg10[%get3A_252, %get3A_253] {strides = array<i32>} : memref<256x128xf32, #tpu.memory_space<vmem>>, vector<16xf32>,
        %mul3A_255 = arith.mulf %get3A_251, %get3A_254 : vector<16xf32>
        %add3A_256 = arith.addf %broadcast_in_dim3A_248, %mul3A_255 : vector<16xf32>
        %get3A_257 = arith.index_cast %add3A_246 : i32 to index
        %get3A_258 = arith.constant 16 : index
        %get3A_259 = tpu.vector_load %arg9[%get3A_257, %get3A_258] {strides = array<i32>} : memref<256x128xf32, #tpu.memory_space<vmem>>, vector<16xf32>,
        %get3A_260 = arith.index_cast %add3A_246 : i32 to index
        %get3A_261 = arith.constant 16 : index
        %get3A_262 = tpu.vector_load %arg10[%get3A_260, %get3A_261] {strides = array<i32>} : memref<256x128xf32, #tpu.memory_space<vmem>>, vector<16xf32>,
        %mul3A_263 = arith.mulf %get3A_259, %get3A_262 : vector<16xf32>
        %add3A_264 = arith.addf %add3A_256, %mul3A_263 : vector<16xf32>
        %get3A_265 = arith.index_cast %add3A_246 : i32 to index
        %get3A_266 = arith.constant 32 : index
        %get3A_267 = tpu.vector_load %arg9[%get3A_265, %get3A_266] {strides = array<i32>} : memref<256x128xf32, #tpu.memory_space<vmem>>, vector<16xf32>,
        %get3A_268 = arith.index_cast %add3A_246 : i32 to index
        %get3A_269 = arith.constant 32 : index
        %get3A_270 = tpu.vector_load %arg10[%get3A_268, %get3A_269] {strides = array<i32>} : memref<256x128xf32, #tpu.memory_space<vmem>>, vector<16xf32>,
        %mul3A_271 = arith.mulf %get3A_267, %get3A_270 : vector<16xf32>
        %add3A_272 = arith.addf %add3A_264, %mul3A_271 : vector<16xf32>
        %get3A_273 = arith.index_cast %add3A_246 : i32 to index
        %get3A_274 = arith.constant 48 : index
        %get3A_275 = tpu.vector_load %arg9[%get3A_273, %get3A_274] {strides = array<i32>} : memref<256x128xf32, #tpu.memory_space<vmem>>, vector<16xf32>,
        %get3A_276 = arith.index_cast %add3A_246 : i32 to index
        %get3A_277 = arith.constant 48 : index
        %get3A_278 = tpu.vector_load %arg10[%get3A_276, %get3A_277] {strides = array<i32>} : memref<256x128xf32, #tpu.memory_space<vmem>>, vector<16xf32>,
        %mul3A_279 = arith.mulf %get3A_275, %get3A_278 : vector<16xf32>
        %add3A_280 = arith.addf %add3A_272, %mul3A_279 : vector<16xf32>
        %get3A_281 = arith.index_cast %add3A_246 : i32 to index
        %get3A_282 = arith.constant 64 : index
        %get3A_283 = tpu.vector_load %arg9[%get3A_281, %get3A_282] {strides = array<i32>} : memref<256x128xf32, #tpu.memory_space<vmem>>, vector<16xf32>,
        %get3A_284 = arith.index_cast %add3A_246 : i32 to index
        %get3A_285 = arith.constant 64 : index
        %get3A_286 = tpu.vector_load %arg10[%get3A_284, %get3A_285] {strides = array<i32>} : memref<256x128xf32, #tpu.memory_space<vmem>>, vector<16xf32>,
        %mul3A_287 = arith.mulf %get3A_283, %get3A_286 : vector<16xf32>
        %add3A_288 = arith.addf %add3A_280, %mul3A_287 : vector<16xf32>
        %get3A_289 = arith.index_cast %add3A_246 : i32 to index
        %get3A_290 = arith.constant 80 : index
        %get3A_291 = tpu.vector_load %arg9[%get3A_289, %get3A_290] {strides = array<i32>} : memref<256x128xf32, #tpu.memory_space<vmem>>, vector<16xf32>,
        %get3A_292 = arith.index_cast %add3A_246 : i32 to index
        %get3A_293 = arith.constant 80 : index
        %get3A_294 = tpu.vector_load %arg10[%get3A_292, %get3A_293] {strides = array<i32>} : memref<256x128xf32, #tpu.memory_space<vmem>>, vector<16xf32>,
        %mul3A_295 = arith.mulf %get3A_291, %get3A_294 : vector<16xf32>
        %add3A_296 = arith.addf %add3A_288, %mul3A_295 : vector<16xf32>
        %get3A_297 = arith.index_cast %add3A_246 : i32 to index
        %get3A_298 = arith.constant 96 : index
        %get3A_299 = tpu.vector_load %arg9[%get3A_297, %get3A_298] {strides = array<i32>} : memref<256x128xf32, #tpu.memory_space<vmem>>, vector<16xf32>,
        %get3A_300 = arith.index_cast %add3A_246 : i32 to index
        %get3A_301 = arith.constant 96 : index
        %get3A_302 = tpu.vector_load %arg10[%get3A_300, %get3A_301] {strides = array<i32>} : memref<256x128xf32, #tpu.memory_space<vmem>>, vector<16xf32>,
        %mul3A_303 = arith.mulf %get3A_299, %get3A_302 : vector<16xf32>
        %add3A_304 = arith.addf %add3A_296, %mul3A_303 : vector<16xf32>
        %get3A_305 = arith.index_cast %add3A_246 : i32 to index
        %get3A_306 = arith.constant 112 : index
        %get3A_307 = tpu.vector_load %arg9[%get3A_305, %get3A_306] {strides = array<i32>} : memref<256x128xf32, #tpu.memory_space<vmem>>, vector<16xf32>,
        %get3A_308 = arith.index_cast %add3A_246 : i32 to index
        %get3A_309 = arith.constant 112 : index
        %get3A_310 = tpu.vector_load %arg10[%get3A_308, %get3A_309] {strides = array<i32>} : memref<256x128xf32, #tpu.memory_space<vmem>>, vector<16xf32>,
        %mul3A_311 = arith.mulf %get3A_307, %get3A_310 : vector<16xf32>
        %add3A_312 = arith.addf %add3A_304, %mul3A_311 : vector<16xf32>
        %reduce_sum3A_313 = arith.constant true
        %reduce_sum3A_314 = vector.broadcast %reduce_sum3A_313 : i1 to vector<16xi1>
        %reduce_sum3A_315 = tpu.scan <sum>, %add3A_312 masked %reduce_sum3A_314 : vector<16xf32>, vector<16xi1> -> vector<16xf32>
        %reduce_sum3A_316 = vector.extract %reduce_sum3A_315[15] : f32 from vector<16xf32>
        %eq3A_317 = arith.constant 1 : i32
        %eq3A_318 = vector.broadcast %eq3A_317 : i32 to vector<16xi32>
        %eq3A_319 = arith.cmpi eq, %iota3A, %eq3A_318 : vector<16xi32>
        %broadcast_in_dim3A_320 = vector.broadcast %reduce_sum3A_316 : f32 to vector<16xf32>
        %select_n3A_321 = arith.select %eq3A_319, %broadcast_in_dim3A_320, %select_n3A_244 : vector<16xi1>, vector<16xf32>
        %add3A_322 = arith.constant 2 : i32
        %add3A_323 = arith.addi %mul3A_169, %add3A_322 : i32
        %broadcast_in_dim3A_324 = arith.constant 0.000000e+00 : f32
        %broadcast_in_dim3A_325 = vector.broadcast %broadcast_in_dim3A_324 : f32 to vector<16xf32>
        %get3A_326 = arith.index_cast %add3A_323 : i32 to index
        %get3A_327 = arith.constant 0 : index
        %get3A_328 = tpu.vector_load %arg9[%get3A_326, %get3A_327] {strides = array<i32>} : memref<256x128xf32, #tpu.memory_space<vmem>>, vector<16xf32>,
        %get3A_329 = arith.index_cast %add3A_323 : i32 to index
        %get3A_330 = arith.constant 0 : index
        %get3A_331 = tpu.vector_load %arg10[%get3A_329, %get3A_330] {strides = array<i32>} : memref<256x128xf32, #tpu.memory_space<vmem>>, vector<16xf32>,
        %mul3A_332 = arith.mulf %get3A_328, %get3A_331 : vector<16xf32>
        %add3A_333 = arith.addf %broadcast_in_dim3A_325, %mul3A_332 : vector<16xf32>
        %get3A_334 = arith.index_cast %add3A_323 : i32 to index
        %get3A_335 = arith.constant 16 : index
        %get3A_336 = tpu.vector_load %arg9[%get3A_334, %get3A_335] {strides = array<i32>} : memref<256x128xf32, #tpu.memory_space<vmem>>, vector<16xf32>,
        %get3A_337 = arith.index_cast %add3A_323 : i32 to index
        %get3A_338 = arith.constant 16 : index
        %get3A_339 = tpu.vector_load %arg10[%get3A_337, %get3A_338] {strides = array<i32>} : memref<256x128xf32, #tpu.memory_space<vmem>>, vector<16xf32>,
        %mul3A_340 = arith.mulf %get3A_336, %get3A_339 : vector<16xf32>
        %add3A_341 = arith.addf %add3A_333, %mul3A_340 : vector<16xf32>
        %get3A_342 = arith.index_cast %add3A_323 : i32 to index
        %get3A_343 = arith.constant 32 : index
        %get3A_344 = tpu.vector_load %arg9[%get3A_342, %get3A_343] {strides = array<i32>} : memref<256x128xf32, #tpu.memory_space<vmem>>, vector<16xf32>,
        %get3A_345 = arith.index_cast %add3A_323 : i32 to index
        %get3A_346 = arith.constant 32 : index
        %get3A_347 = tpu.vector_load %arg10[%get3A_345, %get3A_346] {strides = array<i32>} : memref<256x128xf32, #tpu.memory_space<vmem>>, vector<16xf32>,
        %mul3A_348 = arith.mulf %get3A_344, %get3A_347 : vector<16xf32>
        %add3A_349 = arith.addf %add3A_341, %mul3A_348 : vector<16xf32>
        %get3A_350 = arith.index_cast %add3A_323 : i32 to index
        %get3A_351 = arith.constant 48 : index
        %get3A_352 = tpu.vector_load %arg9[%get3A_350, %get3A_351] {strides = array<i32>} : memref<256x128xf32, #tpu.memory_space<vmem>>, vector<16xf32>,
        %get3A_353 = arith.index_cast %add3A_323 : i32 to index
        %get3A_354 = arith.constant 48 : index
        %get3A_355 = tpu.vector_load %arg10[%get3A_353, %get3A_354] {strides = array<i32>} : memref<256x128xf32, #tpu.memory_space<vmem>>, vector<16xf32>,
        %mul3A_356 = arith.mulf %get3A_352, %get3A_355 : vector<16xf32>
        %add3A_357 = arith.addf %add3A_349, %mul3A_356 : vector<16xf32>
        %get3A_358 = arith.index_cast %add3A_323 : i32 to index
        %get3A_359 = arith.constant 64 : index
        %get3A_360 = tpu.vector_load %arg9[%get3A_358, %get3A_359] {strides = array<i32>} : memref<256x128xf32, #tpu.memory_space<vmem>>, vector<16xf32>,
        %get3A_361 = arith.index_cast %add3A_323 : i32 to index
        %get3A_362 = arith.constant 64 : index
        %get3A_363 = tpu.vector_load %arg10[%get3A_361, %get3A_362] {strides = array<i32>} : memref<256x128xf32, #tpu.memory_space<vmem>>, vector<16xf32>,
        %mul3A_364 = arith.mulf %get3A_360, %get3A_363 : vector<16xf32>
        %add3A_365 = arith.addf %add3A_357, %mul3A_364 : vector<16xf32>
        %get3A_366 = arith.index_cast %add3A_323 : i32 to index
        %get3A_367 = arith.constant 80 : index
        %get3A_368 = tpu.vector_load %arg9[%get3A_366, %get3A_367] {strides = array<i32>} : memref<256x128xf32, #tpu.memory_space<vmem>>, vector<16xf32>,
        %get3A_369 = arith.index_cast %add3A_323 : i32 to index
        %get3A_370 = arith.constant 80 : index
        %get3A_371 = tpu.vector_load %arg10[%get3A_369, %get3A_370] {strides = array<i32>} : memref<256x128xf32, #tpu.memory_space<vmem>>, vector<16xf32>,
        %mul3A_372 = arith.mulf %get3A_368, %get3A_371 : vector<16xf32>
        %add3A_373 = arith.addf %add3A_365, %mul3A_372 : vector<16xf32>
        %get3A_374 = arith.index_cast %add3A_323 : i32 to index
        %get3A_375 = arith.constant 96 : index
        %get3A_376 = tpu.vector_load %arg9[%get3A_374, %get3A_375] {strides = array<i32>} : memref<256x128xf32, #tpu.memory_space<vmem>>, vector<16xf32>,
        %get3A_377 = arith.index_cast %add3A_323 : i32 to index
        %get3A_378 = arith.constant 96 : index
        %get3A_379 = tpu.vector_load %arg10[%get3A_377, %get3A_378] {strides = array<i32>} : memref<256x128xf32, #tpu.memory_space<vmem>>, vector<16xf32>,
        %mul3A_380 = arith.mulf %get3A_376, %get3A_379 : vector<16xf32>
        %add3A_381 = arith.addf %add3A_373, %mul3A_380 : vector<16xf32>
        %get3A_382 = arith.index_cast %add3A_323 : i32 to index
        %get3A_383 = arith.constant 112 : index
        %get3A_384 = tpu.vector_load %arg9[%get3A_382, %get3A_383] {strides = array<i32>} : memref<256x128xf32, #tpu.memory_space<vmem>>, vector<16xf32>,
        %get3A_385 = arith.index_cast %add3A_323 : i32 to index
        %get3A_386 = arith.constant 112 : index
        %get3A_387 = tpu.vector_load %arg10[%get3A_385, %get3A_386] {strides = array<i32>} : memref<256x128xf32, #tpu.memory_space<vmem>>, vector<16xf32>,
        %mul3A_388 = arith.mulf %get3A_384, %get3A_387 : vector<16xf32>
        %add3A_389 = arith.addf %add3A_381, %mul3A_388 : vector<16xf32>
        %reduce_sum3A_390 = arith.constant true
        %reduce_sum3A_391 = vector.broadcast %reduce_sum3A_390 : i1 to vector<16xi1>
        %reduce_sum3A_392 = tpu.scan <sum>, %add3A_389 masked %reduce_sum3A_391 : vector<16xf32>, vector<16xi1> -> vector<16xf32>
        %reduce_sum3A_393 = vector.extract %reduce_sum3A_392[15] : f32 from vector<16xf32>
        %eq3A_394 = arith.constant 2 : i32
        %eq3A_395 = vector.broadcast %eq3A_394 : i32 to vector<16xi32>
        %eq3A_396 = arith.cmpi eq, %iota3A, %eq3A_395 : vector<16xi32>
        %broadcast_in_dim3A_397 = vector.broadcast %reduce_sum3A_393 : f32 to vector<16xf32>
        %select_n3A_398 = arith.select %eq3A_396, %broadcast_in_dim3A_397, %select_n3A_321 : vector<16xi1>, vector<16xf32>
        %add3A_399 = arith.constant 3 : i32
        %add3A_400 = arith.addi %mul3A_169, %add3A_399 : i32
        %broadcast_in_dim3A_401 = arith.constant 0.000000e+00 : f32
        %broadcast_in_dim3A_402 = vector.broadcast %broadcast_in_dim3A_401 : f32 to vector<16xf32>
        %get3A_403 = arith.index_cast %add3A_400 : i32 to index
        %get3A_404 = arith.constant 0 : index
        %get3A_405 = tpu.vector_load %arg9[%get3A_403, %get3A_404] {strides = array<i32>} : memref<256x128xf32, #tpu.memory_space<vmem>>, vector<16xf32>,
        %get3A_406 = arith.index_cast %add3A_400 : i32 to index
        %get3A_407 = arith.constant 0 : index
        %get3A_408 = tpu.vector_load %arg10[%get3A_406, %get3A_407] {strides = array<i32>} : memref<256x128xf32, #tpu.memory_space<vmem>>, vector<16xf32>,
        %mul3A_409 = arith.mulf %get3A_405, %get3A_408 : vector<16xf32>
        %add3A_410 = arith.addf %broadcast_in_dim3A_402, %mul3A_409 : vector<16xf32>
        %get3A_411 = arith.index_cast %add3A_400 : i32 to index
        %get3A_412 = arith.constant 16 : index
        %get3A_413 = tpu.vector_load %arg9[%get3A_411, %get3A_412] {strides = array<i32>} : memref<256x128xf32, #tpu.memory_space<vmem>>, vector<16xf32>,
        %get3A_414 = arith.index_cast %add3A_400 : i32 to index
        %get3A_415 = arith.constant 16 : index
        %get3A_416 = tpu.vector_load %arg10[%get3A_414, %get3A_415] {strides = array<i32>} : memref<256x128xf32, #tpu.memory_space<vmem>>, vector<16xf32>,
        %mul3A_417 = arith.mulf %get3A_413, %get3A_416 : vector<16xf32>
        %add3A_418 = arith.addf %add3A_410, %mul3A_417 : vector<16xf32>
        %get3A_419 = arith.index_cast %add3A_400 : i32 to index
        %get3A_420 = arith.constant 32 : index
        %get3A_421 = tpu.vector_load %arg9[%get3A_419, %get3A_420] {strides = array<i32>} : memref<256x128xf32, #tpu.memory_space<vmem>>, vector<16xf32>,
        %get3A_422 = arith.index_cast %add3A_400 : i32 to index
        %get3A_423 = arith.constant 32 : index
        %get3A_424 = tpu.vector_load %arg10[%get3A_422, %get3A_423] {strides = array<i32>} : memref<256x128xf32, #tpu.memory_space<vmem>>, vector<16xf32>,
        %mul3A_425 = arith.mulf %get3A_421, %get3A_424 : vector<16xf32>
        %add3A_426 = arith.addf %add3A_418, %mul3A_425 : vector<16xf32>
        %get3A_427 = arith.index_cast %add3A_400 : i32 to index
        %get3A_428 = arith.constant 48 : index
        %get3A_429 = tpu.vector_load %arg9[%get3A_427, %get3A_428] {strides = array<i32>} : memref<256x128xf32, #tpu.memory_space<vmem>>, vector<16xf32>,
        %get3A_430 = arith.index_cast %add3A_400 : i32 to index
        %get3A_431 = arith.constant 48 : index
        %get3A_432 = tpu.vector_load %arg10[%get3A_430, %get3A_431] {strides = array<i32>} : memref<256x128xf32, #tpu.memory_space<vmem>>, vector<16xf32>,
        %mul3A_433 = arith.mulf %get3A_429, %get3A_432 : vector<16xf32>
        %add3A_434 = arith.addf %add3A_426, %mul3A_433 : vector<16xf32>
        %get3A_435 = arith.index_cast %add3A_400 : i32 to index
        %get3A_436 = arith.constant 64 : index
        %get3A_437 = tpu.vector_load %arg9[%get3A_435, %get3A_436] {strides = array<i32>} : memref<256x128xf32, #tpu.memory_space<vmem>>, vector<16xf32>,
        %get3A_438 = arith.index_cast %add3A_400 : i32 to index
        %get3A_439 = arith.constant 64 : index
        %get3A_440 = tpu.vector_load %arg10[%get3A_438, %get3A_439] {strides = array<i32>} : memref<256x128xf32, #tpu.memory_space<vmem>>, vector<16xf32>,
        %mul3A_441 = arith.mulf %get3A_437, %get3A_440 : vector<16xf32>
        %add3A_442 = arith.addf %add3A_434, %mul3A_441 : vector<16xf32>
        %get3A_443 = arith.index_cast %add3A_400 : i32 to index
        %get3A_444 = arith.constant 80 : index
        %get3A_445 = tpu.vector_load %arg9[%get3A_443, %get3A_444] {strides = array<i32>} : memref<256x128xf32, #tpu.memory_space<vmem>>, vector<16xf32>,
        %get3A_446 = arith.index_cast %add3A_400 : i32 to index
        %get3A_447 = arith.constant 80 : index
        %get3A_448 = tpu.vector_load %arg10[%get3A_446, %get3A_447] {strides = array<i32>} : memref<256x128xf32, #tpu.memory_space<vmem>>, vector<16xf32>,
        %mul3A_449 = arith.mulf %get3A_445, %get3A_448 : vector<16xf32>
        %add3A_450 = arith.addf %add3A_442, %mul3A_449 : vector<16xf32>
        %get3A_451 = arith.index_cast %add3A_400 : i32 to index
        %get3A_452 = arith.constant 96 : index
        %get3A_453 = tpu.vector_load %arg9[%get3A_451, %get3A_452] {strides = array<i32>} : memref<256x128xf32, #tpu.memory_space<vmem>>, vector<16xf32>,
        %get3A_454 = arith.index_cast %add3A_400 : i32 to index
        %get3A_455 = arith.constant 96 : index
        %get3A_456 = tpu.vector_load %arg10[%get3A_454, %get3A_455] {strides = array<i32>} : memref<256x128xf32, #tpu.memory_space<vmem>>, vector<16xf32>,
        %mul3A_457 = arith.mulf %get3A_453, %get3A_456 : vector<16xf32>
        %add3A_458 = arith.addf %add3A_450, %mul3A_457 : vector<16xf32>
        %get3A_459 = arith.index_cast %add3A_400 : i32 to index
        %get3A_460 = arith.constant 112 : index
        %get3A_461 = tpu.vector_load %arg9[%get3A_459, %get3A_460] {strides = array<i32>} : memref<256x128xf32, #tpu.memory_space<vmem>>, vector<16xf32>,
        %get3A_462 = arith.index_cast %add3A_400 : i32 to index
        %get3A_463 = arith.constant 112 : index
        %get3A_464 = tpu.vector_load %arg10[%get3A_462, %get3A_463] {strides = array<i32>} : memref<256x128xf32, #tpu.memory_space<vmem>>, vector<16xf32>,
        %mul3A_465 = arith.mulf %get3A_461, %get3A_464 : vector<16xf32>
        %add3A_466 = arith.addf %add3A_458, %mul3A_465 : vector<16xf32>
        %reduce_sum3A_467 = arith.constant true
        %reduce_sum3A_468 = vector.broadcast %reduce_sum3A_467 : i1 to vector<16xi1>
        %reduce_sum3A_469 = tpu.scan <sum>, %add3A_466 masked %reduce_sum3A_468 : vector<16xf32>, vector<16xi1> -> vector<16xf32>
        %reduce_sum3A_470 = vector.extract %reduce_sum3A_469[15] : f32 from vector<16xf32>
        %eq3A_471 = arith.constant 3 : i32
        %eq3A_472 = vector.broadcast %eq3A_471 : i32 to vector<16xi32>
        %eq3A_473 = arith.cmpi eq, %iota3A, %eq3A_472 : vector<16xi32>
        %broadcast_in_dim3A_474 = vector.broadcast %reduce_sum3A_470 : f32 to vector<16xf32>
        %select_n3A_475 = arith.select %eq3A_473, %broadcast_in_dim3A_474, %select_n3A_398 : vector<16xi1>, vector<16xf32>
        %add3A_476 = arith.constant 4 : i32
        %add3A_477 = arith.addi %mul3A_169, %add3A_476 : i32
        %broadcast_in_dim3A_478 = arith.constant 0.000000e+00 : f32
        %broadcast_in_dim3A_479 = vector.broadcast %broadcast_in_dim3A_478 : f32 to vector<16xf32>
        %get3A_480 = arith.index_cast %add3A_477 : i32 to index
        %get3A_481 = arith.constant 0 : index
        %get3A_482 = tpu.vector_load %arg9[%get3A_480, %get3A_481] {strides = array<i32>} : memref<256x128xf32, #tpu.memory_space<vmem>>, vector<16xf32>,
        %get3A_483 = arith.index_cast %add3A_477 : i32 to index
        %get3A_484 = arith.constant 0 : index
        %get3A_485 = tpu.vector_load %arg10[%get3A_483, %get3A_484] {strides = array<i32>} : memref<256x128xf32, #tpu.memory_space<vmem>>, vector<16xf32>,
        %mul3A_486 = arith.mulf %get3A_482, %get3A_485 : vector<16xf32>
        %add3A_487 = arith.addf %broadcast_in_dim3A_479, %mul3A_486 : vector<16xf32>
        %get3A_488 = arith.index_cast %add3A_477 : i32 to index
        %get3A_489 = arith.constant 16 : index
        %get3A_490 = tpu.vector_load %arg9[%get3A_488, %get3A_489] {strides = array<i32>} : memref<256x128xf32, #tpu.memory_space<vmem>>, vector<16xf32>,
        %get3A_491 = arith.index_cast %add3A_477 : i32 to index
        %get3A_492 = arith.constant 16 : index
        %get3A_493 = tpu.vector_load %arg10[%get3A_491, %get3A_492] {strides = array<i32>} : memref<256x128xf32, #tpu.memory_space<vmem>>, vector<16xf32>,
        %mul3A_494 = arith.mulf %get3A_490, %get3A_493 : vector<16xf32>
        %add3A_495 = arith.addf %add3A_487, %mul3A_494 : vector<16xf32>
        %get3A_496 = arith.index_cast %add3A_477 : i32 to index
        %get3A_497 = arith.constant 32 : index
        %get3A_498 = tpu.vector_load %arg9[%get3A_496, %get3A_497] {strides = array<i32>} : memref<256x128xf32, #tpu.memory_space<vmem>>, vector<16xf32>,
        %get3A_499 = arith.index_cast %add3A_477 : i32 to index
        %get3A_500 = arith.constant 32 : index
        %get3A_501 = tpu.vector_load %arg10[%get3A_499, %get3A_500] {strides = array<i32>} : memref<256x128xf32, #tpu.memory_space<vmem>>, vector<16xf32>,
        %mul3A_502 = arith.mulf %get3A_498, %get3A_501 : vector<16xf32>
        %add3A_503 = arith.addf %add3A_495, %mul3A_502 : vector<16xf32>
        %get3A_504 = arith.index_cast %add3A_477 : i32 to index
        %get3A_505 = arith.constant 48 : index
        %get3A_506 = tpu.vector_load %arg9[%get3A_504, %get3A_505] {strides = array<i32>} : memref<256x128xf32, #tpu.memory_space<vmem>>, vector<16xf32>,
        %get3A_507 = arith.index_cast %add3A_477 : i32 to index
        %get3A_508 = arith.constant 48 : index
        %get3A_509 = tpu.vector_load %arg10[%get3A_507, %get3A_508] {strides = array<i32>} : memref<256x128xf32, #tpu.memory_space<vmem>>, vector<16xf32>,
        %mul3A_510 = arith.mulf %get3A_506, %get3A_509 : vector<16xf32>
        %add3A_511 = arith.addf %add3A_503, %mul3A_510 : vector<16xf32>
        %get3A_512 = arith.index_cast %add3A_477 : i32 to index
        %get3A_513 = arith.constant 64 : index
        %get3A_514 = tpu.vector_load %arg9[%get3A_512, %get3A_513] {strides = array<i32>} : memref<256x128xf32, #tpu.memory_space<vmem>>, vector<16xf32>,
        %get3A_515 = arith.index_cast %add3A_477 : i32 to index
        %get3A_516 = arith.constant 64 : index
        %get3A_517 = tpu.vector_load %arg10[%get3A_515, %get3A_516] {strides = array<i32>} : memref<256x128xf32, #tpu.memory_space<vmem>>, vector<16xf32>,
        %mul3A_518 = arith.mulf %get3A_514, %get3A_517 : vector<16xf32>
        %add3A_519 = arith.addf %add3A_511, %mul3A_518 : vector<16xf32>
        %get3A_520 = arith.index_cast %add3A_477 : i32 to index
        %get3A_521 = arith.constant 80 : index
        %get3A_522 = tpu.vector_load %arg9[%get3A_520, %get3A_521] {strides = array<i32>} : memref<256x128xf32, #tpu.memory_space<vmem>>, vector<16xf32>,
        %get3A_523 = arith.index_cast %add3A_477 : i32 to index
        %get3A_524 = arith.constant 80 : index
        %get3A_525 = tpu.vector_load %arg10[%get3A_523, %get3A_524] {strides = array<i32>} : memref<256x128xf32, #tpu.memory_space<vmem>>, vector<16xf32>,
        %mul3A_526 = arith.mulf %get3A_522, %get3A_525 : vector<16xf32>
        %add3A_527 = arith.addf %add3A_519, %mul3A_526 : vector<16xf32>
        %get3A_528 = arith.index_cast %add3A_477 : i32 to index
        %get3A_529 = arith.constant 96 : index
        %get3A_530 = tpu.vector_load %arg9[%get3A_528, %get3A_529] {strides = array<i32>} : memref<256x128xf32, #tpu.memory_space<vmem>>, vector<16xf32>,
        %get3A_531 = arith.index_cast %add3A_477 : i32 to index
        %get3A_532 = arith.constant 96 : index
        %get3A_533 = tpu.vector_load %arg10[%get3A_531, %get3A_532] {strides = array<i32>} : memref<256x128xf32, #tpu.memory_space<vmem>>, vector<16xf32>,
        %mul3A_534 = arith.mulf %get3A_530, %get3A_533 : vector<16xf32>
        %add3A_535 = arith.addf %add3A_527, %mul3A_534 : vector<16xf32>
        %get3A_536 = arith.index_cast %add3A_477 : i32 to index
        %get3A_537 = arith.constant 112 : index
        %get3A_538 = tpu.vector_load %arg9[%get3A_536, %get3A_537] {strides = array<i32>} : memref<256x128xf32, #tpu.memory_space<vmem>>, vector<16xf32>,
        %get3A_539 = arith.index_cast %add3A_477 : i32 to index
        %get3A_540 = arith.constant 112 : index
        %get3A_541 = tpu.vector_load %arg10[%get3A_539, %get3A_540] {strides = array<i32>} : memref<256x128xf32, #tpu.memory_space<vmem>>, vector<16xf32>,
        %mul3A_542 = arith.mulf %get3A_538, %get3A_541 : vector<16xf32>
        %add3A_543 = arith.addf %add3A_535, %mul3A_542 : vector<16xf32>
        %reduce_sum3A_544 = arith.constant true
        %reduce_sum3A_545 = vector.broadcast %reduce_sum3A_544 : i1 to vector<16xi1>
        %reduce_sum3A_546 = tpu.scan <sum>, %add3A_543 masked %reduce_sum3A_545 : vector<16xf32>, vector<16xi1> -> vector<16xf32>
        %reduce_sum3A_547 = vector.extract %reduce_sum3A_546[15] : f32 from vector<16xf32>
        %eq3A_548 = arith.constant 4 : i32
        %eq3A_549 = vector.broadcast %eq3A_548 : i32 to vector<16xi32>
        %eq3A_550 = arith.cmpi eq, %iota3A, %eq3A_549 : vector<16xi32>
        %broadcast_in_dim3A_551 = vector.broadcast %reduce_sum3A_547 : f32 to vector<16xf32>
        %select_n3A_552 = arith.select %eq3A_550, %broadcast_in_dim3A_551, %select_n3A_475 : vector<16xi1>, vector<16xf32>
        %add3A_553 = arith.constant 5 : i32
        %add3A_554 = arith.addi %mul3A_169, %add3A_553 : i32
        %broadcast_in_dim3A_555 = arith.constant 0.000000e+00 : f32
        %broadcast_in_dim3A_556 = vector.broadcast %broadcast_in_dim3A_555 : f32 to vector<16xf32>
        %get3A_557 = arith.index_cast %add3A_554 : i32 to index
        %get3A_558 = arith.constant 0 : index
        %get3A_559 = tpu.vector_load %arg9[%get3A_557, %get3A_558] {strides = array<i32>} : memref<256x128xf32, #tpu.memory_space<vmem>>, vector<16xf32>,
        %get3A_560 = arith.index_cast %add3A_554 : i32 to index
        %get3A_561 = arith.constant 0 : index
        %get3A_562 = tpu.vector_load %arg10[%get3A_560, %get3A_561] {strides = array<i32>} : memref<256x128xf32, #tpu.memory_space<vmem>>, vector<16xf32>,
        %mul3A_563 = arith.mulf %get3A_559, %get3A_562 : vector<16xf32>
        %add3A_564 = arith.addf %broadcast_in_dim3A_556, %mul3A_563 : vector<16xf32>
        %get3A_565 = arith.index_cast %add3A_554 : i32 to index
        %get3A_566 = arith.constant 16 : index
        %get3A_567 = tpu.vector_load %arg9[%get3A_565, %get3A_566] {strides = array<i32>} : memref<256x128xf32, #tpu.memory_space<vmem>>, vector<16xf32>,
        %get3A_568 = arith.index_cast %add3A_554 : i32 to index
        %get3A_569 = arith.constant 16 : index
        %get3A_570 = tpu.vector_load %arg10[%get3A_568, %get3A_569] {strides = array<i32>} : memref<256x128xf32, #tpu.memory_space<vmem>>, vector<16xf32>,
        %mul3A_571 = arith.mulf %get3A_567, %get3A_570 : vector<16xf32>
        %add3A_572 = arith.addf %add3A_564, %mul3A_571 : vector<16xf32>
        %get3A_573 = arith.index_cast %add3A_554 : i32 to index
        %get3A_574 = arith.constant 32 : index
        %get3A_575 = tpu.vector_load %arg9[%get3A_573, %get3A_574] {strides = array<i32>} : memref<256x128xf32, #tpu.memory_space<vmem>>, vector<16xf32>,
        %get3A_576 = arith.index_cast %add3A_554 : i32 to index
        %get3A_577 = arith.constant 32 : index
        %get3A_578 = tpu.vector_load %arg10[%get3A_576, %get3A_577] {strides = array<i32>} : memref<256x128xf32, #tpu.memory_space<vmem>>, vector<16xf32>,
        %mul3A_579 = arith.mulf %get3A_575, %get3A_578 : vector<16xf32>
        %add3A_580 = arith.addf %add3A_572, %mul3A_579 : vector<16xf32>
        %get3A_581 = arith.index_cast %add3A_554 : i32 to index
        %get3A_582 = arith.constant 48 : index
        %get3A_583 = tpu.vector_load %arg9[%get3A_581, %get3A_582] {strides = array<i32>} : memref<256x128xf32, #tpu.memory_space<vmem>>, vector<16xf32>,
        %get3A_584 = arith.index_cast %add3A_554 : i32 to index
        %get3A_585 = arith.constant 48 : index
        %get3A_586 = tpu.vector_load %arg10[%get3A_584, %get3A_585] {strides = array<i32>} : memref<256x128xf32, #tpu.memory_space<vmem>>, vector<16xf32>,
        %mul3A_587 = arith.mulf %get3A_583, %get3A_586 : vector<16xf32>
        %add3A_588 = arith.addf %add3A_580, %mul3A_587 : vector<16xf32>
        %get3A_589 = arith.index_cast %add3A_554 : i32 to index
        %get3A_590 = arith.constant 64 : index
        %get3A_591 = tpu.vector_load %arg9[%get3A_589, %get3A_590] {strides = array<i32>} : memref<256x128xf32, #tpu.memory_space<vmem>>, vector<16xf32>,
        %get3A_592 = arith.index_cast %add3A_554 : i32 to index
        %get3A_593 = arith.constant 64 : index
        %get3A_594 = tpu.vector_load %arg10[%get3A_592, %get3A_593] {strides = array<i32>} : memref<256x128xf32, #tpu.memory_space<vmem>>, vector<16xf32>,
        %mul3A_595 = arith.mulf %get3A_591, %get3A_594 : vector<16xf32>
        %add3A_596 = arith.addf %add3A_588, %mul3A_595 : vector<16xf32>
        %get3A_597 = arith.index_cast %add3A_554 : i32 to index
        %get3A_598 = arith.constant 80 : index
        %get3A_599 = tpu.vector_load %arg9[%get3A_597, %get3A_598] {strides = array<i32>} : memref<256x128xf32, #tpu.memory_space<vmem>>, vector<16xf32>,
        %get3A_600 = arith.index_cast %add3A_554 : i32 to index
        %get3A_601 = arith.constant 80 : index
        %get3A_602 = tpu.vector_load %arg10[%get3A_600, %get3A_601] {strides = array<i32>} : memref<256x128xf32, #tpu.memory_space<vmem>>, vector<16xf32>,
        %mul3A_603 = arith.mulf %get3A_599, %get3A_602 : vector<16xf32>
        %add3A_604 = arith.addf %add3A_596, %mul3A_603 : vector<16xf32>
        %get3A_605 = arith.index_cast %add3A_554 : i32 to index
        %get3A_606 = arith.constant 96 : index
        %get3A_607 = tpu.vector_load %arg9[%get3A_605, %get3A_606] {strides = array<i32>} : memref<256x128xf32, #tpu.memory_space<vmem>>, vector<16xf32>,
        %get3A_608 = arith.index_cast %add3A_554 : i32 to index
        %get3A_609 = arith.constant 96 : index
        %get3A_610 = tpu.vector_load %arg10[%get3A_608, %get3A_609] {strides = array<i32>} : memref<256x128xf32, #tpu.memory_space<vmem>>, vector<16xf32>,
        %mul3A_611 = arith.mulf %get3A_607, %get3A_610 : vector<16xf32>
        %add3A_612 = arith.addf %add3A_604, %mul3A_611 : vector<16xf32>
        %get3A_613 = arith.index_cast %add3A_554 : i32 to index
        %get3A_614 = arith.constant 112 : index
        %get3A_615 = tpu.vector_load %arg9[%get3A_613, %get3A_614] {strides = array<i32>} : memref<256x128xf32, #tpu.memory_space<vmem>>, vector<16xf32>,
        %get3A_616 = arith.index_cast %add3A_554 : i32 to index
        %get3A_617 = arith.constant 112 : index
        %get3A_618 = tpu.vector_load %arg10[%get3A_616, %get3A_617] {strides = array<i32>} : memref<256x128xf32, #tpu.memory_space<vmem>>, vector<16xf32>,
        %mul3A_619 = arith.mulf %get3A_615, %get3A_618 : vector<16xf32>
        %add3A_620 = arith.addf %add3A_612, %mul3A_619 : vector<16xf32>
        %reduce_sum3A_621 = arith.constant true
        %reduce_sum3A_622 = vector.broadcast %reduce_sum3A_621 : i1 to vector<16xi1>
        %reduce_sum3A_623 = tpu.scan <sum>, %add3A_620 masked %reduce_sum3A_622 : vector<16xf32>, vector<16xi1> -> vector<16xf32>
        %reduce_sum3A_624 = vector.extract %reduce_sum3A_623[15] : f32 from vector<16xf32>
        %eq3A_625 = arith.constant 5 : i32
        %eq3A_626 = vector.broadcast %eq3A_625 : i32 to vector<16xi32>
        %eq3A_627 = arith.cmpi eq, %iota3A, %eq3A_626 : vector<16xi32>
        %broadcast_in_dim3A_628 = vector.broadcast %reduce_sum3A_624 : f32 to vector<16xf32>
        %select_n3A_629 = arith.select %eq3A_627, %broadcast_in_dim3A_628, %select_n3A_552 : vector<16xi1>, vector<16xf32>
        %add3A_630 = arith.constant 6 : i32
        %add3A_631 = arith.addi %mul3A_169, %add3A_630 : i32
        %broadcast_in_dim3A_632 = arith.constant 0.000000e+00 : f32
        %broadcast_in_dim3A_633 = vector.broadcast %broadcast_in_dim3A_632 : f32 to vector<16xf32>
        %get3A_634 = arith.index_cast %add3A_631 : i32 to index
        %get3A_635 = arith.constant 0 : index
        %get3A_636 = tpu.vector_load %arg9[%get3A_634, %get3A_635] {strides = array<i32>} : memref<256x128xf32, #tpu.memory_space<vmem>>, vector<16xf32>,
        %get3A_637 = arith.index_cast %add3A_631 : i32 to index
        %get3A_638 = arith.constant 0 : index
        %get3A_639 = tpu.vector_load %arg10[%get3A_637, %get3A_638] {strides = array<i32>} : memref<256x128xf32, #tpu.memory_space<vmem>>, vector<16xf32>,
        %mul3A_640 = arith.mulf %get3A_636, %get3A_639 : vector<16xf32>
        %add3A_641 = arith.addf %broadcast_in_dim3A_633, %mul3A_640 : vector<16xf32>
        %get3A_642 = arith.index_cast %add3A_631 : i32 to index
        %get3A_643 = arith.constant 16 : index
        %get3A_644 = tpu.vector_load %arg9[%get3A_642, %get3A_643] {strides = array<i32>} : memref<256x128xf32, #tpu.memory_space<vmem>>, vector<16xf32>,
        %get3A_645 = arith.index_cast %add3A_631 : i32 to index
        %get3A_646 = arith.constant 16 : index
        %get3A_647 = tpu.vector_load %arg10[%get3A_645, %get3A_646] {strides = array<i32>} : memref<256x128xf32, #tpu.memory_space<vmem>>, vector<16xf32>,
        %mul3A_648 = arith.mulf %get3A_644, %get3A_647 : vector<16xf32>
        %add3A_649 = arith.addf %add3A_641, %mul3A_648 : vector<16xf32>
        %get3A_650 = arith.index_cast %add3A_631 : i32 to index
        %get3A_651 = arith.constant 32 : index
        %get3A_652 = tpu.vector_load %arg9[%get3A_650, %get3A_651] {strides = array<i32>} : memref<256x128xf32, #tpu.memory_space<vmem>>, vector<16xf32>,
        %get3A_653 = arith.index_cast %add3A_631 : i32 to index
        %get3A_654 = arith.constant 32 : index
        %get3A_655 = tpu.vector_load %arg10[%get3A_653, %get3A_654] {strides = array<i32>} : memref<256x128xf32, #tpu.memory_space<vmem>>, vector<16xf32>,
        %mul3A_656 = arith.mulf %get3A_652, %get3A_655 : vector<16xf32>
        %add3A_657 = arith.addf %add3A_649, %mul3A_656 : vector<16xf32>
        %get3A_658 = arith.index_cast %add3A_631 : i32 to index
        %get3A_659 = arith.constant 48 : index
        %get3A_660 = tpu.vector_load %arg9[%get3A_658, %get3A_659] {strides = array<i32>} : memref<256x128xf32, #tpu.memory_space<vmem>>, vector<16xf32>,
        %get3A_661 = arith.index_cast %add3A_631 : i32 to index
        %get3A_662 = arith.constant 48 : index
        %get3A_663 = tpu.vector_load %arg10[%get3A_661, %get3A_662] {strides = array<i32>} : memref<256x128xf32, #tpu.memory_space<vmem>>, vector<16xf32>,
        %mul3A_664 = arith.mulf %get3A_660, %get3A_663 : vector<16xf32>
        %add3A_665 = arith.addf %add3A_657, %mul3A_664 : vector<16xf32>
        %get3A_666 = arith.index_cast %add3A_631 : i32 to index
        %get3A_667 = arith.constant 64 : index
        %get3A_668 = tpu.vector_load %arg9[%get3A_666, %get3A_667] {strides = array<i32>} : memref<256x128xf32, #tpu.memory_space<vmem>>, vector<16xf32>,
        %get3A_669 = arith.index_cast %add3A_631 : i32 to index
        %get3A_670 = arith.constant 64 : index
        %get3A_671 = tpu.vector_load %arg10[%get3A_669, %get3A_670] {strides = array<i32>} : memref<256x128xf32, #tpu.memory_space<vmem>>, vector<16xf32>,
        %mul3A_672 = arith.mulf %get3A_668, %get3A_671 : vector<16xf32>
        %add3A_673 = arith.addf %add3A_665, %mul3A_672 : vector<16xf32>
        %get3A_674 = arith.index_cast %add3A_631 : i32 to index
        %get3A_675 = arith.constant 80 : index
        %get3A_676 = tpu.vector_load %arg9[%get3A_674, %get3A_675] {strides = array<i32>} : memref<256x128xf32, #tpu.memory_space<vmem>>, vector<16xf32>,
        %get3A_677 = arith.index_cast %add3A_631 : i32 to index
        %get3A_678 = arith.constant 80 : index
        %get3A_679 = tpu.vector_load %arg10[%get3A_677, %get3A_678] {strides = array<i32>} : memref<256x128xf32, #tpu.memory_space<vmem>>, vector<16xf32>,
        %mul3A_680 = arith.mulf %get3A_676, %get3A_679 : vector<16xf32>
        %add3A_681 = arith.addf %add3A_673, %mul3A_680 : vector<16xf32>
        %get3A_682 = arith.index_cast %add3A_631 : i32 to index
        %get3A_683 = arith.constant 96 : index
        %get3A_684 = tpu.vector_load %arg9[%get3A_682, %get3A_683] {strides = array<i32>} : memref<256x128xf32, #tpu.memory_space<vmem>>, vector<16xf32>,
        %get3A_685 = arith.index_cast %add3A_631 : i32 to index
        %get3A_686 = arith.constant 96 : index
        %get3A_687 = tpu.vector_load %arg10[%get3A_685, %get3A_686] {strides = array<i32>} : memref<256x128xf32, #tpu.memory_space<vmem>>, vector<16xf32>,
        %mul3A_688 = arith.mulf %get3A_684, %get3A_687 : vector<16xf32>
        %add3A_689 = arith.addf %add3A_681, %mul3A_688 : vector<16xf32>
        %get3A_690 = arith.index_cast %add3A_631 : i32 to index
        %get3A_691 = arith.constant 112 : index
        %get3A_692 = tpu.vector_load %arg9[%get3A_690, %get3A_691] {strides = array<i32>} : memref<256x128xf32, #tpu.memory_space<vmem>>, vector<16xf32>,
        %get3A_693 = arith.index_cast %add3A_631 : i32 to index
        %get3A_694 = arith.constant 112 : index
        %get3A_695 = tpu.vector_load %arg10[%get3A_693, %get3A_694] {strides = array<i32>} : memref<256x128xf32, #tpu.memory_space<vmem>>, vector<16xf32>,
        %mul3A_696 = arith.mulf %get3A_692, %get3A_695 : vector<16xf32>
        %add3A_697 = arith.addf %add3A_689, %mul3A_696 : vector<16xf32>
        %reduce_sum3A_698 = arith.constant true
        %reduce_sum3A_699 = vector.broadcast %reduce_sum3A_698 : i1 to vector<16xi1>
        %reduce_sum3A_700 = tpu.scan <sum>, %add3A_697 masked %reduce_sum3A_699 : vector<16xf32>, vector<16xi1> -> vector<16xf32>
        %reduce_sum3A_701 = vector.extract %reduce_sum3A_700[15] : f32 from vector<16xf32>
        %eq3A_702 = arith.constant 6 : i32
        %eq3A_703 = vector.broadcast %eq3A_702 : i32 to vector<16xi32>
        %eq3A_704 = arith.cmpi eq, %iota3A, %eq3A_703 : vector<16xi32>
        %broadcast_in_dim3A_705 = vector.broadcast %reduce_sum3A_701 : f32 to vector<16xf32>
        %select_n3A_706 = arith.select %eq3A_704, %broadcast_in_dim3A_705, %select_n3A_629 : vector<16xi1>, vector<16xf32>
        %add3A_707 = arith.constant 7 : i32
        %add3A_708 = arith.addi %mul3A_169, %add3A_707 : i32
        %broadcast_in_dim3A_709 = arith.constant 0.000000e+00 : f32
        %broadcast_in_dim3A_710 = vector.broadcast %broadcast_in_dim3A_709 : f32 to vector<16xf32>
        %get3A_711 = arith.index_cast %add3A_708 : i32 to index
        %get3A_712 = arith.constant 0 : index
        %get3A_713 = tpu.vector_load %arg9[%get3A_711, %get3A_712] {strides = array<i32>} : memref<256x128xf32, #tpu.memory_space<vmem>>, vector<16xf32>,
        %get3A_714 = arith.index_cast %add3A_708 : i32 to index
        %get3A_715 = arith.constant 0 : index
        %get3A_716 = tpu.vector_load %arg10[%get3A_714, %get3A_715] {strides = array<i32>} : memref<256x128xf32, #tpu.memory_space<vmem>>, vector<16xf32>,
        %mul3A_717 = arith.mulf %get3A_713, %get3A_716 : vector<16xf32>
        %add3A_718 = arith.addf %broadcast_in_dim3A_710, %mul3A_717 : vector<16xf32>
        %get3A_719 = arith.index_cast %add3A_708 : i32 to index
        %get3A_720 = arith.constant 16 : index
        %get3A_721 = tpu.vector_load %arg9[%get3A_719, %get3A_720] {strides = array<i32>} : memref<256x128xf32, #tpu.memory_space<vmem>>, vector<16xf32>,
        %get3A_722 = arith.index_cast %add3A_708 : i32 to index
        %get3A_723 = arith.constant 16 : index
        %get3A_724 = tpu.vector_load %arg10[%get3A_722, %get3A_723] {strides = array<i32>} : memref<256x128xf32, #tpu.memory_space<vmem>>, vector<16xf32>,
        %mul3A_725 = arith.mulf %get3A_721, %get3A_724 : vector<16xf32>
        %add3A_726 = arith.addf %add3A_718, %mul3A_725 : vector<16xf32>
        %get3A_727 = arith.index_cast %add3A_708 : i32 to index
        %get3A_728 = arith.constant 32 : index
        %get3A_729 = tpu.vector_load %arg9[%get3A_727, %get3A_728] {strides = array<i32>} : memref<256x128xf32, #tpu.memory_space<vmem>>, vector<16xf32>,
        %get3A_730 = arith.index_cast %add3A_708 : i32 to index
        %get3A_731 = arith.constant 32 : index
        %get3A_732 = tpu.vector_load %arg10[%get3A_730, %get3A_731] {strides = array<i32>} : memref<256x128xf32, #tpu.memory_space<vmem>>, vector<16xf32>,
        %mul3A_733 = arith.mulf %get3A_729, %get3A_732 : vector<16xf32>
        %add3A_734 = arith.addf %add3A_726, %mul3A_733 : vector<16xf32>
        %get3A_735 = arith.index_cast %add3A_708 : i32 to index
        %get3A_736 = arith.constant 48 : index
        %get3A_737 = tpu.vector_load %arg9[%get3A_735, %get3A_736] {strides = array<i32>} : memref<256x128xf32, #tpu.memory_space<vmem>>, vector<16xf32>,
        %get3A_738 = arith.index_cast %add3A_708 : i32 to index
        %get3A_739 = arith.constant 48 : index
        %get3A_740 = tpu.vector_load %arg10[%get3A_738, %get3A_739] {strides = array<i32>} : memref<256x128xf32, #tpu.memory_space<vmem>>, vector<16xf32>,
        %mul3A_741 = arith.mulf %get3A_737, %get3A_740 : vector<16xf32>
        %add3A_742 = arith.addf %add3A_734, %mul3A_741 : vector<16xf32>
        %get3A_743 = arith.index_cast %add3A_708 : i32 to index
        %get3A_744 = arith.constant 64 : index
        %get3A_745 = tpu.vector_load %arg9[%get3A_743, %get3A_744] {strides = array<i32>} : memref<256x128xf32, #tpu.memory_space<vmem>>, vector<16xf32>,
        %get3A_746 = arith.index_cast %add3A_708 : i32 to index
        %get3A_747 = arith.constant 64 : index
        %get3A_748 = tpu.vector_load %arg10[%get3A_746, %get3A_747] {strides = array<i32>} : memref<256x128xf32, #tpu.memory_space<vmem>>, vector<16xf32>,
        %mul3A_749 = arith.mulf %get3A_745, %get3A_748 : vector<16xf32>
        %add3A_750 = arith.addf %add3A_742, %mul3A_749 : vector<16xf32>
        %get3A_751 = arith.index_cast %add3A_708 : i32 to index
        %get3A_752 = arith.constant 80 : index
        %get3A_753 = tpu.vector_load %arg9[%get3A_751, %get3A_752] {strides = array<i32>} : memref<256x128xf32, #tpu.memory_space<vmem>>, vector<16xf32>,
        %get3A_754 = arith.index_cast %add3A_708 : i32 to index
        %get3A_755 = arith.constant 80 : index
        %get3A_756 = tpu.vector_load %arg10[%get3A_754, %get3A_755] {strides = array<i32>} : memref<256x128xf32, #tpu.memory_space<vmem>>, vector<16xf32>,
        %mul3A_757 = arith.mulf %get3A_753, %get3A_756 : vector<16xf32>
        %add3A_758 = arith.addf %add3A_750, %mul3A_757 : vector<16xf32>
        %get3A_759 = arith.index_cast %add3A_708 : i32 to index
        %get3A_760 = arith.constant 96 : index
        %get3A_761 = tpu.vector_load %arg9[%get3A_759, %get3A_760] {strides = array<i32>} : memref<256x128xf32, #tpu.memory_space<vmem>>, vector<16xf32>,
        %get3A_762 = arith.index_cast %add3A_708 : i32 to index
        %get3A_763 = arith.constant 96 : index
        %get3A_764 = tpu.vector_load %arg10[%get3A_762, %get3A_763] {strides = array<i32>} : memref<256x128xf32, #tpu.memory_space<vmem>>, vector<16xf32>,
        %mul3A_765 = arith.mulf %get3A_761, %get3A_764 : vector<16xf32>
        %add3A_766 = arith.addf %add3A_758, %mul3A_765 : vector<16xf32>
        %get3A_767 = arith.index_cast %add3A_708 : i32 to index
        %get3A_768 = arith.constant 112 : index
        %get3A_769 = tpu.vector_load %arg9[%get3A_767, %get3A_768] {strides = array<i32>} : memref<256x128xf32, #tpu.memory_space<vmem>>, vector<16xf32>,
        %get3A_770 = arith.index_cast %add3A_708 : i32 to index
        %get3A_771 = arith.constant 112 : index
        %get3A_772 = tpu.vector_load %arg10[%get3A_770, %get3A_771] {strides = array<i32>} : memref<256x128xf32, #tpu.memory_space<vmem>>, vector<16xf32>,
        %mul3A_773 = arith.mulf %get3A_769, %get3A_772 : vector<16xf32>
        %add3A_774 = arith.addf %add3A_766, %mul3A_773 : vector<16xf32>
        %reduce_sum3A_775 = arith.constant true
        %reduce_sum3A_776 = vector.broadcast %reduce_sum3A_775 : i1 to vector<16xi1>
        %reduce_sum3A_777 = tpu.scan <sum>, %add3A_774 masked %reduce_sum3A_776 : vector<16xf32>, vector<16xi1> -> vector<16xf32>
        %reduce_sum3A_778 = vector.extract %reduce_sum3A_777[15] : f32 from vector<16xf32>
        %eq3A_779 = arith.constant 7 : i32
        %eq3A_780 = vector.broadcast %eq3A_779 : i32 to vector<16xi32>
        %eq3A_781 = arith.cmpi eq, %iota3A, %eq3A_780 : vector<16xi32>
        %broadcast_in_dim3A_782 = vector.broadcast %reduce_sum3A_778 : f32 to vector<16xf32>
        %select_n3A_783 = arith.select %eq3A_781, %broadcast_in_dim3A_782, %select_n3A_706 : vector<16xi1>, vector<16xf32>
        %add3A_784 = arith.constant 8 : i32
        %add3A_785 = arith.addi %mul3A_169, %add3A_784 : i32
        %broadcast_in_dim3A_786 = arith.constant 0.000000e+00 : f32
        %broadcast_in_dim3A_787 = vector.broadcast %broadcast_in_dim3A_786 : f32 to vector<16xf32>
        %get3A_788 = arith.index_cast %add3A_785 : i32 to index
        %get3A_789 = arith.constant 0 : index
        %get3A_790 = tpu.vector_load %arg9[%get3A_788, %get3A_789] {strides = array<i32>} : memref<256x128xf32, #tpu.memory_space<vmem>>, vector<16xf32>,
        %get3A_791 = arith.index_cast %add3A_785 : i32 to index
        %get3A_792 = arith.constant 0 : index
        %get3A_793 = tpu.vector_load %arg10[%get3A_791, %get3A_792] {strides = array<i32>} : memref<256x128xf32, #tpu.memory_space<vmem>>, vector<16xf32>,
        %mul3A_794 = arith.mulf %get3A_790, %get3A_793 : vector<16xf32>
        %add3A_795 = arith.addf %broadcast_in_dim3A_787, %mul3A_794 : vector<16xf32>
        %get3A_796 = arith.index_cast %add3A_785 : i32 to index
        %get3A_797 = arith.constant 16 : index
        %get3A_798 = tpu.vector_load %arg9[%get3A_796, %get3A_797] {strides = array<i32>} : memref<256x128xf32, #tpu.memory_space<vmem>>, vector<16xf32>,
        %get3A_799 = arith.index_cast %add3A_785 : i32 to index
        %get3A_800 = arith.constant 16 : index
        %get3A_801 = tpu.vector_load %arg10[%get3A_799, %get3A_800] {strides = array<i32>} : memref<256x128xf32, #tpu.memory_space<vmem>>, vector<16xf32>,
        %mul3A_802 = arith.mulf %get3A_798, %get3A_801 : vector<16xf32>
        %add3A_803 = arith.addf %add3A_795, %mul3A_802 : vector<16xf32>
        %get3A_804 = arith.index_cast %add3A_785 : i32 to index
        %get3A_805 = arith.constant 32 : index
        %get3A_806 = tpu.vector_load %arg9[%get3A_804, %get3A_805] {strides = array<i32>} : memref<256x128xf32, #tpu.memory_space<vmem>>, vector<16xf32>,
        %get3A_807 = arith.index_cast %add3A_785 : i32 to index
        %get3A_808 = arith.constant 32 : index
        %get3A_809 = tpu.vector_load %arg10[%get3A_807, %get3A_808] {strides = array<i32>} : memref<256x128xf32, #tpu.memory_space<vmem>>, vector<16xf32>,
        %mul3A_810 = arith.mulf %get3A_806, %get3A_809 : vector<16xf32>
        %add3A_811 = arith.addf %add3A_803, %mul3A_810 : vector<16xf32>
        %get3A_812 = arith.index_cast %add3A_785 : i32 to index
        %get3A_813 = arith.constant 48 : index
        %get3A_814 = tpu.vector_load %arg9[%get3A_812, %get3A_813] {strides = array<i32>} : memref<256x128xf32, #tpu.memory_space<vmem>>, vector<16xf32>,
        %get3A_815 = arith.index_cast %add3A_785 : i32 to index
        %get3A_816 = arith.constant 48 : index
        %get3A_817 = tpu.vector_load %arg10[%get3A_815, %get3A_816] {strides = array<i32>} : memref<256x128xf32, #tpu.memory_space<vmem>>, vector<16xf32>,
        %mul3A_818 = arith.mulf %get3A_814, %get3A_817 : vector<16xf32>
        %add3A_819 = arith.addf %add3A_811, %mul3A_818 : vector<16xf32>
        %get3A_820 = arith.index_cast %add3A_785 : i32 to index
        %get3A_821 = arith.constant 64 : index
        %get3A_822 = tpu.vector_load %arg9[%get3A_820, %get3A_821] {strides = array<i32>} : memref<256x128xf32, #tpu.memory_space<vmem>>, vector<16xf32>,
        %get3A_823 = arith.index_cast %add3A_785 : i32 to index
        %get3A_824 = arith.constant 64 : index
        %get3A_825 = tpu.vector_load %arg10[%get3A_823, %get3A_824] {strides = array<i32>} : memref<256x128xf32, #tpu.memory_space<vmem>>, vector<16xf32>,
        %mul3A_826 = arith.mulf %get3A_822, %get3A_825 : vector<16xf32>
        %add3A_827 = arith.addf %add3A_819, %mul3A_826 : vector<16xf32>
        %get3A_828 = arith.index_cast %add3A_785 : i32 to index
        %get3A_829 = arith.constant 80 : index
        %get3A_830 = tpu.vector_load %arg9[%get3A_828, %get3A_829] {strides = array<i32>} : memref<256x128xf32, #tpu.memory_space<vmem>>, vector<16xf32>,
        %get3A_831 = arith.index_cast %add3A_785 : i32 to index
        %get3A_832 = arith.constant 80 : index
        %get3A_833 = tpu.vector_load %arg10[%get3A_831, %get3A_832] {strides = array<i32>} : memref<256x128xf32, #tpu.memory_space<vmem>>, vector<16xf32>,
        %mul3A_834 = arith.mulf %get3A_830, %get3A_833 : vector<16xf32>
        %add3A_835 = arith.addf %add3A_827, %mul3A_834 : vector<16xf32>
        %get3A_836 = arith.index_cast %add3A_785 : i32 to index
        %get3A_837 = arith.constant 96 : index
        %get3A_838 = tpu.vector_load %arg9[%get3A_836, %get3A_837] {strides = array<i32>} : memref<256x128xf32, #tpu.memory_space<vmem>>, vector<16xf32>,
        %get3A_839 = arith.index_cast %add3A_785 : i32 to index
        %get3A_840 = arith.constant 96 : index
        %get3A_841 = tpu.vector_load %arg10[%get3A_839, %get3A_840] {strides = array<i32>} : memref<256x128xf32, #tpu.memory_space<vmem>>, vector<16xf32>,
        %mul3A_842 = arith.mulf %get3A_838, %get3A_841 : vector<16xf32>
        %add3A_843 = arith.addf %add3A_835, %mul3A_842 : vector<16xf32>
        %get3A_844 = arith.index_cast %add3A_785 : i32 to index
        %get3A_845 = arith.constant 112 : index
        %get3A_846 = tpu.vector_load %arg9[%get3A_844, %get3A_845] {strides = array<i32>} : memref<256x128xf32, #tpu.memory_space<vmem>>, vector<16xf32>,
        %get3A_847 = arith.index_cast %add3A_785 : i32 to index
        %get3A_848 = arith.constant 112 : index
        %get3A_849 = tpu.vector_load %arg10[%get3A_847, %get3A_848] {strides = array<i32>} : memref<256x128xf32, #tpu.memory_space<vmem>>, vector<16xf32>,
        %mul3A_850 = arith.mulf %get3A_846, %get3A_849 : vector<16xf32>
        %add3A_851 = arith.addf %add3A_843, %mul3A_850 : vector<16xf32>
        %reduce_sum3A_852 = arith.constant true
        %reduce_sum3A_853 = vector.broadcast %reduce_sum3A_852 : i1 to vector<16xi1>
        %reduce_sum3A_854 = tpu.scan <sum>, %add3A_851 masked %reduce_sum3A_853 : vector<16xf32>, vector<16xi1> -> vector<16xf32>
        %reduce_sum3A_855 = vector.extract %reduce_sum3A_854[15] : f32 from vector<16xf32>
        %eq3A_856 = arith.constant 8 : i32
        %eq3A_857 = vector.broadcast %eq3A_856 : i32 to vector<16xi32>
        %eq3A_858 = arith.cmpi eq, %iota3A, %eq3A_857 : vector<16xi32>
        %broadcast_in_dim3A_859 = vector.broadcast %reduce_sum3A_855 : f32 to vector<16xf32>
        %select_n3A_860 = arith.select %eq3A_858, %broadcast_in_dim3A_859, %select_n3A_783 : vector<16xi1>, vector<16xf32>
        %add3A_861 = arith.constant 9 : i32
        %add3A_862 = arith.addi %mul3A_169, %add3A_861 : i32
        %broadcast_in_dim3A_863 = arith.constant 0.000000e+00 : f32
        %broadcast_in_dim3A_864 = vector.broadcast %broadcast_in_dim3A_863 : f32 to vector<16xf32>
        %get3A_865 = arith.index_cast %add3A_862 : i32 to index
        %get3A_866 = arith.constant 0 : index
        %get3A_867 = tpu.vector_load %arg9[%get3A_865, %get3A_866] {strides = array<i32>} : memref<256x128xf32, #tpu.memory_space<vmem>>, vector<16xf32>,
        %get3A_868 = arith.index_cast %add3A_862 : i32 to index
        %get3A_869 = arith.constant 0 : index
        %get3A_870 = tpu.vector_load %arg10[%get3A_868, %get3A_869] {strides = array<i32>} : memref<256x128xf32, #tpu.memory_space<vmem>>, vector<16xf32>,
        %mul3A_871 = arith.mulf %get3A_867, %get3A_870 : vector<16xf32>
        %add3A_872 = arith.addf %broadcast_in_dim3A_864, %mul3A_871 : vector<16xf32>
        %get3A_873 = arith.index_cast %add3A_862 : i32 to index
        %get3A_874 = arith.constant 16 : index
        %get3A_875 = tpu.vector_load %arg9[%get3A_873, %get3A_874] {strides = array<i32>} : memref<256x128xf32, #tpu.memory_space<vmem>>, vector<16xf32>,
        %get3A_876 = arith.index_cast %add3A_862 : i32 to index
        %get3A_877 = arith.constant 16 : index
        %get3A_878 = tpu.vector_load %arg10[%get3A_876, %get3A_877] {strides = array<i32>} : memref<256x128xf32, #tpu.memory_space<vmem>>, vector<16xf32>,
        %mul3A_879 = arith.mulf %get3A_875, %get3A_878 : vector<16xf32>
        %add3A_880 = arith.addf %add3A_872, %mul3A_879 : vector<16xf32>
        %get3A_881 = arith.index_cast %add3A_862 : i32 to index
        %get3A_882 = arith.constant 32 : index
        %get3A_883 = tpu.vector_load %arg9[%get3A_881, %get3A_882] {strides = array<i32>} : memref<256x128xf32, #tpu.memory_space<vmem>>, vector<16xf32>,
        %get3A_884 = arith.index_cast %add3A_862 : i32 to index
        %get3A_885 = arith.constant 32 : index
        %get3A_886 = tpu.vector_load %arg10[%get3A_884, %get3A_885] {strides = array<i32>} : memref<256x128xf32, #tpu.memory_space<vmem>>, vector<16xf32>,
        %mul3A_887 = arith.mulf %get3A_883, %get3A_886 : vector<16xf32>
        %add3A_888 = arith.addf %add3A_880, %mul3A_887 : vector<16xf32>
        %get3A_889 = arith.index_cast %add3A_862 : i32 to index
        %get3A_890 = arith.constant 48 : index
        %get3A_891 = tpu.vector_load %arg9[%get3A_889, %get3A_890] {strides = array<i32>} : memref<256x128xf32, #tpu.memory_space<vmem>>, vector<16xf32>,
        %get3A_892 = arith.index_cast %add3A_862 : i32 to index
        %get3A_893 = arith.constant 48 : index
        %get3A_894 = tpu.vector_load %arg10[%get3A_892, %get3A_893] {strides = array<i32>} : memref<256x128xf32, #tpu.memory_space<vmem>>, vector<16xf32>,
        %mul3A_895 = arith.mulf %get3A_891, %get3A_894 : vector<16xf32>
        %add3A_896 = arith.addf %add3A_888, %mul3A_895 : vector<16xf32>
        %get3A_897 = arith.index_cast %add3A_862 : i32 to index
        %get3A_898 = arith.constant 64 : index
        %get3A_899 = tpu.vector_load %arg9[%get3A_897, %get3A_898] {strides = array<i32>} : memref<256x128xf32, #tpu.memory_space<vmem>>, vector<16xf32>,
        %get3A_900 = arith.index_cast %add3A_862 : i32 to index
        %get3A_901 = arith.constant 64 : index
        %get3A_902 = tpu.vector_load %arg10[%get3A_900, %get3A_901] {strides = array<i32>} : memref<256x128xf32, #tpu.memory_space<vmem>>, vector<16xf32>,
        %mul3A_903 = arith.mulf %get3A_899, %get3A_902 : vector<16xf32>
        %add3A_904 = arith.addf %add3A_896, %mul3A_903 : vector<16xf32>
        %get3A_905 = arith.index_cast %add3A_862 : i32 to index
        %get3A_906 = arith.constant 80 : index
        %get3A_907 = tpu.vector_load %arg9[%get3A_905, %get3A_906] {strides = array<i32>} : memref<256x128xf32, #tpu.memory_space<vmem>>, vector<16xf32>,
        %get3A_908 = arith.index_cast %add3A_862 : i32 to index
        %get3A_909 = arith.constant 80 : index
        %get3A_910 = tpu.vector_load %arg10[%get3A_908, %get3A_909] {strides = array<i32>} : memref<256x128xf32, #tpu.memory_space<vmem>>, vector<16xf32>,
        %mul3A_911 = arith.mulf %get3A_907, %get3A_910 : vector<16xf32>
        %add3A_912 = arith.addf %add3A_904, %mul3A_911 : vector<16xf32>
        %get3A_913 = arith.index_cast %add3A_862 : i32 to index
        %get3A_914 = arith.constant 96 : index
        %get3A_915 = tpu.vector_load %arg9[%get3A_913, %get3A_914] {strides = array<i32>} : memref<256x128xf32, #tpu.memory_space<vmem>>, vector<16xf32>,
        %get3A_916 = arith.index_cast %add3A_862 : i32 to index
        %get3A_917 = arith.constant 96 : index
        %get3A_918 = tpu.vector_load %arg10[%get3A_916, %get3A_917] {strides = array<i32>} : memref<256x128xf32, #tpu.memory_space<vmem>>, vector<16xf32>,
        %mul3A_919 = arith.mulf %get3A_915, %get3A_918 : vector<16xf32>
        %add3A_920 = arith.addf %add3A_912, %mul3A_919 : vector<16xf32>
        %get3A_921 = arith.index_cast %add3A_862 : i32 to index
        %get3A_922 = arith.constant 112 : index
        %get3A_923 = tpu.vector_load %arg9[%get3A_921, %get3A_922] {strides = array<i32>} : memref<256x128xf32, #tpu.memory_space<vmem>>, vector<16xf32>,
        %get3A_924 = arith.index_cast %add3A_862 : i32 to index
        %get3A_925 = arith.constant 112 : index
        %get3A_926 = tpu.vector_load %arg10[%get3A_924, %get3A_925] {strides = array<i32>} : memref<256x128xf32, #tpu.memory_space<vmem>>, vector<16xf32>,
        %mul3A_927 = arith.mulf %get3A_923, %get3A_926 : vector<16xf32>
        %add3A_928 = arith.addf %add3A_920, %mul3A_927 : vector<16xf32>
        %reduce_sum3A_929 = arith.constant true
        %reduce_sum3A_930 = vector.broadcast %reduce_sum3A_929 : i1 to vector<16xi1>
        %reduce_sum3A_931 = tpu.scan <sum>, %add3A_928 masked %reduce_sum3A_930 : vector<16xf32>, vector<16xi1> -> vector<16xf32>
        %reduce_sum3A_932 = vector.extract %reduce_sum3A_931[15] : f32 from vector<16xf32>
        %eq3A_933 = arith.constant 9 : i32
        %eq3A_934 = vector.broadcast %eq3A_933 : i32 to vector<16xi32>
        %eq3A_935 = arith.cmpi eq, %iota3A, %eq3A_934 : vector<16xi32>
        %broadcast_in_dim3A_936 = vector.broadcast %reduce_sum3A_932 : f32 to vector<16xf32>
        %select_n3A_937 = arith.select %eq3A_935, %broadcast_in_dim3A_936, %select_n3A_860 : vector<16xi1>, vector<16xf32>
        %add3A_938 = arith.constant 10 : i32
        %add3A_939 = arith.addi %mul3A_169, %add3A_938 : i32
        %broadcast_in_dim3A_940 = arith.constant 0.000000e+00 : f32
        %broadcast_in_dim3A_941 = vector.broadcast %broadcast_in_dim3A_940 : f32 to vector<16xf32>
        %get3A_942 = arith.index_cast %add3A_939 : i32 to index
        %get3A_943 = arith.constant 0 : index
        %get3A_944 = tpu.vector_load %arg9[%get3A_942, %get3A_943] {strides = array<i32>} : memref<256x128xf32, #tpu.memory_space<vmem>>, vector<16xf32>,
        %get3A_945 = arith.index_cast %add3A_939 : i32 to index
        %get3A_946 = arith.constant 0 : index
        %get3A_947 = tpu.vector_load %arg10[%get3A_945, %get3A_946] {strides = array<i32>} : memref<256x128xf32, #tpu.memory_space<vmem>>, vector<16xf32>,
        %mul3A_948 = arith.mulf %get3A_944, %get3A_947 : vector<16xf32>
        %add3A_949 = arith.addf %broadcast_in_dim3A_941, %mul3A_948 : vector<16xf32>
        %get3A_950 = arith.index_cast %add3A_939 : i32 to index
        %get3A_951 = arith.constant 16 : index
        %get3A_952 = tpu.vector_load %arg9[%get3A_950, %get3A_951] {strides = array<i32>} : memref<256x128xf32, #tpu.memory_space<vmem>>, vector<16xf32>,
        %get3A_953 = arith.index_cast %add3A_939 : i32 to index
        %get3A_954 = arith.constant 16 : index
        %get3A_955 = tpu.vector_load %arg10[%get3A_953, %get3A_954] {strides = array<i32>} : memref<256x128xf32, #tpu.memory_space<vmem>>, vector<16xf32>,
        %mul3A_956 = arith.mulf %get3A_952, %get3A_955 : vector<16xf32>
        %add3A_957 = arith.addf %add3A_949, %mul3A_956 : vector<16xf32>
        %get3A_958 = arith.index_cast %add3A_939 : i32 to index
        %get3A_959 = arith.constant 32 : index
        %get3A_960 = tpu.vector_load %arg9[%get3A_958, %get3A_959] {strides = array<i32>} : memref<256x128xf32, #tpu.memory_space<vmem>>, vector<16xf32>,
        %get3A_961 = arith.index_cast %add3A_939 : i32 to index
        %get3A_962 = arith.constant 32 : index
        %get3A_963 = tpu.vector_load %arg10[%get3A_961, %get3A_962] {strides = array<i32>} : memref<256x128xf32, #tpu.memory_space<vmem>>, vector<16xf32>,
        %mul3A_964 = arith.mulf %get3A_960, %get3A_963 : vector<16xf32>
        %add3A_965 = arith.addf %add3A_957, %mul3A_964 : vector<16xf32>
        %get3A_966 = arith.index_cast %add3A_939 : i32 to index
        %get3A_967 = arith.constant 48 : index
        %get3A_968 = tpu.vector_load %arg9[%get3A_966, %get3A_967] {strides = array<i32>} : memref<256x128xf32, #tpu.memory_space<vmem>>, vector<16xf32>,
        %get3A_969 = arith.index_cast %add3A_939 : i32 to index
        %get3A_970 = arith.constant 48 : index
        %get3A_971 = tpu.vector_load %arg10[%get3A_969, %get3A_970] {strides = array<i32>} : memref<256x128xf32, #tpu.memory_space<vmem>>, vector<16xf32>,
        %mul3A_972 = arith.mulf %get3A_968, %get3A_971 : vector<16xf32>
        %add3A_973 = arith.addf %add3A_965, %mul3A_972 : vector<16xf32>
        %get3A_974 = arith.index_cast %add3A_939 : i32 to index
        %get3A_975 = arith.constant 64 : index
        %get3A_976 = tpu.vector_load %arg9[%get3A_974, %get3A_975] {strides = array<i32>} : memref<256x128xf32, #tpu.memory_space<vmem>>, vector<16xf32>,
        %get3A_977 = arith.index_cast %add3A_939 : i32 to index
        %get3A_978 = arith.constant 64 : index
        %get3A_979 = tpu.vector_load %arg10[%get3A_977, %get3A_978] {strides = array<i32>} : memref<256x128xf32, #tpu.memory_space<vmem>>, vector<16xf32>,
        %mul3A_980 = arith.mulf %get3A_976, %get3A_979 : vector<16xf32>
        %add3A_981 = arith.addf %add3A_973, %mul3A_980 : vector<16xf32>
        %get3A_982 = arith.index_cast %add3A_939 : i32 to index
        %get3A_983 = arith.constant 80 : index
        %get3A_984 = tpu.vector_load %arg9[%get3A_982, %get3A_983] {strides = array<i32>} : memref<256x128xf32, #tpu.memory_space<vmem>>, vector<16xf32>,
        %get3A_985 = arith.index_cast %add3A_939 : i32 to index
        %get3A_986 = arith.constant 80 : index
        %get3A_987 = tpu.vector_load %arg10[%get3A_985, %get3A_986] {strides = array<i32>} : memref<256x128xf32, #tpu.memory_space<vmem>>, vector<16xf32>,
        %mul3A_988 = arith.mulf %get3A_984, %get3A_987 : vector<16xf32>
        %add3A_989 = arith.addf %add3A_981, %mul3A_988 : vector<16xf32>
        %get3A_990 = arith.index_cast %add3A_939 : i32 to index
        %get3A_991 = arith.constant 96 : index
        %get3A_992 = tpu.vector_load %arg9[%get3A_990, %get3A_991] {strides = array<i32>} : memref<256x128xf32, #tpu.memory_space<vmem>>, vector<16xf32>,
        %get3A_993 = arith.index_cast %add3A_939 : i32 to index
        %get3A_994 = arith.constant 96 : index
        %get3A_995 = tpu.vector_load %arg10[%get3A_993, %get3A_994] {strides = array<i32>} : memref<256x128xf32, #tpu.memory_space<vmem>>, vector<16xf32>,
        %mul3A_996 = arith.mulf %get3A_992, %get3A_995 : vector<16xf32>
        %add3A_997 = arith.addf %add3A_989, %mul3A_996 : vector<16xf32>
        %get3A_998 = arith.index_cast %add3A_939 : i32 to index
        %get3A_999 = arith.constant 112 : index
        %get3A_1000 = tpu.vector_load %arg9[%get3A_998, %get3A_999] {strides = array<i32>} : memref<256x128xf32, #tpu.memory_space<vmem>>, vector<16xf32>,
        %get3A_1001 = arith.index_cast %add3A_939 : i32 to index
        %get3A_1002 = arith.constant 112 : index
        %get3A_1003 = tpu.vector_load %arg10[%get3A_1001, %get3A_1002] {strides = array<i32>} : memref<256x128xf32, #tpu.memory_space<vmem>>, vector<16xf32>,
        %mul3A_1004 = arith.mulf %get3A_1000, %get3A_1003 : vector<16xf32>
        %add3A_1005 = arith.addf %add3A_997, %mul3A_1004 : vector<16xf32>
        %reduce_sum3A_1006 = arith.constant true
        %reduce_sum3A_1007 = vector.broadcast %reduce_sum3A_1006 : i1 to vector<16xi1>
        %reduce_sum3A_1008 = tpu.scan <sum>, %add3A_1005 masked %reduce_sum3A_1007 : vector<16xf32>, vector<16xi1> -> vector<16xf32>
        %reduce_sum3A_1009 = vector.extract %reduce_sum3A_1008[15] : f32 from vector<16xf32>
        %eq3A_1010 = arith.constant 10 : i32
        %eq3A_1011 = vector.broadcast %eq3A_1010 : i32 to vector<16xi32>
        %eq3A_1012 = arith.cmpi eq, %iota3A, %eq3A_1011 : vector<16xi32>
        %broadcast_in_dim3A_1013 = vector.broadcast %reduce_sum3A_1009 : f32 to vector<16xf32>
        %select_n3A_1014 = arith.select %eq3A_1012, %broadcast_in_dim3A_1013, %select_n3A_937 : vector<16xi1>, vector<16xf32>
        %add3A_1015 = arith.constant 11 : i32
        %add3A_1016 = arith.addi %mul3A_169, %add3A_1015 : i32
        %broadcast_in_dim3A_1017 = arith.constant 0.000000e+00 : f32
        %broadcast_in_dim3A_1018 = vector.broadcast %broadcast_in_dim3A_1017 : f32 to vector<16xf32>
        %get3A_1019 = arith.index_cast %add3A_1016 : i32 to index
        %get3A_1020 = arith.constant 0 : index
        %get3A_1021 = tpu.vector_load %arg9[%get3A_1019, %get3A_1020] {strides = array<i32>} : memref<256x128xf32, #tpu.memory_space<vmem>>, vector<16xf32>,
        %get3A_1022 = arith.index_cast %add3A_1016 : i32 to index
        %get3A_1023 = arith.constant 0 : index
        %get3A_1024 = tpu.vector_load %arg10[%get3A_1022, %get3A_1023] {strides = array<i32>} : memref<256x128xf32, #tpu.memory_space<vmem>>, vector<16xf32>,
        %mul3A_1025 = arith.mulf %get3A_1021, %get3A_1024 : vector<16xf32>
        %add3A_1026 = arith.addf %broadcast_in_dim3A_1018, %mul3A_1025 : vector<16xf32>
        %get3A_1027 = arith.index_cast %add3A_1016 : i32 to index
        %get3A_1028 = arith.constant 16 : index
        %get3A_1029 = tpu.vector_load %arg9[%get3A_1027, %get3A_1028] {strides = array<i32>} : memref<256x128xf32, #tpu.memory_space<vmem>>, vector<16xf32>,
        %get3A_1030 = arith.index_cast %add3A_1016 : i32 to index
        %get3A_1031 = arith.constant 16 : index
        %get3A_1032 = tpu.vector_load %arg10[%get3A_1030, %get3A_1031] {strides = array<i32>} : memref<256x128xf32, #tpu.memory_space<vmem>>, vector<16xf32>,
        %mul3A_1033 = arith.mulf %get3A_1029, %get3A_1032 : vector<16xf32>
        %add3A_1034 = arith.addf %add3A_1026, %mul3A_1033 : vector<16xf32>
        %get3A_1035 = arith.index_cast %add3A_1016 : i32 to index
        %get3A_1036 = arith.constant 32 : index
        %get3A_1037 = tpu.vector_load %arg9[%get3A_1035, %get3A_1036] {strides = array<i32>} : memref<256x128xf32, #tpu.memory_space<vmem>>, vector<16xf32>,
        %get3A_1038 = arith.index_cast %add3A_1016 : i32 to index
        %get3A_1039 = arith.constant 32 : index
        %get3A_1040 = tpu.vector_load %arg10[%get3A_1038, %get3A_1039] {strides = array<i32>} : memref<256x128xf32, #tpu.memory_space<vmem>>, vector<16xf32>,
        %mul3A_1041 = arith.mulf %get3A_1037, %get3A_1040 : vector<16xf32>
        %add3A_1042 = arith.addf %add3A_1034, %mul3A_1041 : vector<16xf32>
        %get3A_1043 = arith.index_cast %add3A_1016 : i32 to index
        %get3A_1044 = arith.constant 48 : index
        %get3A_1045 = tpu.vector_load %arg9[%get3A_1043, %get3A_1044] {strides = array<i32>} : memref<256x128xf32, #tpu.memory_space<vmem>>, vector<16xf32>,
        %get3A_1046 = arith.index_cast %add3A_1016 : i32 to index
        %get3A_1047 = arith.constant 48 : index
        %get3A_1048 = tpu.vector_load %arg10[%get3A_1046, %get3A_1047] {strides = array<i32>} : memref<256x128xf32, #tpu.memory_space<vmem>>, vector<16xf32>,
        %mul3A_1049 = arith.mulf %get3A_1045, %get3A_1048 : vector<16xf32>
        %add3A_1050 = arith.addf %add3A_1042, %mul3A_1049 : vector<16xf32>
        %get3A_1051 = arith.index_cast %add3A_1016 : i32 to index
        %get3A_1052 = arith.constant 64 : index
        %get3A_1053 = tpu.vector_load %arg9[%get3A_1051, %get3A_1052] {strides = array<i32>} : memref<256x128xf32, #tpu.memory_space<vmem>>, vector<16xf32>,
        %get3A_1054 = arith.index_cast %add3A_1016 : i32 to index
        %get3A_1055 = arith.constant 64 : index
        %get3A_1056 = tpu.vector_load %arg10[%get3A_1054, %get3A_1055] {strides = array<i32>} : memref<256x128xf32, #tpu.memory_space<vmem>>, vector<16xf32>,
        %mul3A_1057 = arith.mulf %get3A_1053, %get3A_1056 : vector<16xf32>
        %add3A_1058 = arith.addf %add3A_1050, %mul3A_1057 : vector<16xf32>
        %get3A_1059 = arith.index_cast %add3A_1016 : i32 to index
        %get3A_1060 = arith.constant 80 : index
        %get3A_1061 = tpu.vector_load %arg9[%get3A_1059, %get3A_1060] {strides = array<i32>} : memref<256x128xf32, #tpu.memory_space<vmem>>, vector<16xf32>,
        %get3A_1062 = arith.index_cast %add3A_1016 : i32 to index
        %get3A_1063 = arith.constant 80 : index
        %get3A_1064 = tpu.vector_load %arg10[%get3A_1062, %get3A_1063] {strides = array<i32>} : memref<256x128xf32, #tpu.memory_space<vmem>>, vector<16xf32>,
        %mul3A_1065 = arith.mulf %get3A_1061, %get3A_1064 : vector<16xf32>
        %add3A_1066 = arith.addf %add3A_1058, %mul3A_1065 : vector<16xf32>
        %get3A_1067 = arith.index_cast %add3A_1016 : i32 to index
        %get3A_1068 = arith.constant 96 : index
        %get3A_1069 = tpu.vector_load %arg9[%get3A_1067, %get3A_1068] {strides = array<i32>} : memref<256x128xf32, #tpu.memory_space<vmem>>, vector<16xf32>,
        %get3A_1070 = arith.index_cast %add3A_1016 : i32 to index
        %get3A_1071 = arith.constant 96 : index
        %get3A_1072 = tpu.vector_load %arg10[%get3A_1070, %get3A_1071] {strides = array<i32>} : memref<256x128xf32, #tpu.memory_space<vmem>>, vector<16xf32>,
        %mul3A_1073 = arith.mulf %get3A_1069, %get3A_1072 : vector<16xf32>
        %add3A_1074 = arith.addf %add3A_1066, %mul3A_1073 : vector<16xf32>
        %get3A_1075 = arith.index_cast %add3A_1016 : i32 to index
        %get3A_1076 = arith.constant 112 : index
        %get3A_1077 = tpu.vector_load %arg9[%get3A_1075, %get3A_1076] {strides = array<i32>} : memref<256x128xf32, #tpu.memory_space<vmem>>, vector<16xf32>,
        %get3A_1078 = arith.index_cast %add3A_1016 : i32 to index
        %get3A_1079 = arith.constant 112 : index
        %get3A_1080 = tpu.vector_load %arg10[%get3A_1078, %get3A_1079] {strides = array<i32>} : memref<256x128xf32, #tpu.memory_space<vmem>>, vector<16xf32>,
        %mul3A_1081 = arith.mulf %get3A_1077, %get3A_1080 : vector<16xf32>
        %add3A_1082 = arith.addf %add3A_1074, %mul3A_1081 : vector<16xf32>
        %reduce_sum3A_1083 = arith.constant true
        %reduce_sum3A_1084 = vector.broadcast %reduce_sum3A_1083 : i1 to vector<16xi1>
        %reduce_sum3A_1085 = tpu.scan <sum>, %add3A_1082 masked %reduce_sum3A_1084 : vector<16xf32>, vector<16xi1> -> vector<16xf32>
        %reduce_sum3A_1086 = vector.extract %reduce_sum3A_1085[15] : f32 from vector<16xf32>
        %eq3A_1087 = arith.constant 11 : i32
        %eq3A_1088 = vector.broadcast %eq3A_1087 : i32 to vector<16xi32>
        %eq3A_1089 = arith.cmpi eq, %iota3A, %eq3A_1088 : vector<16xi32>
        %broadcast_in_dim3A_1090 = vector.broadcast %reduce_sum3A_1086 : f32 to vector<16xf32>
        %select_n3A_1091 = arith.select %eq3A_1089, %broadcast_in_dim3A_1090, %select_n3A_1014 : vector<16xi1>, vector<16xf32>
        %add3A_1092 = arith.constant 12 : i32
        %add3A_1093 = arith.addi %mul3A_169, %add3A_1092 : i32
        %broadcast_in_dim3A_1094 = arith.constant 0.000000e+00 : f32
        %broadcast_in_dim3A_1095 = vector.broadcast %broadcast_in_dim3A_1094 : f32 to vector<16xf32>
        %get3A_1096 = arith.index_cast %add3A_1093 : i32 to index
        %get3A_1097 = arith.constant 0 : index
        %get3A_1098 = tpu.vector_load %arg9[%get3A_1096, %get3A_1097] {strides = array<i32>} : memref<256x128xf32, #tpu.memory_space<vmem>>, vector<16xf32>,
        %get3A_1099 = arith.index_cast %add3A_1093 : i32 to index
        %get3A_1100 = arith.constant 0 : index
        %get3A_1101 = tpu.vector_load %arg10[%get3A_1099, %get3A_1100] {strides = array<i32>} : memref<256x128xf32, #tpu.memory_space<vmem>>, vector<16xf32>,
        %mul3A_1102 = arith.mulf %get3A_1098, %get3A_1101 : vector<16xf32>
        %add3A_1103 = arith.addf %broadcast_in_dim3A_1095, %mul3A_1102 : vector<16xf32>
        %get3A_1104 = arith.index_cast %add3A_1093 : i32 to index
        %get3A_1105 = arith.constant 16 : index
        %get3A_1106 = tpu.vector_load %arg9[%get3A_1104, %get3A_1105] {strides = array<i32>} : memref<256x128xf32, #tpu.memory_space<vmem>>, vector<16xf32>,
        %get3A_1107 = arith.index_cast %add3A_1093 : i32 to index
        %get3A_1108 = arith.constant 16 : index
        %get3A_1109 = tpu.vector_load %arg10[%get3A_1107, %get3A_1108] {strides = array<i32>} : memref<256x128xf32, #tpu.memory_space<vmem>>, vector<16xf32>,
        %mul3A_1110 = arith.mulf %get3A_1106, %get3A_1109 : vector<16xf32>
        %add3A_1111 = arith.addf %add3A_1103, %mul3A_1110 : vector<16xf32>
        %get3A_1112 = arith.index_cast %add3A_1093 : i32 to index
        %get3A_1113 = arith.constant 32 : index
        %get3A_1114 = tpu.vector_load %arg9[%get3A_1112, %get3A_1113] {strides = array<i32>} : memref<256x128xf32, #tpu.memory_space<vmem>>, vector<16xf32>,
        %get3A_1115 = arith.index_cast %add3A_1093 : i32 to index
        %get3A_1116 = arith.constant 32 : index
        %get3A_1117 = tpu.vector_load %arg10[%get3A_1115, %get3A_1116] {strides = array<i32>} : memref<256x128xf32, #tpu.memory_space<vmem>>, vector<16xf32>,
        %mul3A_1118 = arith.mulf %get3A_1114, %get3A_1117 : vector<16xf32>
        %add3A_1119 = arith.addf %add3A_1111, %mul3A_1118 : vector<16xf32>
        %get3A_1120 = arith.index_cast %add3A_1093 : i32 to index
        %get3A_1121 = arith.constant 48 : index
        %get3A_1122 = tpu.vector_load %arg9[%get3A_1120, %get3A_1121] {strides = array<i32>} : memref<256x128xf32, #tpu.memory_space<vmem>>, vector<16xf32>,
        %get3A_1123 = arith.index_cast %add3A_1093 : i32 to index
        %get3A_1124 = arith.constant 48 : index
        %get3A_1125 = tpu.vector_load %arg10[%get3A_1123, %get3A_1124] {strides = array<i32>} : memref<256x128xf32, #tpu.memory_space<vmem>>, vector<16xf32>,
        %mul3A_1126 = arith.mulf %get3A_1122, %get3A_1125 : vector<16xf32>
        %add3A_1127 = arith.addf %add3A_1119, %mul3A_1126 : vector<16xf32>
        %get3A_1128 = arith.index_cast %add3A_1093 : i32 to index
        %get3A_1129 = arith.constant 64 : index
        %get3A_1130 = tpu.vector_load %arg9[%get3A_1128, %get3A_1129] {strides = array<i32>} : memref<256x128xf32, #tpu.memory_space<vmem>>, vector<16xf32>,
        %get3A_1131 = arith.index_cast %add3A_1093 : i32 to index
        %get3A_1132 = arith.constant 64 : index
        %get3A_1133 = tpu.vector_load %arg10[%get3A_1131, %get3A_1132] {strides = array<i32>} : memref<256x128xf32, #tpu.memory_space<vmem>>, vector<16xf32>,
        %mul3A_1134 = arith.mulf %get3A_1130, %get3A_1133 : vector<16xf32>
        %add3A_1135 = arith.addf %add3A_1127, %mul3A_1134 : vector<16xf32>
        %get3A_1136 = arith.index_cast %add3A_1093 : i32 to index
        %get3A_1137 = arith.constant 80 : index
        %get3A_1138 = tpu.vector_load %arg9[%get3A_1136, %get3A_1137] {strides = array<i32>} : memref<256x128xf32, #tpu.memory_space<vmem>>, vector<16xf32>,
        %get3A_1139 = arith.index_cast %add3A_1093 : i32 to index
        %get3A_1140 = arith.constant 80 : index
        %get3A_1141 = tpu.vector_load %arg10[%get3A_1139, %get3A_1140] {strides = array<i32>} : memref<256x128xf32, #tpu.memory_space<vmem>>, vector<16xf32>,
        %mul3A_1142 = arith.mulf %get3A_1138, %get3A_1141 : vector<16xf32>
        %add3A_1143 = arith.addf %add3A_1135, %mul3A_1142 : vector<16xf32>
        %get3A_1144 = arith.index_cast %add3A_1093 : i32 to index
        %get3A_1145 = arith.constant 96 : index
        %get3A_1146 = tpu.vector_load %arg9[%get3A_1144, %get3A_1145] {strides = array<i32>} : memref<256x128xf32, #tpu.memory_space<vmem>>, vector<16xf32>,
        %get3A_1147 = arith.index_cast %add3A_1093 : i32 to index
        %get3A_1148 = arith.constant 96 : index
        %get3A_1149 = tpu.vector_load %arg10[%get3A_1147, %get3A_1148] {strides = array<i32>} : memref<256x128xf32, #tpu.memory_space<vmem>>, vector<16xf32>,
        %mul3A_1150 = arith.mulf %get3A_1146, %get3A_1149 : vector<16xf32>
        %add3A_1151 = arith.addf %add3A_1143, %mul3A_1150 : vector<16xf32>
        %get3A_1152 = arith.index_cast %add3A_1093 : i32 to index
        %get3A_1153 = arith.constant 112 : index
        %get3A_1154 = tpu.vector_load %arg9[%get3A_1152, %get3A_1153] {strides = array<i32>} : memref<256x128xf32, #tpu.memory_space<vmem>>, vector<16xf32>,
        %get3A_1155 = arith.index_cast %add3A_1093 : i32 to index
        %get3A_1156 = arith.constant 112 : index
        %get3A_1157 = tpu.vector_load %arg10[%get3A_1155, %get3A_1156] {strides = array<i32>} : memref<256x128xf32, #tpu.memory_space<vmem>>, vector<16xf32>,
        %mul3A_1158 = arith.mulf %get3A_1154, %get3A_1157 : vector<16xf32>
        %add3A_1159 = arith.addf %add3A_1151, %mul3A_1158 : vector<16xf32>
        %reduce_sum3A_1160 = arith.constant true
        %reduce_sum3A_1161 = vector.broadcast %reduce_sum3A_1160 : i1 to vector<16xi1>
        %reduce_sum3A_1162 = tpu.scan <sum>, %add3A_1159 masked %reduce_sum3A_1161 : vector<16xf32>, vector<16xi1> -> vector<16xf32>
        %reduce_sum3A_1163 = vector.extract %reduce_sum3A_1162[15] : f32 from vector<16xf32>
        %eq3A_1164 = arith.constant 12 : i32
        %eq3A_1165 = vector.broadcast %eq3A_1164 : i32 to vector<16xi32>
        %eq3A_1166 = arith.cmpi eq, %iota3A, %eq3A_1165 : vector<16xi32>
        %broadcast_in_dim3A_1167 = vector.broadcast %reduce_sum3A_1163 : f32 to vector<16xf32>
        %select_n3A_1168 = arith.select %eq3A_1166, %broadcast_in_dim3A_1167, %select_n3A_1091 : vector<16xi1>, vector<16xf32>
        %add3A_1169 = arith.constant 13 : i32
        %add3A_1170 = arith.addi %mul3A_169, %add3A_1169 : i32
        %broadcast_in_dim3A_1171 = arith.constant 0.000000e+00 : f32
        %broadcast_in_dim3A_1172 = vector.broadcast %broadcast_in_dim3A_1171 : f32 to vector<16xf32>
        %get3A_1173 = arith.index_cast %add3A_1170 : i32 to index
        %get3A_1174 = arith.constant 0 : index
        %get3A_1175 = tpu.vector_load %arg9[%get3A_1173, %get3A_1174] {strides = array<i32>} : memref<256x128xf32, #tpu.memory_space<vmem>>, vector<16xf32>,
        %get3A_1176 = arith.index_cast %add3A_1170 : i32 to index
        %get3A_1177 = arith.constant 0 : index
        %get3A_1178 = tpu.vector_load %arg10[%get3A_1176, %get3A_1177] {strides = array<i32>} : memref<256x128xf32, #tpu.memory_space<vmem>>, vector<16xf32>,
        %mul3A_1179 = arith.mulf %get3A_1175, %get3A_1178 : vector<16xf32>
        %add3A_1180 = arith.addf %broadcast_in_dim3A_1172, %mul3A_1179 : vector<16xf32>
        %get3A_1181 = arith.index_cast %add3A_1170 : i32 to index
        %get3A_1182 = arith.constant 16 : index
        %get3A_1183 = tpu.vector_load %arg9[%get3A_1181, %get3A_1182] {strides = array<i32>} : memref<256x128xf32, #tpu.memory_space<vmem>>, vector<16xf32>,
        %get3A_1184 = arith.index_cast %add3A_1170 : i32 to index
        %get3A_1185 = arith.constant 16 : index
        %get3A_1186 = tpu.vector_load %arg10[%get3A_1184, %get3A_1185] {strides = array<i32>} : memref<256x128xf32, #tpu.memory_space<vmem>>, vector<16xf32>,
        %mul3A_1187 = arith.mulf %get3A_1183, %get3A_1186 : vector<16xf32>
        %add3A_1188 = arith.addf %add3A_1180, %mul3A_1187 : vector<16xf32>
        %get3A_1189 = arith.index_cast %add3A_1170 : i32 to index
        %get3A_1190 = arith.constant 32 : index
        %get3A_1191 = tpu.vector_load %arg9[%get3A_1189, %get3A_1190] {strides = array<i32>} : memref<256x128xf32, #tpu.memory_space<vmem>>, vector<16xf32>,
        %get3A_1192 = arith.index_cast %add3A_1170 : i32 to index
        %get3A_1193 = arith.constant 32 : index
        %get3A_1194 = tpu.vector_load %arg10[%get3A_1192, %get3A_1193] {strides = array<i32>} : memref<256x128xf32, #tpu.memory_space<vmem>>, vector<16xf32>,
        %mul3A_1195 = arith.mulf %get3A_1191, %get3A_1194 : vector<16xf32>
        %add3A_1196 = arith.addf %add3A_1188, %mul3A_1195 : vector<16xf32>
        %get3A_1197 = arith.index_cast %add3A_1170 : i32 to index
        %get3A_1198 = arith.constant 48 : index
        %get3A_1199 = tpu.vector_load %arg9[%get3A_1197, %get3A_1198] {strides = array<i32>} : memref<256x128xf32, #tpu.memory_space<vmem>>, vector<16xf32>,
        %get3A_1200 = arith.index_cast %add3A_1170 : i32 to index
        %get3A_1201 = arith.constant 48 : index
        %get3A_1202 = tpu.vector_load %arg10[%get3A_1200, %get3A_1201] {strides = array<i32>} : memref<256x128xf32, #tpu.memory_space<vmem>>, vector<16xf32>,
        %mul3A_1203 = arith.mulf %get3A_1199, %get3A_1202 : vector<16xf32>
        %add3A_1204 = arith.addf %add3A_1196, %mul3A_1203 : vector<16xf32>
        %get3A_1205 = arith.index_cast %add3A_1170 : i32 to index
        %get3A_1206 = arith.constant 64 : index
        %get3A_1207 = tpu.vector_load %arg9[%get3A_1205, %get3A_1206] {strides = array<i32>} : memref<256x128xf32, #tpu.memory_space<vmem>>, vector<16xf32>,
        %get3A_1208 = arith.index_cast %add3A_1170 : i32 to index
        %get3A_1209 = arith.constant 64 : index
        %get3A_1210 = tpu.vector_load %arg10[%get3A_1208, %get3A_1209] {strides = array<i32>} : memref<256x128xf32, #tpu.memory_space<vmem>>, vector<16xf32>,
        %mul3A_1211 = arith.mulf %get3A_1207, %get3A_1210 : vector<16xf32>
        %add3A_1212 = arith.addf %add3A_1204, %mul3A_1211 : vector<16xf32>
        %get3A_1213 = arith.index_cast %add3A_1170 : i32 to index
        %get3A_1214 = arith.constant 80 : index
        %get3A_1215 = tpu.vector_load %arg9[%get3A_1213, %get3A_1214] {strides = array<i32>} : memref<256x128xf32, #tpu.memory_space<vmem>>, vector<16xf32>,
        %get3A_1216 = arith.index_cast %add3A_1170 : i32 to index
        %get3A_1217 = arith.constant 80 : index
        %get3A_1218 = tpu.vector_load %arg10[%get3A_1216, %get3A_1217] {strides = array<i32>} : memref<256x128xf32, #tpu.memory_space<vmem>>, vector<16xf32>,
        %mul3A_1219 = arith.mulf %get3A_1215, %get3A_1218 : vector<16xf32>
        %add3A_1220 = arith.addf %add3A_1212, %mul3A_1219 : vector<16xf32>
        %get3A_1221 = arith.index_cast %add3A_1170 : i32 to index
        %get3A_1222 = arith.constant 96 : index
        %get3A_1223 = tpu.vector_load %arg9[%get3A_1221, %get3A_1222] {strides = array<i32>} : memref<256x128xf32, #tpu.memory_space<vmem>>, vector<16xf32>,
        %get3A_1224 = arith.index_cast %add3A_1170 : i32 to index
        %get3A_1225 = arith.constant 96 : index
        %get3A_1226 = tpu.vector_load %arg10[%get3A_1224, %get3A_1225] {strides = array<i32>} : memref<256x128xf32, #tpu.memory_space<vmem>>, vector<16xf32>,
        %mul3A_1227 = arith.mulf %get3A_1223, %get3A_1226 : vector<16xf32>
        %add3A_1228 = arith.addf %add3A_1220, %mul3A_1227 : vector<16xf32>
        %get3A_1229 = arith.index_cast %add3A_1170 : i32 to index
        %get3A_1230 = arith.constant 112 : index
        %get3A_1231 = tpu.vector_load %arg9[%get3A_1229, %get3A_1230] {strides = array<i32>} : memref<256x128xf32, #tpu.memory_space<vmem>>, vector<16xf32>,
        %get3A_1232 = arith.index_cast %add3A_1170 : i32 to index
        %get3A_1233 = arith.constant 112 : index
        %get3A_1234 = tpu.vector_load %arg10[%get3A_1232, %get3A_1233] {strides = array<i32>} : memref<256x128xf32, #tpu.memory_space<vmem>>, vector<16xf32>,
        %mul3A_1235 = arith.mulf %get3A_1231, %get3A_1234 : vector<16xf32>
        %add3A_1236 = arith.addf %add3A_1228, %mul3A_1235 : vector<16xf32>
        %reduce_sum3A_1237 = arith.constant true
        %reduce_sum3A_1238 = vector.broadcast %reduce_sum3A_1237 : i1 to vector<16xi1>
        %reduce_sum3A_1239 = tpu.scan <sum>, %add3A_1236 masked %reduce_sum3A_1238 : vector<16xf32>, vector<16xi1> -> vector<16xf32>
        %reduce_sum3A_1240 = vector.extract %reduce_sum3A_1239[15] : f32 from vector<16xf32>
        %eq3A_1241 = arith.constant 13 : i32
        %eq3A_1242 = vector.broadcast %eq3A_1241 : i32 to vector<16xi32>
        %eq3A_1243 = arith.cmpi eq, %iota3A, %eq3A_1242 : vector<16xi32>
        %broadcast_in_dim3A_1244 = vector.broadcast %reduce_sum3A_1240 : f32 to vector<16xf32>
        %select_n3A_1245 = arith.select %eq3A_1243, %broadcast_in_dim3A_1244, %select_n3A_1168 : vector<16xi1>, vector<16xf32>
        %add3A_1246 = arith.constant 14 : i32
        %add3A_1247 = arith.addi %mul3A_169, %add3A_1246 : i32
        %broadcast_in_dim3A_1248 = arith.constant 0.000000e+00 : f32
        %broadcast_in_dim3A_1249 = vector.broadcast %broadcast_in_dim3A_1248 : f32 to vector<16xf32>
        %get3A_1250 = arith.index_cast %add3A_1247 : i32 to index
        %get3A_1251 = arith.constant 0 : index
        %get3A_1252 = tpu.vector_load %arg9[%get3A_1250, %get3A_1251] {strides = array<i32>} : memref<256x128xf32, #tpu.memory_space<vmem>>, vector<16xf32>,
        %get3A_1253 = arith.index_cast %add3A_1247 : i32 to index
        %get3A_1254 = arith.constant 0 : index
        %get3A_1255 = tpu.vector_load %arg10[%get3A_1253, %get3A_1254] {strides = array<i32>} : memref<256x128xf32, #tpu.memory_space<vmem>>, vector<16xf32>,
        %mul3A_1256 = arith.mulf %get3A_1252, %get3A_1255 : vector<16xf32>
        %add3A_1257 = arith.addf %broadcast_in_dim3A_1249, %mul3A_1256 : vector<16xf32>
        %get3A_1258 = arith.index_cast %add3A_1247 : i32 to index
        %get3A_1259 = arith.constant 16 : index
        %get3A_1260 = tpu.vector_load %arg9[%get3A_1258, %get3A_1259] {strides = array<i32>} : memref<256x128xf32, #tpu.memory_space<vmem>>, vector<16xf32>,
        %get3A_1261 = arith.index_cast %add3A_1247 : i32 to index
        %get3A_1262 = arith.constant 16 : index
        %get3A_1263 = tpu.vector_load %arg10[%get3A_1261, %get3A_1262] {strides = array<i32>} : memref<256x128xf32, #tpu.memory_space<vmem>>, vector<16xf32>,
        %mul3A_1264 = arith.mulf %get3A_1260, %get3A_1263 : vector<16xf32>
        %add3A_1265 = arith.addf %add3A_1257, %mul3A_1264 : vector<16xf32>
        %get3A_1266 = arith.index_cast %add3A_1247 : i32 to index
        %get3A_1267 = arith.constant 32 : index
        %get3A_1268 = tpu.vector_load %arg9[%get3A_1266, %get3A_1267] {strides = array<i32>} : memref<256x128xf32, #tpu.memory_space<vmem>>, vector<16xf32>,
        %get3A_1269 = arith.index_cast %add3A_1247 : i32 to index
        %get3A_1270 = arith.constant 32 : index
        %get3A_1271 = tpu.vector_load %arg10[%get3A_1269, %get3A_1270] {strides = array<i32>} : memref<256x128xf32, #tpu.memory_space<vmem>>, vector<16xf32>,
        %mul3A_1272 = arith.mulf %get3A_1268, %get3A_1271 : vector<16xf32>
        %add3A_1273 = arith.addf %add3A_1265, %mul3A_1272 : vector<16xf32>
        %get3A_1274 = arith.index_cast %add3A_1247 : i32 to index
        %get3A_1275 = arith.constant 48 : index
        %get3A_1276 = tpu.vector_load %arg9[%get3A_1274, %get3A_1275] {strides = array<i32>} : memref<256x128xf32, #tpu.memory_space<vmem>>, vector<16xf32>,
        %get3A_1277 = arith.index_cast %add3A_1247 : i32 to index
        %get3A_1278 = arith.constant 48 : index
        %get3A_1279 = tpu.vector_load %arg10[%get3A_1277, %get3A_1278] {strides = array<i32>} : memref<256x128xf32, #tpu.memory_space<vmem>>, vector<16xf32>,
        %mul3A_1280 = arith.mulf %get3A_1276, %get3A_1279 : vector<16xf32>
        %add3A_1281 = arith.addf %add3A_1273, %mul3A_1280 : vector<16xf32>
        %get3A_1282 = arith.index_cast %add3A_1247 : i32 to index
        %get3A_1283 = arith.constant 64 : index
        %get3A_1284 = tpu.vector_load %arg9[%get3A_1282, %get3A_1283] {strides = array<i32>} : memref<256x128xf32, #tpu.memory_space<vmem>>, vector<16xf32>,
        %get3A_1285 = arith.index_cast %add3A_1247 : i32 to index
        %get3A_1286 = arith.constant 64 : index
        %get3A_1287 = tpu.vector_load %arg10[%get3A_1285, %get3A_1286] {strides = array<i32>} : memref<256x128xf32, #tpu.memory_space<vmem>>, vector<16xf32>,
        %mul3A_1288 = arith.mulf %get3A_1284, %get3A_1287 : vector<16xf32>
        %add3A_1289 = arith.addf %add3A_1281, %mul3A_1288 : vector<16xf32>
        %get3A_1290 = arith.index_cast %add3A_1247 : i32 to index
        %get3A_1291 = arith.constant 80 : index
        %get3A_1292 = tpu.vector_load %arg9[%get3A_1290, %get3A_1291] {strides = array<i32>} : memref<256x128xf32, #tpu.memory_space<vmem>>, vector<16xf32>,
        %get3A_1293 = arith.index_cast %add3A_1247 : i32 to index
        %get3A_1294 = arith.constant 80 : index
        %get3A_1295 = tpu.vector_load %arg10[%get3A_1293, %get3A_1294] {strides = array<i32>} : memref<256x128xf32, #tpu.memory_space<vmem>>, vector<16xf32>,
        %mul3A_1296 = arith.mulf %get3A_1292, %get3A_1295 : vector<16xf32>
        %add3A_1297 = arith.addf %add3A_1289, %mul3A_1296 : vector<16xf32>
        %get3A_1298 = arith.index_cast %add3A_1247 : i32 to index
        %get3A_1299 = arith.constant 96 : index
        %get3A_1300 = tpu.vector_load %arg9[%get3A_1298, %get3A_1299] {strides = array<i32>} : memref<256x128xf32, #tpu.memory_space<vmem>>, vector<16xf32>,
        %get3A_1301 = arith.index_cast %add3A_1247 : i32 to index
        %get3A_1302 = arith.constant 96 : index
        %get3A_1303 = tpu.vector_load %arg10[%get3A_1301, %get3A_1302] {strides = array<i32>} : memref<256x128xf32, #tpu.memory_space<vmem>>, vector<16xf32>,
        %mul3A_1304 = arith.mulf %get3A_1300, %get3A_1303 : vector<16xf32>
        %add3A_1305 = arith.addf %add3A_1297, %mul3A_1304 : vector<16xf32>
        %get3A_1306 = arith.index_cast %add3A_1247 : i32 to index
        %get3A_1307 = arith.constant 112 : index
        %get3A_1308 = tpu.vector_load %arg9[%get3A_1306, %get3A_1307] {strides = array<i32>} : memref<256x128xf32, #tpu.memory_space<vmem>>, vector<16xf32>,
        %get3A_1309 = arith.index_cast %add3A_1247 : i32 to index
        %get3A_1310 = arith.constant 112 : index
        %get3A_1311 = tpu.vector_load %arg10[%get3A_1309, %get3A_1310] {strides = array<i32>} : memref<256x128xf32, #tpu.memory_space<vmem>>, vector<16xf32>,
        %mul3A_1312 = arith.mulf %get3A_1308, %get3A_1311 : vector<16xf32>
        %add3A_1313 = arith.addf %add3A_1305, %mul3A_1312 : vector<16xf32>
        %reduce_sum3A_1314 = arith.constant true
        %reduce_sum3A_1315 = vector.broadcast %reduce_sum3A_1314 : i1 to vector<16xi1>
        %reduce_sum3A_1316 = tpu.scan <sum>, %add3A_1313 masked %reduce_sum3A_1315 : vector<16xf32>, vector<16xi1> -> vector<16xf32>
        %reduce_sum3A_1317 = vector.extract %reduce_sum3A_1316[15] : f32 from vector<16xf32>
        %eq3A_1318 = arith.constant 14 : i32
        %eq3A_1319 = vector.broadcast %eq3A_1318 : i32 to vector<16xi32>
        %eq3A_1320 = arith.cmpi eq, %iota3A, %eq3A_1319 : vector<16xi32>
        %broadcast_in_dim3A_1321 = vector.broadcast %reduce_sum3A_1317 : f32 to vector<16xf32>
        %select_n3A_1322 = arith.select %eq3A_1320, %broadcast_in_dim3A_1321, %select_n3A_1245 : vector<16xi1>, vector<16xf32>
        %add3A_1323 = arith.constant 15 : i32
        %add3A_1324 = arith.addi %mul3A_169, %add3A_1323 : i32
        %broadcast_in_dim3A_1325 = arith.constant 0.000000e+00 : f32
        %broadcast_in_dim3A_1326 = vector.broadcast %broadcast_in_dim3A_1325 : f32 to vector<16xf32>
        %get3A_1327 = arith.index_cast %add3A_1324 : i32 to index
        %get3A_1328 = arith.constant 0 : index
        %get3A_1329 = tpu.vector_load %arg9[%get3A_1327, %get3A_1328] {strides = array<i32>} : memref<256x128xf32, #tpu.memory_space<vmem>>, vector<16xf32>,
        %get3A_1330 = arith.index_cast %add3A_1324 : i32 to index
        %get3A_1331 = arith.constant 0 : index
        %get3A_1332 = tpu.vector_load %arg10[%get3A_1330, %get3A_1331] {strides = array<i32>} : memref<256x128xf32, #tpu.memory_space<vmem>>, vector<16xf32>,
        %mul3A_1333 = arith.mulf %get3A_1329, %get3A_1332 : vector<16xf32>
        %add3A_1334 = arith.addf %broadcast_in_dim3A_1326, %mul3A_1333 : vector<16xf32>
        %get3A_1335 = arith.index_cast %add3A_1324 : i32 to index
        %get3A_1336 = arith.constant 16 : index
        %get3A_1337 = tpu.vector_load %arg9[%get3A_1335, %get3A_1336] {strides = array<i32>} : memref<256x128xf32, #tpu.memory_space<vmem>>, vector<16xf32>,
        %get3A_1338 = arith.index_cast %add3A_1324 : i32 to index
        %get3A_1339 = arith.constant 16 : index
        %get3A_1340 = tpu.vector_load %arg10[%get3A_1338, %get3A_1339] {strides = array<i32>} : memref<256x128xf32, #tpu.memory_space<vmem>>, vector<16xf32>,
        %mul3A_1341 = arith.mulf %get3A_1337, %get3A_1340 : vector<16xf32>
        %add3A_1342 = arith.addf %add3A_1334, %mul3A_1341 : vector<16xf32>
        %get3A_1343 = arith.index_cast %add3A_1324 : i32 to index
        %get3A_1344 = arith.constant 32 : index
        %get3A_1345 = tpu.vector_load %arg9[%get3A_1343, %get3A_1344] {strides = array<i32>} : memref<256x128xf32, #tpu.memory_space<vmem>>, vector<16xf32>,
        %get3A_1346 = arith.index_cast %add3A_1324 : i32 to index
        %get3A_1347 = arith.constant 32 : index
        %get3A_1348 = tpu.vector_load %arg10[%get3A_1346, %get3A_1347] {strides = array<i32>} : memref<256x128xf32, #tpu.memory_space<vmem>>, vector<16xf32>,
        %mul3A_1349 = arith.mulf %get3A_1345, %get3A_1348 : vector<16xf32>
        %add3A_1350 = arith.addf %add3A_1342, %mul3A_1349 : vector<16xf32>
        %get3A_1351 = arith.index_cast %add3A_1324 : i32 to index
        %get3A_1352 = arith.constant 48 : index
        %get3A_1353 = tpu.vector_load %arg9[%get3A_1351, %get3A_1352] {strides = array<i32>} : memref<256x128xf32, #tpu.memory_space<vmem>>, vector<16xf32>,
        %get3A_1354 = arith.index_cast %add3A_1324 : i32 to index
        %get3A_1355 = arith.constant 48 : index
        %get3A_1356 = tpu.vector_load %arg10[%get3A_1354, %get3A_1355] {strides = array<i32>} : memref<256x128xf32, #tpu.memory_space<vmem>>, vector<16xf32>,
        %mul3A_1357 = arith.mulf %get3A_1353, %get3A_1356 : vector<16xf32>
        %add3A_1358 = arith.addf %add3A_1350, %mul3A_1357 : vector<16xf32>
        %get3A_1359 = arith.index_cast %add3A_1324 : i32 to index
        %get3A_1360 = arith.constant 64 : index
        %get3A_1361 = tpu.vector_load %arg9[%get3A_1359, %get3A_1360] {strides = array<i32>} : memref<256x128xf32, #tpu.memory_space<vmem>>, vector<16xf32>,
        %get3A_1362 = arith.index_cast %add3A_1324 : i32 to index
        %get3A_1363 = arith.constant 64 : index
        %get3A_1364 = tpu.vector_load %arg10[%get3A_1362, %get3A_1363] {strides = array<i32>} : memref<256x128xf32, #tpu.memory_space<vmem>>, vector<16xf32>,
        %mul3A_1365 = arith.mulf %get3A_1361, %get3A_1364 : vector<16xf32>
        %add3A_1366 = arith.addf %add3A_1358, %mul3A_1365 : vector<16xf32>
        %get3A_1367 = arith.index_cast %add3A_1324 : i32 to index
        %get3A_1368 = arith.constant 80 : index
        %get3A_1369 = tpu.vector_load %arg9[%get3A_1367, %get3A_1368] {strides = array<i32>} : memref<256x128xf32, #tpu.memory_space<vmem>>, vector<16xf32>,
        %get3A_1370 = arith.index_cast %add3A_1324 : i32 to index
        %get3A_1371 = arith.constant 80 : index
        %get3A_1372 = tpu.vector_load %arg10[%get3A_1370, %get3A_1371] {strides = array<i32>} : memref<256x128xf32, #tpu.memory_space<vmem>>, vector<16xf32>,
        %mul3A_1373 = arith.mulf %get3A_1369, %get3A_1372 : vector<16xf32>
        %add3A_1374 = arith.addf %add3A_1366, %mul3A_1373 : vector<16xf32>
        %get3A_1375 = arith.index_cast %add3A_1324 : i32 to index
        %get3A_1376 = arith.constant 96 : index
        %get3A_1377 = tpu.vector_load %arg9[%get3A_1375, %get3A_1376] {strides = array<i32>} : memref<256x128xf32, #tpu.memory_space<vmem>>, vector<16xf32>,
        %get3A_1378 = arith.index_cast %add3A_1324 : i32 to index
        %get3A_1379 = arith.constant 96 : index
        %get3A_1380 = tpu.vector_load %arg10[%get3A_1378, %get3A_1379] {strides = array<i32>} : memref<256x128xf32, #tpu.memory_space<vmem>>, vector<16xf32>,
        %mul3A_1381 = arith.mulf %get3A_1377, %get3A_1380 : vector<16xf32>
        %add3A_1382 = arith.addf %add3A_1374, %mul3A_1381 : vector<16xf32>
        %get3A_1383 = arith.index_cast %add3A_1324 : i32 to index
        %get3A_1384 = arith.constant 112 : index
        %get3A_1385 = tpu.vector_load %arg9[%get3A_1383, %get3A_1384] {strides = array<i32>} : memref<256x128xf32, #tpu.memory_space<vmem>>, vector<16xf32>,
        %get3A_1386 = arith.index_cast %add3A_1324 : i32 to index
        %get3A_1387 = arith.constant 112 : index
        %get3A_1388 = tpu.vector_load %arg10[%get3A_1386, %get3A_1387] {strides = array<i32>} : memref<256x128xf32, #tpu.memory_space<vmem>>, vector<16xf32>,
        %mul3A_1389 = arith.mulf %get3A_1385, %get3A_1388 : vector<16xf32>
        %add3A_1390 = arith.addf %add3A_1382, %mul3A_1389 : vector<16xf32>
        %reduce_sum3A_1391 = arith.constant true
        %reduce_sum3A_1392 = vector.broadcast %reduce_sum3A_1391 : i1 to vector<16xi1>
        %reduce_sum3A_1393 = tpu.scan <sum>, %add3A_1390 masked %reduce_sum3A_1392 : vector<16xf32>, vector<16xi1> -> vector<16xf32>
        %reduce_sum3A_1394 = vector.extract %reduce_sum3A_1393[15] : f32 from vector<16xf32>
        %eq3A_1395 = arith.constant 15 : i32
        %eq3A_1396 = vector.broadcast %eq3A_1395 : i32 to vector<16xi32>
        %eq3A_1397 = arith.cmpi eq, %iota3A, %eq3A_1396 : vector<16xi32>
        %broadcast_in_dim3A_1398 = vector.broadcast %reduce_sum3A_1394 : f32 to vector<16xf32>
        %select_n3A_1399 = arith.select %eq3A_1397, %broadcast_in_dim3A_1398, %select_n3A_1322 : vector<16xi1>, vector<16xf32>
        %swap3A = arith.index_cast %mul3A_169 : i32 to index
        %swap3A_1400 = tpu.vector_load %arg11[%swap3A] {strides = array<i32>} : memref<256xf32, #tpu.memory_space<vmem>>, vector<16xf32>,
        tpu.vector_store %arg11[%swap3A], %select_n3A_1399 {strides = array<i32>} : memref<256xf32, #tpu.memory_space<vmem>>, vector<16xf32>,
        %scan3A_1401 = arith.constant 0 : i32
        scf.yield %scan3A_1401 : i32
      }
      %scan3A_160 = arith.constant 16 : i32
      %mul3A_161 = arith.constant 256 : i32
      %mul3A_162 = arith.muli %add3A_41, %mul3A_161 : i32
      %dma_start3A_163 = tpu.memref_slice %arg6[%mul3A_162] : memref<320000xf32, #tpu.memory_space<hbm>> -> memref<256xf32, #tpu.memory_space<hbm>>
      %dma_start3A_164 = tpu.memref_slice %arg6[%mul3A_162] : memref<320000xf32, #tpu.memory_space<hbm>> -> memref<256xf32, #tpu.memory_space<hbm>>
      tpu.enqueue_dma source(%arg11 : memref<256xf32, #tpu.memory_space<vmem>>) target(%dma_start3A_164 : memref<256xf32, #tpu.memory_space<hbm>>) target_semaphore(%arg14 : memref<!tpu.dma_semaphore, #tpu.memory_space<semaphore_mem>>)
      %while3A_165 = arith.constant 0 : i32
      scf.yield %while3A_165 : i32
    }
    %while3A_32 = arith.constant 1 : i32
    %while3A_33 = scf.for %while3A_37 = %while3A_29 to %while3A_25 step %while3A_32 iter_args(%while3A_38 = %while3A_31) -> (i32)  : i32 {
      %mul3A_39 = arith.constant 32 : i32
      %mul3A_40 = arith.muli %while3A_37, %mul3A_39 : i32
      %add3A_41 = arith.addi %add3A, %mul3A_40 : i32
      %dma_start3A = arith.constant 0 : i32
      %dma_start3A_42 = arith.constant 0 : i32
      %dma_start3A_43 = tpu.memref_slice %arg4[%add3A_41, %dma_start3A, %dma_start3A_42] : memref<1250x2x128xi32, #tpu.memory_space<hbm>> -> memref<1x2x128xi32, #tpu.memory_space<hbm>>
      %dma_start3A_44 = tpu.memref_squeeze %dma_start3A_43 : memref<1x2x128xi32, #tpu.memory_space<hbm>> -> memref<2x128xi32, #tpu.memory_space<hbm>>
      %dma_start3A_45 = arith.constant 0 : i32
      %dma_start3A_46 = arith.constant 0 : i32
      %dma_start3A_47 = tpu.memref_slice %arg4[%add3A_41, %dma_start3A_45, %dma_start3A_46] : memref<1250x2x128xi32, #tpu.memory_space<hbm>> -> memref<1x2x128xi32, #tpu.memory_space<hbm>>
      %dma_start3A_48 = tpu.memref_squeeze %dma_start3A_47 : memref<1x2x128xi32, #tpu.memory_space<hbm>> -> memref<2x128xi32, #tpu.memory_space<hbm>>
      tpu.enqueue_dma source(%dma_start3A_48 : memref<2x128xi32, #tpu.memory_space<hbm>>) target(%arg7 : memref<2x128xi32, #tpu.memory_space<vmem>>) target_semaphore(%arg13 : memref<!tpu.dma_semaphore, #tpu.memory_space<semaphore_mem>>)
      %dma_start3A_49 = arith.constant 0 : i32
      %dma_start3A_50 = arith.constant 0 : i32
      %dma_start3A_51 = tpu.memref_slice %arg5[%add3A_41, %dma_start3A_49, %dma_start3A_50] : memref<1250x2x128xi32, #tpu.memory_space<hbm>> -> memref<1x2x128xi32, #tpu.memory_space<hbm>>
      %dma_start3A_52 = tpu.memref_squeeze %dma_start3A_51 : memref<1x2x128xi32, #tpu.memory_space<hbm>> -> memref<2x128xi32, #tpu.memory_space<hbm>>
      %dma_start3A_53 = arith.constant 0 : i32
      %dma_start3A_54 = arith.constant 0 : i32
      %dma_start3A_55 = tpu.memref_slice %arg5[%add3A_41, %dma_start3A_53, %dma_start3A_54] : memref<1250x2x128xi32, #tpu.memory_space<hbm>> -> memref<1x2x128xi32, #tpu.memory_space<hbm>>
      %dma_start3A_56 = tpu.memref_squeeze %dma_start3A_55 : memref<1x2x128xi32, #tpu.memory_space<hbm>> -> memref<2x128xi32, #tpu.memory_space<hbm>>
      tpu.enqueue_dma source(%dma_start3A_56 : memref<2x128xi32, #tpu.memory_space<hbm>>) target(%arg8 : memref<2x128xi32, #tpu.memory_space<vmem>>) target_semaphore(%arg13 : memref<!tpu.dma_semaphore, #tpu.memory_space<semaphore_mem>>)
      %dma_wait3A_57 = arith.constant 0 : i32
      %dma_wait3A_58 = arith.constant 0 : i32
      %dma_wait3A_59 = tpu.memref_slice %arg4[%add3A_41, %dma_wait3A_57, %dma_wait3A_58] : memref<1250x2x128xi32, #tpu.memory_space<hbm>> -> memref<1x2x128xi32, #tpu.memory_space<hbm>>
      %dma_wait3A_60 = tpu.memref_squeeze %dma_wait3A_59 : memref<1x2x128xi32, #tpu.memory_space<hbm>> -> memref<2x128xi32, #tpu.memory_space<hbm>>
      %dma_wait3A_61 = arith.constant 0 : i32
      %dma_wait3A_62 = arith.constant 0 : i32
      %dma_wait3A_63 = tpu.memref_slice %arg4[%add3A_41, %dma_wait3A_61, %dma_wait3A_62] : memref<1250x2x128xi32, #tpu.memory_space<hbm>> -> memref<1x2x128xi32, #tpu.memory_space<hbm>>
      %dma_wait3A_64 = tpu.memref_squeeze %dma_wait3A_63 : memref<1x2x128xi32, #tpu.memory_space<hbm>> -> memref<2x128xi32, #tpu.memory_space<hbm>>
      tpu.wait_dma2 semaphore(%arg13 : memref<!tpu.dma_semaphore, #tpu.memory_space<semaphore_mem>>) src(%dma_wait3A_64 : memref<2x128xi32, #tpu.memory_space<hbm>>) dst(%arg7 : memref<2x128xi32, #tpu.memory_space<vmem>>)
      %dma_wait3A_65 = arith.constant 0 : i32
      %dma_wait3A_66 = arith.constant 0 : i32
      %dma_wait3A_67 = tpu.memref_slice %arg5[%add3A_41, %dma_wait3A_65, %dma_wait3A_66] : memref<1250x2x128xi32, #tpu.memory_space<hbm>> -> memref<1x2x128xi32, #tpu.memory_space<hbm>>
      %dma_wait3A_68 = tpu.memref_squeeze %dma_wait3A_67 : memref<1x2x128xi32, #tpu.memory_space<hbm>> -> memref<2x128xi32, #tpu.memory_space<hbm>>
      %dma_wait3A_69 = arith.constant 0 : i32
      %dma_wait3A_70 = arith.constant 0 : i32
      %dma_wait3A_71 = tpu.memref_slice %arg5[%add3A_41, %dma_wait3A_69, %dma_wait3A_70] : memref<1250x2x128xi32, #tpu.memory_space<hbm>> -> memref<1x2x128xi32, #tpu.memory_space<hbm>>
      %dma_wait3A_72 = tpu.memref_squeeze %dma_wait3A_71 : memref<1x2x128xi32, #tpu.memory_space<hbm>> -> memref<2x128xi32, #tpu.memory_space<hbm>>
      tpu.wait_dma2 semaphore(%arg13 : memref<!tpu.dma_semaphore, #tpu.memory_space<semaphore_mem>>) src(%dma_wait3A_72 : memref<2x128xi32, #tpu.memory_space<hbm>>) dst(%arg8 : memref<2x128xi32, #tpu.memory_space<vmem>>)
      %dma_start3A_73 = arith.constant 0 : i32
      %dma_start3A_74 = arith.constant 0 : i32
      %dma_start3A_75 = arith.constant 0 : i32
      %dma_start3A_76 = tpu.memref_slice %arg9[%dma_start3A_74, %dma_start3A_75] : memref<256x128xf32, #tpu.memory_space<vmem>> -> memref<128x128xf32, #tpu.memory_space<vmem>>
      %dma_start3A_77 = arith.constant 0 : i32
      %dma_start3A_78 = tpu.memref_slice %arg7[%dma_start3A_73, %dma_start3A_77] : memref<2x128xi32, #tpu.memory_space<vmem>> -> memref<1x128xi32, #tpu.memory_space<vmem>>
      %dma_start3A_79 = tpu.memref_squeeze %dma_start3A_78 : memref<1x128xi32, #tpu.memory_space<vmem>> -> memref<128xi32, #tpu.memory_space<vmem>>
      %dma_start3A_80 = arith.constant 0 : i32
      %dma_start3A_81 = arith.constant 0 : i32
      %dma_start3A_82 = tpu.memref_slice %arg2[%dma_start3A_80, %dma_start3A_81] : memref<10000x128xf32, #tpu.memory_space<hbm>> -> memref<10000x128xf32, #tpu.memory_space<hbm>>
      tpu.enqueue_indirect_dma source(%dma_start3A_82 : memref<10000x128xf32, #tpu.memory_space<hbm>>) target(%dma_start3A_76 : memref<128x128xf32, #tpu.memory_space<vmem>>) offsets(%dma_start3A_79 : memref<128xi32, #tpu.memory_space<vmem>>) semaphore(%arg12 : memref<!tpu.dma_semaphore, #tpu.memory_space<semaphore_mem>>)
      %dma_start3A_83 = arith.constant 0 : i32
      %dma_start3A_84 = arith.constant 0 : i32
      %dma_start3A_85 = arith.constant 0 : i32
      %dma_start3A_86 = tpu.memref_slice %arg10[%dma_start3A_84, %dma_start3A_85] : memref<256x128xf32, #tpu.memory_space<vmem>> -> memref<128x128xf32, #tpu.memory_space<vmem>>
      %dma_start3A_87 = arith.constant 0 : i32
      %dma_start3A_88 = tpu.memref_slice %arg8[%dma_start3A_83, %dma_start3A_87] : memref<2x128xi32, #tpu.memory_space<vmem>> -> memref<1x128xi32, #tpu.memory_space<vmem>>
      %dma_start3A_89 = tpu.memref_squeeze %dma_start3A_88 : memref<1x128xi32, #tpu.memory_space<vmem>> -> memref<128xi32, #tpu.memory_space<vmem>>
      %dma_start3A_90 = arith.constant 0 : i32
      %dma_start3A_91 = arith.constant 0 : i32
      %dma_start3A_92 = tpu.memref_slice %arg3[%dma_start3A_90, %dma_start3A_91] : memref<10000x128xf32, #tpu.memory_space<hbm>> -> memref<10000x128xf32, #tpu.memory_space<hbm>>
      tpu.enqueue_indirect_dma source(%dma_start3A_92 : memref<10000x128xf32, #tpu.memory_space<hbm>>) target(%dma_start3A_86 : memref<128x128xf32, #tpu.memory_space<vmem>>) offsets(%dma_start3A_89 : memref<128xi32, #tpu.memory_space<vmem>>) semaphore(%arg12 : memref<!tpu.dma_semaphore, #tpu.memory_space<semaphore_mem>>)
      %dma_start3A_93 = arith.constant 1 : i32
      %dma_start3A_94 = arith.constant 128 : i32
      %dma_start3A_95 = arith.constant 0 : i32
      %dma_start3A_96 = tpu.memref_slice %arg9[%dma_start3A_94, %dma_start3A_95] : memref<256x128xf32, #tpu.memory_space<vmem>> -> memref<128x128xf32, #tpu.memory_space<vmem>>
      %dma_start3A_97 = arith.constant 0 : i32
      %dma_start3A_98 = tpu.memref_slice %arg7[%dma_start3A_93, %dma_start3A_97] : memref<2x128xi32, #tpu.memory_space<vmem>> -> memref<1x128xi32, #tpu.memory_space<vmem>>
      %dma_start3A_99 = tpu.memref_squeeze %dma_start3A_98 : memref<1x128xi32, #tpu.memory_space<vmem>> -> memref<128xi32, #tpu.memory_space<vmem>>
      %dma_start3A_100 = arith.constant 0 : i32
      %dma_start3A_101 = arith.constant 0 : i32
      %dma_start3A_102 = tpu.memref_slice %arg2[%dma_start3A_100, %dma_start3A_101] : memref<10000x128xf32, #tpu.memory_space<hbm>> -> memref<10000x128xf32, #tpu.memory_space<hbm>>
      tpu.enqueue_indirect_dma source(%dma_start3A_102 : memref<10000x128xf32, #tpu.memory_space<hbm>>) target(%dma_start3A_96 : memref<128x128xf32, #tpu.memory_space<vmem>>) offsets(%dma_start3A_99 : memref<128xi32, #tpu.memory_space<vmem>>) semaphore(%arg12 : memref<!tpu.dma_semaphore, #tpu.memory_space<semaphore_mem>>)
      %dma_start3A_103 = arith.constant 1 : i32
      %dma_start3A_104 = arith.constant 128 : i32
      %dma_start3A_105 = arith.constant 0 : i32
      %dma_start3A_106 = tpu.memref_slice %arg10[%dma_start3A_104, %dma_start3A_105] : memref<256x128xf32, #tpu.memory_space<vmem>> -> memref<128x128xf32, #tpu.memory_space<vmem>>
      %dma_start3A_107 = arith.constant 0 : i32
      %dma_start3A_108 = tpu.memref_slice %arg8[%dma_start3A_103, %dma_start3A_107] : memref<2x128xi32, #tpu.memory_space<vmem>> -> memref<1x128xi32, #tpu.memory_space<vmem>>
      %dma_start3A_109 = tpu.memref_squeeze %dma_start3A_108 : memref<1x128xi32, #tpu.memory_space<vmem>> -> memref<128xi32, #tpu.memory_space<vmem>>
      %dma_start3A_110 = arith.constant 0 : i32
      %dma_start3A_111 = arith.constant 0 : i32
      %dma_start3A_112 = tpu.memref_slice %arg3[%dma_start3A_110, %dma_start3A_111] : memref<10000x128xf32, #tpu.memory_space<hbm>> -> memref<10000x128xf32, #tpu.memory_space<hbm>>
      tpu.enqueue_indirect_dma source(%dma_start3A_112 : memref<10000x128xf32, #tpu.memory_space<hbm>>) target(%dma_start3A_106 : memref<128x128xf32, #tpu.memory_space<vmem>>) offsets(%dma_start3A_109 : memref<128xi32, #tpu.memory_space<vmem>>) semaphore(%arg12 : memref<!tpu.dma_semaphore, #tpu.memory_space<semaphore_mem>>)
      %dma_wait3A_113 = arith.constant 0 : i32
      %dma_wait3A_114 = arith.constant 0 : i32
      %dma_wait3A_115 = arith.constant 0 : i32
      %dma_wait3A_116 = tpu.memref_slice %arg9[%dma_wait3A_114, %dma_wait3A_115] : memref<256x128xf32, #tpu.memory_space<vmem>> -> memref<128x128xf32, #tpu.memory_space<vmem>>
      %dma_wait3A_117 = arith.constant 0 : i32
      %dma_wait3A_118 = tpu.memref_slice %arg7[%dma_wait3A_113, %dma_wait3A_117] : memref<2x128xi32, #tpu.memory_space<vmem>> -> memref<1x128xi32, #tpu.memory_space<vmem>>
      %dma_wait3A_119 = tpu.memref_squeeze %dma_wait3A_118 : memref<1x128xi32, #tpu.memory_space<vmem>> -> memref<128xi32, #tpu.memory_space<vmem>>
      %dma_wait3A_120 = arith.constant 0 : i32
      %dma_wait3A_121 = arith.constant 0 : i32
      %dma_wait3A_122 = tpu.memref_slice %arg2[%dma_wait3A_120, %dma_wait3A_121] : memref<10000x128xf32, #tpu.memory_space<hbm>> -> memref<10000x128xf32, #tpu.memory_space<hbm>>
      tpu.wait_indirect_dma semaphore(%arg12 : memref<!tpu.dma_semaphore, #tpu.memory_space<semaphore_mem>>) src(%dma_wait3A_122 : memref<10000x128xf32, #tpu.memory_space<hbm>>) dst(%dma_wait3A_116 : memref<128x128xf32, #tpu.memory_space<vmem>>)
      %dma_wait3A_123 = arith.constant 0 : i32
      %dma_wait3A_124 = arith.constant 0 : i32
      %dma_wait3A_125 = arith.constant 0 : i32
      %dma_wait3A_126 = tpu.memref_slice %arg10[%dma_wait3A_124, %dma_wait3A_125] : memref<256x128xf32, #tpu.memory_space<vmem>> -> memref<128x128xf32, #tpu.memory_space<vmem>>
      %dma_wait3A_127 = arith.constant 0 : i32
      %dma_wait3A_128 = tpu.memref_slice %arg8[%dma_wait3A_123, %dma_wait3A_127] : memref<2x128xi32, #tpu.memory_space<vmem>> -> memref<1x128xi32, #tpu.memory_space<vmem>>
      %dma_wait3A_129 = tpu.memref_squeeze %dma_wait3A_128 : memref<1x128xi32, #tpu.memory_space<vmem>> -> memref<128xi32, #tpu.memory_space<vmem>>
      %dma_wait3A_130 = arith.constant 0 : i32
      %dma_wait3A_131 = arith.constant 0 : i32
      %dma_wait3A_132 = tpu.memref_slice %arg3[%dma_wait3A_130, %dma_wait3A_131] : memref<10000x128xf32, #tpu.memory_space<hbm>> -> memref<10000x128xf32, #tpu.memory_space<hbm>>
      tpu.wait_indirect_dma semaphore(%arg12 : memref<!tpu.dma_semaphore, #tpu.memory_space<semaphore_mem>>) src(%dma_wait3A_132 : memref<10000x128xf32, #tpu.memory_space<hbm>>) dst(%dma_wait3A_126 : memref<128x128xf32, #tpu.memory_space<vmem>>)
      %dma_wait3A_133 = arith.constant 1 : i32
      %dma_wait3A_134 = arith.constant 128 : i32
      %dma_wait3A_135 = arith.constant 0 : i32
      %dma_wait3A_136 = tpu.memref_slice %arg9[%dma_wait3A_134, %dma_wait3A_135] : memref<256x128xf32, #tpu.memory_space<vmem>> -> memref<128x128xf32, #tpu.memory_space<vmem>>
      %dma_wait3A_137 = arith.constant 0 : i32
      %dma_wait3A_138 = tpu.memref_slice %arg7[%dma_wait3A_133, %dma_wait3A_137] : memref<2x128xi32, #tpu.memory_space<vmem>> -> memref<1x128xi32, #tpu.memory_space<vmem>>
      %dma_wait3A_139 = tpu.memref_squeeze %dma_wait3A_138 : memref<1x128xi32, #tpu.memory_space<vmem>> -> memref<128xi32, #tpu.memory_space<vmem>>
      %dma_wait3A_140 = arith.constant 0 : i32
      %dma_wait3A_141 = arith.constant 0 : i32
      %dma_wait3A_142 = tpu.memref_slice %arg2[%dma_wait3A_140, %dma_wait3A_141] : memref<10000x128xf32, #tpu.memory_space<hbm>> -> memref<10000x128xf32, #tpu.memory_space<hbm>>
      tpu.wait_indirect_dma semaphore(%arg12 : memref<!tpu.dma_semaphore, #tpu.memory_space<semaphore_mem>>) src(%dma_wait3A_142 : memref<10000x128xf32, #tpu.memory_space<hbm>>) dst(%dma_wait3A_136 : memref<128x128xf32, #tpu.memory_space<vmem>>)
      %dma_wait3A_143 = arith.constant 1 : i32
      %dma_wait3A_144 = arith.constant 128 : i32
      %dma_wait3A_145 = arith.constant 0 : i32
      %dma_wait3A_146 = tpu.memref_slice %arg10[%dma_wait3A_144, %dma_wait3A_145] : memref<256x128xf32, #tpu.memory_space<vmem>> -> memref<128x128xf32, #tpu.memory_space<vmem>>
      %dma_wait3A_147 = arith.constant 0 : i32
      %dma_wait3A_148 = tpu.memref_slice %arg8[%dma_wait3A_143, %dma_wait3A_147] : memref<2x128xi32, #tpu.memory_space<vmem>> -> memref<1x128xi32, #tpu.memory_space<vmem>>
      %dma_wait3A_149 = tpu.memref_squeeze %dma_wait3A_148 : memref<1x128xi32, #tpu.memory_space<vmem>> -> memref<128xi32, #tpu.memory_space<vmem>>
      %dma_wait3A_150 = arith.constant 0 : i32
      %dma_wait3A_151 = arith.constant 0 : i32
      %dma_wait3A_152 = tpu.memref_slice %arg3[%dma_wait3A_150, %dma_wait3A_151] : memref<10000x128xf32, #tpu.memory_space<hbm>> -> memref<10000x128xf32, #tpu.memory_space<hbm>>
      tpu.wait_indirect_dma semaphore(%arg12 : memref<!tpu.dma_semaphore, #tpu.memory_space<semaphore_mem>>) src(%dma_wait3A_152 : memref<10000x128xf32, #tpu.memory_space<hbm>>) dst(%dma_wait3A_146 : memref<128x128xf32, #tpu.memory_space<vmem>>)
      %gt3A = arith.constant 0 : i32
      %gt3A_153 = arith.cmpi sgt, %while3A_37, %gt3A : i32
      %convert_element_type3A = arith.extui %gt3A_153 : i1 to i32
      %cond3A = arith.constant 0 : i32
      %cond3A_154 = arith.cmpi ne, %convert_element_type3A, %cond3A : i32
      scf.if %cond3A_154 {
        %dma_wait3A_166 = arith.constant 0 : i32
        %dma_wait3A_167 = tpu.memref_slice %arg6[%dma_wait3A_166] : memref<320000xf32, #tpu.memory_space<hbm>> -> memref<256xf32, #tpu.memory_space<hbm>>
        %dma_wait3A_168 = arith.constant 0 : i32
        %dma_wait3A_169 = tpu.memref_slice %arg6[%dma_wait3A_168] : memref<320000xf32, #tpu.memory_space<hbm>> -> memref<256xf32, #tpu.memory_space<hbm>>
        tpu.wait_dma2 semaphore(%arg14 : memref<!tpu.dma_semaphore, #tpu.memory_space<semaphore_mem>>) src(%arg11 : memref<256xf32, #tpu.memory_space<vmem>>) dst(%dma_wait3A_169 : memref<256xf32, #tpu.memory_space<hbm>>)
      } else {
      }
      %scan3A = arith.constant 0 : i32
      %scan3A_155 = arith.constant 0 : i32
      %scan3A_156 = arith.constant 16 : i32
      %scan3A_157 = arith.addi %scan3A_155, %scan3A_156 : i32
      %scan3A_158 = arith.constant 1 : i32
      %scan3A_159 = scf.for %scan3A_166 = %scan3A_155 to %scan3A_157 step %scan3A_158 iter_args(%scan3A_167 = %scan3A) -> (i32)  : i32 {
        %mul3A_168 = arith.constant 16 : i32
        %mul3A_169 = arith.muli %scan3A_166, %mul3A_168 : i32
        %iota3A = tpu.iota {dimensions = array<i32: 0>} : vector<16xi32>
        %broadcast_in_dim3A = arith.constant 0.000000e+00 : f32
        %broadcast_in_dim3A_170 = vector.broadcast %broadcast_in_dim3A : f32 to vector<16xf32>
        %add3A_171 = arith.constant 0 : i32
        %add3A_172 = arith.addi %mul3A_169, %add3A_171 : i32
        %broadcast_in_dim3A_173 = arith.constant 0.000000e+00 : f32
        %broadcast_in_dim3A_174 = vector.broadcast %broadcast_in_dim3A_173 : f32 to vector<16xf32>
        %get3A = arith.index_cast %add3A_172 : i32 to index
        %get3A_175 = arith.constant 0 : index
        %get3A_176 = tpu.vector_load %arg9[%get3A, %get3A_175] {strides = array<i32>} : memref<256x128xf32, #tpu.memory_space<vmem>>, vector<16xf32>,
        %get3A_177 = arith.index_cast %add3A_172 : i32 to index
        %get3A_178 = arith.constant 0 : index
        %get3A_179 = tpu.vector_load %arg10[%get3A_177, %get3A_178] {strides = array<i32>} : memref<256x128xf32, #tpu.memory_space<vmem>>, vector<16xf32>,
        %mul3A_180 = arith.mulf %get3A_176, %get3A_179 : vector<16xf32>
        %add3A_181 = arith.addf %broadcast_in_dim3A_174, %mul3A_180 : vector<16xf32>
        %get3A_182 = arith.index_cast %add3A_172 : i32 to index
        %get3A_183 = arith.constant 16 : index
        %get3A_184 = tpu.vector_load %arg9[%get3A_182, %get3A_183] {strides = array<i32>} : memref<256x128xf32, #tpu.memory_space<vmem>>, vector<16xf32>,
        %get3A_185 = arith.index_cast %add3A_172 : i32 to index
        %get3A_186 = arith.constant 16 : index
        %get3A_187 = tpu.vector_load %arg10[%get3A_185, %get3A_186] {strides = array<i32>} : memref<256x128xf32, #tpu.memory_space<vmem>>, vector<16xf32>,
        %mul3A_188 = arith.mulf %get3A_184, %get3A_187 : vector<16xf32>
        %add3A_189 = arith.addf %add3A_181, %mul3A_188 : vector<16xf32>
        %get3A_190 = arith.index_cast %add3A_172 : i32 to index
        %get3A_191 = arith.constant 32 : index
        %get3A_192 = tpu.vector_load %arg9[%get3A_190, %get3A_191] {strides = array<i32>} : memref<256x128xf32, #tpu.memory_space<vmem>>, vector<16xf32>,
        %get3A_193 = arith.index_cast %add3A_172 : i32 to index
        %get3A_194 = arith.constant 32 : index
        %get3A_195 = tpu.vector_load %arg10[%get3A_193, %get3A_194] {strides = array<i32>} : memref<256x128xf32, #tpu.memory_space<vmem>>, vector<16xf32>,
        %mul3A_196 = arith.mulf %get3A_192, %get3A_195 : vector<16xf32>
        %add3A_197 = arith.addf %add3A_189, %mul3A_196 : vector<16xf32>
        %get3A_198 = arith.index_cast %add3A_172 : i32 to index
        %get3A_199 = arith.constant 48 : index
        %get3A_200 = tpu.vector_load %arg9[%get3A_198, %get3A_199] {strides = array<i32>} : memref<256x128xf32, #tpu.memory_space<vmem>>, vector<16xf32>,
        %get3A_201 = arith.index_cast %add3A_172 : i32 to index
        %get3A_202 = arith.constant 48 : index
        %get3A_203 = tpu.vector_load %arg10[%get3A_201, %get3A_202] {strides = array<i32>} : memref<256x128xf32, #tpu.memory_space<vmem>>, vector<16xf32>,
        %mul3A_204 = arith.mulf %get3A_200, %get3A_203 : vector<16xf32>
        %add3A_205 = arith.addf %add3A_197, %mul3A_204 : vector<16xf32>
        %get3A_206 = arith.index_cast %add3A_172 : i32 to index
        %get3A_207 = arith.constant 64 : index
        %get3A_208 = tpu.vector_load %arg9[%get3A_206, %get3A_207] {strides = array<i32>} : memref<256x128xf32, #tpu.memory_space<vmem>>, vector<16xf32>,
        %get3A_209 = arith.index_cast %add3A_172 : i32 to index
        %get3A_210 = arith.constant 64 : index
        %get3A_211 = tpu.vector_load %arg10[%get3A_209, %get3A_210] {strides = array<i32>} : memref<256x128xf32, #tpu.memory_space<vmem>>, vector<16xf32>,
        %mul3A_212 = arith.mulf %get3A_208, %get3A_211 : vector<16xf32>
        %add3A_213 = arith.addf %add3A_205, %mul3A_212 : vector<16xf32>
        %get3A_214 = arith.index_cast %add3A_172 : i32 to index
        %get3A_215 = arith.constant 80 : index
        %get3A_216 = tpu.vector_load %arg9[%get3A_214, %get3A_215] {strides = array<i32>} : memref<256x128xf32, #tpu.memory_space<vmem>>, vector<16xf32>,
        %get3A_217 = arith.index_cast %add3A_172 : i32 to index
        %get3A_218 = arith.constant 80 : index
        %get3A_219 = tpu.vector_load %arg10[%get3A_217, %get3A_218] {strides = array<i32>} : memref<256x128xf32, #tpu.memory_space<vmem>>, vector<16xf32>,
        %mul3A_220 = arith.mulf %get3A_216, %get3A_219 : vector<16xf32>
        %add3A_221 = arith.addf %add3A_213, %mul3A_220 : vector<16xf32>
        %get3A_222 = arith.index_cast %add3A_172 : i32 to index
        %get3A_223 = arith.constant 96 : index
        %get3A_224 = tpu.vector_load %arg9[%get3A_222, %get3A_223] {strides = array<i32>} : memref<256x128xf32, #tpu.memory_space<vmem>>, vector<16xf32>,
        %get3A_225 = arith.index_cast %add3A_172 : i32 to index
        %get3A_226 = arith.constant 96 : index
        %get3A_227 = tpu.vector_load %arg10[%get3A_225, %get3A_226] {strides = array<i32>} : memref<256x128xf32, #tpu.memory_space<vmem>>, vector<16xf32>,
        %mul3A_228 = arith.mulf %get3A_224, %get3A_227 : vector<16xf32>
        %add3A_229 = arith.addf %add3A_221, %mul3A_228 : vector<16xf32>
        %get3A_230 = arith.index_cast %add3A_172 : i32 to index
        %get3A_231 = arith.constant 112 : index
        %get3A_232 = tpu.vector_load %arg9[%get3A_230, %get3A_231] {strides = array<i32>} : memref<256x128xf32, #tpu.memory_space<vmem>>, vector<16xf32>,
        %get3A_233 = arith.index_cast %add3A_172 : i32 to index
        %get3A_234 = arith.constant 112 : index
        %get3A_235 = tpu.vector_load %arg10[%get3A_233, %get3A_234] {strides = array<i32>} : memref<256x128xf32, #tpu.memory_space<vmem>>, vector<16xf32>,
        %mul3A_236 = arith.mulf %get3A_232, %get3A_235 : vector<16xf32>
        %add3A_237 = arith.addf %add3A_229, %mul3A_236 : vector<16xf32>
        %reduce_sum3A = arith.constant true
        %reduce_sum3A_238 = vector.broadcast %reduce_sum3A : i1 to vector<16xi1>
        %reduce_sum3A_239 = tpu.scan <sum>, %add3A_237 masked %reduce_sum3A_238 : vector<16xf32>, vector<16xi1> -> vector<16xf32>
        %reduce_sum3A_240 = vector.extract %reduce_sum3A_239[15] : f32 from vector<16xf32>
        %eq3A = arith.constant 0 : i32
        %eq3A_241 = vector.broadcast %eq3A : i32 to vector<16xi32>
        %eq3A_242 = arith.cmpi eq, %iota3A, %eq3A_241 : vector<16xi32>
        %broadcast_in_dim3A_243 = vector.broadcast %reduce_sum3A_240 : f32 to vector<16xf32>
        %select_n3A_244 = arith.select %eq3A_242, %broadcast_in_dim3A_243, %broadcast_in_dim3A_170 : vector<16xi1>, vector<16xf32>
        %add3A_245 = arith.constant 1 : i32
        %add3A_246 = arith.addi %mul3A_169, %add3A_245 : i32
        %broadcast_in_dim3A_247 = arith.constant 0.000000e+00 : f32
        %broadcast_in_dim3A_248 = vector.broadcast %broadcast_in_dim3A_247 : f32 to vector<16xf32>
        %get3A_249 = arith.index_cast %add3A_246 : i32 to index
        %get3A_250 = arith.constant 0 : index
        %get3A_251 = tpu.vector_load %arg9[%get3A_249, %get3A_250] {strides = array<i32>} : memref<256x128xf32, #tpu.memory_space<vmem>>, vector<16xf32>,
        %get3A_252 = arith.index_cast %add3A_246 : i32 to index
        %get3A_253 = arith.constant 0 : index
        %get3A_254 = tpu.vector_load %arg10[%get3A_252, %get3A_253] {strides = array<i32>} : memref<256x128xf32, #tpu.memory_space<vmem>>, vector<16xf32>,
        %mul3A_255 = arith.mulf %get3A_251, %get3A_254 : vector<16xf32>
        %add3A_256 = arith.addf %broadcast_in_dim3A_248, %mul3A_255 : vector<16xf32>
        %get3A_257 = arith.index_cast %add3A_246 : i32 to index
        %get3A_258 = arith.constant 16 : index
        %get3A_259 = tpu.vector_load %arg9[%get3A_257, %get3A_258] {strides = array<i32>} : memref<256x128xf32, #tpu.memory_space<vmem>>, vector<16xf32>,
        %get3A_260 = arith.index_cast %add3A_246 : i32 to index
        %get3A_261 = arith.constant 16 : index
        %get3A_262 = tpu.vector_load %arg10[%get3A_260, %get3A_261] {strides = array<i32>} : memref<256x128xf32, #tpu.memory_space<vmem>>, vector<16xf32>,
        %mul3A_263 = arith.mulf %get3A_259, %get3A_262 : vector<16xf32>
        %add3A_264 = arith.addf %add3A_256, %mul3A_263 : vector<16xf32>
        %get3A_265 = arith.index_cast %add3A_246 : i32 to index
        %get3A_266 = arith.constant 32 : index
        %get3A_267 = tpu.vector_load %arg9[%get3A_265, %get3A_266] {strides = array<i32>} : memref<256x128xf32, #tpu.memory_space<vmem>>, vector<16xf32>,
        %get3A_268 = arith.index_cast %add3A_246 : i32 to index
        %get3A_269 = arith.constant 32 : index
        %get3A_270 = tpu.vector_load %arg10[%get3A_268, %get3A_269] {strides = array<i32>} : memref<256x128xf32, #tpu.memory_space<vmem>>, vector<16xf32>,
        %mul3A_271 = arith.mulf %get3A_267, %get3A_270 : vector<16xf32>
        %add3A_272 = arith.addf %add3A_264, %mul3A_271 : vector<16xf32>
        %get3A_273 = arith.index_cast %add3A_246 : i32 to index
        %get3A_274 = arith.constant 48 : index
        %get3A_275 = tpu.vector_load %arg9[%get3A_273, %get3A_274] {strides = array<i32>} : memref<256x128xf32, #tpu.memory_space<vmem>>, vector<16xf32>,
        %get3A_276 = arith.index_cast %add3A_246 : i32 to index
        %get3A_277 = arith.constant 48 : index
        %get3A_278 = tpu.vector_load %arg10[%get3A_276, %get3A_277] {strides = array<i32>} : memref<256x128xf32, #tpu.memory_space<vmem>>, vector<16xf32>,
        %mul3A_279 = arith.mulf %get3A_275, %get3A_278 : vector<16xf32>
        %add3A_280 = arith.addf %add3A_272, %mul3A_279 : vector<16xf32>
        %get3A_281 = arith.index_cast %add3A_246 : i32 to index
        %get3A_282 = arith.constant 64 : index
        %get3A_283 = tpu.vector_load %arg9[%get3A_281, %get3A_282] {strides = array<i32>} : memref<256x128xf32, #tpu.memory_space<vmem>>, vector<16xf32>,
        %get3A_284 = arith.index_cast %add3A_246 : i32 to index
        %get3A_285 = arith.constant 64 : index
        %get3A_286 = tpu.vector_load %arg10[%get3A_284, %get3A_285] {strides = array<i32>} : memref<256x128xf32, #tpu.memory_space<vmem>>, vector<16xf32>,
        %mul3A_287 = arith.mulf %get3A_283, %get3A_286 : vector<16xf32>
        %add3A_288 = arith.addf %add3A_280, %mul3A_287 : vector<16xf32>
        %get3A_289 = arith.index_cast %add3A_246 : i32 to index
        %get3A_290 = arith.constant 80 : index
        %get3A_291 = tpu.vector_load %arg9[%get3A_289, %get3A_290] {strides = array<i32>} : memref<256x128xf32, #tpu.memory_space<vmem>>, vector<16xf32>,
        %get3A_292 = arith.index_cast %add3A_246 : i32 to index
        %get3A_293 = arith.constant 80 : index
        %get3A_294 = tpu.vector_load %arg10[%get3A_292, %get3A_293] {strides = array<i32>} : memref<256x128xf32, #tpu.memory_space<vmem>>, vector<16xf32>,
        %mul3A_295 = arith.mulf %get3A_291, %get3A_294 : vector<16xf32>
        %add3A_296 = arith.addf %add3A_288, %mul3A_295 : vector<16xf32>
        %get3A_297 = arith.index_cast %add3A_246 : i32 to index
        %get3A_298 = arith.constant 96 : index
        %get3A_299 = tpu.vector_load %arg9[%get3A_297, %get3A_298] {strides = array<i32>} : memref<256x128xf32, #tpu.memory_space<vmem>>, vector<16xf32>,
        %get3A_300 = arith.index_cast %add3A_246 : i32 to index
        %get3A_301 = arith.constant 96 : index
        %get3A_302 = tpu.vector_load %arg10[%get3A_300, %get3A_301] {strides = array<i32>} : memref<256x128xf32, #tpu.memory_space<vmem>>, vector<16xf32>,
        %mul3A_303 = arith.mulf %get3A_299, %get3A_302 : vector<16xf32>
        %add3A_304 = arith.addf %add3A_296, %mul3A_303 : vector<16xf32>
        %get3A_305 = arith.index_cast %add3A_246 : i32 to index
        %get3A_306 = arith.constant 112 : index
        %get3A_307 = tpu.vector_load %arg9[%get3A_305, %get3A_306] {strides = array<i32>} : memref<256x128xf32, #tpu.memory_space<vmem>>, vector<16xf32>,
        %get3A_308 = arith.index_cast %add3A_246 : i32 to index
        %get3A_309 = arith.constant 112 : index
        %get3A_310 = tpu.vector_load %arg10[%get3A_308, %get3A_309] {strides = array<i32>} : memref<256x128xf32, #tpu.memory_space<vmem>>, vector<16xf32>,
        %mul3A_311 = arith.mulf %get3A_307, %get3A_310 : vector<16xf32>
        %add3A_312 = arith.addf %add3A_304, %mul3A_311 : vector<16xf32>
        %reduce_sum3A_313 = arith.constant true
        %reduce_sum3A_314 = vector.broadcast %reduce_sum3A_313 : i1 to vector<16xi1>
        %reduce_sum3A_315 = tpu.scan <sum>, %add3A_312 masked %reduce_sum3A_314 : vector<16xf32>, vector<16xi1> -> vector<16xf32>
        %reduce_sum3A_316 = vector.extract %reduce_sum3A_315[15] : f32 from vector<16xf32>
        %eq3A_317 = arith.constant 1 : i32
        %eq3A_318 = vector.broadcast %eq3A_317 : i32 to vector<16xi32>
        %eq3A_319 = arith.cmpi eq, %iota3A, %eq3A_318 : vector<16xi32>
        %broadcast_in_dim3A_320 = vector.broadcast %reduce_sum3A_316 : f32 to vector<16xf32>
        %select_n3A_321 = arith.select %eq3A_319, %broadcast_in_dim3A_320, %select_n3A_244 : vector<16xi1>, vector<16xf32>
        %add3A_322 = arith.constant 2 : i32
        %add3A_323 = arith.addi %mul3A_169, %add3A_322 : i32
        %broadcast_in_dim3A_324 = arith.constant 0.000000e+00 : f32
        %broadcast_in_dim3A_325 = vector.broadcast %broadcast_in_dim3A_324 : f32 to vector<16xf32>
        %get3A_326 = arith.index_cast %add3A_323 : i32 to index
        %get3A_327 = arith.constant 0 : index
        %get3A_328 = tpu.vector_load %arg9[%get3A_326, %get3A_327] {strides = array<i32>} : memref<256x128xf32, #tpu.memory_space<vmem>>, vector<16xf32>,
        %get3A_329 = arith.index_cast %add3A_323 : i32 to index
        %get3A_330 = arith.constant 0 : index
        %get3A_331 = tpu.vector_load %arg10[%get3A_329, %get3A_330] {strides = array<i32>} : memref<256x128xf32, #tpu.memory_space<vmem>>, vector<16xf32>,
        %mul3A_332 = arith.mulf %get3A_328, %get3A_331 : vector<16xf32>
        %add3A_333 = arith.addf %broadcast_in_dim3A_325, %mul3A_332 : vector<16xf32>
        %get3A_334 = arith.index_cast %add3A_323 : i32 to index
        %get3A_335 = arith.constant 16 : index
        %get3A_336 = tpu.vector_load %arg9[%get3A_334, %get3A_335] {strides = array<i32>} : memref<256x128xf32, #tpu.memory_space<vmem>>, vector<16xf32>,
        %get3A_337 = arith.index_cast %add3A_323 : i32 to index
        %get3A_338 = arith.constant 16 : index
        %get3A_339 = tpu.vector_load %arg10[%get3A_337, %get3A_338] {strides = array<i32>} : memref<256x128xf32, #tpu.memory_space<vmem>>, vector<16xf32>,
        %mul3A_340 = arith.mulf %get3A_336, %get3A_339 : vector<16xf32>
        %add3A_341 = arith.addf %add3A_333, %mul3A_340 : vector<16xf32>
        %get3A_342 = arith.index_cast %add3A_323 : i32 to index
        %get3A_343 = arith.constant 32 : index
        %get3A_344 = tpu.vector_load %arg9[%get3A_342, %get3A_343] {strides = array<i32>} : memref<256x128xf32, #tpu.memory_space<vmem>>, vector<16xf32>,
        %get3A_345 = arith.index_cast %add3A_323 : i32 to index
        %get3A_346 = arith.constant 32 : index
        %get3A_347 = tpu.vector_load %arg10[%get3A_345, %get3A_346] {strides = array<i32>} : memref<256x128xf32, #tpu.memory_space<vmem>>, vector<16xf32>,
        %mul3A_348 = arith.mulf %get3A_344, %get3A_347 : vector<16xf32>
        %add3A_349 = arith.addf %add3A_341, %mul3A_348 : vector<16xf32>
        %get3A_350 = arith.index_cast %add3A_323 : i32 to index
        %get3A_351 = arith.constant 48 : index
        %get3A_352 = tpu.vector_load %arg9[%get3A_350, %get3A_351] {strides = array<i32>} : memref<256x128xf32, #tpu.memory_space<vmem>>, vector<16xf32>,
        %get3A_353 = arith.index_cast %add3A_323 : i32 to index
        %get3A_354 = arith.constant 48 : index
        %get3A_355 = tpu.vector_load %arg10[%get3A_353, %get3A_354] {strides = array<i32>} : memref<256x128xf32, #tpu.memory_space<vmem>>, vector<16xf32>,
        %mul3A_356 = arith.mulf %get3A_352, %get3A_355 : vector<16xf32>
        %add3A_357 = arith.addf %add3A_349, %mul3A_356 : vector<16xf32>
        %get3A_358 = arith.index_cast %add3A_323 : i32 to index
        %get3A_359 = arith.constant 64 : index
        %get3A_360 = tpu.vector_load %arg9[%get3A_358, %get3A_359] {strides = array<i32>} : memref<256x128xf32, #tpu.memory_space<vmem>>, vector<16xf32>,
        %get3A_361 = arith.index_cast %add3A_323 : i32 to index
        %get3A_362 = arith.constant 64 : index
        %get3A_363 = tpu.vector_load %arg10[%get3A_361, %get3A_362] {strides = array<i32>} : memref<256x128xf32, #tpu.memory_space<vmem>>, vector<16xf32>,
        %mul3A_364 = arith.mulf %get3A_360, %get3A_363 : vector<16xf32>
        %add3A_365 = arith.addf %add3A_357, %mul3A_364 : vector<16xf32>
        %get3A_366 = arith.index_cast %add3A_323 : i32 to index
        %get3A_367 = arith.constant 80 : index
        %get3A_368 = tpu.vector_load %arg9[%get3A_366, %get3A_367] {strides = array<i32>} : memref<256x128xf32, #tpu.memory_space<vmem>>, vector<16xf32>,
        %get3A_369 = arith.index_cast %add3A_323 : i32 to index
        %get3A_370 = arith.constant 80 : index
        %get3A_371 = tpu.vector_load %arg10[%get3A_369, %get3A_370] {strides = array<i32>} : memref<256x128xf32, #tpu.memory_space<vmem>>, vector<16xf32>,
        %mul3A_372 = arith.mulf %get3A_368, %get3A_371 : vector<16xf32>
        %add3A_373 = arith.addf %add3A_365, %mul3A_372 : vector<16xf32>
        %get3A_374 = arith.index_cast %add3A_323 : i32 to index
        %get3A_375 = arith.constant 96 : index
        %get3A_376 = tpu.vector_load %arg9[%get3A_374, %get3A_375] {strides = array<i32>} : memref<256x128xf32, #tpu.memory_space<vmem>>, vector<16xf32>,
        %get3A_377 = arith.index_cast %add3A_323 : i32 to index
        %get3A_378 = arith.constant 96 : index
        %get3A_379 = tpu.vector_load %arg10[%get3A_377, %get3A_378] {strides = array<i32>} : memref<256x128xf32, #tpu.memory_space<vmem>>, vector<16xf32>,
        %mul3A_380 = arith.mulf %get3A_376, %get3A_379 : vector<16xf32>
        %add3A_381 = arith.addf %add3A_373, %mul3A_380 : vector<16xf32>
        %get3A_382 = arith.index_cast %add3A_323 : i32 to index
        %get3A_383 = arith.constant 112 : index
        %get3A_384 = tpu.vector_load %arg9[%get3A_382, %get3A_383] {strides = array<i32>} : memref<256x128xf32, #tpu.memory_space<vmem>>, vector<16xf32>,
        %get3A_385 = arith.index_cast %add3A_323 : i32 to index
        %get3A_386 = arith.constant 112 : index
        %get3A_387 = tpu.vector_load %arg10[%get3A_385, %get3A_386] {strides = array<i32>} : memref<256x128xf32, #tpu.memory_space<vmem>>, vector<16xf32>,
        %mul3A_388 = arith.mulf %get3A_384, %get3A_387 : vector<16xf32>
        %add3A_389 = arith.addf %add3A_381, %mul3A_388 : vector<16xf32>
        %reduce_sum3A_390 = arith.constant true
        %reduce_sum3A_391 = vector.broadcast %reduce_sum3A_390 : i1 to vector<16xi1>
        %reduce_sum3A_392 = tpu.scan <sum>, %add3A_389 masked %reduce_sum3A_391 : vector<16xf32>, vector<16xi1> -> vector<16xf32>
        %reduce_sum3A_393 = vector.extract %reduce_sum3A_392[15] : f32 from vector<16xf32>
        %eq3A_394 = arith.constant 2 : i32
        %eq3A_395 = vector.broadcast %eq3A_394 : i32 to vector<16xi32>
        %eq3A_396 = arith.cmpi eq, %iota3A, %eq3A_395 : vector<16xi32>
        %broadcast_in_dim3A_397 = vector.broadcast %reduce_sum3A_393 : f32 to vector<16xf32>
        %select_n3A_398 = arith.select %eq3A_396, %broadcast_in_dim3A_397, %select_n3A_321 : vector<16xi1>, vector<16xf32>
        %add3A_399 = arith.constant 3 : i32
        %add3A_400 = arith.addi %mul3A_169, %add3A_399 : i32
        %broadcast_in_dim3A_401 = arith.constant 0.000000e+00 : f32
        %broadcast_in_dim3A_402 = vector.broadcast %broadcast_in_dim3A_401 : f32 to vector<16xf32>
        %get3A_403 = arith.index_cast %add3A_400 : i32 to index
        %get3A_404 = arith.constant 0 : index
        %get3A_405 = tpu.vector_load %arg9[%get3A_403, %get3A_404] {strides = array<i32>} : memref<256x128xf32, #tpu.memory_space<vmem>>, vector<16xf32>,
        %get3A_406 = arith.index_cast %add3A_400 : i32 to index
        %get3A_407 = arith.constant 0 : index
        %get3A_408 = tpu.vector_load %arg10[%get3A_406, %get3A_407] {strides = array<i32>} : memref<256x128xf32, #tpu.memory_space<vmem>>, vector<16xf32>,
        %mul3A_409 = arith.mulf %get3A_405, %get3A_408 : vector<16xf32>
        %add3A_410 = arith.addf %broadcast_in_dim3A_402, %mul3A_409 : vector<16xf32>
        %get3A_411 = arith.index_cast %add3A_400 : i32 to index
        %get3A_412 = arith.constant 16 : index
        %get3A_413 = tpu.vector_load %arg9[%get3A_411, %get3A_412] {strides = array<i32>} : memref<256x128xf32, #tpu.memory_space<vmem>>, vector<16xf32>,
        %get3A_414 = arith.index_cast %add3A_400 : i32 to index
        %get3A_415 = arith.constant 16 : index
        %get3A_416 = tpu.vector_load %arg10[%get3A_414, %get3A_415] {strides = array<i32>} : memref<256x128xf32, #tpu.memory_space<vmem>>, vector<16xf32>,
        %mul3A_417 = arith.mulf %get3A_413, %get3A_416 : vector<16xf32>
        %add3A_418 = arith.addf %add3A_410, %mul3A_417 : vector<16xf32>
        %get3A_419 = arith.index_cast %add3A_400 : i32 to index
        %get3A_420 = arith.constant 32 : index
        %get3A_421 = tpu.vector_load %arg9[%get3A_419, %get3A_420] {strides = array<i32>} : memref<256x128xf32, #tpu.memory_space<vmem>>, vector<16xf32>,
        %get3A_422 = arith.index_cast %add3A_400 : i32 to index
        %get3A_423 = arith.constant 32 : index
        %get3A_424 = tpu.vector_load %arg10[%get3A_422, %get3A_423] {strides = array<i32>} : memref<256x128xf32, #tpu.memory_space<vmem>>, vector<16xf32>,
        %mul3A_425 = arith.mulf %get3A_421, %get3A_424 : vector<16xf32>
        %add3A_426 = arith.addf %add3A_418, %mul3A_425 : vector<16xf32>
        %get3A_427 = arith.index_cast %add3A_400 : i32 to index
        %get3A_428 = arith.constant 48 : index
        %get3A_429 = tpu.vector_load %arg9[%get3A_427, %get3A_428] {strides = array<i32>} : memref<256x128xf32, #tpu.memory_space<vmem>>, vector<16xf32>,
        %get3A_430 = arith.index_cast %add3A_400 : i32 to index
        %get3A_431 = arith.constant 48 : index
        %get3A_432 = tpu.vector_load %arg10[%get3A_430, %get3A_431] {strides = array<i32>} : memref<256x128xf32, #tpu.memory_space<vmem>>, vector<16xf32>,
        %mul3A_433 = arith.mulf %get3A_429, %get3A_432 : vector<16xf32>
        %add3A_434 = arith.addf %add3A_426, %mul3A_433 : vector<16xf32>
        %get3A_435 = arith.index_cast %add3A_400 : i32 to index
        %get3A_436 = arith.constant 64 : index
        %get3A_437 = tpu.vector_load %arg9[%get3A_435, %get3A_436] {strides = array<i32>} : memref<256x128xf32, #tpu.memory_space<vmem>>, vector<16xf32>,
        %get3A_438 = arith.index_cast %add3A_400 : i32 to index
        %get3A_439 = arith.constant 64 : index
        %get3A_440 = tpu.vector_load %arg10[%get3A_438, %get3A_439] {strides = array<i32>} : memref<256x128xf32, #tpu.memory_space<vmem>>, vector<16xf32>,
        %mul3A_441 = arith.mulf %get3A_437, %get3A_440 : vector<16xf32>
        %add3A_442 = arith.addf %add3A_434, %mul3A_441 : vector<16xf32>
        %get3A_443 = arith.index_cast %add3A_400 : i32 to index
        %get3A_444 = arith.constant 80 : index
        %get3A_445 = tpu.vector_load %arg9[%get3A_443, %get3A_444] {strides = array<i32>} : memref<256x128xf32, #tpu.memory_space<vmem>>, vector<16xf32>,
        %get3A_446 = arith.index_cast %add3A_400 : i32 to index
        %get3A_447 = arith.constant 80 : index
        %get3A_448 = tpu.vector_load %arg10[%get3A_446, %get3A_447] {strides = array<i32>} : memref<256x128xf32, #tpu.memory_space<vmem>>, vector<16xf32>,
        %mul3A_449 = arith.mulf %get3A_445, %get3A_448 : vector<16xf32>
        %add3A_450 = arith.addf %add3A_442, %mul3A_449 : vector<16xf32>
        %get3A_451 = arith.index_cast %add3A_400 : i32 to index
        %get3A_452 = arith.constant 96 : index
        %get3A_453 = tpu.vector_load %arg9[%get3A_451, %get3A_452] {strides = array<i32>} : memref<256x128xf32, #tpu.memory_space<vmem>>, vector<16xf32>,
        %get3A_454 = arith.index_cast %add3A_400 : i32 to index
        %get3A_455 = arith.constant 96 : index
        %get3A_456 = tpu.vector_load %arg10[%get3A_454, %get3A_455] {strides = array<i32>} : memref<256x128xf32, #tpu.memory_space<vmem>>, vector<16xf32>,
        %mul3A_457 = arith.mulf %get3A_453, %get3A_456 : vector<16xf32>
        %add3A_458 = arith.addf %add3A_450, %mul3A_457 : vector<16xf32>
        %get3A_459 = arith.index_cast %add3A_400 : i32 to index
        %get3A_460 = arith.constant 112 : index
        %get3A_461 = tpu.vector_load %arg9[%get3A_459, %get3A_460] {strides = array<i32>} : memref<256x128xf32, #tpu.memory_space<vmem>>, vector<16xf32>,
        %get3A_462 = arith.index_cast %add3A_400 : i32 to index
        %get3A_463 = arith.constant 112 : index
        %get3A_464 = tpu.vector_load %arg10[%get3A_462, %get3A_463] {strides = array<i32>} : memref<256x128xf32, #tpu.memory_space<vmem>>, vector<16xf32>,
        %mul3A_465 = arith.mulf %get3A_461, %get3A_464 : vector<16xf32>
        %add3A_466 = arith.addf %add3A_458, %mul3A_465 : vector<16xf32>
        %reduce_sum3A_467 = arith.constant true
        %reduce_sum3A_468 = vector.broadcast %reduce_sum3A_467 : i1 to vector<16xi1>
        %reduce_sum3A_469 = tpu.scan <sum>, %add3A_466 masked %reduce_sum3A_468 : vector<16xf32>, vector<16xi1> -> vector<16xf32>
        %reduce_sum3A_470 = vector.extract %reduce_sum3A_469[15] : f32 from vector<16xf32>
        %eq3A_471 = arith.constant 3 : i32
        %eq3A_472 = vector.broadcast %eq3A_471 : i32 to vector<16xi32>
        %eq3A_473 = arith.cmpi eq, %iota3A, %eq3A_472 : vector<16xi32>
        %broadcast_in_dim3A_474 = vector.broadcast %reduce_sum3A_470 : f32 to vector<16xf32>
        %select_n3A_475 = arith.select %eq3A_473, %broadcast_in_dim3A_474, %select_n3A_398 : vector<16xi1>, vector<16xf32>
        %add3A_476 = arith.constant 4 : i32
        %add3A_477 = arith.addi %mul3A_169, %add3A_476 : i32
        %broadcast_in_dim3A_478 = arith.constant 0.000000e+00 : f32
        %broadcast_in_dim3A_479 = vector.broadcast %broadcast_in_dim3A_478 : f32 to vector<16xf32>
        %get3A_480 = arith.index_cast %add3A_477 : i32 to index
        %get3A_481 = arith.constant 0 : index
        %get3A_482 = tpu.vector_load %arg9[%get3A_480, %get3A_481] {strides = array<i32>} : memref<256x128xf32, #tpu.memory_space<vmem>>, vector<16xf32>,
        %get3A_483 = arith.index_cast %add3A_477 : i32 to index
        %get3A_484 = arith.constant 0 : index
        %get3A_485 = tpu.vector_load %arg10[%get3A_483, %get3A_484] {strides = array<i32>} : memref<256x128xf32, #tpu.memory_space<vmem>>, vector<16xf32>,
        %mul3A_486 = arith.mulf %get3A_482, %get3A_485 : vector<16xf32>
        %add3A_487 = arith.addf %broadcast_in_dim3A_479, %mul3A_486 : vector<16xf32>
        %get3A_488 = arith.index_cast %add3A_477 : i32 to index
        %get3A_489 = arith.constant 16 : index
        %get3A_490 = tpu.vector_load %arg9[%get3A_488, %get3A_489] {strides = array<i32>} : memref<256x128xf32, #tpu.memory_space<vmem>>, vector<16xf32>,
        %get3A_491 = arith.index_cast %add3A_477 : i32 to index
        %get3A_492 = arith.constant 16 : index
        %get3A_493 = tpu.vector_load %arg10[%get3A_491, %get3A_492] {strides = array<i32>} : memref<256x128xf32, #tpu.memory_space<vmem>>, vector<16xf32>,
        %mul3A_494 = arith.mulf %get3A_490, %get3A_493 : vector<16xf32>
        %add3A_495 = arith.addf %add3A_487, %mul3A_494 : vector<16xf32>
        %get3A_496 = arith.index_cast %add3A_477 : i32 to index
        %get3A_497 = arith.constant 32 : index
        %get3A_498 = tpu.vector_load %arg9[%get3A_496, %get3A_497] {strides = array<i32>} : memref<256x128xf32, #tpu.memory_space<vmem>>, vector<16xf32>,
        %get3A_499 = arith.index_cast %add3A_477 : i32 to index
        %get3A_500 = arith.constant 32 : index
        %get3A_501 = tpu.vector_load %arg10[%get3A_499, %get3A_500] {strides = array<i32>} : memref<256x128xf32, #tpu.memory_space<vmem>>, vector<16xf32>,
        %mul3A_502 = arith.mulf %get3A_498, %get3A_501 : vector<16xf32>
        %add3A_503 = arith.addf %add3A_495, %mul3A_502 : vector<16xf32>
        %get3A_504 = arith.index_cast %add3A_477 : i32 to index
        %get3A_505 = arith.constant 48 : index
        %get3A_506 = tpu.vector_load %arg9[%get3A_504, %get3A_505] {strides = array<i32>} : memref<256x128xf32, #tpu.memory_space<vmem>>, vector<16xf32>,
        %get3A_507 = arith.index_cast %add3A_477 : i32 to index
        %get3A_508 = arith.constant 48 : index
        %get3A_509 = tpu.vector_load %arg10[%get3A_507, %get3A_508] {strides = array<i32>} : memref<256x128xf32, #tpu.memory_space<vmem>>, vector<16xf32>,
        %mul3A_510 = arith.mulf %get3A_506, %get3A_509 : vector<16xf32>
        %add3A_511 = arith.addf %add3A_503, %mul3A_510 : vector<16xf32>
        %get3A_512 = arith.index_cast %add3A_477 : i32 to index
        %get3A_513 = arith.constant 64 : index
        %get3A_514 = tpu.vector_load %arg9[%get3A_512, %get3A_513] {strides = array<i32>} : memref<256x128xf32, #tpu.memory_space<vmem>>, vector<16xf32>,
        %get3A_515 = arith.index_cast %add3A_477 : i32 to index
        %get3A_516 = arith.constant 64 : index
        %get3A_517 = tpu.vector_load %arg10[%get3A_515, %get3A_516] {strides = array<i32>} : memref<256x128xf32, #tpu.memory_space<vmem>>, vector<16xf32>,
        %mul3A_518 = arith.mulf %get3A_514, %get3A_517 : vector<16xf32>
        %add3A_519 = arith.addf %add3A_511, %mul3A_518 : vector<16xf32>
        %get3A_520 = arith.index_cast %add3A_477 : i32 to index
        %get3A_521 = arith.constant 80 : index
        %get3A_522 = tpu.vector_load %arg9[%get3A_520, %get3A_521] {strides = array<i32>} : memref<256x128xf32, #tpu.memory_space<vmem>>, vector<16xf32>,
        %get3A_523 = arith.index_cast %add3A_477 : i32 to index
        %get3A_524 = arith.constant 80 : index
        %get3A_525 = tpu.vector_load %arg10[%get3A_523, %get3A_524] {strides = array<i32>} : memref<256x128xf32, #tpu.memory_space<vmem>>, vector<16xf32>,
        %mul3A_526 = arith.mulf %get3A_522, %get3A_525 : vector<16xf32>
        %add3A_527 = arith.addf %add3A_519, %mul3A_526 : vector<16xf32>
        %get3A_528 = arith.index_cast %add3A_477 : i32 to index
        %get3A_529 = arith.constant 96 : index
        %get3A_530 = tpu.vector_load %arg9[%get3A_528, %get3A_529] {strides = array<i32>} : memref<256x128xf32, #tpu.memory_space<vmem>>, vector<16xf32>,
        %get3A_531 = arith.index_cast %add3A_477 : i32 to index
        %get3A_532 = arith.constant 96 : index
        %get3A_533 = tpu.vector_load %arg10[%get3A_531, %get3A_532] {strides = array<i32>} : memref<256x128xf32, #tpu.memory_space<vmem>>, vector<16xf32>,
        %mul3A_534 = arith.mulf %get3A_530, %get3A_533 : vector<16xf32>
        %add3A_535 = arith.addf %add3A_527, %mul3A_534 : vector<16xf32>
        %get3A_536 = arith.index_cast %add3A_477 : i32 to index
        %get3A_537 = arith.constant 112 : index
        %get3A_538 = tpu.vector_load %arg9[%get3A_536, %get3A_537] {strides = array<i32>} : memref<256x128xf32, #tpu.memory_space<vmem>>, vector<16xf32>,
        %get3A_539 = arith.index_cast %add3A_477 : i32 to index
        %get3A_540 = arith.constant 112 : index
        %get3A_541 = tpu.vector_load %arg10[%get3A_539, %get3A_540] {strides = array<i32>} : memref<256x128xf32, #tpu.memory_space<vmem>>, vector<16xf32>,
        %mul3A_542 = arith.mulf %get3A_538, %get3A_541 : vector<16xf32>
        %add3A_543 = arith.addf %add3A_535, %mul3A_542 : vector<16xf32>
        %reduce_sum3A_544 = arith.constant true
        %reduce_sum3A_545 = vector.broadcast %reduce_sum3A_544 : i1 to vector<16xi1>
        %reduce_sum3A_546 = tpu.scan <sum>, %add3A_543 masked %reduce_sum3A_545 : vector<16xf32>, vector<16xi1> -> vector<16xf32>
        %reduce_sum3A_547 = vector.extract %reduce_sum3A_546[15] : f32 from vector<16xf32>
        %eq3A_548 = arith.constant 4 : i32
        %eq3A_549 = vector.broadcast %eq3A_548 : i32 to vector<16xi32>
        %eq3A_550 = arith.cmpi eq, %iota3A, %eq3A_549 : vector<16xi32>
        %broadcast_in_dim3A_551 = vector.broadcast %reduce_sum3A_547 : f32 to vector<16xf32>
        %select_n3A_552 = arith.select %eq3A_550, %broadcast_in_dim3A_551, %select_n3A_475 : vector<16xi1>, vector<16xf32>
        %add3A_553 = arith.constant 5 : i32
        %add3A_554 = arith.addi %mul3A_169, %add3A_553 : i32
        %broadcast_in_dim3A_555 = arith.constant 0.000000e+00 : f32
        %broadcast_in_dim3A_556 = vector.broadcast %broadcast_in_dim3A_555 : f32 to vector<16xf32>
        %get3A_557 = arith.index_cast %add3A_554 : i32 to index
        %get3A_558 = arith.constant 0 : index
        %get3A_559 = tpu.vector_load %arg9[%get3A_557, %get3A_558] {strides = array<i32>} : memref<256x128xf32, #tpu.memory_space<vmem>>, vector<16xf32>,
        %get3A_560 = arith.index_cast %add3A_554 : i32 to index
        %get3A_561 = arith.constant 0 : index
        %get3A_562 = tpu.vector_load %arg10[%get3A_560, %get3A_561] {strides = array<i32>} : memref<256x128xf32, #tpu.memory_space<vmem>>, vector<16xf32>,
        %mul3A_563 = arith.mulf %get3A_559, %get3A_562 : vector<16xf32>
        %add3A_564 = arith.addf %broadcast_in_dim3A_556, %mul3A_563 : vector<16xf32>
        %get3A_565 = arith.index_cast %add3A_554 : i32 to index
        %get3A_566 = arith.constant 16 : index
        %get3A_567 = tpu.vector_load %arg9[%get3A_565, %get3A_566] {strides = array<i32>} : memref<256x128xf32, #tpu.memory_space<vmem>>, vector<16xf32>,
        %get3A_568 = arith.index_cast %add3A_554 : i32 to index
        %get3A_569 = arith.constant 16 : index
        %get3A_570 = tpu.vector_load %arg10[%get3A_568, %get3A_569] {strides = array<i32>} : memref<256x128xf32, #tpu.memory_space<vmem>>, vector<16xf32>,
        %mul3A_571 = arith.mulf %get3A_567, %get3A_570 : vector<16xf32>
        %add3A_572 = arith.addf %add3A_564, %mul3A_571 : vector<16xf32>
        %get3A_573 = arith.index_cast %add3A_554 : i32 to index
        %get3A_574 = arith.constant 32 : index
        %get3A_575 = tpu.vector_load %arg9[%get3A_573, %get3A_574] {strides = array<i32>} : memref<256x128xf32, #tpu.memory_space<vmem>>, vector<16xf32>,
        %get3A_576 = arith.index_cast %add3A_554 : i32 to index
        %get3A_577 = arith.constant 32 : index
        %get3A_578 = tpu.vector_load %arg10[%get3A_576, %get3A_577] {strides = array<i32>} : memref<256x128xf32, #tpu.memory_space<vmem>>, vector<16xf32>,
        %mul3A_579 = arith.mulf %get3A_575, %get3A_578 : vector<16xf32>
        %add3A_580 = arith.addf %add3A_572, %mul3A_579 : vector<16xf32>
        %get3A_581 = arith.index_cast %add3A_554 : i32 to index
        %get3A_582 = arith.constant 48 : index
        %get3A_583 = tpu.vector_load %arg9[%get3A_581, %get3A_582] {strides = array<i32>} : memref<256x128xf32, #tpu.memory_space<vmem>>, vector<16xf32>,
        %get3A_584 = arith.index_cast %add3A_554 : i32 to index
        %get3A_585 = arith.constant 48 : index
        %get3A_586 = tpu.vector_load %arg10[%get3A_584, %get3A_585] {strides = array<i32>} : memref<256x128xf32, #tpu.memory_space<vmem>>, vector<16xf32>,
        %mul3A_587 = arith.mulf %get3A_583, %get3A_586 : vector<16xf32>
        %add3A_588 = arith.addf %add3A_580, %mul3A_587 : vector<16xf32>
        %get3A_589 = arith.index_cast %add3A_554 : i32 to index
        %get3A_590 = arith.constant 64 : index
        %get3A_591 = tpu.vector_load %arg9[%get3A_589, %get3A_590] {strides = array<i32>} : memref<256x128xf32, #tpu.memory_space<vmem>>, vector<16xf32>,
        %get3A_592 = arith.index_cast %add3A_554 : i32 to index
        %get3A_593 = arith.constant 64 : index
        %get3A_594 = tpu.vector_load %arg10[%get3A_592, %get3A_593] {strides = array<i32>} : memref<256x128xf32, #tpu.memory_space<vmem>>, vector<16xf32>,
        %mul3A_595 = arith.mulf %get3A_591, %get3A_594 : vector<16xf32>
        %add3A_596 = arith.addf %add3A_588, %mul3A_595 : vector<16xf32>
        %get3A_597 = arith.index_cast %add3A_554 : i32 to index
        %get3A_598 = arith.constant 80 : index
        %get3A_599 = tpu.vector_load %arg9[%get3A_597, %get3A_598] {strides = array<i32>} : memref<256x128xf32, #tpu.memory_space<vmem>>, vector<16xf32>,
        %get3A_600 = arith.index_cast %add3A_554 : i32 to index
        %get3A_601 = arith.constant 80 : index
        %get3A_602 = tpu.vector_load %arg10[%get3A_600, %get3A_601] {strides = array<i32>} : memref<256x128xf32, #tpu.memory_space<vmem>>, vector<16xf32>,
        %mul3A_603 = arith.mulf %get3A_599, %get3A_602 : vector<16xf32>
        %add3A_604 = arith.addf %add3A_596, %mul3A_603 : vector<16xf32>
        %get3A_605 = arith.index_cast %add3A_554 : i32 to index
        %get3A_606 = arith.constant 96 : index
        %get3A_607 = tpu.vector_load %arg9[%get3A_605, %get3A_606] {strides = array<i32>} : memref<256x128xf32, #tpu.memory_space<vmem>>, vector<16xf32>,
        %get3A_608 = arith.index_cast %add3A_554 : i32 to index
        %get3A_609 = arith.constant 96 : index
        %get3A_610 = tpu.vector_load %arg10[%get3A_608, %get3A_609] {strides = array<i32>} : memref<256x128xf32, #tpu.memory_space<vmem>>, vector<16xf32>,
        %mul3A_611 = arith.mulf %get3A_607, %get3A_610 : vector<16xf32>
        %add3A_612 = arith.addf %add3A_604, %mul3A_611 : vector<16xf32>
        %get3A_613 = arith.index_cast %add3A_554 : i32 to index
        %get3A_614 = arith.constant 112 : index
        %get3A_615 = tpu.vector_load %arg9[%get3A_613, %get3A_614] {strides = array<i32>} : memref<256x128xf32, #tpu.memory_space<vmem>>, vector<16xf32>,
        %get3A_616 = arith.index_cast %add3A_554 : i32 to index
        %get3A_617 = arith.constant 112 : index
        %get3A_618 = tpu.vector_load %arg10[%get3A_616, %get3A_617] {strides = array<i32>} : memref<256x128xf32, #tpu.memory_space<vmem>>, vector<16xf32>,
        %mul3A_619 = arith.mulf %get3A_615, %get3A_618 : vector<16xf32>
        %add3A_620 = arith.addf %add3A_612, %mul3A_619 : vector<16xf32>
        %reduce_sum3A_621 = arith.constant true
        %reduce_sum3A_622 = vector.broadcast %reduce_sum3A_621 : i1 to vector<16xi1>
        %reduce_sum3A_623 = tpu.scan <sum>, %add3A_620 masked %reduce_sum3A_622 : vector<16xf32>, vector<16xi1> -> vector<16xf32>
        %reduce_sum3A_624 = vector.extract %reduce_sum3A_623[15] : f32 from vector<16xf32>
        %eq3A_625 = arith.constant 5 : i32
        %eq3A_626 = vector.broadcast %eq3A_625 : i32 to vector<16xi32>
        %eq3A_627 = arith.cmpi eq, %iota3A, %eq3A_626 : vector<16xi32>
        %broadcast_in_dim3A_628 = vector.broadcast %reduce_sum3A_624 : f32 to vector<16xf32>
        %select_n3A_629 = arith.select %eq3A_627, %broadcast_in_dim3A_628, %select_n3A_552 : vector<16xi1>, vector<16xf32>
        %add3A_630 = arith.constant 6 : i32
        %add3A_631 = arith.addi %mul3A_169, %add3A_630 : i32
        %broadcast_in_dim3A_632 = arith.constant 0.000000e+00 : f32
        %broadcast_in_dim3A_633 = vector.broadcast %broadcast_in_dim3A_632 : f32 to vector<16xf32>
        %get3A_634 = arith.index_cast %add3A_631 : i32 to index
        %get3A_635 = arith.constant 0 : index
        %get3A_636 = tpu.vector_load %arg9[%get3A_634, %get3A_635] {strides = array<i32>} : memref<256x128xf32, #tpu.memory_space<vmem>>, vector<16xf32>,
        %get3A_637 = arith.index_cast %add3A_631 : i32 to index
        %get3A_638 = arith.constant 0 : index
        %get3A_639 = tpu.vector_load %arg10[%get3A_637, %get3A_638] {strides = array<i32>} : memref<256x128xf32, #tpu.memory_space<vmem>>, vector<16xf32>,
        %mul3A_640 = arith.mulf %get3A_636, %get3A_639 : vector<16xf32>
        %add3A_641 = arith.addf %broadcast_in_dim3A_633, %mul3A_640 : vector<16xf32>
        %get3A_642 = arith.index_cast %add3A_631 : i32 to index
        %get3A_643 = arith.constant 16 : index
        %get3A_644 = tpu.vector_load %arg9[%get3A_642, %get3A_643] {strides = array<i32>} : memref<256x128xf32, #tpu.memory_space<vmem>>, vector<16xf32>,
        %get3A_645 = arith.index_cast %add3A_631 : i32 to index
        %get3A_646 = arith.constant 16 : index
        %get3A_647 = tpu.vector_load %arg10[%get3A_645, %get3A_646] {strides = array<i32>} : memref<256x128xf32, #tpu.memory_space<vmem>>, vector<16xf32>,
        %mul3A_648 = arith.mulf %get3A_644, %get3A_647 : vector<16xf32>
        %add3A_649 = arith.addf %add3A_641, %mul3A_648 : vector<16xf32>
        %get3A_650 = arith.index_cast %add3A_631 : i32 to index
        %get3A_651 = arith.constant 32 : index
        %get3A_652 = tpu.vector_load %arg9[%get3A_650, %get3A_651] {strides = array<i32>} : memref<256x128xf32, #tpu.memory_space<vmem>>, vector<16xf32>,
        %get3A_653 = arith.index_cast %add3A_631 : i32 to index
        %get3A_654 = arith.constant 32 : index
        %get3A_655 = tpu.vector_load %arg10[%get3A_653, %get3A_654] {strides = array<i32>} : memref<256x128xf32, #tpu.memory_space<vmem>>, vector<16xf32>,
        %mul3A_656 = arith.mulf %get3A_652, %get3A_655 : vector<16xf32>
        %add3A_657 = arith.addf %add3A_649, %mul3A_656 : vector<16xf32>
        %get3A_658 = arith.index_cast %add3A_631 : i32 to index
        %get3A_659 = arith.constant 48 : index
        %get3A_660 = tpu.vector_load %arg9[%get3A_658, %get3A_659] {strides = array<i32>} : memref<256x128xf32, #tpu.memory_space<vmem>>, vector<16xf32>,
        %get3A_661 = arith.index_cast %add3A_631 : i32 to index
        %get3A_662 = arith.constant 48 : index
        %get3A_663 = tpu.vector_load %arg10[%get3A_661, %get3A_662] {strides = array<i32>} : memref<256x128xf32, #tpu.memory_space<vmem>>, vector<16xf32>,
        %mul3A_664 = arith.mulf %get3A_660, %get3A_663 : vector<16xf32>
        %add3A_665 = arith.addf %add3A_657, %mul3A_664 : vector<16xf32>
        %get3A_666 = arith.index_cast %add3A_631 : i32 to index
        %get3A_667 = arith.constant 64 : index
        %get3A_668 = tpu.vector_load %arg9[%get3A_666, %get3A_667] {strides = array<i32>} : memref<256x128xf32, #tpu.memory_space<vmem>>, vector<16xf32>,
        %get3A_669 = arith.index_cast %add3A_631 : i32 to index
        %get3A_670 = arith.constant 64 : index
        %get3A_671 = tpu.vector_load %arg10[%get3A_669, %get3A_670] {strides = array<i32>} : memref<256x128xf32, #tpu.memory_space<vmem>>, vector<16xf32>,
        %mul3A_672 = arith.mulf %get3A_668, %get3A_671 : vector<16xf32>
        %add3A_673 = arith.addf %add3A_665, %mul3A_672 : vector<16xf32>
        %get3A_674 = arith.index_cast %add3A_631 : i32 to index
        %get3A_675 = arith.constant 80 : index
        %get3A_676 = tpu.vector_load %arg9[%get3A_674, %get3A_675] {strides = array<i32>} : memref<256x128xf32, #tpu.memory_space<vmem>>, vector<16xf32>,
        %get3A_677 = arith.index_cast %add3A_631 : i32 to index
        %get3A_678 = arith.constant 80 : index
        %get3A_679 = tpu.vector_load %arg10[%get3A_677, %get3A_678] {strides = array<i32>} : memref<256x128xf32, #tpu.memory_space<vmem>>, vector<16xf32>,
        %mul3A_680 = arith.mulf %get3A_676, %get3A_679 : vector<16xf32>
        %add3A_681 = arith.addf %add3A_673, %mul3A_680 : vector<16xf32>
        %get3A_682 = arith.index_cast %add3A_631 : i32 to index
        %get3A_683 = arith.constant 96 : index
        %get3A_684 = tpu.vector_load %arg9[%get3A_682, %get3A_683] {strides = array<i32>} : memref<256x128xf32, #tpu.memory_space<vmem>>, vector<16xf32>,
        %get3A_685 = arith.index_cast %add3A_631 : i32 to index
        %get3A_686 = arith.constant 96 : index
        %get3A_687 = tpu.vector_load %arg10[%get3A_685, %get3A_686] {strides = array<i32>} : memref<256x128xf32, #tpu.memory_space<vmem>>, vector<16xf32>,
        %mul3A_688 = arith.mulf %get3A_684, %get3A_687 : vector<16xf32>
        %add3A_689 = arith.addf %add3A_681, %mul3A_688 : vector<16xf32>
        %get3A_690 = arith.index_cast %add3A_631 : i32 to index
        %get3A_691 = arith.constant 112 : index
        %get3A_692 = tpu.vector_load %arg9[%get3A_690, %get3A_691] {strides = array<i32>} : memref<256x128xf32, #tpu.memory_space<vmem>>, vector<16xf32>,
        %get3A_693 = arith.index_cast %add3A_631 : i32 to index
        %get3A_694 = arith.constant 112 : index
        %get3A_695 = tpu.vector_load %arg10[%get3A_693, %get3A_694] {strides = array<i32>} : memref<256x128xf32, #tpu.memory_space<vmem>>, vector<16xf32>,
        %mul3A_696 = arith.mulf %get3A_692, %get3A_695 : vector<16xf32>
        %add3A_697 = arith.addf %add3A_689, %mul3A_696 : vector<16xf32>
        %reduce_sum3A_698 = arith.constant true
        %reduce_sum3A_699 = vector.broadcast %reduce_sum3A_698 : i1 to vector<16xi1>
        %reduce_sum3A_700 = tpu.scan <sum>, %add3A_697 masked %reduce_sum3A_699 : vector<16xf32>, vector<16xi1> -> vector<16xf32>
        %reduce_sum3A_701 = vector.extract %reduce_sum3A_700[15] : f32 from vector<16xf32>
        %eq3A_702 = arith.constant 6 : i32
        %eq3A_703 = vector.broadcast %eq3A_702 : i32 to vector<16xi32>
        %eq3A_704 = arith.cmpi eq, %iota3A, %eq3A_703 : vector<16xi32>
        %broadcast_in_dim3A_705 = vector.broadcast %reduce_sum3A_701 : f32 to vector<16xf32>
        %select_n3A_706 = arith.select %eq3A_704, %broadcast_in_dim3A_705, %select_n3A_629 : vector<16xi1>, vector<16xf32>
        %add3A_707 = arith.constant 7 : i32
        %add3A_708 = arith.addi %mul3A_169, %add3A_707 : i32
        %broadcast_in_dim3A_709 = arith.constant 0.000000e+00 : f32
        %broadcast_in_dim3A_710 = vector.broadcast %broadcast_in_dim3A_709 : f32 to vector<16xf32>
        %get3A_711 = arith.index_cast %add3A_708 : i32 to index
        %get3A_712 = arith.constant 0 : index
        %get3A_713 = tpu.vector_load %arg9[%get3A_711, %get3A_712] {strides = array<i32>} : memref<256x128xf32, #tpu.memory_space<vmem>>, vector<16xf32>,
        %get3A_714 = arith.index_cast %add3A_708 : i32 to index
        %get3A_715 = arith.constant 0 : index
        %get3A_716 = tpu.vector_load %arg10[%get3A_714, %get3A_715] {strides = array<i32>} : memref<256x128xf32, #tpu.memory_space<vmem>>, vector<16xf32>,
        %mul3A_717 = arith.mulf %get3A_713, %get3A_716 : vector<16xf32>
        %add3A_718 = arith.addf %broadcast_in_dim3A_710, %mul3A_717 : vector<16xf32>
        %get3A_719 = arith.index_cast %add3A_708 : i32 to index
        %get3A_720 = arith.constant 16 : index
        %get3A_721 = tpu.vector_load %arg9[%get3A_719, %get3A_720] {strides = array<i32>} : memref<256x128xf32, #tpu.memory_space<vmem>>, vector<16xf32>,
        %get3A_722 = arith.index_cast %add3A_708 : i32 to index
        %get3A_723 = arith.constant 16 : index
        %get3A_724 = tpu.vector_load %arg10[%get3A_722, %get3A_723] {strides = array<i32>} : memref<256x128xf32, #tpu.memory_space<vmem>>, vector<16xf32>,
        %mul3A_725 = arith.mulf %get3A_721, %get3A_724 : vector<16xf32>
        %add3A_726 = arith.addf %add3A_718, %mul3A_725 : vector<16xf32>
        %get3A_727 = arith.index_cast %add3A_708 : i32 to index
        %get3A_728 = arith.constant 32 : index
        %get3A_729 = tpu.vector_load %arg9[%get3A_727, %get3A_728] {strides = array<i32>} : memref<256x128xf32, #tpu.memory_space<vmem>>, vector<16xf32>,
        %get3A_730 = arith.index_cast %add3A_708 : i32 to index
        %get3A_731 = arith.constant 32 : index
        %get3A_732 = tpu.vector_load %arg10[%get3A_730, %get3A_731] {strides = array<i32>} : memref<256x128xf32, #tpu.memory_space<vmem>>, vector<16xf32>,
        %mul3A_733 = arith.mulf %get3A_729, %get3A_732 : vector<16xf32>
        %add3A_734 = arith.addf %add3A_726, %mul3A_733 : vector<16xf32>
        %get3A_735 = arith.index_cast %add3A_708 : i32 to index
        %get3A_736 = arith.constant 48 : index
        %get3A_737 = tpu.vector_load %arg9[%get3A_735, %get3A_736] {strides = array<i32>} : memref<256x128xf32, #tpu.memory_space<vmem>>, vector<16xf32>,
        %get3A_738 = arith.index_cast %add3A_708 : i32 to index
        %get3A_739 = arith.constant 48 : index
        %get3A_740 = tpu.vector_load %arg10[%get3A_738, %get3A_739] {strides = array<i32>} : memref<256x128xf32, #tpu.memory_space<vmem>>, vector<16xf32>,
        %mul3A_741 = arith.mulf %get3A_737, %get3A_740 : vector<16xf32>
        %add3A_742 = arith.addf %add3A_734, %mul3A_741 : vector<16xf32>
        %get3A_743 = arith.index_cast %add3A_708 : i32 to index
        %get3A_744 = arith.constant 64 : index
        %get3A_745 = tpu.vector_load %arg9[%get3A_743, %get3A_744] {strides = array<i32>} : memref<256x128xf32, #tpu.memory_space<vmem>>, vector<16xf32>,
        %get3A_746 = arith.index_cast %add3A_708 : i32 to index
        %get3A_747 = arith.constant 64 : index
        %get3A_748 = tpu.vector_load %arg10[%get3A_746, %get3A_747] {strides = array<i32>} : memref<256x128xf32, #tpu.memory_space<vmem>>, vector<16xf32>,
        %mul3A_749 = arith.mulf %get3A_745, %get3A_748 : vector<16xf32>
        %add3A_750 = arith.addf %add3A_742, %mul3A_749 : vector<16xf32>
        %get3A_751 = arith.index_cast %add3A_708 : i32 to index
        %get3A_752 = arith.constant 80 : index
        %get3A_753 = tpu.vector_load %arg9[%get3A_751, %get3A_752] {strides = array<i32>} : memref<256x128xf32, #tpu.memory_space<vmem>>, vector<16xf32>,
        %get3A_754 = arith.index_cast %add3A_708 : i32 to index
        %get3A_755 = arith.constant 80 : index
        %get3A_756 = tpu.vector_load %arg10[%get3A_754, %get3A_755] {strides = array<i32>} : memref<256x128xf32, #tpu.memory_space<vmem>>, vector<16xf32>,
        %mul3A_757 = arith.mulf %get3A_753, %get3A_756 : vector<16xf32>
        %add3A_758 = arith.addf %add3A_750, %mul3A_757 : vector<16xf32>
        %get3A_759 = arith.index_cast %add3A_708 : i32 to index
        %get3A_760 = arith.constant 96 : index
        %get3A_761 = tpu.vector_load %arg9[%get3A_759, %get3A_760] {strides = array<i32>} : memref<256x128xf32, #tpu.memory_space<vmem>>, vector<16xf32>,
        %get3A_762 = arith.index_cast %add3A_708 : i32 to index
        %get3A_763 = arith.constant 96 : index
        %get3A_764 = tpu.vector_load %arg10[%get3A_762, %get3A_763] {strides = array<i32>} : memref<256x128xf32, #tpu.memory_space<vmem>>, vector<16xf32>,
        %mul3A_765 = arith.mulf %get3A_761, %get3A_764 : vector<16xf32>
        %add3A_766 = arith.addf %add3A_758, %mul3A_765 : vector<16xf32>
        %get3A_767 = arith.index_cast %add3A_708 : i32 to index
        %get3A_768 = arith.constant 112 : index
        %get3A_769 = tpu.vector_load %arg9[%get3A_767, %get3A_768] {strides = array<i32>} : memref<256x128xf32, #tpu.memory_space<vmem>>, vector<16xf32>,
        %get3A_770 = arith.index_cast %add3A_708 : i32 to index
        %get3A_771 = arith.constant 112 : index
        %get3A_772 = tpu.vector_load %arg10[%get3A_770, %get3A_771] {strides = array<i32>} : memref<256x128xf32, #tpu.memory_space<vmem>>, vector<16xf32>,
        %mul3A_773 = arith.mulf %get3A_769, %get3A_772 : vector<16xf32>
        %add3A_774 = arith.addf %add3A_766, %mul3A_773 : vector<16xf32>
        %reduce_sum3A_775 = arith.constant true
        %reduce_sum3A_776 = vector.broadcast %reduce_sum3A_775 : i1 to vector<16xi1>
        %reduce_sum3A_777 = tpu.scan <sum>, %add3A_774 masked %reduce_sum3A_776 : vector<16xf32>, vector<16xi1> -> vector<16xf32>
        %reduce_sum3A_778 = vector.extract %reduce_sum3A_777[15] : f32 from vector<16xf32>
        %eq3A_779 = arith.constant 7 : i32
        %eq3A_780 = vector.broadcast %eq3A_779 : i32 to vector<16xi32>
        %eq3A_781 = arith.cmpi eq, %iota3A, %eq3A_780 : vector<16xi32>
        %broadcast_in_dim3A_782 = vector.broadcast %reduce_sum3A_778 : f32 to vector<16xf32>
        %select_n3A_783 = arith.select %eq3A_781, %broadcast_in_dim3A_782, %select_n3A_706 : vector<16xi1>, vector<16xf32>
        %add3A_784 = arith.constant 8 : i32
        %add3A_785 = arith.addi %mul3A_169, %add3A_784 : i32
        %broadcast_in_dim3A_786 = arith.constant 0.000000e+00 : f32
        %broadcast_in_dim3A_787 = vector.broadcast %broadcast_in_dim3A_786 : f32 to vector<16xf32>
        %get3A_788 = arith.index_cast %add3A_785 : i32 to index
        %get3A_789 = arith.constant 0 : index
        %get3A_790 = tpu.vector_load %arg9[%get3A_788, %get3A_789] {strides = array<i32>} : memref<256x128xf32, #tpu.memory_space<vmem>>, vector<16xf32>,
        %get3A_791 = arith.index_cast %add3A_785 : i32 to index
        %get3A_792 = arith.constant 0 : index
        %get3A_793 = tpu.vector_load %arg10[%get3A_791, %get3A_792] {strides = array<i32>} : memref<256x128xf32, #tpu.memory_space<vmem>>, vector<16xf32>,
        %mul3A_794 = arith.mulf %get3A_790, %get3A_793 : vector<16xf32>
        %add3A_795 = arith.addf %broadcast_in_dim3A_787, %mul3A_794 : vector<16xf32>
        %get3A_796 = arith.index_cast %add3A_785 : i32 to index
        %get3A_797 = arith.constant 16 : index
        %get3A_798 = tpu.vector_load %arg9[%get3A_796, %get3A_797] {strides = array<i32>} : memref<256x128xf32, #tpu.memory_space<vmem>>, vector<16xf32>,
        %get3A_799 = arith.index_cast %add3A_785 : i32 to index
        %get3A_800 = arith.constant 16 : index
        %get3A_801 = tpu.vector_load %arg10[%get3A_799, %get3A_800] {strides = array<i32>} : memref<256x128xf32, #tpu.memory_space<vmem>>, vector<16xf32>,
        %mul3A_802 = arith.mulf %get3A_798, %get3A_801 : vector<16xf32>
        %add3A_803 = arith.addf %add3A_795, %mul3A_802 : vector<16xf32>
        %get3A_804 = arith.index_cast %add3A_785 : i32 to index
        %get3A_805 = arith.constant 32 : index
        %get3A_806 = tpu.vector_load %arg9[%get3A_804, %get3A_805] {strides = array<i32>} : memref<256x128xf32, #tpu.memory_space<vmem>>, vector<16xf32>,
        %get3A_807 = arith.index_cast %add3A_785 : i32 to index
        %get3A_808 = arith.constant 32 : index
        %get3A_809 = tpu.vector_load %arg10[%get3A_807, %get3A_808] {strides = array<i32>} : memref<256x128xf32, #tpu.memory_space<vmem>>, vector<16xf32>,
        %mul3A_810 = arith.mulf %get3A_806, %get3A_809 : vector<16xf32>
        %add3A_811 = arith.addf %add3A_803, %mul3A_810 : vector<16xf32>
        %get3A_812 = arith.index_cast %add3A_785 : i32 to index
        %get3A_813 = arith.constant 48 : index
        %get3A_814 = tpu.vector_load %arg9[%get3A_812, %get3A_813] {strides = array<i32>} : memref<256x128xf32, #tpu.memory_space<vmem>>, vector<16xf32>,
        %get3A_815 = arith.index_cast %add3A_785 : i32 to index
        %get3A_816 = arith.constant 48 : index
        %get3A_817 = tpu.vector_load %arg10[%get3A_815, %get3A_816] {strides = array<i32>} : memref<256x128xf32, #tpu.memory_space<vmem>>, vector<16xf32>,
        %mul3A_818 = arith.mulf %get3A_814, %get3A_817 : vector<16xf32>
        %add3A_819 = arith.addf %add3A_811, %mul3A_818 : vector<16xf32>
        %get3A_820 = arith.index_cast %add3A_785 : i32 to index
        %get3A_821 = arith.constant 64 : index
        %get3A_822 = tpu.vector_load %arg9[%get3A_820, %get3A_821] {strides = array<i32>} : memref<256x128xf32, #tpu.memory_space<vmem>>, vector<16xf32>,
        %get3A_823 = arith.index_cast %add3A_785 : i32 to index
        %get3A_824 = arith.constant 64 : index
        %get3A_825 = tpu.vector_load %arg10[%get3A_823, %get3A_824] {strides = array<i32>} : memref<256x128xf32, #tpu.memory_space<vmem>>, vector<16xf32>,
        %mul3A_826 = arith.mulf %get3A_822, %get3A_825 : vector<16xf32>
        %add3A_827 = arith.addf %add3A_819, %mul3A_826 : vector<16xf32>
        %get3A_828 = arith.index_cast %add3A_785 : i32 to index
        %get3A_829 = arith.constant 80 : index
        %get3A_830 = tpu.vector_load %arg9[%get3A_828, %get3A_829] {strides = array<i32>} : memref<256x128xf32, #tpu.memory_space<vmem>>, vector<16xf32>,
        %get3A_831 = arith.index_cast %add3A_785 : i32 to index
        %get3A_832 = arith.constant 80 : index
        %get3A_833 = tpu.vector_load %arg10[%get3A_831, %get3A_832] {strides = array<i32>} : memref<256x128xf32, #tpu.memory_space<vmem>>, vector<16xf32>,
        %mul3A_834 = arith.mulf %get3A_830, %get3A_833 : vector<16xf32>
        %add3A_835 = arith.addf %add3A_827, %mul3A_834 : vector<16xf32>
        %get3A_836 = arith.index_cast %add3A_785 : i32 to index
        %get3A_837 = arith.constant 96 : index
        %get3A_838 = tpu.vector_load %arg9[%get3A_836, %get3A_837] {strides = array<i32>} : memref<256x128xf32, #tpu.memory_space<vmem>>, vector<16xf32>,
        %get3A_839 = arith.index_cast %add3A_785 : i32 to index
        %get3A_840 = arith.constant 96 : index
        %get3A_841 = tpu.vector_load %arg10[%get3A_839, %get3A_840] {strides = array<i32>} : memref<256x128xf32, #tpu.memory_space<vmem>>, vector<16xf32>,
        %mul3A_842 = arith.mulf %get3A_838, %get3A_841 : vector<16xf32>
        %add3A_843 = arith.addf %add3A_835, %mul3A_842 : vector<16xf32>
        %get3A_844 = arith.index_cast %add3A_785 : i32 to index
        %get3A_845 = arith.constant 112 : index
        %get3A_846 = tpu.vector_load %arg9[%get3A_844, %get3A_845] {strides = array<i32>} : memref<256x128xf32, #tpu.memory_space<vmem>>, vector<16xf32>,
        %get3A_847 = arith.index_cast %add3A_785 : i32 to index
        %get3A_848 = arith.constant 112 : index
        %get3A_849 = tpu.vector_load %arg10[%get3A_847, %get3A_848] {strides = array<i32>} : memref<256x128xf32, #tpu.memory_space<vmem>>, vector<16xf32>,
        %mul3A_850 = arith.mulf %get3A_846, %get3A_849 : vector<16xf32>
        %add3A_851 = arith.addf %add3A_843, %mul3A_850 : vector<16xf32>
        %reduce_sum3A_852 = arith.constant true
        %reduce_sum3A_853 = vector.broadcast %reduce_sum3A_852 : i1 to vector<16xi1>
        %reduce_sum3A_854 = tpu.scan <sum>, %add3A_851 masked %reduce_sum3A_853 : vector<16xf32>, vector<16xi1> -> vector<16xf32>
        %reduce_sum3A_855 = vector.extract %reduce_sum3A_854[15] : f32 from vector<16xf32>
        %eq3A_856 = arith.constant 8 : i32
        %eq3A_857 = vector.broadcast %eq3A_856 : i32 to vector<16xi32>
        %eq3A_858 = arith.cmpi eq, %iota3A, %eq3A_857 : vector<16xi32>
        %broadcast_in_dim3A_859 = vector.broadcast %reduce_sum3A_855 : f32 to vector<16xf32>
        %select_n3A_860 = arith.select %eq3A_858, %broadcast_in_dim3A_859, %select_n3A_783 : vector<16xi1>, vector<16xf32>
        %add3A_861 = arith.constant 9 : i32
        %add3A_862 = arith.addi %mul3A_169, %add3A_861 : i32
        %broadcast_in_dim3A_863 = arith.constant 0.000000e+00 : f32
        %broadcast_in_dim3A_864 = vector.broadcast %broadcast_in_dim3A_863 : f32 to vector<16xf32>
        %get3A_865 = arith.index_cast %add3A_862 : i32 to index
        %get3A_866 = arith.constant 0 : index
        %get3A_867 = tpu.vector_load %arg9[%get3A_865, %get3A_866] {strides = array<i32>} : memref<256x128xf32, #tpu.memory_space<vmem>>, vector<16xf32>,
        %get3A_868 = arith.index_cast %add3A_862 : i32 to index
        %get3A_869 = arith.constant 0 : index
        %get3A_870 = tpu.vector_load %arg10[%get3A_868, %get3A_869] {strides = array<i32>} : memref<256x128xf32, #tpu.memory_space<vmem>>, vector<16xf32>,
        %mul3A_871 = arith.mulf %get3A_867, %get3A_870 : vector<16xf32>
        %add3A_872 = arith.addf %broadcast_in_dim3A_864, %mul3A_871 : vector<16xf32>
        %get3A_873 = arith.index_cast %add3A_862 : i32 to index
        %get3A_874 = arith.constant 16 : index
        %get3A_875 = tpu.vector_load %arg9[%get3A_873, %get3A_874] {strides = array<i32>} : memref<256x128xf32, #tpu.memory_space<vmem>>, vector<16xf32>,
        %get3A_876 = arith.index_cast %add3A_862 : i32 to index
        %get3A_877 = arith.constant 16 : index
        %get3A_878 = tpu.vector_load %arg10[%get3A_876, %get3A_877] {strides = array<i32>} : memref<256x128xf32, #tpu.memory_space<vmem>>, vector<16xf32>,
        %mul3A_879 = arith.mulf %get3A_875, %get3A_878 : vector<16xf32>
        %add3A_880 = arith.addf %add3A_872, %mul3A_879 : vector<16xf32>
        %get3A_881 = arith.index_cast %add3A_862 : i32 to index
        %get3A_882 = arith.constant 32 : index
        %get3A_883 = tpu.vector_load %arg9[%get3A_881, %get3A_882] {strides = array<i32>} : memref<256x128xf32, #tpu.memory_space<vmem>>, vector<16xf32>,
        %get3A_884 = arith.index_cast %add3A_862 : i32 to index
        %get3A_885 = arith.constant 32 : index
        %get3A_886 = tpu.vector_load %arg10[%get3A_884, %get3A_885] {strides = array<i32>} : memref<256x128xf32, #tpu.memory_space<vmem>>, vector<16xf32>,
        %mul3A_887 = arith.mulf %get3A_883, %get3A_886 : vector<16xf32>
        %add3A_888 = arith.addf %add3A_880, %mul3A_887 : vector<16xf32>
        %get3A_889 = arith.index_cast %add3A_862 : i32 to index
        %get3A_890 = arith.constant 48 : index
        %get3A_891 = tpu.vector_load %arg9[%get3A_889, %get3A_890] {strides = array<i32>} : memref<256x128xf32, #tpu.memory_space<vmem>>, vector<16xf32>,
        %get3A_892 = arith.index_cast %add3A_862 : i32 to index
        %get3A_893 = arith.constant 48 : index
        %get3A_894 = tpu.vector_load %arg10[%get3A_892, %get3A_893] {strides = array<i32>} : memref<256x128xf32, #tpu.memory_space<vmem>>, vector<16xf32>,
        %mul3A_895 = arith.mulf %get3A_891, %get3A_894 : vector<16xf32>
        %add3A_896 = arith.addf %add3A_888, %mul3A_895 : vector<16xf32>
        %get3A_897 = arith.index_cast %add3A_862 : i32 to index
        %get3A_898 = arith.constant 64 : index
        %get3A_899 = tpu.vector_load %arg9[%get3A_897, %get3A_898] {strides = array<i32>} : memref<256x128xf32, #tpu.memory_space<vmem>>, vector<16xf32>,
        %get3A_900 = arith.index_cast %add3A_862 : i32 to index
        %get3A_901 = arith.constant 64 : index
        %get3A_902 = tpu.vector_load %arg10[%get3A_900, %get3A_901] {strides = array<i32>} : memref<256x128xf32, #tpu.memory_space<vmem>>, vector<16xf32>,
        %mul3A_903 = arith.mulf %get3A_899, %get3A_902 : vector<16xf32>
        %add3A_904 = arith.addf %add3A_896, %mul3A_903 : vector<16xf32>
        %get3A_905 = arith.index_cast %add3A_862 : i32 to index
        %get3A_906 = arith.constant 80 : index
        %get3A_907 = tpu.vector_load %arg9[%get3A_905, %get3A_906] {strides = array<i32>} : memref<256x128xf32, #tpu.memory_space<vmem>>, vector<16xf32>,
        %get3A_908 = arith.index_cast %add3A_862 : i32 to index
        %get3A_909 = arith.constant 80 : index
        %get3A_910 = tpu.vector_load %arg10[%get3A_908, %get3A_909] {strides = array<i32>} : memref<256x128xf32, #tpu.memory_space<vmem>>, vector<16xf32>,
        %mul3A_911 = arith.mulf %get3A_907, %get3A_910 : vector<16xf32>
        %add3A_912 = arith.addf %add3A_904, %mul3A_911 : vector<16xf32>
        %get3A_913 = arith.index_cast %add3A_862 : i32 to index
        %get3A_914 = arith.constant 96 : index
        %get3A_915 = tpu.vector_load %arg9[%get3A_913, %get3A_914] {strides = array<i32>} : memref<256x128xf32, #tpu.memory_space<vmem>>, vector<16xf32>,
        %get3A_916 = arith.index_cast %add3A_862 : i32 to index
        %get3A_917 = arith.constant 96 : index
        %get3A_918 = tpu.vector_load %arg10[%get3A_916, %get3A_917] {strides = array<i32>} : memref<256x128xf32, #tpu.memory_space<vmem>>, vector<16xf32>,
        %mul3A_919 = arith.mulf %get3A_915, %get3A_918 : vector<16xf32>
        %add3A_920 = arith.addf %add3A_912, %mul3A_919 : vector<16xf32>
        %get3A_921 = arith.index_cast %add3A_862 : i32 to index
        %get3A_922 = arith.constant 112 : index
        %get3A_923 = tpu.vector_load %arg9[%get3A_921, %get3A_922] {strides = array<i32>} : memref<256x128xf32, #tpu.memory_space<vmem>>, vector<16xf32>,
        %get3A_924 = arith.index_cast %add3A_862 : i32 to index
        %get3A_925 = arith.constant 112 : index
        %get3A_926 = tpu.vector_load %arg10[%get3A_924, %get3A_925] {strides = array<i32>} : memref<256x128xf32, #tpu.memory_space<vmem>>, vector<16xf32>,
        %mul3A_927 = arith.mulf %get3A_923, %get3A_926 : vector<16xf32>
        %add3A_928 = arith.addf %add3A_920, %mul3A_927 : vector<16xf32>
        %reduce_sum3A_929 = arith.constant true
        %reduce_sum3A_930 = vector.broadcast %reduce_sum3A_929 : i1 to vector<16xi1>
        %reduce_sum3A_931 = tpu.scan <sum>, %add3A_928 masked %reduce_sum3A_930 : vector<16xf32>, vector<16xi1> -> vector<16xf32>
        %reduce_sum3A_932 = vector.extract %reduce_sum3A_931[15] : f32 from vector<16xf32>
        %eq3A_933 = arith.constant 9 : i32
        %eq3A_934 = vector.broadcast %eq3A_933 : i32 to vector<16xi32>
        %eq3A_935 = arith.cmpi eq, %iota3A, %eq3A_934 : vector<16xi32>
        %broadcast_in_dim3A_936 = vector.broadcast %reduce_sum3A_932 : f32 to vector<16xf32>
        %select_n3A_937 = arith.select %eq3A_935, %broadcast_in_dim3A_936, %select_n3A_860 : vector<16xi1>, vector<16xf32>
        %add3A_938 = arith.constant 10 : i32
        %add3A_939 = arith.addi %mul3A_169, %add3A_938 : i32
        %broadcast_in_dim3A_940 = arith.constant 0.000000e+00 : f32
        %broadcast_in_dim3A_941 = vector.broadcast %broadcast_in_dim3A_940 : f32 to vector<16xf32>
        %get3A_942 = arith.index_cast %add3A_939 : i32 to index
        %get3A_943 = arith.constant 0 : index
        %get3A_944 = tpu.vector_load %arg9[%get3A_942, %get3A_943] {strides = array<i32>} : memref<256x128xf32, #tpu.memory_space<vmem>>, vector<16xf32>,
        %get3A_945 = arith.index_cast %add3A_939 : i32 to index
        %get3A_946 = arith.constant 0 : index
        %get3A_947 = tpu.vector_load %arg10[%get3A_945, %get3A_946] {strides = array<i32>} : memref<256x128xf32, #tpu.memory_space<vmem>>, vector<16xf32>,
        %mul3A_948 = arith.mulf %get3A_944, %get3A_947 : vector<16xf32>
        %add3A_949 = arith.addf %broadcast_in_dim3A_941, %mul3A_948 : vector<16xf32>
        %get3A_950 = arith.index_cast %add3A_939 : i32 to index
        %get3A_951 = arith.constant 16 : index
        %get3A_952 = tpu.vector_load %arg9[%get3A_950, %get3A_951] {strides = array<i32>} : memref<256x128xf32, #tpu.memory_space<vmem>>, vector<16xf32>,
        %get3A_953 = arith.index_cast %add3A_939 : i32 to index
        %get3A_954 = arith.constant 16 : index
        %get3A_955 = tpu.vector_load %arg10[%get3A_953, %get3A_954] {strides = array<i32>} : memref<256x128xf32, #tpu.memory_space<vmem>>, vector<16xf32>,
        %mul3A_956 = arith.mulf %get3A_952, %get3A_955 : vector<16xf32>
        %add3A_957 = arith.addf %add3A_949, %mul3A_956 : vector<16xf32>
        %get3A_958 = arith.index_cast %add3A_939 : i32 to index
        %get3A_959 = arith.constant 32 : index
        %get3A_960 = tpu.vector_load %arg9[%get3A_958, %get3A_959] {strides = array<i32>} : memref<256x128xf32, #tpu.memory_space<vmem>>, vector<16xf32>,
        %get3A_961 = arith.index_cast %add3A_939 : i32 to index
        %get3A_962 = arith.constant 32 : index
        %get3A_963 = tpu.vector_load %arg10[%get3A_961, %get3A_962] {strides = array<i32>} : memref<256x128xf32, #tpu.memory_space<vmem>>, vector<16xf32>,
        %mul3A_964 = arith.mulf %get3A_960, %get3A_963 : vector<16xf32>
        %add3A_965 = arith.addf %add3A_957, %mul3A_964 : vector<16xf32>
        %get3A_966 = arith.index_cast %add3A_939 : i32 to index
        %get3A_967 = arith.constant 48 : index
        %get3A_968 = tpu.vector_load %arg9[%get3A_966, %get3A_967] {strides = array<i32>} : memref<256x128xf32, #tpu.memory_space<vmem>>, vector<16xf32>,
        %get3A_969 = arith.index_cast %add3A_939 : i32 to index
        %get3A_970 = arith.constant 48 : index
        %get3A_971 = tpu.vector_load %arg10[%get3A_969, %get3A_970] {strides = array<i32>} : memref<256x128xf32, #tpu.memory_space<vmem>>, vector<16xf32>,
        %mul3A_972 = arith.mulf %get3A_968, %get3A_971 : vector<16xf32>
        %add3A_973 = arith.addf %add3A_965, %mul3A_972 : vector<16xf32>
        %get3A_974 = arith.index_cast %add3A_939 : i32 to index
        %get3A_975 = arith.constant 64 : index
        %get3A_976 = tpu.vector_load %arg9[%get3A_974, %get3A_975] {strides = array<i32>} : memref<256x128xf32, #tpu.memory_space<vmem>>, vector<16xf32>,
        %get3A_977 = arith.index_cast %add3A_939 : i32 to index
        %get3A_978 = arith.constant 64 : index
        %get3A_979 = tpu.vector_load %arg10[%get3A_977, %get3A_978] {strides = array<i32>} : memref<256x128xf32, #tpu.memory_space<vmem>>, vector<16xf32>,
        %mul3A_980 = arith.mulf %get3A_976, %get3A_979 : vector<16xf32>
        %add3A_981 = arith.addf %add3A_973, %mul3A_980 : vector<16xf32>
        %get3A_982 = arith.index_cast %add3A_939 : i32 to index
        %get3A_983 = arith.constant 80 : index
        %get3A_984 = tpu.vector_load %arg9[%get3A_982, %get3A_983] {strides = array<i32>} : memref<256x128xf32, #tpu.memory_space<vmem>>, vector<16xf32>,
        %get3A_985 = arith.index_cast %add3A_939 : i32 to index
        %get3A_986 = arith.constant 80 : index
        %get3A_987 = tpu.vector_load %arg10[%get3A_985, %get3A_986] {strides = array<i32>} : memref<256x128xf32, #tpu.memory_space<vmem>>, vector<16xf32>,
        %mul3A_988 = arith.mulf %get3A_984, %get3A_987 : vector<16xf32>
        %add3A_989 = arith.addf %add3A_981, %mul3A_988 : vector<16xf32>
        %get3A_990 = arith.index_cast %add3A_939 : i32 to index
        %get3A_991 = arith.constant 96 : index
        %get3A_992 = tpu.vector_load %arg9[%get3A_990, %get3A_991] {strides = array<i32>} : memref<256x128xf32, #tpu.memory_space<vmem>>, vector<16xf32>,
        %get3A_993 = arith.index_cast %add3A_939 : i32 to index
        %get3A_994 = arith.constant 96 : index
        %get3A_995 = tpu.vector_load %arg10[%get3A_993, %get3A_994] {strides = array<i32>} : memref<256x128xf32, #tpu.memory_space<vmem>>, vector<16xf32>,
        %mul3A_996 = arith.mulf %get3A_992, %get3A_995 : vector<16xf32>
        %add3A_997 = arith.addf %add3A_989, %mul3A_996 : vector<16xf32>
        %get3A_998 = arith.index_cast %add3A_939 : i32 to index
        %get3A_999 = arith.constant 112 : index
        %get3A_1000 = tpu.vector_load %arg9[%get3A_998, %get3A_999] {strides = array<i32>} : memref<256x128xf32, #tpu.memory_space<vmem>>, vector<16xf32>,
        %get3A_1001 = arith.index_cast %add3A_939 : i32 to index
        %get3A_1002 = arith.constant 112 : index
        %get3A_1003 = tpu.vector_load %arg10[%get3A_1001, %get3A_1002] {strides = array<i32>} : memref<256x128xf32, #tpu.memory_space<vmem>>, vector<16xf32>,
        %mul3A_1004 = arith.mulf %get3A_1000, %get3A_1003 : vector<16xf32>
        %add3A_1005 = arith.addf %add3A_997, %mul3A_1004 : vector<16xf32>
        %reduce_sum3A_1006 = arith.constant true
        %reduce_sum3A_1007 = vector.broadcast %reduce_sum3A_1006 : i1 to vector<16xi1>
        %reduce_sum3A_1008 = tpu.scan <sum>, %add3A_1005 masked %reduce_sum3A_1007 : vector<16xf32>, vector<16xi1> -> vector<16xf32>
        %reduce_sum3A_1009 = vector.extract %reduce_sum3A_1008[15] : f32 from vector<16xf32>
        %eq3A_1010 = arith.constant 10 : i32
        %eq3A_1011 = vector.broadcast %eq3A_1010 : i32 to vector<16xi32>
        %eq3A_1012 = arith.cmpi eq, %iota3A, %eq3A_1011 : vector<16xi32>
        %broadcast_in_dim3A_1013 = vector.broadcast %reduce_sum3A_1009 : f32 to vector<16xf32>
        %select_n3A_1014 = arith.select %eq3A_1012, %broadcast_in_dim3A_1013, %select_n3A_937 : vector<16xi1>, vector<16xf32>
        %add3A_1015 = arith.constant 11 : i32
        %add3A_1016 = arith.addi %mul3A_169, %add3A_1015 : i32
        %broadcast_in_dim3A_1017 = arith.constant 0.000000e+00 : f32
        %broadcast_in_dim3A_1018 = vector.broadcast %broadcast_in_dim3A_1017 : f32 to vector<16xf32>
        %get3A_1019 = arith.index_cast %add3A_1016 : i32 to index
        %get3A_1020 = arith.constant 0 : index
        %get3A_1021 = tpu.vector_load %arg9[%get3A_1019, %get3A_1020] {strides = array<i32>} : memref<256x128xf32, #tpu.memory_space<vmem>>, vector<16xf32>,
        %get3A_1022 = arith.index_cast %add3A_1016 : i32 to index
        %get3A_1023 = arith.constant 0 : index
        %get3A_1024 = tpu.vector_load %arg10[%get3A_1022, %get3A_1023] {strides = array<i32>} : memref<256x128xf32, #tpu.memory_space<vmem>>, vector<16xf32>,
        %mul3A_1025 = arith.mulf %get3A_1021, %get3A_1024 : vector<16xf32>
        %add3A_1026 = arith.addf %broadcast_in_dim3A_1018, %mul3A_1025 : vector<16xf32>
        %get3A_1027 = arith.index_cast %add3A_1016 : i32 to index
        %get3A_1028 = arith.constant 16 : index
        %get3A_1029 = tpu.vector_load %arg9[%get3A_1027, %get3A_1028] {strides = array<i32>} : memref<256x128xf32, #tpu.memory_space<vmem>>, vector<16xf32>,
        %get3A_1030 = arith.index_cast %add3A_1016 : i32 to index
        %get3A_1031 = arith.constant 16 : index
        %get3A_1032 = tpu.vector_load %arg10[%get3A_1030, %get3A_1031] {strides = array<i32>} : memref<256x128xf32, #tpu.memory_space<vmem>>, vector<16xf32>,
        %mul3A_1033 = arith.mulf %get3A_1029, %get3A_1032 : vector<16xf32>
        %add3A_1034 = arith.addf %add3A_1026, %mul3A_1033 : vector<16xf32>
        %get3A_1035 = arith.index_cast %add3A_1016 : i32 to index
        %get3A_1036 = arith.constant 32 : index
        %get3A_1037 = tpu.vector_load %arg9[%get3A_1035, %get3A_1036] {strides = array<i32>} : memref<256x128xf32, #tpu.memory_space<vmem>>, vector<16xf32>,
        %get3A_1038 = arith.index_cast %add3A_1016 : i32 to index
        %get3A_1039 = arith.constant 32 : index
        %get3A_1040 = tpu.vector_load %arg10[%get3A_1038, %get3A_1039] {strides = array<i32>} : memref<256x128xf32, #tpu.memory_space<vmem>>, vector<16xf32>,
        %mul3A_1041 = arith.mulf %get3A_1037, %get3A_1040 : vector<16xf32>
        %add3A_1042 = arith.addf %add3A_1034, %mul3A_1041 : vector<16xf32>
        %get3A_1043 = arith.index_cast %add3A_1016 : i32 to index
        %get3A_1044 = arith.constant 48 : index
        %get3A_1045 = tpu.vector_load %arg9[%get3A_1043, %get3A_1044] {strides = array<i32>} : memref<256x128xf32, #tpu.memory_space<vmem>>, vector<16xf32>,
        %get3A_1046 = arith.index_cast %add3A_1016 : i32 to index
        %get3A_1047 = arith.constant 48 : index
        %get3A_1048 = tpu.vector_load %arg10[%get3A_1046, %get3A_1047] {strides = array<i32>} : memref<256x128xf32, #tpu.memory_space<vmem>>, vector<16xf32>,
        %mul3A_1049 = arith.mulf %get3A_1045, %get3A_1048 : vector<16xf32>
        %add3A_1050 = arith.addf %add3A_1042, %mul3A_1049 : vector<16xf32>
        %get3A_1051 = arith.index_cast %add3A_1016 : i32 to index
        %get3A_1052 = arith.constant 64 : index
        %get3A_1053 = tpu.vector_load %arg9[%get3A_1051, %get3A_1052] {strides = array<i32>} : memref<256x128xf32, #tpu.memory_space<vmem>>, vector<16xf32>,
        %get3A_1054 = arith.index_cast %add3A_1016 : i32 to index
        %get3A_1055 = arith.constant 64 : index
        %get3A_1056 = tpu.vector_load %arg10[%get3A_1054, %get3A_1055] {strides = array<i32>} : memref<256x128xf32, #tpu.memory_space<vmem>>, vector<16xf32>,
        %mul3A_1057 = arith.mulf %get3A_1053, %get3A_1056 : vector<16xf32>
        %add3A_1058 = arith.addf %add3A_1050, %mul3A_1057 : vector<16xf32>
        %get3A_1059 = arith.index_cast %add3A_1016 : i32 to index
        %get3A_1060 = arith.constant 80 : index
        %get3A_1061 = tpu.vector_load %arg9[%get3A_1059, %get3A_1060] {strides = array<i32>} : memref<256x128xf32, #tpu.memory_space<vmem>>, vector<16xf32>,
        %get3A_1062 = arith.index_cast %add3A_1016 : i32 to index
        %get3A_1063 = arith.constant 80 : index
        %get3A_1064 = tpu.vector_load %arg10[%get3A_1062, %get3A_1063] {strides = array<i32>} : memref<256x128xf32, #tpu.memory_space<vmem>>, vector<16xf32>,
        %mul3A_1065 = arith.mulf %get3A_1061, %get3A_1064 : vector<16xf32>
        %add3A_1066 = arith.addf %add3A_1058, %mul3A_1065 : vector<16xf32>
        %get3A_1067 = arith.index_cast %add3A_1016 : i32 to index
        %get3A_1068 = arith.constant 96 : index
        %get3A_1069 = tpu.vector_load %arg9[%get3A_1067, %get3A_1068] {strides = array<i32>} : memref<256x128xf32, #tpu.memory_space<vmem>>, vector<16xf32>,
        %get3A_1070 = arith.index_cast %add3A_1016 : i32 to index
        %get3A_1071 = arith.constant 96 : index
        %get3A_1072 = tpu.vector_load %arg10[%get3A_1070, %get3A_1071] {strides = array<i32>} : memref<256x128xf32, #tpu.memory_space<vmem>>, vector<16xf32>,
        %mul3A_1073 = arith.mulf %get3A_1069, %get3A_1072 : vector<16xf32>
        %add3A_1074 = arith.addf %add3A_1066, %mul3A_1073 : vector<16xf32>
        %get3A_1075 = arith.index_cast %add3A_1016 : i32 to index
        %get3A_1076 = arith.constant 112 : index
        %get3A_1077 = tpu.vector_load %arg9[%get3A_1075, %get3A_1076] {strides = array<i32>} : memref<256x128xf32, #tpu.memory_space<vmem>>, vector<16xf32>,
        %get3A_1078 = arith.index_cast %add3A_1016 : i32 to index
        %get3A_1079 = arith.constant 112 : index
        %get3A_1080 = tpu.vector_load %arg10[%get3A_1078, %get3A_1079] {strides = array<i32>} : memref<256x128xf32, #tpu.memory_space<vmem>>, vector<16xf32>,
        %mul3A_1081 = arith.mulf %get3A_1077, %get3A_1080 : vector<16xf32>
        %add3A_1082 = arith.addf %add3A_1074, %mul3A_1081 : vector<16xf32>
        %reduce_sum3A_1083 = arith.constant true
        %reduce_sum3A_1084 = vector.broadcast %reduce_sum3A_1083 : i1 to vector<16xi1>
        %reduce_sum3A_1085 = tpu.scan <sum>, %add3A_1082 masked %reduce_sum3A_1084 : vector<16xf32>, vector<16xi1> -> vector<16xf32>
        %reduce_sum3A_1086 = vector.extract %reduce_sum3A_1085[15] : f32 from vector<16xf32>
        %eq3A_1087 = arith.constant 11 : i32
        %eq3A_1088 = vector.broadcast %eq3A_1087 : i32 to vector<16xi32>
        %eq3A_1089 = arith.cmpi eq, %iota3A, %eq3A_1088 : vector<16xi32>
        %broadcast_in_dim3A_1090 = vector.broadcast %reduce_sum3A_1086 : f32 to vector<16xf32>
        %select_n3A_1091 = arith.select %eq3A_1089, %broadcast_in_dim3A_1090, %select_n3A_1014 : vector<16xi1>, vector<16xf32>
        %add3A_1092 = arith.constant 12 : i32
        %add3A_1093 = arith.addi %mul3A_169, %add3A_1092 : i32
        %broadcast_in_dim3A_1094 = arith.constant 0.000000e+00 : f32
        %broadcast_in_dim3A_1095 = vector.broadcast %broadcast_in_dim3A_1094 : f32 to vector<16xf32>
        %get3A_1096 = arith.index_cast %add3A_1093 : i32 to index
        %get3A_1097 = arith.constant 0 : index
        %get3A_1098 = tpu.vector_load %arg9[%get3A_1096, %get3A_1097] {strides = array<i32>} : memref<256x128xf32, #tpu.memory_space<vmem>>, vector<16xf32>,
        %get3A_1099 = arith.index_cast %add3A_1093 : i32 to index
        %get3A_1100 = arith.constant 0 : index
        %get3A_1101 = tpu.vector_load %arg10[%get3A_1099, %get3A_1100] {strides = array<i32>} : memref<256x128xf32, #tpu.memory_space<vmem>>, vector<16xf32>,
        %mul3A_1102 = arith.mulf %get3A_1098, %get3A_1101 : vector<16xf32>
        %add3A_1103 = arith.addf %broadcast_in_dim3A_1095, %mul3A_1102 : vector<16xf32>
        %get3A_1104 = arith.index_cast %add3A_1093 : i32 to index
        %get3A_1105 = arith.constant 16 : index
        %get3A_1106 = tpu.vector_load %arg9[%get3A_1104, %get3A_1105] {strides = array<i32>} : memref<256x128xf32, #tpu.memory_space<vmem>>, vector<16xf32>,
        %get3A_1107 = arith.index_cast %add3A_1093 : i32 to index
        %get3A_1108 = arith.constant 16 : index
        %get3A_1109 = tpu.vector_load %arg10[%get3A_1107, %get3A_1108] {strides = array<i32>} : memref<256x128xf32, #tpu.memory_space<vmem>>, vector<16xf32>,
        %mul3A_1110 = arith.mulf %get3A_1106, %get3A_1109 : vector<16xf32>
        %add3A_1111 = arith.addf %add3A_1103, %mul3A_1110 : vector<16xf32>
        %get3A_1112 = arith.index_cast %add3A_1093 : i32 to index
        %get3A_1113 = arith.constant 32 : index
        %get3A_1114 = tpu.vector_load %arg9[%get3A_1112, %get3A_1113] {strides = array<i32>} : memref<256x128xf32, #tpu.memory_space<vmem>>, vector<16xf32>,
        %get3A_1115 = arith.index_cast %add3A_1093 : i32 to index
        %get3A_1116 = arith.constant 32 : index
        %get3A_1117 = tpu.vector_load %arg10[%get3A_1115, %get3A_1116] {strides = array<i32>} : memref<256x128xf32, #tpu.memory_space<vmem>>, vector<16xf32>,
        %mul3A_1118 = arith.mulf %get3A_1114, %get3A_1117 : vector<16xf32>
        %add3A_1119 = arith.addf %add3A_1111, %mul3A_1118 : vector<16xf32>
        %get3A_1120 = arith.index_cast %add3A_1093 : i32 to index
        %get3A_1121 = arith.constant 48 : index
        %get3A_1122 = tpu.vector_load %arg9[%get3A_1120, %get3A_1121] {strides = array<i32>} : memref<256x128xf32, #tpu.memory_space<vmem>>, vector<16xf32>,
        %get3A_1123 = arith.index_cast %add3A_1093 : i32 to index
        %get3A_1124 = arith.constant 48 : index
        %get3A_1125 = tpu.vector_load %arg10[%get3A_1123, %get3A_1124] {strides = array<i32>} : memref<256x128xf32, #tpu.memory_space<vmem>>, vector<16xf32>,
        %mul3A_1126 = arith.mulf %get3A_1122, %get3A_1125 : vector<16xf32>
        %add3A_1127 = arith.addf %add3A_1119, %mul3A_1126 : vector<16xf32>
        %get3A_1128 = arith.index_cast %add3A_1093 : i32 to index
        %get3A_1129 = arith.constant 64 : index
        %get3A_1130 = tpu.vector_load %arg9[%get3A_1128, %get3A_1129] {strides = array<i32>} : memref<256x128xf32, #tpu.memory_space<vmem>>, vector<16xf32>,
        %get3A_1131 = arith.index_cast %add3A_1093 : i32 to index
        %get3A_1132 = arith.constant 64 : index
        %get3A_1133 = tpu.vector_load %arg10[%get3A_1131, %get3A_1132] {strides = array<i32>} : memref<256x128xf32, #tpu.memory_space<vmem>>, vector<16xf32>,
        %mul3A_1134 = arith.mulf %get3A_1130, %get3A_1133 : vector<16xf32>
        %add3A_1135 = arith.addf %add3A_1127, %mul3A_1134 : vector<16xf32>
        %get3A_1136 = arith.index_cast %add3A_1093 : i32 to index
        %get3A_1137 = arith.constant 80 : index
        %get3A_1138 = tpu.vector_load %arg9[%get3A_1136, %get3A_1137] {strides = array<i32>} : memref<256x128xf32, #tpu.memory_space<vmem>>, vector<16xf32>,
        %get3A_1139 = arith.index_cast %add3A_1093 : i32 to index
        %get3A_1140 = arith.constant 80 : index
        %get3A_1141 = tpu.vector_load %arg10[%get3A_1139, %get3A_1140] {strides = array<i32>} : memref<256x128xf32, #tpu.memory_space<vmem>>, vector<16xf32>,
        %mul3A_1142 = arith.mulf %get3A_1138, %get3A_1141 : vector<16xf32>
        %add3A_1143 = arith.addf %add3A_1135, %mul3A_1142 : vector<16xf32>
        %get3A_1144 = arith.index_cast %add3A_1093 : i32 to index
        %get3A_1145 = arith.constant 96 : index
        %get3A_1146 = tpu.vector_load %arg9[%get3A_1144, %get3A_1145] {strides = array<i32>} : memref<256x128xf32, #tpu.memory_space<vmem>>, vector<16xf32>,
        %get3A_1147 = arith.index_cast %add3A_1093 : i32 to index
        %get3A_1148 = arith.constant 96 : index
        %get3A_1149 = tpu.vector_load %arg10[%get3A_1147, %get3A_1148] {strides = array<i32>} : memref<256x128xf32, #tpu.memory_space<vmem>>, vector<16xf32>,
        %mul3A_1150 = arith.mulf %get3A_1146, %get3A_1149 : vector<16xf32>
        %add3A_1151 = arith.addf %add3A_1143, %mul3A_1150 : vector<16xf32>
        %get3A_1152 = arith.index_cast %add3A_1093 : i32 to index
        %get3A_1153 = arith.constant 112 : index
        %get3A_1154 = tpu.vector_load %arg9[%get3A_1152, %get3A_1153] {strides = array<i32>} : memref<256x128xf32, #tpu.memory_space<vmem>>, vector<16xf32>,
        %get3A_1155 = arith.index_cast %add3A_1093 : i32 to index
        %get3A_1156 = arith.constant 112 : index
        %get3A_1157 = tpu.vector_load %arg10[%get3A_1155, %get3A_1156] {strides = array<i32>} : memref<256x128xf32, #tpu.memory_space<vmem>>, vector<16xf32>,
        %mul3A_1158 = arith.mulf %get3A_1154, %get3A_1157 : vector<16xf32>
        %add3A_1159 = arith.addf %add3A_1151, %mul3A_1158 : vector<16xf32>
        %reduce_sum3A_1160 = arith.constant true
        %reduce_sum3A_1161 = vector.broadcast %reduce_sum3A_1160 : i1 to vector<16xi1>
        %reduce_sum3A_1162 = tpu.scan <sum>, %add3A_1159 masked %reduce_sum3A_1161 : vector<16xf32>, vector<16xi1> -> vector<16xf32>
        %reduce_sum3A_1163 = vector.extract %reduce_sum3A_1162[15] : f32 from vector<16xf32>
        %eq3A_1164 = arith.constant 12 : i32
        %eq3A_1165 = vector.broadcast %eq3A_1164 : i32 to vector<16xi32>
        %eq3A_1166 = arith.cmpi eq, %iota3A, %eq3A_1165 : vector<16xi32>
        %broadcast_in_dim3A_1167 = vector.broadcast %reduce_sum3A_1163 : f32 to vector<16xf32>
        %select_n3A_1168 = arith.select %eq3A_1166, %broadcast_in_dim3A_1167, %select_n3A_1091 : vector<16xi1>, vector<16xf32>
        %add3A_1169 = arith.constant 13 : i32
        %add3A_1170 = arith.addi %mul3A_169, %add3A_1169 : i32
        %broadcast_in_dim3A_1171 = arith.constant 0.000000e+00 : f32
        %broadcast_in_dim3A_1172 = vector.broadcast %broadcast_in_dim3A_1171 : f32 to vector<16xf32>
        %get3A_1173 = arith.index_cast %add3A_1170 : i32 to index
        %get3A_1174 = arith.constant 0 : index
        %get3A_1175 = tpu.vector_load %arg9[%get3A_1173, %get3A_1174] {strides = array<i32>} : memref<256x128xf32, #tpu.memory_space<vmem>>, vector<16xf32>,
        %get3A_1176 = arith.index_cast %add3A_1170 : i32 to index
        %get3A_1177 = arith.constant 0 : index
        %get3A_1178 = tpu.vector_load %arg10[%get3A_1176, %get3A_1177] {strides = array<i32>} : memref<256x128xf32, #tpu.memory_space<vmem>>, vector<16xf32>,
        %mul3A_1179 = arith.mulf %get3A_1175, %get3A_1178 : vector<16xf32>
        %add3A_1180 = arith.addf %broadcast_in_dim3A_1172, %mul3A_1179 : vector<16xf32>
        %get3A_1181 = arith.index_cast %add3A_1170 : i32 to index
        %get3A_1182 = arith.constant 16 : index
        %get3A_1183 = tpu.vector_load %arg9[%get3A_1181, %get3A_1182] {strides = array<i32>} : memref<256x128xf32, #tpu.memory_space<vmem>>, vector<16xf32>,
        %get3A_1184 = arith.index_cast %add3A_1170 : i32 to index
        %get3A_1185 = arith.constant 16 : index
        %get3A_1186 = tpu.vector_load %arg10[%get3A_1184, %get3A_1185] {strides = array<i32>} : memref<256x128xf32, #tpu.memory_space<vmem>>, vector<16xf32>,
        %mul3A_1187 = arith.mulf %get3A_1183, %get3A_1186 : vector<16xf32>
        %add3A_1188 = arith.addf %add3A_1180, %mul3A_1187 : vector<16xf32>
        %get3A_1189 = arith.index_cast %add3A_1170 : i32 to index
        %get3A_1190 = arith.constant 32 : index
        %get3A_1191 = tpu.vector_load %arg9[%get3A_1189, %get3A_1190] {strides = array<i32>} : memref<256x128xf32, #tpu.memory_space<vmem>>, vector<16xf32>,
        %get3A_1192 = arith.index_cast %add3A_1170 : i32 to index
        %get3A_1193 = arith.constant 32 : index
        %get3A_1194 = tpu.vector_load %arg10[%get3A_1192, %get3A_1193] {strides = array<i32>} : memref<256x128xf32, #tpu.memory_space<vmem>>, vector<16xf32>,
        %mul3A_1195 = arith.mulf %get3A_1191, %get3A_1194 : vector<16xf32>
        %add3A_1196 = arith.addf %add3A_1188, %mul3A_1195 : vector<16xf32>
        %get3A_1197 = arith.index_cast %add3A_1170 : i32 to index
        %get3A_1198 = arith.constant 48 : index
        %get3A_1199 = tpu.vector_load %arg9[%get3A_1197, %get3A_1198] {strides = array<i32>} : memref<256x128xf32, #tpu.memory_space<vmem>>, vector<16xf32>,
        %get3A_1200 = arith.index_cast %add3A_1170 : i32 to index
        %get3A_1201 = arith.constant 48 : index
        %get3A_1202 = tpu.vector_load %arg10[%get3A_1200, %get3A_1201] {strides = array<i32>} : memref<256x128xf32, #tpu.memory_space<vmem>>, vector<16xf32>,
        %mul3A_1203 = arith.mulf %get3A_1199, %get3A_1202 : vector<16xf32>
        %add3A_1204 = arith.addf %add3A_1196, %mul3A_1203 : vector<16xf32>
        %get3A_1205 = arith.index_cast %add3A_1170 : i32 to index
        %get3A_1206 = arith.constant 64 : index
        %get3A_1207 = tpu.vector_load %arg9[%get3A_1205, %get3A_1206] {strides = array<i32>} : memref<256x128xf32, #tpu.memory_space<vmem>>, vector<16xf32>,
        %get3A_1208 = arith.index_cast %add3A_1170 : i32 to index
        %get3A_1209 = arith.constant 64 : index
        %get3A_1210 = tpu.vector_load %arg10[%get3A_1208, %get3A_1209] {strides = array<i32>} : memref<256x128xf32, #tpu.memory_space<vmem>>, vector<16xf32>,
        %mul3A_1211 = arith.mulf %get3A_1207, %get3A_1210 : vector<16xf32>
        %add3A_1212 = arith.addf %add3A_1204, %mul3A_1211 : vector<16xf32>
        %get3A_1213 = arith.index_cast %add3A_1170 : i32 to index
        %get3A_1214 = arith.constant 80 : index
        %get3A_1215 = tpu.vector_load %arg9[%get3A_1213, %get3A_1214] {strides = array<i32>} : memref<256x128xf32, #tpu.memory_space<vmem>>, vector<16xf32>,
        %get3A_1216 = arith.index_cast %add3A_1170 : i32 to index
        %get3A_1217 = arith.constant 80 : index
        %get3A_1218 = tpu.vector_load %arg10[%get3A_1216, %get3A_1217] {strides = array<i32>} : memref<256x128xf32, #tpu.memory_space<vmem>>, vector<16xf32>,
        %mul3A_1219 = arith.mulf %get3A_1215, %get3A_1218 : vector<16xf32>
        %add3A_1220 = arith.addf %add3A_1212, %mul3A_1219 : vector<16xf32>
        %get3A_1221 = arith.index_cast %add3A_1170 : i32 to index
        %get3A_1222 = arith.constant 96 : index
        %get3A_1223 = tpu.vector_load %arg9[%get3A_1221, %get3A_1222] {strides = array<i32>} : memref<256x128xf32, #tpu.memory_space<vmem>>, vector<16xf32>,
        %get3A_1224 = arith.index_cast %add3A_1170 : i32 to index
        %get3A_1225 = arith.constant 96 : index
        %get3A_1226 = tpu.vector_load %arg10[%get3A_1224, %get3A_1225] {strides = array<i32>} : memref<256x128xf32, #tpu.memory_space<vmem>>, vector<16xf32>,
        %mul3A_1227 = arith.mulf %get3A_1223, %get3A_1226 : vector<16xf32>
        %add3A_1228 = arith.addf %add3A_1220, %mul3A_1227 : vector<16xf32>
        %get3A_1229 = arith.index_cast %add3A_1170 : i32 to index
        %get3A_1230 = arith.constant 112 : index
        %get3A_1231 = tpu.vector_load %arg9[%get3A_1229, %get3A_1230] {strides = array<i32>} : memref<256x128xf32, #tpu.memory_space<vmem>>, vector<16xf32>,
        %get3A_1232 = arith.index_cast %add3A_1170 : i32 to index
        %get3A_1233 = arith.constant 112 : index
        %get3A_1234 = tpu.vector_load %arg10[%get3A_1232, %get3A_1233] {strides = array<i32>} : memref<256x128xf32, #tpu.memory_space<vmem>>, vector<16xf32>,
        %mul3A_1235 = arith.mulf %get3A_1231, %get3A_1234 : vector<16xf32>
        %add3A_1236 = arith.addf %add3A_1228, %mul3A_1235 : vector<16xf32>
        %reduce_sum3A_1237 = arith.constant true
        %reduce_sum3A_1238 = vector.broadcast %reduce_sum3A_1237 : i1 to vector<16xi1>
        %reduce_sum3A_1239 = tpu.scan <sum>, %add3A_1236 masked %reduce_sum3A_1238 : vector<16xf32>, vector<16xi1> -> vector<16xf32>
        %reduce_sum3A_1240 = vector.extract %reduce_sum3A_1239[15] : f32 from vector<16xf32>
        %eq3A_1241 = arith.constant 13 : i32
        %eq3A_1242 = vector.broadcast %eq3A_1241 : i32 to vector<16xi32>
        %eq3A_1243 = arith.cmpi eq, %iota3A, %eq3A_1242 : vector<16xi32>
        %broadcast_in_dim3A_1244 = vector.broadcast %reduce_sum3A_1240 : f32 to vector<16xf32>
        %select_n3A_1245 = arith.select %eq3A_1243, %broadcast_in_dim3A_1244, %select_n3A_1168 : vector<16xi1>, vector<16xf32>
        %add3A_1246 = arith.constant 14 : i32
        %add3A_1247 = arith.addi %mul3A_169, %add3A_1246 : i32
        %broadcast_in_dim3A_1248 = arith.constant 0.000000e+00 : f32
        %broadcast_in_dim3A_1249 = vector.broadcast %broadcast_in_dim3A_1248 : f32 to vector<16xf32>
        %get3A_1250 = arith.index_cast %add3A_1247 : i32 to index
        %get3A_1251 = arith.constant 0 : index
        %get3A_1252 = tpu.vector_load %arg9[%get3A_1250, %get3A_1251] {strides = array<i32>} : memref<256x128xf32, #tpu.memory_space<vmem>>, vector<16xf32>,
        %get3A_1253 = arith.index_cast %add3A_1247 : i32 to index
        %get3A_1254 = arith.constant 0 : index
        %get3A_1255 = tpu.vector_load %arg10[%get3A_1253, %get3A_1254] {strides = array<i32>} : memref<256x128xf32, #tpu.memory_space<vmem>>, vector<16xf32>,
        %mul3A_1256 = arith.mulf %get3A_1252, %get3A_1255 : vector<16xf32>
        %add3A_1257 = arith.addf %broadcast_in_dim3A_1249, %mul3A_1256 : vector<16xf32>
        %get3A_1258 = arith.index_cast %add3A_1247 : i32 to index
        %get3A_1259 = arith.constant 16 : index
        %get3A_1260 = tpu.vector_load %arg9[%get3A_1258, %get3A_1259] {strides = array<i32>} : memref<256x128xf32, #tpu.memory_space<vmem>>, vector<16xf32>,
        %get3A_1261 = arith.index_cast %add3A_1247 : i32 to index
        %get3A_1262 = arith.constant 16 : index
        %get3A_1263 = tpu.vector_load %arg10[%get3A_1261, %get3A_1262] {strides = array<i32>} : memref<256x128xf32, #tpu.memory_space<vmem>>, vector<16xf32>,
        %mul3A_1264 = arith.mulf %get3A_1260, %get3A_1263 : vector<16xf32>
        %add3A_1265 = arith.addf %add3A_1257, %mul3A_1264 : vector<16xf32>
        %get3A_1266 = arith.index_cast %add3A_1247 : i32 to index
        %get3A_1267 = arith.constant 32 : index
        %get3A_1268 = tpu.vector_load %arg9[%get3A_1266, %get3A_1267] {strides = array<i32>} : memref<256x128xf32, #tpu.memory_space<vmem>>, vector<16xf32>,
        %get3A_1269 = arith.index_cast %add3A_1247 : i32 to index
        %get3A_1270 = arith.constant 32 : index
        %get3A_1271 = tpu.vector_load %arg10[%get3A_1269, %get3A_1270] {strides = array<i32>} : memref<256x128xf32, #tpu.memory_space<vmem>>, vector<16xf32>,
        %mul3A_1272 = arith.mulf %get3A_1268, %get3A_1271 : vector<16xf32>
        %add3A_1273 = arith.addf %add3A_1265, %mul3A_1272 : vector<16xf32>
        %get3A_1274 = arith.index_cast %add3A_1247 : i32 to index
        %get3A_1275 = arith.constant 48 : index
        %get3A_1276 = tpu.vector_load %arg9[%get3A_1274, %get3A_1275] {strides = array<i32>} : memref<256x128xf32, #tpu.memory_space<vmem>>, vector<16xf32>,
        %get3A_1277 = arith.index_cast %add3A_1247 : i32 to index
        %get3A_1278 = arith.constant 48 : index
        %get3A_1279 = tpu.vector_load %arg10[%get3A_1277, %get3A_1278] {strides = array<i32>} : memref<256x128xf32, #tpu.memory_space<vmem>>, vector<16xf32>,
        %mul3A_1280 = arith.mulf %get3A_1276, %get3A_1279 : vector<16xf32>
        %add3A_1281 = arith.addf %add3A_1273, %mul3A_1280 : vector<16xf32>
        %get3A_1282 = arith.index_cast %add3A_1247 : i32 to index
        %get3A_1283 = arith.constant 64 : index
        %get3A_1284 = tpu.vector_load %arg9[%get3A_1282, %get3A_1283] {strides = array<i32>} : memref<256x128xf32, #tpu.memory_space<vmem>>, vector<16xf32>,
        %get3A_1285 = arith.index_cast %add3A_1247 : i32 to index
        %get3A_1286 = arith.constant 64 : index
        %get3A_1287 = tpu.vector_load %arg10[%get3A_1285, %get3A_1286] {strides = array<i32>} : memref<256x128xf32, #tpu.memory_space<vmem>>, vector<16xf32>,
        %mul3A_1288 = arith.mulf %get3A_1284, %get3A_1287 : vector<16xf32>
        %add3A_1289 = arith.addf %add3A_1281, %mul3A_1288 : vector<16xf32>
        %get3A_1290 = arith.index_cast %add3A_1247 : i32 to index
        %get3A_1291 = arith.constant 80 : index
        %get3A_1292 = tpu.vector_load %arg9[%get3A_1290, %get3A_1291] {strides = array<i32>} : memref<256x128xf32, #tpu.memory_space<vmem>>, vector<16xf32>,
        %get3A_1293 = arith.index_cast %add3A_1247 : i32 to index
        %get3A_1294 = arith.constant 80 : index
        %get3A_1295 = tpu.vector_load %arg10[%get3A_1293, %get3A_1294] {strides = array<i32>} : memref<256x128xf32, #tpu.memory_space<vmem>>, vector<16xf32>,
        %mul3A_1296 = arith.mulf %get3A_1292, %get3A_1295 : vector<16xf32>
        %add3A_1297 = arith.addf %add3A_1289, %mul3A_1296 : vector<16xf32>
        %get3A_1298 = arith.index_cast %add3A_1247 : i32 to index
        %get3A_1299 = arith.constant 96 : index
        %get3A_1300 = tpu.vector_load %arg9[%get3A_1298, %get3A_1299] {strides = array<i32>} : memref<256x128xf32, #tpu.memory_space<vmem>>, vector<16xf32>,
        %get3A_1301 = arith.index_cast %add3A_1247 : i32 to index
        %get3A_1302 = arith.constant 96 : index
        %get3A_1303 = tpu.vector_load %arg10[%get3A_1301, %get3A_1302] {strides = array<i32>} : memref<256x128xf32, #tpu.memory_space<vmem>>, vector<16xf32>,
        %mul3A_1304 = arith.mulf %get3A_1300, %get3A_1303 : vector<16xf32>
        %add3A_1305 = arith.addf %add3A_1297, %mul3A_1304 : vector<16xf32>
        %get3A_1306 = arith.index_cast %add3A_1247 : i32 to index
        %get3A_1307 = arith.constant 112 : index
        %get3A_1308 = tpu.vector_load %arg9[%get3A_1306, %get3A_1307] {strides = array<i32>} : memref<256x128xf32, #tpu.memory_space<vmem>>, vector<16xf32>,
        %get3A_1309 = arith.index_cast %add3A_1247 : i32 to index
        %get3A_1310 = arith.constant 112 : index
        %get3A_1311 = tpu.vector_load %arg10[%get3A_1309, %get3A_1310] {strides = array<i32>} : memref<256x128xf32, #tpu.memory_space<vmem>>, vector<16xf32>,
        %mul3A_1312 = arith.mulf %get3A_1308, %get3A_1311 : vector<16xf32>
        %add3A_1313 = arith.addf %add3A_1305, %mul3A_1312 : vector<16xf32>
        %reduce_sum3A_1314 = arith.constant true
        %reduce_sum3A_1315 = vector.broadcast %reduce_sum3A_1314 : i1 to vector<16xi1>
        %reduce_sum3A_1316 = tpu.scan <sum>, %add3A_1313 masked %reduce_sum3A_1315 : vector<16xf32>, vector<16xi1> -> vector<16xf32>
        %reduce_sum3A_1317 = vector.extract %reduce_sum3A_1316[15] : f32 from vector<16xf32>
        %eq3A_1318 = arith.constant 14 : i32
        %eq3A_1319 = vector.broadcast %eq3A_1318 : i32 to vector<16xi32>
        %eq3A_1320 = arith.cmpi eq, %iota3A, %eq3A_1319 : vector<16xi32>
        %broadcast_in_dim3A_1321 = vector.broadcast %reduce_sum3A_1317 : f32 to vector<16xf32>
        %select_n3A_1322 = arith.select %eq3A_1320, %broadcast_in_dim3A_1321, %select_n3A_1245 : vector<16xi1>, vector<16xf32>
        %add3A_1323 = arith.constant 15 : i32
        %add3A_1324 = arith.addi %mul3A_169, %add3A_1323 : i32
        %broadcast_in_dim3A_1325 = arith.constant 0.000000e+00 : f32
        %broadcast_in_dim3A_1326 = vector.broadcast %broadcast_in_dim3A_1325 : f32 to vector<16xf32>
        %get3A_1327 = arith.index_cast %add3A_1324 : i32 to index
        %get3A_1328 = arith.constant 0 : index
        %get3A_1329 = tpu.vector_load %arg9[%get3A_1327, %get3A_1328] {strides = array<i32>} : memref<256x128xf32, #tpu.memory_space<vmem>>, vector<16xf32>,
        %get3A_1330 = arith.index_cast %add3A_1324 : i32 to index
        %get3A_1331 = arith.constant 0 : index
        %get3A_1332 = tpu.vector_load %arg10[%get3A_1330, %get3A_1331] {strides = array<i32>} : memref<256x128xf32, #tpu.memory_space<vmem>>, vector<16xf32>,
        %mul3A_1333 = arith.mulf %get3A_1329, %get3A_1332 : vector<16xf32>
        %add3A_1334 = arith.addf %broadcast_in_dim3A_1326, %mul3A_1333 : vector<16xf32>
        %get3A_1335 = arith.index_cast %add3A_1324 : i32 to index
        %get3A_1336 = arith.constant 16 : index
        %get3A_1337 = tpu.vector_load %arg9[%get3A_1335, %get3A_1336] {strides = array<i32>} : memref<256x128xf32, #tpu.memory_space<vmem>>, vector<16xf32>,
        %get3A_1338 = arith.index_cast %add3A_1324 : i32 to index
        %get3A_1339 = arith.constant 16 : index
        %get3A_1340 = tpu.vector_load %arg10[%get3A_1338, %get3A_1339] {strides = array<i32>} : memref<256x128xf32, #tpu.memory_space<vmem>>, vector<16xf32>,
        %mul3A_1341 = arith.mulf %get3A_1337, %get3A_1340 : vector<16xf32>
        %add3A_1342 = arith.addf %add3A_1334, %mul3A_1341 : vector<16xf32>
        %get3A_1343 = arith.index_cast %add3A_1324 : i32 to index
        %get3A_1344 = arith.constant 32 : index
        %get3A_1345 = tpu.vector_load %arg9[%get3A_1343, %get3A_1344] {strides = array<i32>} : memref<256x128xf32, #tpu.memory_space<vmem>>, vector<16xf32>,
        %get3A_1346 = arith.index_cast %add3A_1324 : i32 to index
        %get3A_1347 = arith.constant 32 : index
        %get3A_1348 = tpu.vector_load %arg10[%get3A_1346, %get3A_1347] {strides = array<i32>} : memref<256x128xf32, #tpu.memory_space<vmem>>, vector<16xf32>,
        %mul3A_1349 = arith.mulf %get3A_1345, %get3A_1348 : vector<16xf32>
        %add3A_1350 = arith.addf %add3A_1342, %mul3A_1349 : vector<16xf32>
        %get3A_1351 = arith.index_cast %add3A_1324 : i32 to index
        %get3A_1352 = arith.constant 48 : index
        %get3A_1353 = tpu.vector_load %arg9[%get3A_1351, %get3A_1352] {strides = array<i32>} : memref<256x128xf32, #tpu.memory_space<vmem>>, vector<16xf32>,
        %get3A_1354 = arith.index_cast %add3A_1324 : i32 to index
        %get3A_1355 = arith.constant 48 : index
        %get3A_1356 = tpu.vector_load %arg10[%get3A_1354, %get3A_1355] {strides = array<i32>} : memref<256x128xf32, #tpu.memory_space<vmem>>, vector<16xf32>,
        %mul3A_1357 = arith.mulf %get3A_1353, %get3A_1356 : vector<16xf32>
        %add3A_1358 = arith.addf %add3A_1350, %mul3A_1357 : vector<16xf32>
        %get3A_1359 = arith.index_cast %add3A_1324 : i32 to index
        %get3A_1360 = arith.constant 64 : index
        %get3A_1361 = tpu.vector_load %arg9[%get3A_1359, %get3A_1360] {strides = array<i32>} : memref<256x128xf32, #tpu.memory_space<vmem>>, vector<16xf32>,
        %get3A_1362 = arith.index_cast %add3A_1324 : i32 to index
        %get3A_1363 = arith.constant 64 : index
        %get3A_1364 = tpu.vector_load %arg10[%get3A_1362, %get3A_1363] {strides = array<i32>} : memref<256x128xf32, #tpu.memory_space<vmem>>, vector<16xf32>,
        %mul3A_1365 = arith.mulf %get3A_1361, %get3A_1364 : vector<16xf32>
        %add3A_1366 = arith.addf %add3A_1358, %mul3A_1365 : vector<16xf32>
        %get3A_1367 = arith.index_cast %add3A_1324 : i32 to index
        %get3A_1368 = arith.constant 80 : index
        %get3A_1369 = tpu.vector_load %arg9[%get3A_1367, %get3A_1368] {strides = array<i32>} : memref<256x128xf32, #tpu.memory_space<vmem>>, vector<16xf32>,
        %get3A_1370 = arith.index_cast %add3A_1324 : i32 to index
        %get3A_1371 = arith.constant 80 : index
        %get3A_1372 = tpu.vector_load %arg10[%get3A_1370, %get3A_1371] {strides = array<i32>} : memref<256x128xf32, #tpu.memory_space<vmem>>, vector<16xf32>,
        %mul3A_1373 = arith.mulf %get3A_1369, %get3A_1372 : vector<16xf32>
        %add3A_1374 = arith.addf %add3A_1366, %mul3A_1373 : vector<16xf32>
        %get3A_1375 = arith.index_cast %add3A_1324 : i32 to index
        %get3A_1376 = arith.constant 96 : index
        %get3A_1377 = tpu.vector_load %arg9[%get3A_1375, %get3A_1376] {strides = array<i32>} : memref<256x128xf32, #tpu.memory_space<vmem>>, vector<16xf32>,
        %get3A_1378 = arith.index_cast %add3A_1324 : i32 to index
        %get3A_1379 = arith.constant 96 : index
        %get3A_1380 = tpu.vector_load %arg10[%get3A_1378, %get3A_1379] {strides = array<i32>} : memref<256x128xf32, #tpu.memory_space<vmem>>, vector<16xf32>,
        %mul3A_1381 = arith.mulf %get3A_1377, %get3A_1380 : vector<16xf32>
        %add3A_1382 = arith.addf %add3A_1374, %mul3A_1381 : vector<16xf32>
        %get3A_1383 = arith.index_cast %add3A_1324 : i32 to index
        %get3A_1384 = arith.constant 112 : index
        %get3A_1385 = tpu.vector_load %arg9[%get3A_1383, %get3A_1384] {strides = array<i32>} : memref<256x128xf32, #tpu.memory_space<vmem>>, vector<16xf32>,
        %get3A_1386 = arith.index_cast %add3A_1324 : i32 to index
        %get3A_1387 = arith.constant 112 : index
        %get3A_1388 = tpu.vector_load %arg10[%get3A_1386, %get3A_1387] {strides = array<i32>} : memref<256x128xf32, #tpu.memory_space<vmem>>, vector<16xf32>,
        %mul3A_1389 = arith.mulf %get3A_1385, %get3A_1388 : vector<16xf32>
        %add3A_1390 = arith.addf %add3A_1382, %mul3A_1389 : vector<16xf32>
        %reduce_sum3A_1391 = arith.constant true
        %reduce_sum3A_1392 = vector.broadcast %reduce_sum3A_1391 : i1 to vector<16xi1>
        %reduce_sum3A_1393 = tpu.scan <sum>, %add3A_1390 masked %reduce_sum3A_1392 : vector<16xf32>, vector<16xi1> -> vector<16xf32>
        %reduce_sum3A_1394 = vector.extract %reduce_sum3A_1393[15] : f32 from vector<16xf32>
        %eq3A_1395 = arith.constant 15 : i32
        %eq3A_1396 = vector.broadcast %eq3A_1395 : i32 to vector<16xi32>
        %eq3A_1397 = arith.cmpi eq, %iota3A, %eq3A_1396 : vector<16xi32>
        %broadcast_in_dim3A_1398 = vector.broadcast %reduce_sum3A_1394 : f32 to vector<16xf32>
        %select_n3A_1399 = arith.select %eq3A_1397, %broadcast_in_dim3A_1398, %select_n3A_1322 : vector<16xi1>, vector<16xf32>
        %swap3A = arith.index_cast %mul3A_169 : i32 to index
        %swap3A_1400 = tpu.vector_load %arg11[%swap3A] {strides = array<i32>} : memref<256xf32, #tpu.memory_space<vmem>>, vector<16xf32>,
        tpu.vector_store %arg11[%swap3A], %select_n3A_1399 {strides = array<i32>} : memref<256xf32, #tpu.memory_space<vmem>>, vector<16xf32>,
        %scan3A_1401 = arith.constant 0 : i32
        scf.yield %scan3A_1401 : i32
      }
      %scan3A_160 = arith.constant 16 : i32
      %mul3A_161 = arith.constant 256 : i32
      %mul3A_162 = arith.muli %add3A_41, %mul3A_161 : i32
      %dma_start3A_163 = tpu.memref_slice %arg6[%mul3A_162] : memref<320000xf32, #tpu.memory_space<hbm>> -> memref<256xf32, #tpu.memory_space<hbm>>
      %dma_start3A_164 = tpu.memref_slice %arg6[%mul3A_162] : memref<320000xf32, #tpu.memory_space<hbm>> -> memref<256xf32, #tpu.memory_space<hbm>>
      tpu.enqueue_dma source(%arg11 : memref<256xf32, #tpu.memory_space<vmem>>) target(%dma_start3A_164 : memref<256xf32, #tpu.memory_space<hbm>>) target_semaphore(%arg14 : memref<!tpu.dma_semaphore, #tpu.memory_space<semaphore_mem>>)
      %while3A_165 = arith.constant 0 : i32
      scf.yield %while3A_165 : i32
    }
    %dma_wait3A = arith.constant 0 : i32
    %dma_wait3A_34 = tpu.memref_slice %arg6[%dma_wait3A] : memref<320000xf32, #tpu.memory_space<hbm>> -> memref<256xf32, #tpu.memory_space<hbm>>
    %dma_wait3A_35 = arith.constant 0 : i32
    %dma_wait3A_36 = tpu.memref_slice %arg6[%dma_wait3A_35] : memref<320000xf32, #tpu.memory_space<hbm>> -> memref<256xf32, #tpu.memory_space<hbm>>
    tpu.wait_dma2 semaphore(%arg14 : memref<!tpu.dma_semaphore, #tpu.memory_space<semaphore_mem>>) src(%arg11 : memref<256xf32, #tpu.memory_space<vmem>>) dst(%dma_wait3A_36 : memref<256xf32, #tpu.memory_space<hbm>>)
    return
  }
}

module attributes {stable_mosaic.version = 14 : i64} {
  func.func @_normalize_body(%arg0: memref<10000x128xf32, #tpu.memory_space<vmem>>, %arg1: memref<1x128xf32, #tpu.memory_space<vmem>>, %arg2: memref<1x1xf32, #tpu.memory_space<vmem>>, %arg3: memref<10000x128xf32, #tpu.memory_space<vmem>>, %arg4: memref<10000x128xf32, #tpu.memory_space<vmem>>) attributes {dimension_semantics = [], scalar_prefetch = 0 : i64, scratch_operands = 0 : i64, tpu.core_type = #tpu.core_type<tc>} {
    %get3A = arith.constant 0 : index
    %get3A_0 = arith.constant 0 : index
    %get3A_1 = vector.load %arg0[%get3A, %get3A_0] : memref<10000x128xf32, #tpu.memory_space<vmem>>, vector<10000x128xf32>
    %mul3A = arith.mulf %get3A_1, %get3A_1 : vector<10000x128xf32>
    %reduce_sum3A = arith.constant dense<0.000000e+00> : vector<10000xf32>
    %reduce_sum3A_2 = vector.multi_reduction <add>, %mul3A, %reduce_sum3A [1] : vector<10000x128xf32> to vector<10000xf32>
    %broadcast_in_dim3A = vector.shape_cast %reduce_sum3A_2 : vector<10000xf32> to vector<10000x1xf32>
    %sqrt3A = math.sqrt %broadcast_in_dim3A : vector<10000x1xf32>
    %max3A = arith.constant 9.99999996E-13 : f32
    %max3A_3 = vector.broadcast %max3A : f32 to vector<10000x1xf32>
    %max3A_4 = arith.maximumf %sqrt3A, %max3A_3 : vector<10000x1xf32>
    %div3A = vector.broadcast %max3A_4 : vector<10000x1xf32> to vector<10000x128xf32>
    %div3A_5 = arith.divf %get3A_1, %div3A : vector<10000x128xf32>
    %swap3A = arith.constant 0 : index
    %swap3A_6 = arith.constant 0 : index
    %swap3A_7 = vector.load %arg4[%swap3A, %swap3A_6] : memref<10000x128xf32, #tpu.memory_space<vmem>>, vector<10000x128xf32>
    tpu.vector_store %arg4[%swap3A, %swap3A_6], %div3A_5 {strides = array<i32>} : memref<10000x128xf32, #tpu.memory_space<vmem>>, vector<10000x128xf32>,
    %get3A_8 = arith.constant 0 : index
    %get3A_9 = arith.constant 0 : index
    %get3A_10 = vector.load %arg1[%get3A_8, %get3A_9] : memref<1x128xf32, #tpu.memory_space<vmem>>, vector<1x128xf32>
    %get3A_11 = arith.constant 0 : index
    %get3A_12 = arith.constant 0 : index
    %get3A_13 = vector.load %arg2[%get3A_11, %get3A_12] : memref<1x1xf32, #tpu.memory_space<vmem>>, vector<1x1xf32>
    %get3A_14 = vector.extract %get3A_13[0, 0] : f32 from vector<1x1xf32>
    %mul3A_15 = vector.broadcast %get3A_14 : f32 to vector<1x128xf32>
    %mul3A_16 = arith.mulf %get3A_10, %mul3A_15 : vector<1x128xf32>
    %mul3A_17 = vector.broadcast %mul3A_16 : vector<1x128xf32> to vector<10000x128xf32>
    %mul3A_18 = arith.mulf %div3A_5, %mul3A_17 : vector<10000x128xf32>
    %swap3A_19 = arith.constant 0 : index
    %swap3A_20 = arith.constant 0 : index
    %swap3A_21 = vector.load %arg3[%swap3A_19, %swap3A_20] : memref<10000x128xf32, #tpu.memory_space<vmem>>, vector<10000x128xf32>
    tpu.vector_store %arg3[%swap3A_19, %swap3A_20], %mul3A_18 {strides = array<i32>} : memref<10000x128xf32, #tpu.memory_space<vmem>>, vector<10000x128xf32>,
    return
  }
}

</mosaic_0001>

<sc_bundles>
// kernel: kernel.4.cloned.1.call-start
scs
__scs_entry_jumppad:
0x0: {  	(pc) =	sbr.rel $0x88, $3  }
0x1: {  	(tag) =	ssettag $0x0;
	lr =	simm.s32 $0x1  }
0x2: {  	[smem:$0x3F9D] =	sst lr;
	_ =	strace $0xD0000000  }
0x3: {  	_ = 	snop  }
0x4: {  	_ = 	snop  }
0x5: {  	_ = 	snop  }
0x6: {  	_ = 	snop  }
0x7: {  	_ = 	snop  }
__scs_overlays_trampoline_lowered:
0x8: {  	[smem:$0x3FAC] =	sst s0  }
0x9: {  	[smem:$0x3FAD] =	sst s1  }
0xa: {  	[smem:$0x3FAE] =	sst s2  }
0xb: {  	[smem:$0x3FAF] =	sst s3  }
0xc: {  	[smem:$0x3FB0] =	sst s4  }
0xd: {  	[smem:$0x3FB1] =	sst s5  }
0xe: {  	[smem:$0x3FB2] =	sst s6  }
0xf: {  	[smem:$0x3FB3] =	sst s7  }
0x10: {  	[smem:$0x3FB4] =	sst s8  }
0x11: {  	[smem:$0x3FB5] =	sst s9;
	s0 =	simm.s32 @!p0 $0x0  }
0x12: {  	s1 =	sld [smem:$0x3F9B];
	s0 =	simm.s32 @p0 $0x1  }
0x13: {  	[smem:$0x3FB6] =	sst s0;
	s0 =	simm.s32 @!p1 $0x0  }
0x14: {  	s2 =	sld [smem:$0x3F9A];
	s0 =	simm.s32 @p1 $0x1  }
0x15: {  	[smem:$0x3FB7] =	sst s0;
	s0 =	simm.s32 @!p2 $0x0  }
0x16: {  	s3 =	sld [smem:$0x3FDB];
	s0 =	simm.s32 @p2 $0x1  }
0x17: {  	s4 =	simm.s32 $0x1BF5;
	[smem:$0x3FB9] =	sst s0  }
0x18: {  	s0 =	sld [smem:$0x3F9C];
	_ =	swait.ge [sflag:s4], $0x0  }
0x19: {  	s7 =	sld [smem:$0x3F9D]  }
0x1a: {  	s8 =	sadd.s32 $0xFFFFE003, lr  }
0x1b: {  	s9 =	sadd.s32 $0xFFFFFEF7, lr;
	s5 =	simm.s32 $0xFFFFFFFF;
	p2 =	slt.u32 s8, $0xFFFFF086  }
0x1c: {  	p1 =	slt.u32 s9, $0xF7A;
	s5 =	simm.s32 @!p2 $0x0  }
0x1d: {  	s5 =	simm.s32 @p1 $0x1;
	p0 =	seq.s32 s7, s2  }
0x1e: {  	s7 =	smul.u32 @!p0 $0xF7A, s2;
	p2 =	seq.s32 @!p0 s5, $0x0  }
0x1f: {  	s9 =	smul.u32 $0xF7A, s1;
	s8 =	simm.s32 @!p0 $0x1BF5;
	p2 =	por !p2, p0  }
0x20: {  	[sflag:s8] =	ssyncset.s32 @!p0 $0xFFFFF086;
	s6 =	sadd.s32 @!p0 s3, s7;
	s7 =	simm.s32 @!p0 $0x108  }
0x21: {  	s3 =	sadd.s32 s3, s9;
	s6 =	sadd.s32 @!p0 $0x88, s6;
	s7 =	simm.s32 @p2 $0x1082  }
0x22: {  	[simem:s7], [sflag:s8] =	dma.local @!p0 [hbm:s6], $0xF7A  }
0x23: {  	s9 =	sor.u32 $0xD0000000, s2;
	s6 =	simm.s32 $0x108;
	_ =	swait.ge @!p0 [sflag:s8], $0x0  }
0x24: {  	s3 =	sadd.s32 $0x88, s3;
	s6 =	simm.s32 @!p1 $0x1082;
	[sflag:s4] =	ssyncset.s32 $0xFFFFF086  }
0x25: {  	[simem:s6], [sflag:s4] =	dma.local [hbm:s3], $0xF7A  }
0x26: {  	[smem:$0x3F9D] =	sst s1;
	(tag) =	ssettag s2;
	_ =	strace s9  }
0x27: {  	s1 =	sld [smem:$0x3FAD]  }
0x28: {  	s2 =	sld [smem:$0x3FAE]  }
0x29: {  	s4 =	sld [smem:$0x3FB0]  }
0x2a: {  	p0 =	seq.s32 s5, $0x0;
	s5 =	sld [smem:$0x3FB1]  }
0x2b: {  	s6 =	sld [smem:$0x3FB2]  }
0x2c: {  	s7 =	sld [smem:$0x3FB3]  }
0x2d: {  	s3 =	simm.s32 $0x108;
	s8 =	sld [smem:$0x3FB4]  }
0x2e: {  	s3 =	simm.s32 @!p0 $0x1082;
	s9 =	sld [smem:$0x3FB5]  }
0x2f: {  	lr =	sadd.s32 s0, s3;
	s0 =	sld [smem:$0x3FAC]  }
0x30: {  	s3 =	sld [smem:$0x3FAF]  }
0x31: {  	[smem:$0x3FB8] =	sst s10  }
0x32: {  	s10 =	sld [smem:$0x3FB6];
	_ =	sdelay $0x3  }
0x33: {  	p0 =	seq.s32 s10, $0x1;
	s10 =	sld [smem:$0x3FB8];
	_ =	sdelay $0x3  }
0x34: {  	[smem:$0x3FB8] =	sst s10  }
0x35: {  	s10 =	sld [smem:$0x3FB7];
	_ =	sdelay $0x3  }
0x36: {  	p1 =	seq.s32 s10, $0x1;
	s10 =	sld [smem:$0x3FB8];
	_ =	sdelay $0x3  }
0x37: {  	[smem:$0x3FB8] =	sst s10  }
0x38: {  	s10 =	sld [smem:$0x3FB9]  }
0x39: {  	_ = 	snop;
	(pc) =	sbr.ind lr, $3  }
0x3a: {  	_ = 	snop  }
0x3b: {  	_ = 	snop  }
0x3c: {  	p2 =	seq.s32 s10, $0x1;
	s10 =	sld [smem:$0x3FB8]  }
0x3d: {  	_ =	shalt  }
0x3e: {  	_ =	shalt  }
0x3f: {  	_ =	shalt  }
0x40: {  	_ =	shalt  }
0x41: {  	_ =	shalt  }
0x42: {  	_ =	shalt  }
0x43: {  	_ =	shalt  }
0x44: {  	_ =	shalt  }
0x45: {  	_ =	shalt  }
0x46: {  	_ =	shalt  }
0x47: {  	_ =	shalt  }
0x48: {  	_ =	shalt  }
0x49: {  	_ =	shalt  }
0x4a: {  	_ =	shalt  }
0x4b: {  	_ =	shalt  }
0x4c: {  	_ =	shalt  }
0x4d: {  	_ =	shalt  }
0x4e: {  	_ =	shalt  }
0x4f: {  	_ =	shalt  }
0x50: {  	_ =	shalt  }
0x51: {  	_ =	shalt  }
0x52: {  	_ =	shalt  }
0x53: {  	_ =	shalt  }
0x54: {  	_ =	shalt  }
0x55: {  	_ =	shalt  }
0x56: {  	_ =	shalt  }
0x57: {  	_ =	shalt  }
0x58: {  	_ =	shalt  }
0x59: {  	_ =	shalt  }
0x5a: {  	_ =	shalt  }
0x5b: {  	_ =	shalt  }
0x5c: {  	_ =	shalt  }
0x5d: {  	_ =	shalt  }
0x5e: {  	_ =	shalt  }
0x5f: {  	_ =	shalt  }
0x60: {  	_ =	shalt  }
0x61: {  	_ =	shalt  }
0x62: {  	_ =	shalt  }
0x63: {  	_ =	shalt  }
0x64: {  	_ =	shalt  }
0x65: {  	_ =	shalt  }
0x66: {  	_ =	shalt  }
0x67: {  	_ =	shalt  }
0x68: {  	_ =	shalt  }
0x69: {  	_ =	shalt  }
0x6a: {  	_ =	shalt  }
0x6b: {  	_ =	shalt  }
0x6c: {  	_ =	shalt  }
0x6d: {  	_ =	shalt  }
0x6e: {  	_ =	shalt  }
0x6f: {  	_ =	shalt  }
0x70: {  	_ =	shalt  }
0x71: {  	_ =	shalt  }
0x72: {  	_ =	shalt  }
0x73: {  	_ =	shalt  }
0x74: {  	_ =	shalt  }
0x75: {  	_ =	shalt  }
0x76: {  	_ =	shalt  }
0x77: {  	_ =	shalt  }
0x78: {  	_ =	shalt  }
0x79: {  	_ =	shalt  }
0x7a: {  	_ =	shalt  }
0x7b: {  	_ =	shalt  }
0x7c: {  	_ =	shalt  }
0x7d: {  	_ =	shalt  }
0x7e: {  	_ =	shalt  }
0x7f: {  	_ =	shalt  }
0x80: {  	_ =	shalt  }
0x81: {  	_ =	shalt  }
0x82: {  	_ =	shalt  }
0x83: {  	_ =	shalt  }
0x84: {  	_ =	shalt  }
0x85: {  	_ =	shalt  }
0x86: {  	_ =	shalt  }
0x87: {  	_ =	shalt  }
.Lfunc_end0:
.L_simem_size_0:
called_computation_lowered:
.L_overlay_start_0:
0x88: {  	s2 =	sld [smem:$0x3FD9]  }
0x89: {  	s3 =	sld [smem:$0x3FFE];
	_ =	sdelay $0x1  }
0x8a: {  	s1 =	srdreg.scid  }
0x8b: {  	s0 =	sand.u32 $0x1, s1  }
0x8c: {  	s17 =	sshll.u32 s0, $0xA;
	s2 =	sadd.s32 s3, s2  }
0x8d: {  	s2 =	sadd.s32 s2, s17  }
0x8e: {  	[smem:$0x3FC4] =	sst s2  }
0x8f: {  	_ = 	snop  }
0x90: {  	s2 =	sld [smem:$0x3FD0];
	(tm) =	ssettm $0x1  }
0x91: {  	s18 =	sld [smem:$0x3FFB];
	_ =	sdelay $0x3  }
0x92: {  	_ =	strace s18  }
0x93: {  	s3 =	sld [smem:$0x3FFC];
	_ =	sdelay $0x3  }
0x94: {  	_ =	strace s3  }
0x95: {  	s3 =	sld [smem:$0x3FFD];
	_ =	sdelay $0x3  }
0x96: {  	_ =	strace s3  }
0x97: {  	_ =	strace $0x8FFFFFFF  }
0x98: {  	s19 =	sld [smem:$0x3FDB];
	_ =	sdelay $0x1  }
0x99: {  	s4 =	simm.s32 $_scs_section_size  }
0x9a: {  	s5 =	simm.s32 $_size__tile_overlayer_lowered;
	s6 =	simm.s32 $_tile_overlayer_lowered  }
0x9b: {  	s22 =	simm.s32 $0x1BFF;
	s21 =	sshll.u32 s6, $0x1;
	s3 =	sadd.s32 s4, s19  }
0x9c: {  	s7 =	simm.s32 $0x0;
	s20 =	sshll.u32 s5, $0x1;
	s5 =	sadd.s32 s21, s3  }
0x9d: {  	[timem:s7], [sflag:s22] =	dma.local [hbm:s5], s20  }
0x9e: {  	_ =	swait.ge [sflag:s22], s20  }
0x9f: {  	s4 =	ssub.s32 $0x0, s20;
	[sflag:s22] =	ssyncset.done $0x0  }
0xa0: {  	[sflag:s22] =	ssyncadd.s32 s4;
	_ =	sdelay $0x1  }
0xa1: {  	s23 =	simm.s32 $0x1B8B  }
0xa2: {  	_ =	swait.ge [sflag:s23], $0x1  }
0xa3: {  	[sflag:s23] =	ssyncset.done $0x0  }
0xa4: {  	s25 =	simm.s32 $0x1B8E;
	s24 =	sld [smem:$0x3FFE];
	[sflag:s23] =	ssyncadd.s32 $0xFFFFFFFF  }
0xa5: {  	s26 =	simm.s32 $execute0_lowered;
	[smem:$0x3FD2] =	sst s25  }
0xa6: {  	s5 =	sshll.u32 s26, $0x1;
	_ =	strace $0x80000046;
	[dreg:$0x1] =	wrdreg $0xFFFFFFFF  }
0xa7: {  	s28 =	simm.s32 $_size_execute0_lowered;
	s3 =	sadd.s32 s3, s5;
	[dreg:$0x0] =	wrdreg $0x0  }
0xa8: {  	s5 =	sshll.u32 s28, $0x1;
	[dreg:$0x2] =	wrdreg s3  }
0xa9: {  	[dreg:$0x3] =	wrdreg s5  }
0xaa: {  	[dreg:$0x4] =	wrdreg $0xC0  }
0xab: {  	_ =	task [dreg:s7], $0x5FFFF  }
0xac: {  	[dreg:$0x1] =	wrdreg $0xFFFFFFFF  }
0xad: {  	[dreg:$0x0] =	wrdreg $0x60  }
0xae: {  	[dreg:$0x2] =	wrdreg s24  }
0xaf: {  	[dreg:$0x3] =	wrdreg s2  }
0xb0: {  	[dreg:$0x4] =	wrdreg $0x9  }
0xb1: {  	_ =	task.clear_ibuf [dreg:s7], $0x5FFFF;
	_ =	strace $0x90000046  }
0xb2: {  	s29 =	simm.s32 $0x9;
	_ =	strace $0x80000048  }
0xb3: {  	_ =	swait.ge [sflag:s29], $0x1  }
0xb4: {  	[sflag:s29] =	ssyncadd.s32 $0xFFFFFFFF  }
0xb5: {  	_ =	strace $0x90000048  }
0xb6: {  	_ =	sfence  }
0xb7: {  	s30 =	sld [smem:$0x0];
	_ =	sdelay $0x2  }
0xb8: {  	s31 =	sshll.u32 s1, $0xD;
	s1 =	sshrl.u32 s1, $0x2  }
0xb9: {  	s3 =	sand.u32 $0x4000, s31;
	s1 =	sadd.s32 s1, s30  }
0xba: {  	s0 =	sor.u32 s3, s0;
	s1 =	sshll.u32 s1, $0x11  }
0xbb: {  	s0 =	sor.u32 s1, s0  }
0xbc: {  	s0 =	sadd.s32 $0x8F2B, s0  }
0xbd: {  	[sflag:s0] =	ssyncadd.remote.s32 $0x1  }
0xbe: {  	_ =	sfence.sel $0xFFFF  }
0xbf: {  	[dreg:$0x0] =	wrdreg $0xFFFFFFFF;
	(pc) =	sbr.abs _section_cstart, $3  }
0xc0: {  	[dreg:$0x1] =	wrdreg $0xFFFFFFFF  }
0xc1: {  	_ =	task.clear_ibuf [dreg:s7], $0x2FFFF;
	_ =	strace $0x9FFFFFFF  }
0xc2: {  	(tm) =	ssettm $0x7FFFFFFF  }
0xc3: {  	_ =	shalt  }
tec
execute0_lowered:
.L_overlay_start_1:
0x0: {  	(tag) =	ssettag $0x1  }
0x1: {  	s7 =	rddreg [dreg:$0x0]  }
0x2: {  	s1 =	rddreg [dreg:$0x1]  }
0x3: {  	s0 =	rddreg [dreg:$0x2];
	s2 =	simm.s32 $0x0  }
0x4: {  	s5 =	srdreg.scid;
	s3 =	stileid.u32;
	s12 =	simm.s32 $0x2  }
0x5: {  	s13 =	simm.s32 $0x80;
	s14 =	simm.s32 $0x200;
	s15 =	simm.s32 $0x8200  }
0x6: {  	s16 =	simm.s32 $0x4200;
	s17 =	simm.s32 $0x180;
	s18 =	simm.s32 $0xC200  }
0x7: {  	s19 =	simm.s32 $0x1;
	s20 =	simm.s32 $0x10200;
	s21 =	simm.s32 $0x3  }
0x8: {  	s22 =	simm.s32 $0x0;
	[smem:$0x7FF] =	sst s2;
	s4 =	sadd.s32 $0xB000, s7  }
0x9: {  	vm0 =	vmmov $0x1;
	vm1 =	vmmov $0x3;
	vm2 =	vmmov $0x7;
	s8 =	sand.u32 $0x1, s5;
	s5 =	sadd.s32 $0x32200, s7;
	s10 =	sshll.u32 s3, $0x1  }
0xa: {  	vm3 =	vmmov $0xf;
	vm4 =	vmmov $0x1f;
	vm5 =	vmmov $0x3f;
	s6 =	sadd.s32 $0x1200, s7;
	s7 =	sadd.s32 $0x59400, s7;
	s9 =	ssub.s32 $0x2, s8  }
0xb: {  	vm6 =	vmmov $0x7f;
	vm7 =	vmmov $0xff;
	vm8 =	vmmov $0x1ff;
	_ =	strace $0x80000047;
	s8 =	sor.u32 s8, s10;
	s11 =	sshrl.u32 s9, $0x1  }
0xc: {  	vm9 =	vmmov $0x3ff;
	vm10 =	vmmov $0x7ff;
	vm11 =	vmmov $0xfff;
	s31 =	ssub.s32 $0x4E1, s8;
	s8 =	sshll.u32 s8, $0x8;
	s30 =	ssub.s32 s9, s11  }
0xd: {  	vm12 =	vmmov $0x1fff;
	vm13 =	vmmov $0x3fff;
	vm14 =	vmmov $0x7fff;
	s9 =	sshrl.u32 s31, $0x5;
	s11 =	simm.s32 $0x100;
	s10 =	smax.u32 s30, $0x1  }
.LBB2_1:
0xe: {  	s23 =	simm.s32 $0x0  }
.LBB2_2:
0xf: {  	s24 =	sshll.u32 s23, $0xD  }
0x10: {  	s24 =	sor.u32 s8, s24  }
0x11: {  	s24 =	sshrl.u32 s24, $0x3  }
0x12: {  	s25 =	sadd.s32 s6, s24  }
0x13: {  	[tilespmem:s2], [sflag:$0x2] =	stream.linear.gather [hbm4b:s25+s2], $0x100, $0x38;
	[tilespmem:$0x10300] =	vst v63  }
0x14: {  	s31 =	sadd.s32 s1, s24  }
0x15: {  	[tilespmem:s11], [sflag:$0x2] =	stream.linear.gather [hbm4b:s31+s2], $0x100, $0x38;
	[tilespmem:$0x10300] =	vst v63  }
0x16: {  	_ =	swait.ge [sflag:s12], $0x100  }
0x17: {  	[sflag:s12] =	ssyncset.done $0x0  }
0x18: {  	[sflag:s12] =	ssyncadd.s32 $0xFFFFFF00  }
0x19: {  	_ =	swait.ge [sflag:s12], $0x100  }
0x1a: {  	[sflag:s12] =	ssyncset.done $0x0  }
0x1b: {  	[sflag:s12] =	ssyncadd.s32 $0xFFFFFF00  }
0x1c: {  	[tilespmem:s14], [sflag:$0x1] =	stream.indirect.gather [hbm4b:s4+s13], $0x80, s2, s13, $0xb8;
	[tilespmem:$0x10300] =	vst v63  }
0x1d: {  	_ = 	snop  }
0x1e: {  	[tilespmem:s15], [sflag:$0x1] =	stream.indirect.gather [hbm4b:s5+s13], $0x80, s11, s13, $0xb8;
	[tilespmem:$0x10300] =	vst v63  }
0x1f: {  	_ = 	snop  }
0x20: {  	[tilespmem:s16], [sflag:$0x1] =	stream.indirect.gather [hbm4b:s4+s13], $0x80, s13, s13, $0xb8;
	[tilespmem:$0x10300] =	vst v63  }
0x21: {  	_ = 	snop  }
0x22: {  	[tilespmem:s18], [sflag:$0x1] =	stream.indirect.gather [hbm4b:s5+s13], $0x80, s17, s13, $0xb8;
	[tilespmem:$0x10300] =	vst v63  }
0x23: {  	_ =	swait.ge [sflag:s19], $0x4000  }
0x24: {  	[sflag:s19] =	ssyncset.done $0x0  }
0x25: {  	[sflag:s19] =	ssyncadd.s32 $0xFFFFC000  }
0x26: {  	_ =	swait.ge [sflag:s19], $0x4000  }
0x27: {  	[sflag:s19] =	ssyncset.done $0x0  }
0x28: {  	[sflag:s19] =	ssyncadd.s32 $0xFFFFC000  }
0x29: {  	_ =	swait.ge [sflag:s19], $0x4000  }
0x2a: {  	[sflag:s19] =	ssyncset.done $0x0  }
0x2b: {  	[sflag:s19] =	ssyncadd.s32 $0xFFFFC000  }
0x2c: {  	_ =	swait.ge [sflag:s19], $0x4000  }
0x2d: {  	p0 =	seq.s32 s23, $0x0;
	[sflag:s19] =	ssyncset.done $0x0  }
0x2e: {  	s25 =	simm.s32 @!p0 $0x3;
	[sflag:s19] =	ssyncadd.s32 $0xFFFFC000  }
0x2f: {  	_ =	swait.ge @!p0 [sflag:s25], $0x100  }
0x30: {  	[sflag:s25] =	ssyncset.done @!p0 $0x0  }
0x31: {  	[sflag:s25] =	ssyncadd.s32 @!p0 $0xFFFFFF00;
	s25 =	simm.s32 $0x0  }
0x32: {  	v0 =	vld [tilespmem:s25+$0x9D0];
	_ =	sdelay $0x4  }
0x33: {  	[tilespmem:$0x1F830] =	vst v0;
	v0 =	vld [tilespmem:s25+$0x89D0];
	_ =	sdelay $0x4  }
0x34: {  	[tilespmem:$0x1F840] =	vst v0;
	v0 =	vld [tilespmem:s25+$0x9C0];
	_ =	sdelay $0x4  }
0x35: {  	[tilespmem:$0x1F850] =	vst v0;
	v0 =	vld [tilespmem:s25+$0x89C0];
	_ =	sdelay $0x4  }
0x36: {  	[tilespmem:$0x1F860] =	vst v0;
	v0 =	vld [tilespmem:s25+$0x8E0];
	_ =	sdelay $0x4  }
0x37: {  	[tilespmem:$0x1F870] =	vst v0;
	v0 =	vld [tilespmem:s25+$0x950];
	_ =	sdelay $0x4  }
0x38: {  	[tilespmem:$0x1F950] =	vst v0;
	v0 =	vld [tilespmem:s25+$0x8950];
	_ =	sdelay $0x4  }
0x39: {  	[tilespmem:$0x1F960] =	vst v0;
	v0 =	vld [tilespmem:s25+$0x9B0];
	_ =	sdelay $0x4  }
0x3a: {  	[tilespmem:$0x1F980] =	vst v0;
	v0 =	vld [tilespmem:s25+$0x89B0];
	_ =	sdelay $0x4  }
0x3b: {  	[tilespmem:$0x1F990] =	vst v0;
	v0 =	vld [tilespmem:s25+$0x7F0];
	_ =	sdelay $0x4  }
0x3c: {  	[tilespmem:$0x1F970] =	vst v0;
	v0 =	vld [tilespmem:s25+$0x860];
	_ =	sdelay $0x4  }
0x3d: {  	[tilespmem:$0x1F9B0] =	vst v0;
	v0 =	vld [tilespmem:s25+$0x8860];
	_ =	sdelay $0x4  }
0x3e: {  	[tilespmem:$0x1F9C0] =	vst v0;
	v0 =	vld [tilespmem:s25+$0x8D0];
	_ =	sdelay $0x4  }
0x3f: {  	[tilespmem:$0x1F880] =	vst v0;
	v0 =	vld [tilespmem:s25+$0x88D0];
	_ =	sdelay $0x4  }
0x40: {  	[tilespmem:$0x1F890] =	vst v0;
	v0 =	vld [tilespmem:s25+$0x930];
	_ =	sdelay $0x4  }
0x41: {  	[tilespmem:$0x1FA10] =	vst v0;
	v0 =	vld [tilespmem:s25+$0x990];
	_ =	sdelay $0x4  }
0x42: {  	[tilespmem:$0x1FA20] =	vst v0;
	v0 =	vld [tilespmem:s25+$0x8990];
	_ =	sdelay $0x4  }
0x43: {  	[tilespmem:$0x1FA30] =	vst v0;
	v0 =	vld [tilespmem:s25+$0x6F0];
	_ =	sdelay $0x4  }
0x44: {  	[tilespmem:$0x1FA40] =	vst v0;
	v0 =	vld [tilespmem:s25+$0x86F0];
	_ =	sdelay $0x4  }
0x45: {  	[tilespmem:$0x1FA50] =	vst v0;
	v0 =	vld [tilespmem:s25+$0x760];
	_ =	sdelay $0x4  }
0x46: {  	[tilespmem:$0x1F8A0] =	vst v0;
	v0 =	vld [tilespmem:s25+$0x7D0];
	_ =	sdelay $0x4  }
0x47: {  	[tilespmem:$0x1FA60] =	vst v0;
	v0 =	vld [tilespmem:s25+$0x87D0];
	_ =	sdelay $0x4  }
0x48: {  	[tilespmem:$0x1FA70] =	vst v0;
	v0 =	vld [tilespmem:s25+$0x840];
	_ =	sdelay $0x4  }
0x49: {  	[tilespmem:$0x1FA80] =	vst v0;
	v0 =	vld [tilespmem:s25+$0x8840];
	_ =	sdelay $0x4  }
0x4a: {  	[tilespmem:$0x1FA90] =	vst v0;
	v0 =	vld [tilespmem:s25+$0x8B0];
	_ =	sdelay $0x4  }
0x4b: {  	[tilespmem:$0x1FAA0] =	vst v0;
	v0 =	vld [tilespmem:s25+$0x88B0];
	_ =	sdelay $0x4  }
0x4c: {  	[tilespmem:$0x1FAB0] =	vst v0;
	v0 =	vld [tilespmem:s25+$0x6E0];
	_ =	sdelay $0x4  }
0x4d: {  	[tilespmem:$0x1FAD0] =	vst v0;
	v0 =	vld [tilespmem:s25+$0x86E0];
	_ =	sdelay $0x4  }
0x4e: {  	[tilespmem:$0x1FAE0] =	vst v0;
	v0 =	vld [tilespmem:s25+$0x750];
	_ =	sdelay $0x4  }
0x4f: {  	[tilespmem:$0x1F8B0] =	vst v0;
	v0 =	vld [tilespmem:s25+$0x8750];
	_ =	sdelay $0x4  }
0x50: {  	[tilespmem:$0x1F8C0] =	vst v0;
	v0 =	vld [tilespmem:s25+$0x830];
	_ =	sdelay $0x4  }
0x51: {  	[tilespmem:$0x1FAF0] =	vst v0;
	v0 =	vld [tilespmem:s25+$0x8A0];
	_ =	sdelay $0x4  }
0x52: {  	[tilespmem:$0x1FB00] =	vst v0;
	v0 =	vld [tilespmem:s25+$0x88A0];
	_ =	sdelay $0x4  }
0x53: {  	[tilespmem:$0x1FB10] =	vst v0;
	v0 =	vld [tilespmem:s25+$0x740];
	_ =	sdelay $0x4  }
0x54: {  	[tilespmem:$0x1FB30] =	vst v0;
	v0 =	vld [tilespmem:s25+$0x8740];
	_ =	sdelay $0x4  }
0x55: {  	[tilespmem:$0x1FB40] =	vst v0;
	v0 =	vld [tilespmem:s25+$0x890];
	_ =	sdelay $0x4  }
0x56: {  	[tilespmem:$0x1FB50] =	vst v0;
	v0 =	vld [tilespmem:s25+$0x5E0];
	_ =	sdelay $0x4  }
0x57: {  	[tilespmem:$0x1F8D0] =	vst v0;
	v0 =	vld [tilespmem:s25+$0x6C0];
	_ =	sdelay $0x4  }
0x58: {  	[tilespmem:$0x1FB80] =	vst v0;
	v0 =	vld [tilespmem:s25+$0x86C0];
	_ =	sdelay $0x4  }
0x59: {  	[tilespmem:$0x1FB90] =	vst v0;
	v0 =	vld [tilespmem:s25+$0x730];
	_ =	sdelay $0x4  }
0x5a: {  	[tilespmem:$0x1FBD0] =	vst v0;
	v0 =	vld [tilespmem:s25+$0x8730];
	_ =	sdelay $0x4  }
0x5b: {  	[tilespmem:$0x1FBE0] =	vst v0;
	v0 =	vld [tilespmem:s25+$0x7A0];
	_ =	sdelay $0x4  }
0x5c: {  	[tilespmem:$0x1FBA0] =	vst v0;
	v0 =	vld [tilespmem:s25+$0x87A0];
	_ =	sdelay $0x4  }
0x5d: {  	[tilespmem:$0x1FBB0] =	vst v0;
	v0 =	vld [tilespmem:s25+$0x4F0];
	_ =	sdelay $0x4  }
0x5e: {  	[tilespmem:$0x1FBC0] =	vst v0;
	v0 =	vld [tilespmem:s25+$0x560];
	_ =	sdelay $0x4  }
0x5f: {  	[tilespmem:$0x1FC00] =	vst v0;
	v0 =	vld [tilespmem:s25+$0x8560];
	_ =	sdelay $0x4  }
0x60: {  	[tilespmem:$0x1FC10] =	vst v0;
	v0 =	vld [tilespmem:s25+$0x5D0];
	_ =	sdelay $0x4  }
0x61: {  	[tilespmem:$0x1F8E0] =	vst v0;
	v0 =	vld [tilespmem:s25+$0x85D0];
	_ =	sdelay $0x4  }
0x62: {  	[tilespmem:$0x1F8F0] =	vst v0;
	v0 =	vld [tilespmem:s25+$0x640];
	_ =	sdelay $0x4  }
0x63: {  	[tilespmem:$0x1FC20] =	vst v0;
	v0 =	vld [tilespmem:s25+$0x8640];
	_ =	sdelay $0x4  }
0x64: {  	[tilespmem:$0x1FC30] =	vst v0;
	v0 =	vld [tilespmem:s25+$0x6B0];
	_ =	sdelay $0x4  }
0x65: {  	[tilespmem:$0x1FC50] =	vst v0;
	v0 =	vld [tilespmem:s25+$0x86B0];
	_ =	sdelay $0x4  }
0x66: {  	[tilespmem:$0x1FC60] =	vst v0;
	v0 =	vld [tilespmem:s25+$0x720];
	_ =	sdelay $0x4  }
0x67: {  	[tilespmem:$0x1FC70] =	vst v0;
	v0 =	vld [tilespmem:s25+$0x8720];
	_ =	sdelay $0x4  }
0x68: {  	[tilespmem:$0x1FC80] =	vst v0;
	v0 =	vld [tilespmem:s25+$0x4E0];
	_ =	sdelay $0x4  }
0x69: {  	[tilespmem:$0x1FCA0] =	vst v0;
	v0 =	vld [tilespmem:s25+$0x84E0];
	_ =	sdelay $0x4  }
0x6a: {  	[tilespmem:$0x1FCB0] =	vst v0;
	v0 =	vld [tilespmem:s25+$0x550];
	_ =	sdelay $0x4  }
0x6b: {  	[tilespmem:$0x1FCC0] =	vst v0;
	v0 =	vld [tilespmem:s25+$0x8550];
	_ =	sdelay $0x4  }
0x6c: {  	[tilespmem:$0x1FCD0] =	vst v0;
	v0 =	vld [tilespmem:s25+$0x5C0];
	_ =	sdelay $0x4  }
0x6d: {  	[tilespmem:$0x1FD00] =	vst v0;
	v0 =	vld [tilespmem:s25+$0x85C0];
	_ =	sdelay $0x4  }
0x6e: {  	[tilespmem:$0x1FD10] =	vst v0;
	v0 =	vld [tilespmem:s25+$0x630];
	_ =	sdelay $0x4  }
0x6f: {  	[tilespmem:$0x1FD30] =	vst v0;
	v0 =	vld [tilespmem:s25+$0x8630];
	_ =	sdelay $0x4  }
0x70: {  	[tilespmem:$0x1FD40] =	vst v0;
	v0 =	vld [tilespmem:s25+$0x6A0];
	_ =	sdelay $0x4  }
0x71: {  	[tilespmem:$0x1FCE0] =	vst v0;
	v0 =	vld [tilespmem:s25+$0x86A0];
	_ =	sdelay $0x4  }
0x72: {  	[tilespmem:$0x1FCF0] =	vst v0;
	v0 =	vld [tilespmem:s25+$0x710];
	_ =	sdelay $0x4  }
0x73: {  	[tilespmem:$0x1FD50] =	vst v0;
	v0 =	vld [tilespmem:s25+$0x8710];
	_ =	sdelay $0x4  }
0x74: {  	[tilespmem:$0x1FD60] =	vst v0;
	v0 =	vld [tilespmem:s25+$0x3F0];
	_ =	sdelay $0x4  }
0x75: {  	[tilespmem:$0x1FD70] =	vst v0;
	v0 =	vld [tilespmem:s25+$0x83F0];
	_ =	sdelay $0x4  }
0x76: {  	[tilespmem:$0x1FD80] =	vst v0;
	v0 =	vld [tilespmem:s25+$0x460];
	_ =	sdelay $0x4  }
0x77: {  	[tilespmem:$0x1F900] =	vst v0;
	v0 =	vld [tilespmem:s25+$0x4D0];
	_ =	sdelay $0x4  }
0x78: {  	[tilespmem:$0x1FD90] =	vst v0;
	v0 =	vld [tilespmem:s25+$0x84D0];
	_ =	sdelay $0x4  }
0x79: {  	[tilespmem:$0x1FDA0] =	vst v0;
	v0 =	vld [tilespmem:s25+$0x540];
	_ =	sdelay $0x4  }
0x7a: {  	[tilespmem:$0x1FDB0] =	vst v0;
	v0 =	vld [tilespmem:s25+$0x8540];
	_ =	sdelay $0x4  }
0x7b: {  	[tilespmem:$0x1FDC0] =	vst v0;
	v0 =	vld [tilespmem:s25+$0x5B0];
	_ =	sdelay $0x4  }
0x7c: {  	[tilespmem:$0x1FE30] =	vst v0;
	v0 =	vld [tilespmem:s25+$0x85B0];
	_ =	sdelay $0x4  }
0x7d: {  	[tilespmem:$0x1FE40] =	vst v0;
	v0 =	vld [tilespmem:s25+$0x620];
	_ =	sdelay $0x4  }
0x7e: {  	[tilespmem:$0x1FDF0] =	vst v0;
	v0 =	vld [tilespmem:s25+$0x8620];
	_ =	sdelay $0x4  }
0x7f: {  	[tilespmem:$0x1FE00] =	vst v0;
	v0 =	vld [tilespmem:s25+$0x700];
	_ =	sdelay $0x4  }
0x80: {  	[tilespmem:$0x1FDD0] =	vst v0;
	v0 =	vld [tilespmem:s25+$0x8700];
	_ =	sdelay $0x4  }
0x81: {  	[tilespmem:$0x1FDE0] =	vst v0;
	v0 =	vld [tilespmem:s25+$0x370];
	_ =	sdelay $0x4  }
0x82: {  	[tilespmem:$0x1FE10] =	vst v0;
	v0 =	vld [tilespmem:s25+$0x8370];
	_ =	sdelay $0x4  }
0x83: {  	[tilespmem:$0x1FE20] =	vst v0;
	v0 =	vld [tilespmem:s25+$0x3E0];
	_ =	sdelay $0x4  }
0x84: {  	[tilespmem:$0x1FE50] =	vst v0;
	v0 =	vld [tilespmem:s25+$0x83E0];
	_ =	sdelay $0x4  }
0x85: {  	[tilespmem:$0x1FE60] =	vst v0;
	v0 =	vld [tilespmem:s25+$0x450];
	_ =	sdelay $0x4  }
0x86: {  	[tilespmem:$0x1F910] =	vst v0;
	v0 =	vld [tilespmem:s25+$0x8450];
	_ =	sdelay $0x4  }
0x87: {  	[tilespmem:$0x1F920] =	vst v0;
	v0 =	vld [tilespmem:s25+$0x4C0];
	_ =	sdelay $0x4  }
0x88: {  	[tilespmem:$0x1FE70] =	vst v0;
	v0 =	vld [tilespmem:s25+$0x84C0];
	_ =	sdelay $0x4  }
0x89: {  	[tilespmem:$0x1FE80] =	vst v0;
	v0 =	vld [tilespmem:s25+$0x530];
	_ =	sdelay $0x4  }
0x8a: {  	[tilespmem:$0x1FE90] =	vst v0;
	v0 =	vld [tilespmem:s25+$0x8530];
	_ =	sdelay $0x4  }
0x8b: {  	[tilespmem:$0x1FEA0] =	vst v0;
	v0 =	vld [tilespmem:s25+$0x5A0];
	_ =	sdelay $0x4  }
0x8c: {  	[tilespmem:$0x1FEB0] =	vst v0;
	v0 =	vld [tilespmem:s25+$0x85A0];
	_ =	sdelay $0x4  }
0x8d: {  	[tilespmem:$0x1FEC0] =	vst v0;
	v0 =	vld [tilespmem:s25+$0x270];
	_ =	sdelay $0x4  }
0x8e: {  	[tilespmem:$0x1FED0] =	vst v0;
	v0 =	vld [tilespmem:s25+$0x8270];
	_ =	sdelay $0x4  }
0x8f: {  	[tilespmem:$0x1FEE0] =	vst v0;
	v0 =	vld [tilespmem:s25+$0x360];
	_ =	sdelay $0x4  }
0x90: {  	[tilespmem:$0x1FF10] =	vst v0;
	v0 =	vld [tilespmem:s25+$0x8360];
	_ =	sdelay $0x1  }
0x91: {  	v2 =	vld [tilespmem:s25+$0x970]  }
0x92: {  	v4 =	vld [tilespmem:s25+$0x8970]  }
0x93: {  	v1 =	vld [tilespmem:s25+$0x960]  }
0x94: {  	[tilespmem:$0x1FF20] =	vst v0;
	v0 =	vld [tilespmem:s25+$0x3D0]  }
0x95: {  	v6 =	vld [tilespmem:s25+$0x8960]  }
0x96: {  	v30 =	vld [tilespmem:s25+$0x870]  }
0x97: {  	v59 =	vld [tilespmem:s25+$0x8870]  }
0x98: {  	v50 =	vld [tilespmem:s25+$0x87F0]  }
0x99: {  	[tilespmem:$0x1FF30] =	vst v0;
	v0 =	vld [tilespmem:s25+$0x83D0]  }
0x9a: {  	v53 =	vld [tilespmem:s25+$0x940]  }
0x9b: {  	v42 =	vld [tilespmem:s25+$0x8940]  }
0x9c: {  	v60 =	vld [tilespmem:s25+$0x9A0]  }
0x9d: {  	v45 =	vld [tilespmem:s25+$0x89A0]  }
0x9e: {  	[tilespmem:$0x1FF40] =	vst v0;
	v0 =	vld [tilespmem:s25+$0x440]  }
0x9f: {  	v3 =	vld [tilespmem:s25+$0x7E0]  }
0xa0: {  	v48 =	vld [tilespmem:s25+$0x87E0]  }
0xa1: {  	v46 =	vld [tilespmem:s25+$0x850]  }
0xa2: {  	v39 =	vld [tilespmem:s25+$0x8850]  }
0xa3: {  	[tilespmem:$0x1F930] =	vst v0;
	v0 =	vld [tilespmem:s25+$0x8440]  }
0xa4: {  	v51 =	vld [tilespmem:s25+$0x8C0]  }
0xa5: {  	v40 =	vld [tilespmem:s25+$0x88C0]  }
0xa6: {  	v8 =	vld [tilespmem:s25+$0x900]  }
0xa7: {  	v7 =	vld [tilespmem:s25+$0x8900]  }
0xa8: {  	[tilespmem:$0x1F940] =	vst v0;
	v0 =	vld [tilespmem:s25+$0x4B0]  }
0xa9: {  	v22 =	vld [tilespmem:s25+$0x8930]  }
0xaa: {  	v27 =	vld [tilespmem:s25+$0x920]  }
0xab: {  	v26 =	vld [tilespmem:s25+$0x8920]  }
0xac: {  	v25 =	vld [tilespmem:s25+$0x980]  }
0xad: {  	v7 =	vmul.f32 v7, v8;
	v8 =	vmul.f32 v45, v60;
	[tilespmem:$0x1FF60] =	vst v0;
	v0 =	vld [tilespmem:s25+$0x84B0]  }
0xae: {  	v24 =	vld [tilespmem:s25+$0x8980]  }
0xaf: {  	[tilespmem:$0x1F9E0] =	vst v8;
	v8 =	vld [tilespmem:s25+$0x8430]  }
0xb0: {  	v47 =	vld [tilespmem:s25+$0x670]  }
0xb1: {  	v29 =	vld [tilespmem:s25+$0x8670]  }
0xb2: {  	[tilespmem:$0x1FF70] =	vst v0;
	v0 =	vld [tilespmem:s25+$0x520]  }
0xb3: {  	v41 =	vld [tilespmem:s25+$0x7C0]  }
0xb4: {  	[tilespmem:$0x1F9F0] =	vst v8;
	v8 =	vmul.f32 v48, v3;
	v3 =	vld [tilespmem:s25+$0x4A0]  }
0xb5: {  	v37 =	vld [tilespmem:s25+$0x87C0]  }
0xb6: {  	v49 =	vld [tilespmem:s25+$0x8830]  }
0xb7: {  	[tilespmem:$0x1FEF0] =	vst v0;
	v0 =	vld [tilespmem:s25+$0x8520]  }
0xb8: {  	v17 =	vld [tilespmem:s25+$0x910]  }
0xb9: {  	v16 =	vld [tilespmem:s25+$0x8910];
	[tilespmem:$0x1FF50] =	vst v3;
	v3 =	vmul.f32 v40, v51  }
0xba: {  	v52 =	vld [tilespmem:s25+$0x6D0]  }
0xbb: {  	[tilespmem:$0x1FA00] =	vst v3;
	v3 =	vld [tilespmem:$0x1FA10]  }
0xbc: {  	[tilespmem:$0x1FF00] =	vst v0;
	v0 =	vld [tilespmem:s25+$0x590]  }
0xbd: {  	v44 =	vld [tilespmem:s25+$0x86D0]  }
0xbe: {  	v57 =	vld [tilespmem:s25+$0x7B0]  }
0xbf: {  	v54 =	vld [tilespmem:s25+$0x87B0]  }
0xc0: {  	v45 =	vmul.f32 v39, v46;
	v39 =	vmul.f32 v22, v3;
	v3 =	vld [tilespmem:$0x1FA20]  }
0xc1: {  	[tilespmem:$0x1FF80] =	vst v0;
	v0 =	vld [tilespmem:s25+$0x8590]  }
0xc2: {  	v22 =	vld [tilespmem:$0x1FA30]  }
0xc3: {  	v61 =	vld [tilespmem:s25+$0x820]  }
0xc4: {  	v38 =	vld [tilespmem:s25+$0x8820]  }
0xc5: {  	v55 =	vld [tilespmem:s25+$0x570];
	v16 =	vmul.f32 v16, v17;
	v7 =	vadd.f32 $0.0e+00, v7  }
0xc6: {  	[tilespmem:$0x1FF90] =	vst v0;
	v0 =	vld [tilespmem:s25+$0x260]  }
0xc7: {  	v7 =	vadd.f32 v16, v7;
	v16 =	vmul.f32 v26, v27;
	v26 =	vmul.f32 v22, v3;
	v3 =	vld [tilespmem:$0x1FA40]  }
0xc8: {  	v22 =	vld [tilespmem:$0x1FA50]  }
0xc9: {  	v18 =	vld [tilespmem:s25+$0x810]  }
0xca: {  	v15 =	vld [tilespmem:s25+$0x8810]  }
0xcb: {  	[tilespmem:$0x1FFA0] =	vst v0;
	v0 =	vld [tilespmem:s25+$0x8260]  }
0xcc: {  	v32 =	vld [tilespmem:s25+$0x880]  }
0xcd: {  	v22 =	vmul.f32 v22, v3;
	v3 =	vld [tilespmem:$0x1FA60]  }
0xce: {  	v17 =	vmul.f32 v24, v25;
	v24 =	vld [tilespmem:$0x1FA70]  }
0xcf: {  	v28 =	vld [tilespmem:s25+$0x8880]  }
0xd0: {  	[tilespmem:$0x1FFB0] =	vst v0;
	v0 =	vld [tilespmem:s25+$0x350]  }
0xd1: {  	v56 =	vld [tilespmem:s25+$0x84F0]  }
0xd2: {  	v27 =	vadd.f32 $0.0e+00, v17;
	v17 =	vld [tilespmem:$0x1FA80]  }
0xd3: {  	v3 =	vmul.f32 v24, v3;
	v24 =	vld [tilespmem:$0x1FA90]  }
0xd4: {  	v63 =	vld [tilespmem:s25+$0x800]  }
0xd5: {  	[tilespmem:$0x1FFC0] =	vst v0;
	v0 =	vld [tilespmem:s25+$0x8350]  }
0xd6: {  	v5 =	vld [tilespmem:s25+$0x8800]  }
0xd7: {  	v2 =	vmul.f32 v4, v2;
	v4 =	vld [tilespmem:$0x1F960]  }
0xd8: {  	v46 =	vmul.f32 v24, v17;
	v17 =	vld [tilespmem:$0x1FAA0]  }
0xd9: {  	v24 =	vld [tilespmem:$0x1FAB0]  }
0xda: {  	[tilespmem:$0x1FFD0] =	vst v0;
	v0 =	vld [tilespmem:$0x1F950]  }
0xdb: {  	v21 =	vld [tilespmem:s25+$0x790];
	v7 =	vadd.f32 v16, v7  }
0xdc: {  	v62 =	vld [tilespmem:s25+$0x8790]  }
0xdd: {  	v12 =	vld [tilespmem:s25+$0x780];
	v53 =	vmul.f32 v42, v53;
	v7 =	vadd.f32 v39, v7  }
0xde: {  	v5 =	vmul.f32 v5, v63;
	v63 =	vadd.f32 v26, v27;
	v17 =	vmul.f32 v24, v17;
	v27 =	vld [tilespmem:$0x1FB00]  }
0xdf: {  	v7 =	vadd.f32 v53, v7;
	v24 =	vmul.f32 v29, v47;
	v29 =	vld [tilespmem:$0x1FB10];
	v0 =	vmul.f32 v4, v0  }
0xe0: {  	v11 =	vld [tilespmem:s25+$0x8780]  }
0xe1: {  	v1 =	vmul.f32 v6, v1;
	v16 =	vld [tilespmem:$0x1FAD0];
	v0 =	vadd.f32 v0, v7  }
0xe2: {  	v4 =	vld [tilespmem:s25+$0x3C0]  }
0xe3: {  	v0 =	vadd.f32 v1, v0;
	v1 =	vld [tilespmem:s25+$0x8420]  }
0xe4: {  	[tilespmem:$0x1FAC0] =	vst v17;
	v17 =	vld [tilespmem:$0x1FAE0];
	v27 =	vmul.f32 v29, v27  }
0xe5: {  	v6 =	vmul.f32 v59, v30;
	v15 =	vmul.f32 v15, v18;
	v5 =	vadd.f32 $0.0e+00, v5;
	v30 =	vld [tilespmem:$0x1F990]  }
0xe6: {  	[tilespmem:$0x1FB20] =	vst v27;
	v27 =	vld [tilespmem:$0x1FB30];
	v7 =	vmul.f32 v11, v12  }
0xe7: {  	v5 =	vadd.f32 v15, v5;
	[tilespmem:$0x1FFE0] =	vst v4;
	v4 =	vld [tilespmem:$0x1F970]  }
0xe8: {  	v15 =	vmul.f32 v38, v61;
	v29 =	vld [tilespmem:$0x1FB40];
	v7 =	vadd.f32 $0.0e+00, v7;
	[tilespmem:$0x1FB70] =	vst v1;
	v1 =	vmul.f32 v62, v21  }
0xe9: {  	v26 =	vmul.f32 v17, v16;
	v16 =	vmul.f32 v37, v41;
	v17 =	vld [tilespmem:$0x1FAF0]  }
0xea: {  	v41 =	vmul.f32 v44, v52;
	v44 =	vadd.f32 v2, v0;
	v0 =	vadd.f32 v1, v7;
	v7 =	vld [tilespmem:$0x1FBC0]  }
0xeb: {  	v5 =	vadd.f32 v15, v5;
	v15 =	vld [tilespmem:$0x1FB80]  }
0xec: {  	v50 =	vmul.f32 v50, v4;
	v4 =	vld [tilespmem:$0x1F980]  }
0xed: {  	v61 =	vmul.f32 v29, v27;
	v27 =	vld [tilespmem:$0x1FBE0]  }
0xee: {  	v21 =	vld [tilespmem:$0x1FB90]  }
0xef: {  	v39 =	vmul.f32 v56, v7;
	v7 =	vld [tilespmem:$0x1FBD0]  }
0xf0: {  	v43 =	vld [tilespmem:s25+$0x8570]  }
0xf1: {  	v2 =	vld [tilespmem:$0x1FBB0];
	v4 =	vmul.f32 v30, v4  }
0xf2: {  	v1 =	vld [tilespmem:$0x1FBA0]  }
0xf3: {  	v18 =	vmul.f32 v49, v17;
	v21 =	vmul.f32 v21, v15;
	[tilespmem:$0x1F9A0] =	vst v4;
	v4 =	vld [tilespmem:s25+$0x83C0]  }
0xf4: {  	v10 =	vld [tilespmem:s25+$0x680];
	v15 =	vmul.f32 v28, v32;
	v7 =	vmul.f32 v27, v7  }
0xf5: {  	v27 =	vld [tilespmem:$0x1FC10]  }
0xf6: {  	v5 =	vadd.f32 v18, v5;
	[tilespmem:$0x1FBF0] =	vst v7;
	v7 =	vadd.f32 $0.0e+00, v15;
	v15 =	vld [tilespmem:$0x1FC00]  }
0xf7: {  	v30 =	vld [tilespmem:$0x1F9C0]  }
0xf8: {  	v1 =	vmul.f32 v2, v1;
	v2 =	vadd.f32 v46, v5;
	[tilespmem:$0x1FFF0] =	vst v4;
	v4 =	vld [tilespmem:$0x1F9B0]  }
0xf9: {  	v9 =	vld [tilespmem:s25+$0x8680]  }
0xfa: {  	v0 =	vadd.f32 v1, v0;
	v1 =	vadd.f32 v45, v2;
	v2 =	vld [tilespmem:$0x1FC20]  }
0xfb: {  	v57 =	vmul.f32 v54, v57;
	v54 =	vmul.f32 v27, v15;
	v15 =	vld [tilespmem:$0x1FC30];
	_ =	sdelay $0x1  }
0xfc: {  	v58 =	vld [tilespmem:s25+$0x8890];
	v4 =	vmul.f32 v30, v4  }
0xfd: {  	v11 =	vld [tilespmem:$0x1FB50]  }
0xfe: {  	v49 =	vmul.f32 v43, v55;
	v1 =	vadd.f32 v4, v1;
	v4 =	vld [tilespmem:$0x1FC70]  }
0xff: {  	v43 =	vmul.f32 v15, v2;
	v2 =	vmul.f32 v9, v10;
	v10 =	vld [tilespmem:$0x1FC80];
	_ =	sdelay $0x4  }
0x100: {  	v20 =	vld [tilespmem:s25+$0x690];
	v11 =	vmul.f32 v58, v11;
	v4 =	vmul.f32 v10, v4  }
0x101: {  	v10 =	vld [tilespmem:$0x1FCB0]  }
0x102: {  	v7 =	vadd.f32 v11, v7;
	[tilespmem:$0x1FC90] =	vst v4;
	v4 =	vld [tilespmem:$0x1FCA0]  }
0x103: {  	v19 =	vld [tilespmem:s25+$0x8690]  }
0x104: {  	[tilespmem:$0x1FC40] =	vst v7;
	v7 =	vld [tilespmem:$0x1FC50]  }
0x105: {  	v9 =	vld [tilespmem:$0x1FC60]  }
0x106: {  	v0 =	vadd.f32 v57, v0;
	v57 =	vadd.f32 v6, v1;
	v1 =	vld [tilespmem:$0x1FCC0]  }
0x107: {  	v52 =	vmul.f32 v10, v4;
	v4 =	vld [tilespmem:$0x1FCD0];
	_ =	sdelay $0x2  }
0x108: {  	v2 =	vadd.f32 $0.0e+00, v2;
	v7 =	vmul.f32 v9, v7;
	v9 =	vmul.f32 v19, v20;
	_ =	sdelay $0x1  }
0x109: {  	v32 =	vmul.f32 v4, v1;
	v1 =	vadd.f32 v9, v2;
	v2 =	vld [tilespmem:$0x1FCE0]  }
0x10a: {  	v4 =	vld [tilespmem:$0x1FCF0];
	_ =	sdelay $0x3  }
0x10b: {  	v0 =	vadd.f32 v16, v0  }
0x10c: {  	v2 =	vmul.f32 v4, v2  }
0x10d: {  	v0 =	vadd.f32 v3, v0;
	v3 =	vld [tilespmem:$0x1FD60]  }
0x10e: {  	v1 =	vadd.f32 v2, v1;
	v2 =	vld [tilespmem:$0x1FD50];
	_ =	sdelay $0x1  }
0x10f: {  	v6 =	vld [tilespmem:$0x1FD10]  }
0x110: {  	v4 =	vld [tilespmem:$0x1FD00];
	_ =	sdelay $0x1  }
0x111: {  	v10 =	vmul.f32 v3, v2;
	v2 =	vld [tilespmem:$0x1FD70]  }
0x112: {  	v3 =	vld [tilespmem:$0x1FD80];
	_ =	sdelay $0x1  }
0x113: {  	v4 =	vmul.f32 v6, v4  }
0x114: {  	v6 =	vld [tilespmem:$0x1FD40]  }
0x115: {  	[tilespmem:$0x1FD20] =	vst v4;
	v4 =	vld [tilespmem:$0x1FD30]  }
0x116: {  	v37 =	vmul.f32 v3, v2;
	v2 =	vld [tilespmem:$0x1FD90]  }
0x117: {  	v3 =	vld [tilespmem:$0x1FDA0];
	_ =	sdelay $0x1  }
0x118: {  	v14 =	vld [tilespmem:s25+$0x600]  }
0x119: {  	v13 =	vld [tilespmem:s25+$0x8600]  }
0x11a: {  	v4 =	vmul.f32 v6, v4;
	v6 =	vld [tilespmem:$0x1FDC0]  }
0x11b: {  	v27 =	vmul.f32 v3, v2;
	v3 =	vld [tilespmem:$0x1FDB0];
	_ =	sdelay $0x1  }
0x11c: {  	v31 =	vld [tilespmem:s25+$0x610]  }
0x11d: {  	v23 =	vld [tilespmem:s25+$0x8610];
	_ =	sdelay $0x1  }
0x11e: {  	v9 =	vmul.f32 v13, v14;
	v14 =	vmul.f32 v6, v3;
	v3 =	vld [tilespmem:$0x1FDD0]  }
0x11f: {  	v6 =	vld [tilespmem:$0x1FDE0];
	_ =	sdelay $0x1  }
0x120: {  	v1 =	vadd.f32 v7, v1;
	v7 =	vadd.f32 $0.0e+00, v9;
	v2 =	vmul.f32 v23, v31;
	_ =	sdelay $0x1  }
0x121: {  	v7 =	vadd.f32 v2, v7;
	v2 =	vld [tilespmem:$0x1FDF0]  }
0x122: {  	v11 =	vmul.f32 v6, v3;
	v3 =	vld [tilespmem:$0x1FE00];
	_ =	sdelay $0x3  }
0x123: {  	v19 =	vadd.f32 v21, v1;
	v1 =	vld [tilespmem:$0x1FE10]  }
0x124: {  	v16 =	vmul.f32 v3, v2;
	v3 =	vld [tilespmem:$0x1FE20];
	_ =	sdelay $0x2  }
0x125: {  	v35 =	vld [tilespmem:s25+$0x660]  }
0x126: {  	v33 =	vld [tilespmem:s25+$0x8660]  }
0x127: {  	v38 =	vmul.f32 v3, v1;
	v1 =	vld [tilespmem:$0x1FE30]  }
0x128: {  	v3 =	vld [tilespmem:$0x1FE40];
	_ =	sdelay $0x4  }
0x129: {  	v17 =	vmul.f32 v33, v35;
	v35 =	vmul.f32 v3, v1;
	v1 =	vld [tilespmem:$0x1FE50]  }
0x12a: {  	v3 =	vld [tilespmem:$0x1FE60]  }
0x12b: {  	v36 =	vld [tilespmem:s25+$0x650]  }
0x12c: {  	v34 =	vld [tilespmem:s25+$0x8650]  }
0x12d: {  	v12 =	vld [tilespmem:s25+$0x420]  }
0x12e: {  	v6 =	vld [tilespmem:$0x1FE80]  }
0x12f: {  	v1 =	vmul.f32 v3, v1;
	v3 =	vld [tilespmem:$0x1FE70];
	_ =	sdelay $0x2  }
0x130: {  	[tilespmem:$0x1FB60] =	vst v12;
	v12 =	vmul.f32 v34, v36;
	v36 =	vld [tilespmem:s25+$0x8500]  }
0x131: {  	v5 =	vld [tilespmem:s25+$0x500]  }
0x132: {  	v21 =	vmul.f32 v6, v3;
	v3 =	vld [tilespmem:$0x1FE90]  }
0x133: {  	v6 =	vld [tilespmem:$0x1FEA0]  }
0x134: {  	v25 =	vld [tilespmem:s25+$0x510]  }
0x135: {  	v40 =	vld [tilespmem:s25+$0x8510]  }
0x136: {  	v0 =	vadd.f32 v8, v0;
	v8 =	vld [tilespmem:s25+$0x480];
	v20 =	vadd.f32 $0.0e+00, v11  }
0x137: {  	v9 =	vld [tilespmem:s25+$0x8480];
	v19 =	vadd.f32 v41, v19  }
0x138: {  	v5 =	vmul.f32 v36, v5;
	v36 =	vadd.f32 v10, v20;
	v10 =	vmul.f32 v6, v3;
	v3 =	vld [tilespmem:$0x1FEB0]  }
0x139: {  	v6 =	vadd.f32 v26, v19;
	v19 =	vld [tilespmem:$0x1FEC0];
	_ =	sdelay $0x2  }
0x13a: {  	v16 =	vadd.f32 v16, v7  }
0x13b: {  	v9 =	vmul.f32 v9, v8;
	v8 =	vadd.f32 v22, v6;
	v6 =	vld [tilespmem:$0x1FEE0]  }
0x13c: {  	v4 =	vadd.f32 v4, v16;
	v16 =	vmul.f32 v40, v25;
	v40 =	vmul.f32 v19, v3;
	v3 =	vld [tilespmem:$0x1FED0]  }
0x13d: {  	v59 =	vld [tilespmem:s25+$0x84A0]  }
0x13e: {  	v42 =	vld [tilespmem:s25+$0x8580]  }
0x13f: {  	v60 =	vld [tilespmem:s25+$0x240]  }
0x140: {  	v48 =	vld [tilespmem:s25+$0x8250]  }
0x141: {  	v41 =	vmul.f32 v6, v3;
	v3 =	vld [tilespmem:$0x1FEF0]  }
0x142: {  	v6 =	vld [tilespmem:$0x1FF00]  }
0x143: {  	v51 =	vld [tilespmem:s25+$0x250]  }
0x144: {  	v53 =	vld [tilespmem:s25+$0x3B0];
	v4 =	vadd.f32 v43, v4  }
0x145: {  	v47 =	vld [tilespmem:s25+$0x340]  }
0x146: {  	v12 =	vadd.f32 v12, v4;
	v4 =	vld [tilespmem:$0x1FF20]  }
0x147: {  	v6 =	vmul.f32 v6, v3;
	v3 =	vld [tilespmem:$0x1FF10]  }
0x148: {  	v33 =	vld [tilespmem:s25+$0x8340]  }
0x149: {  	v55 =	vld [tilespmem:s25+$0x330]  }
0x14a: {  	v18 =	vld [tilespmem:s25+$0x490]  }
0x14b: {  	v19 =	vadd.f32 $0.0e+00, v9;
	v9 =	vld [tilespmem:$0x1FF40]  }
0x14c: {  	v4 =	vmul.f32 v4, v3;
	v3 =	vld [tilespmem:$0x1FF30]  }
0x14d: {  	v29 =	vld [tilespmem:s25+$0x83B0]  }
0x14e: {  	v28 =	vld [tilespmem:s25+$0x8490]  }
0x14f: {  	v34 =	vld [tilespmem:s25+$0x8240]  }
0x150: {  	v58 =	vld [tilespmem:s25+$0x3A0]  }
0x151: {  	v5 =	vadd.f32 $0.0e+00, v5;
	v9 =	vmul.f32 v9, v3;
	v3 =	vld [tilespmem:$0x1FF50]  }
0x152: {  	v62 =	vld [tilespmem:s25+$0x83A0]  }
0x153: {  	v56 =	vld [tilespmem:s25+$0x8330];
	v18 =	vmul.f32 v28, v18;
	v5 =	vadd.f32 v16, v5  }
0x154: {  	v46 =	vld [tilespmem:s25+$0x8300]  }
0x155: {  	v5 =	vadd.f32 v6, v5;
	v6 =	vadd.f32 v18, v19;
	v19 =	vld [tilespmem:$0x1FF70]  }
0x156: {  	v18 =	vmul.f32 v59, v3;
	v3 =	vld [tilespmem:$0x1FF60]  }
0x157: {  	v45 =	vld [tilespmem:s25+$0x8410]  }
0x158: {  	v30 =	vld [tilespmem:s25+$0x430]  }
0x159: {  	v28 =	vld [tilespmem:s25+$0x310]  }
0x15a: {  	v10 =	vadd.f32 v10, v5;
	v5 =	vld [tilespmem:$0x1FF90]  }
0x15b: {  	v59 =	vmul.f32 v19, v3;
	v3 =	vld [tilespmem:$0x1FF80]  }
0x15c: {  	v50 =	vadd.f32 v50, v0;
	v0 =	vld [tilespmem:s25+$0x230]  }
0x15d: {  	[tilespmem:$0x1F9D0] =	vst v30;
	v30 =	vld [tilespmem:s25+$0x580]  }
0x15e: {  	v15 =	vld [tilespmem:s25+$0x410]  }
0x15f: {  	v13 =	vld [tilespmem:s25+$0x8390]  }
0x160: {  	v6 =	vadd.f32 v18, v6;
	v18 =	vmul.f32 v5, v3;
	v3 =	vld [tilespmem:$0x1FFA0]  }
0x161: {  	v5 =	vld [tilespmem:$0x1FFB0]  }
0x162: {  	v31 =	vld [tilespmem:s25+$0x390]  }
0x163: {  	v23 =	vld [tilespmem:s25+$0x8220];
	v12 =	vadd.f32 v17, v12  }
0x164: {  	v11 =	vld [tilespmem:s25+$0x320]  }
0x165: {  	v19 =	vadd.f32 v24, v12;
	v12 =	vadd.f32 v14, v10;
	v10 =	vld [tilespmem:$0x1FFD0]  }
0x166: {  	v5 =	vmul.f32 v5, v3;
	v3 =	vld [tilespmem:$0x1FFC0]  }
0x167: {  	v20 =	vld [tilespmem:s25+$0x400]  }
0x168: {  	v2 =	vld [tilespmem:s25+$0x8230]  }
0x169: {  	v7 =	vld [tilespmem:s25+$0x8320]  }
0x16a: {  	v17 =	vld [tilespmem:s25+$0x380]  }
0x16b: {  	v14 =	vmul.f32 v10, v3;
	v3 =	vld [tilespmem:$0x1FFE0]  }
0x16c: {  	v10 =	vld [tilespmem:$0x1FFF0]  }
0x16d: {  	v22 =	vmul.f32 v42, v30;
	v42 =	vld [tilespmem:s25+$0x300]  }
0x16e: {  	v30 =	vld [tilespmem:s25+$0x8380]  }
0x16f: {  	v25 =	vld [tilespmem:s25+$0x8400]  }
0x170: {  	v16 =	vld [tilespmem:s25+$0x220]  }
0x171: {  	v43 =	vld [tilespmem:s25+$0x8310];
	v24 =	vadd.f32 $0.0e+00, v22;
	v22 =	vmul.f32 v10, v3;
	v3 =	vadd.f32 v59, v6  }
0x172: {  	v26 =	vld [tilespmem:s25+$0x8200];
	v42 =	vmul.f32 v46, v42;
	v32 =	vadd.f32 v32, v12;
	v12 =	vmul.f32 v33, v47  }
0x173: {  	v33 =	vmul.f32 v30, v17;
	v6 =	vadd.f32 v18, v24;
	v24 =	vld [tilespmem:s25+$0x210];
	v21 =	vadd.f32 v21, v3  }
0x174: {  	(xrf2) =	vadd.scan.msk.f32 $0xffff, v44;
	v17 =	vmul.f32 v56, v55;
	v18 =	vmul.f32 v29, v53;
	v59 =	vadd.f32 v54, v32;
	v29 =	vld [tilespmem:s25+$0x200]  }
0x175: {  	(xrf2) =	vadd.scan.msk.f32 $0xffff, v57;
	v30 =	vmul.f32 v62, v58;
	v10 =	vmul.f32 v48, v51;
	v47 =	vadd.f32 v27, v21;
	v27 =	vld [tilespmem:s25+$0x8210]  }
0x176: {  	s26 =	simm.s32 $0x0;
	s28 =	simm.s32 $0x1;
	(xrf2) =	vadd.scan.msk.f32 $0xffff, v50;
	v48 =	vmul.f32 v13, v31;
	v13 =	vadd.f32 v49, v59;
	v49 =	vadd.f32 $0.0e+00, v33;
	v21 =	vld [tilespmem:s25+$0x280]  }
.LBB2_3:
0x177: {  	_ = 	snop  }
0x178: {  	v48 =	vadd.f32 v48, v49  }
0x179: {  	v31 =	vadd.f32 v52, v47;
	v20 =	vmul.f32 v25, v20  }
0x17a: {  	v15 =	vmul.f32 v45, v15;
	v25 =	vmul.f32 v26, v29;
	v29 =	vadd.f32 v30, v48  }
0x17b: {  	v30 =	vadd.f32 v39, v31;
	v31 =	vmul.f32 v7, v11;
	v11 =	vadd.f32 $0.0e+00, v20  }
0x17c: {  	v24 =	vmul.f32 v27, v24;
	v20 =	vadd.f32 $0.0e+00, v25;
	v18 =	vadd.f32 v18, v29  }
0x17d: {  	(xrf2) =	vadd.scan.msk.f32 $0xffff, v8;
	v42 =	vadd.f32 $0.0e+00, v42;
	v28 =	vmul.f32 v43, v28;
	v27 =	vld [tilespmem:s25+$0x2B0];
	v11 =	vadd.f32 v15, v11  }
0x17e: {  	v16 =	vmul.f32 v23, v16;
	v3, _, _ =	vpop (xrf2);
	(xrf2) =	vadd.scan.msk.f32 $0xffff, v19;
	v19 =	vld [tilespmem:s25+$0x82B0];
	v15 =	vadd.f32 v24, v20;
	v18 =	vadd.f32 v22, v18  }
0x17f: {  	v28 =	vadd.f32 v28, v42  }
0x180: {  	v44 =	vld [tilespmem:s25+$0x8280];
	v2 =	vmul.f32 v2, v0;
	v15 =	vadd.f32 v16, v15;
	v9 =	vadd.f32 v9, v18  }
0x181: {  	v33 =	vld [tilespmem:s25+$0x290];
	v28 =	vadd.f32 v31, v28  }
0x182: {  	v26 =	vld [tilespmem:s25+$0x8290];
	v2 =	vadd.f32 v2, v15;
	v15 =	vmul.f32 v34, v60;
	v1 =	vadd.f32 v1, v9  }
0x183: {  	v17 =	vadd.f32 v17, v28;
	v9 =	vmul.f32 v19, v27;
	v19 =	vld [tilespmem:$0x1FB70]  }
0x184: {  	v2 =	vadd.f32 v15, v2;
	v15 =	vadd.f32 v37, v1;
	v1 =	vld [tilespmem:$0x1FB60]  }
0x185: {  	v8 =	vld [tilespmem:s25+$0x2A0]  }
0x186: {  	v25 =	vld [tilespmem:s25+$0x82A0];
	v12 =	vadd.f32 v12, v17  }
0x187: {  	v21 =	vmul.f32 v44, v21  }
0x188: {  	v22 =	vld [tilespmem:s25+$0x2C0];
	v12 =	vadd.f32 v14, v12  }
0x189: {  	v20 =	vadd.f32 $0.0e+00, v21;
	v21 =	vmul.f32 v26, v33;
	v16 =	vld [tilespmem:s25+$0x82C0];
	v19 =	vmul.f32 v19, v1  }
0x18a: {  	v4 =	vadd.f32 v4, v12;
	v12 =	vld [tilespmem:$0x1F9D0]  }
0x18b: {  	v7, _, _ =	vpop (xrf2);
	(xrf2) =	vadd.scan.msk.f32 $0xffff, v13;
	v13 =	vadd.f32 v21, v20;
	v8 =	vmul.f32 v25, v8;
	v11 =	vadd.f32 v19, v11;
	v19 =	vld [tilespmem:$0x1F9F0]  }
0x18c: {  	v18 =	vld [tilespmem:s25+$0x2D0]  }
0x18d: {  	v17 =	vld [tilespmem:s25+$0x82D0];
	v8 =	vadd.f32 v8, v13  }
0x18e: {  	v13 =	vld [tilespmem:s25+$0x2E0]  }
0x18f: {  	v14 =	vld [tilespmem:s25+$0x82E0];
	v8 =	vadd.f32 v9, v8  }
0x190: {  	v9 =	vmul.f32 v16, v22;
	v16 =	vld [tilespmem:s25+$0x2F0];
	v2 =	vadd.f32 v10, v2;
	v12 =	vmul.f32 v19, v12  }
0x191: {  	v10 =	vld [tilespmem:s25+$0x82F0]  }
0x192: {  	v2 =	vadd.f32 v5, v2;
	v5 =	vadd.f32 v12, v11;
	v11 =	vld [tilespmem:$0x1F930]  }
0x193: {  	v8 =	vadd.f32 v9, v8;
	v9 =	vmul.f32 v17, v18;
	v12 =	vld [tilespmem:$0x1F940];
	_ =	sdelay $0x1  }
0x194: {  	v8 =	vadd.f32 v9, v8;
	v9 =	vmul.f32 v14, v13  }
0x195: {  	v0, _, _ =	vpop (xrf2);
	(xrf2) =	vadd.scan.msk.f32 $0xffff, v30;
	v4 =	vadd.f32 v38, v4  }
0x196: {  	v1, _, _ =	vpop (xrf2);
	(xrf2) =	vadd.scan.msk.f32 $0xffff, v15;
	v2 =	vadd.f32 v41, v2;
	v8 =	vadd.f32 v9, v8;
	v9 =	vmul.f32 v10, v16  }
0x197: {  	v17, _, _ =	vpop (xrf2);
	(xrf2) =	vadd.scan.msk.f32 $0xffff, v4;
	v11 =	vmul.f32 v12, v11  }
0x198: {  	v14, _, _ =	vpop (xrf2);
	(xrf2) =	vadd.scan.msk.f32 $0xffff, v2;
	v2 =	vadd.f32 v9, v8;
	v8 =	vld [tilespmem:$0x1FD20]  }
0x199: {  	v4 =	vadd.f32 v11, v5;
	v5 =	vld [tilespmem:$0x1F910]  }
0x19a: {  	v11 =	vld [tilespmem:$0x1F920]  }
0x19b: {  	v6 =	vadd.f32 v40, v6;
	_ =	sdelay $0x1  }
0x19c: {  	v6 =	vadd.f32 v35, v6  }
0x19d: {  	v9 =	vld [tilespmem:$0x1F8F0]  }
0x19e: {  	v6 =	vadd.f32 v8, v6;
	v8 =	vld [tilespmem:$0x1F8E0];
	v5 =	vmul.f32 v11, v5  }
0x19f: {  	v15 =	vld [tilespmem:s25+$0x8460]  }
0x1a0: {  	v4 =	vadd.f32 v5, v4;
	v5 =	vld [tilespmem:$0x1F900]  }
0x1a1: {  	v13 =	vld [tilespmem:s25+$0x8470]  }
0x1a2: {  	v12 =	vld [tilespmem:s25+$0x470]  }
0x1a3: {  	v10 =	vld [tilespmem:s25+$0x5F0];
	v8 =	vmul.f32 v9, v8  }
0x1a4: {  	v16 =	vld [tilespmem:$0x1FC90]  }
0x1a5: {  	v6 =	vadd.f32 v8, v6;
	v8 =	vld [tilespmem:$0x1F8D0];
	v5 =	vmul.f32 v15, v5  }
0x1a6: {  	v11 =	vld [tilespmem:s25+$0x85E0]  }
0x1a7: {  	v4 =	vadd.f32 v5, v4;
	v5 =	vmul.f32 v13, v12;
	v12 =	vld [tilespmem:$0x1FBF0]  }
0x1a8: {  	v19 =	vld [tilespmem:$0x1FC40]  }
0x1a9: {  	v9 =	vld [tilespmem:s25+$0x8760]  }
0x1aa: {  	v16 =	vadd.f32 v16, v36;
	v15 =	vld [tilespmem:s25+$0x85F0]  }
0x1ab: {  	v8 =	vmul.f32 v11, v8;
	v11 =	vld [tilespmem:s25+$0x8770]  }
0x1ac: {  	v18, _, _ =	vpop (xrf2);
	v12 =	vadd.f32 v12, v16;
	v16 =	vld [tilespmem:$0x1FB20]  }
0x1ad: {  	v13 =	vld [tilespmem:s25+$0x770];
	(xrf2) =	vadd.scan.msk.f32 $0xffff, v2  }
0x1ae: {  	v2 =	vadd.f32 v5, v4;
	v5 =	vld [tilespmem:$0x1F8B0]  }
0x1af: {  	v6 =	vadd.f32 v8, v6;
	v8 =	vmul.f32 v15, v10;
	v10 =	vld [tilespmem:$0x1FAC0]  }
0x1b0: {  	v4 =	vadd.f32 v61, v12;
	v12 =	vld [tilespmem:$0x1F8C0]  }
0x1b1: {  	v16 =	vadd.f32 v16, v19;
	v19, _, _ =	vpop (xrf2);
	(xrf2) =	vadd.scan.msk.f32 $0xffff, v2;
	v2 =	vadd.f32 v8, v6;
	v6 =	vld [tilespmem:$0x1FA00];
	_ =	sdelay $0x2  }
0x1b2: {  	v10 =	vadd.f32 v10, v16  }
0x1b3: {  	v8 =	vld [tilespmem:$0x1F880];
	v5 =	vmul.f32 v12, v5  }
0x1b4: {  	v6 =	vadd.f32 v6, v10;
	v10 =	vld [tilespmem:$0x1F890]  }
0x1b5: {  	v4 =	vadd.f32 v5, v4;
	v5 =	vld [tilespmem:$0x1F8A0];
	_ =	sdelay $0x3  }
0x1b6: {  	v12 =	vld [tilespmem:s25+$0x88E0];
	v8 =	vmul.f32 v10, v8  }
0x1b7: {  	v16 =	vld [tilespmem:$0x1F9E0];
	v5 =	vmul.f32 v9, v5  }
0x1b8: {  	v6 =	vadd.f32 v8, v6;
	v8 =	vld [tilespmem:$0x1F870]  }
0x1b9: {  	v4 =	vadd.f32 v5, v4;
	v5 =	vmul.f32 v11, v13;
	v11 =	vld [tilespmem:$0x1F850]  }
0x1ba: {  	v13 =	vld [tilespmem:$0x1F860]  }
0x1bb: {  	v20, _, _ =	vpop (xrf2);
	(xrf2) =	vadd.scan.msk.f32 $0xffff, v2;
	v2 =	vadd.f32 v5, v4;
	v4 =	vld [tilespmem:$0x1F830]  }
0x1bc: {  	v5 =	vld [tilespmem:$0x1F840]  }
0x1bd: {  	v8 =	vmul.f32 v12, v8;
	v12 =	vld [tilespmem:$0x1F9A0]  }
0x1be: {  	v15 =	vld [tilespmem:s25+$0x8F0]  }
0x1bf: {  	v9 =	vld [tilespmem:s25+$0x88F0]  }
0x1c0: {  	v16 =	vadd.f32 v16, v63;
	v10 =	vld [tilespmem:s25+$0x9E0]  }
0x1c1: {  	v11 =	vmul.f32 v13, v11;
	v13 =	vld [tilespmem:s25+$0x89E0]  }
0x1c2: {  	v4 =	vmul.f32 v5, v4;
	v5 =	vld [tilespmem:s25+$0x89F0];
	v12 =	vadd.f32 v12, v16  }
0x1c3: {  	v16 =	vld [tilespmem:s25+$0x9F0]  }
0x1c4: {  	v15 =	vmul.f32 v9, v15;
	v6 =	vadd.f32 v8, v6;
	v9 =	vadd.f32 v11, v12  }
0x1c5: {  	v21, _, _ =	vpop (xrf2);
	(xrf2) =	vadd.scan.msk.f32 $0xffff, v2  }
0x1c6: {  	v2 =	vadd.f32 v15, v6;
	v6 =	vmul.f32 v13, v10;
	v8, _, _ =	vpop (xrf2);
	v4 =	vadd.f32 v4, v9  }
0x1c7: {  	v11 =	vbroadcast v8, $0xF;
	v9 =	vbroadcast v21, $0xF  }
0x1c8: {  	v10 =	vbroadcast v20, $0xF;
	(xrf2) =	vadd.scan.msk.f32 $0xffff, v2;
	v5 =	vmul.f32 v5, v16;
	v4 =	vadd.f32 v6, v4  }
0x1c9: {  	v8, _, _ =	vpop (xrf2);
	v2 =	vsel vm0, v9, v11;
	v6 =	vbroadcast v19, $0xF  }
0x1ca: {  	v9 =	vbroadcast v8, $0xF;
	v2 =	vsel vm1, v2, v10;
	v4 =	vadd.f32 v5, v4  }
0x1cb: {  	v2 =	vsel vm2, v2, v6;
	v5 =	vbroadcast v18, $0xF  }
0x1cc: {  	v8, _, _ =	vpop (xrf2);
	v6 =	vbroadcast v14, $0xF;
	v2 =	vsel vm3, v2, v9;
	(xrf2) =	vadd.scan.msk.f32 $0xffff, v4  }
0x1cd: {  	v8 =	vbroadcast v8, $0xF;
	v2 =	vsel vm4, v2, v5  }
0x1ce: {  	v5 =	vbroadcast v17, $0xF;
	v2 =	vsel vm5, v2, v6  }
0x1cf: {  	v1 =	vbroadcast v1, $0xF;
	v2 =	vsel vm6, v2, v8;
	v4, _, _ =	vpop (xrf2)  }
0x1d0: {  	v2 =	vsel vm7, v2, v5;
	v5 =	vbroadcast v4, $0xF  }
0x1d1: {  	v0 =	vbroadcast v0, $0xF;
	v1 =	vsel vm8, v2, v1  }
0x1d2: {  	v4, _, _ =	vpop (xrf2);
	v2 =	vbroadcast v7, $0xF;
	v1 =	vsel vm9, v1, v5  }
0x1d3: {  	v4 =	vbroadcast v4, $0xF;
	v0 =	vsel vm10, v1, v0  }
0x1d4: {  	v0 =	vsel vm11, v0, v2;
	v2 =	vbroadcast v3, $0xF  }
0x1d5: {  	v0 =	vsel vm12, v0, v4  }
0x1d6: {  	s31 =	sshll.u32 s26, $0x4;
	v0 =	vsel vm13, v0, v2;
	v1, _, _ =	vpop (xrf2)  }
0x1d7: {  	s29 =	sand.u32 $0x3FFFFFF0, s31;
	v0 =	vsel vm14, v0, v1  }
0x1d8: {  	s25 =	sshll.u32 s28, $0xB;
	[tilespmem:s29+$0x10200] =	vst v0  }
0x1d9: {  	v1 =	vld [tilespmem:s25+$0x570];
	_ =	sdelay $0x4  }
0x1da: {  	[tilespmem:$0x1F430] =	vst v1;
	v1 =	vld [tilespmem:s25+$0x8570];
	_ =	sdelay $0x4  }
0x1db: {  	[tilespmem:$0x1F440] =	vst v1;
	v1 =	vld [tilespmem:s25+$0x5E0];
	_ =	sdelay $0x4  }
0x1dc: {  	[tilespmem:$0x1F8D0] =	vst v1;
	v1 =	vld [tilespmem:s25+$0x650];
	_ =	sdelay $0x4  }
0x1dd: {  	[tilespmem:$0x1F450] =	vst v1;
	v1 =	vld [tilespmem:s25+$0x8650];
	_ =	sdelay $0x4  }
0x1de: {  	[tilespmem:$0x1F460] =	vst v1;
	v1 =	vld [tilespmem:s25+$0x6C0];
	_ =	sdelay $0x4  }
0x1df: {  	[tilespmem:$0x1F470] =	vst v1;
	v1 =	vld [tilespmem:s25+$0x86C0];
	_ =	sdelay $0x4  }
0x1e0: {  	[tilespmem:$0x1F480] =	vst v1;
	v1 =	vld [tilespmem:s25+$0x730];
	_ =	sdelay $0x4  }
0x1e1: {  	[tilespmem:$0x1F4C0] =	vst v1;
	v1 =	vld [tilespmem:s25+$0x8730];
	_ =	sdelay $0x4  }
0x1e2: {  	[tilespmem:$0x1F4D0] =	vst v1;
	v1 =	vld [tilespmem:s25+$0x7A0];
	_ =	sdelay $0x4  }
0x1e3: {  	[tilespmem:$0x1F490] =	vst v1;
	v1 =	vld [tilespmem:s25+$0x87A0];
	_ =	sdelay $0x4  }
0x1e4: {  	[tilespmem:$0x1F4A0] =	vst v1;
	v1 =	vld [tilespmem:s25+$0x4F0];
	_ =	sdelay $0x4  }
0x1e5: {  	[tilespmem:$0x1F4B0] =	vst v1;
	v1 =	vld [tilespmem:s25+$0x560];
	_ =	sdelay $0x4  }
0x1e6: {  	[tilespmem:$0x1F4E0] =	vst v1;
	v1 =	vld [tilespmem:s25+$0x8560];
	_ =	sdelay $0x4  }
0x1e7: {  	[tilespmem:$0x1F4F0] =	vst v1;
	v1 =	vld [tilespmem:s25+$0x5D0];
	_ =	sdelay $0x4  }
0x1e8: {  	[tilespmem:$0x1F8E0] =	vst v1;
	v1 =	vld [tilespmem:s25+$0x85D0];
	_ =	sdelay $0x4  }
0x1e9: {  	[tilespmem:$0x1F8F0] =	vst v1;
	v1 =	vld [tilespmem:s25+$0x640];
	_ =	sdelay $0x4  }
0x1ea: {  	[tilespmem:$0x1F500] =	vst v1;
	v1 =	vld [tilespmem:s25+$0x8640];
	_ =	sdelay $0x4  }
0x1eb: {  	[tilespmem:$0x1F510] =	vst v1;
	v1 =	vld [tilespmem:s25+$0x6B0];
	_ =	sdelay $0x4  }
0x1ec: {  	[tilespmem:$0x1F520] =	vst v1;
	v1 =	vld [tilespmem:s25+$0x86B0];
	_ =	sdelay $0x4  }
0x1ed: {  	[tilespmem:$0x1F530] =	vst v1;
	v1 =	vld [tilespmem:s25+$0x720];
	_ =	sdelay $0x4  }
0x1ee: {  	[tilespmem:$0x1F540] =	vst v1;
	v1 =	vld [tilespmem:s25+$0x8720];
	_ =	sdelay $0x3  }
0x1ef: {  	v0 =	vld [tilespmem:s25+$0x9D0]  }
0x1f0: {  	[tilespmem:$0x1F550] =	vst v1;
	v1 =	vld [tilespmem:s25+$0x4E0];
	_ =	sdelay $0x3  }
0x1f1: {  	[tilespmem:$0x1F830] =	vst v0;
	v0 =	vld [tilespmem:s25+$0x89D0]  }
0x1f2: {  	[tilespmem:$0x1F560] =	vst v1;
	v1 =	vld [tilespmem:s25+$0x84E0];
	_ =	sdelay $0x3  }
0x1f3: {  	[tilespmem:$0x1F840] =	vst v0;
	v0 =	vld [tilespmem:s25+$0x9C0]  }
0x1f4: {  	[tilespmem:$0x1F570] =	vst v1;
	v1 =	vld [tilespmem:s25+$0x550];
	_ =	sdelay $0x3  }
0x1f5: {  	[tilespmem:$0x1F850] =	vst v0;
	v0 =	vld [tilespmem:s25+$0x89C0]  }
0x1f6: {  	[tilespmem:$0x1F580] =	vst v1;
	v1 =	vld [tilespmem:s25+$0x8550];
	_ =	sdelay $0x3  }
0x1f7: {  	[tilespmem:$0x1F860] =	vst v0;
	v0 =	vld [tilespmem:s25+$0x8E0]  }
0x1f8: {  	[tilespmem:$0x1F590] =	vst v1;
	v1 =	vld [tilespmem:s25+$0x5C0];
	_ =	sdelay $0x3  }
0x1f9: {  	[tilespmem:$0x1F870] =	vst v0;
	v0 =	vld [tilespmem:s25+$0x8D0]  }
0x1fa: {  	[tilespmem:$0x1F5B0] =	vst v1;
	v1 =	vld [tilespmem:s25+$0x85C0];
	_ =	sdelay $0x3  }
0x1fb: {  	[tilespmem:$0x1F880] =	vst v0;
	v0 =	vld [tilespmem:s25+$0x88D0]  }
0x1fc: {  	[tilespmem:$0x1F5C0] =	vst v1;
	v1 =	vld [tilespmem:s25+$0x630];
	_ =	sdelay $0x3  }
0x1fd: {  	[tilespmem:$0x1F890] =	vst v0;
	v0 =	vld [tilespmem:s25+$0x8850]  }
0x1fe: {  	[tilespmem:$0x1F5D0] =	vst v1;
	v1 =	vld [tilespmem:s25+$0x8630];
	_ =	sdelay $0x3  }
0x1ff: {  	[tilespmem:$0x1F1D0] =	vst v0;
	v0 =	vld [tilespmem:s25+$0x8C0]  }
0x200: {  	[tilespmem:$0x1F5E0] =	vst v1;
	v1 =	vld [tilespmem:s25+$0x6A0];
	_ =	sdelay $0x3  }
0x201: {  	[tilespmem:$0x1F1E0] =	vst v0;
	v0 =	vld [tilespmem:s25+$0x88C0]  }
0x202: {  	[tilespmem:$0x1F5A0] =	vst v1;
	v1 =	vld [tilespmem:s25+$0x710];
	_ =	sdelay $0x3  }
0x203: {  	[tilespmem:$0x1F1F0] =	vst v0;
	v0 =	vld [tilespmem:s25+$0x930]  }
0x204: {  	[tilespmem:$0x1F5F0] =	vst v1;
	v1 =	vld [tilespmem:s25+$0x8710];
	_ =	sdelay $0x3  }
0x205: {  	[tilespmem:$0x1F200] =	vst v0;
	v0 =	vld [tilespmem:s25+$0x8930]  }
0x206: {  	[tilespmem:$0x1F600] =	vst v1;
	v1 =	vld [tilespmem:s25+$0x3F0];
	_ =	sdelay $0x3  }
0x207: {  	[tilespmem:$0x1F210] =	vst v0;
	v0 =	vld [tilespmem:s25+$0x8990]  }
0x208: {  	[tilespmem:$0x1F610] =	vst v1;
	v1 =	vld [tilespmem:s25+$0x460];
	_ =	sdelay $0x3  }
0x209: {  	[tilespmem:$0x1F260] =	vst v0;
	v0 =	vld [tilespmem:s25+$0x86F0]  }
0x20a: {  	[tilespmem:$0x1F900] =	vst v1;
	v1 =	vld [tilespmem:s25+$0x4D0];
	_ =	sdelay $0x3  }
0x20b: {  	[tilespmem:$0x1F270] =	vst v0;
	v0 =	vld [tilespmem:s25+$0x760]  }
0x20c: {  	[tilespmem:$0x1F620] =	vst v1;
	v1 =	vld [tilespmem:s25+$0x84D0];
	_ =	sdelay $0x3  }
0x20d: {  	[tilespmem:$0x1F8A0] =	vst v0;
	v0 =	vld [tilespmem:s25+$0x7D0]  }
0x20e: {  	[tilespmem:$0x1F630] =	vst v1;
	v1 =	vld [tilespmem:s25+$0x540];
	_ =	sdelay $0x3  }
0x20f: {  	[tilespmem:$0x1F280] =	vst v0;
	v0 =	vld [tilespmem:s25+$0x87D0]  }
0x210: {  	[tilespmem:$0x1F640] =	vst v1;
	v1 =	vld [tilespmem:s25+$0x8540];
	_ =	sdelay $0x3  }
0x211: {  	[tilespmem:$0x1F290] =	vst v0;
	v0 =	vld [tilespmem:s25+$0x840]  }
0x212: {  	[tilespmem:$0x1F650] =	vst v1;
	v1 =	vld [tilespmem:s25+$0x5B0];
	_ =	sdelay $0x3  }
0x213: {  	[tilespmem:$0x1F2A0] =	vst v0;
	v0 =	vld [tilespmem:s25+$0x8840]  }
0x214: {  	[tilespmem:$0x1F690] =	vst v1;
	v1 =	vld [tilespmem:s25+$0x85B0];
	_ =	sdelay $0x3  }
0x215: {  	[tilespmem:$0x1F2B0] =	vst v0;
	v0 =	vld [tilespmem:s25+$0x8B0]  }
0x216: {  	[tilespmem:$0x1F6A0] =	vst v1;
	v1 =	vld [tilespmem:s25+$0x620];
	_ =	sdelay $0x3  }
0x217: {  	[tilespmem:$0x1F2C0] =	vst v0;
	v0 =	vld [tilespmem:s25+$0x88B0]  }
0x218: {  	[tilespmem:$0x1F660] =	vst v1;
	v1 =	vld [tilespmem:s25+$0x8620];
	_ =	sdelay $0x3  }
0x219: {  	[tilespmem:$0x1F2D0] =	vst v0;
	v0 =	vld [tilespmem:s25+$0x920]  }
0x21a: {  	[tilespmem:$0x1F670] =	vst v1;
	v1 =	vld [tilespmem:s25+$0x370];
	_ =	sdelay $0x3  }
0x21b: {  	[tilespmem:$0x1F240] =	vst v0;
	v0 =	vld [tilespmem:s25+$0x8920]  }
0x21c: {  	[tilespmem:$0x1F680] =	vst v1;
	v1 =	vld [tilespmem:s25+$0x3E0];
	_ =	sdelay $0x3  }
0x21d: {  	[tilespmem:$0x1F250] =	vst v0;
	v0 =	vld [tilespmem:s25+$0x980]  }
0x21e: {  	[tilespmem:$0x1F6B0] =	vst v1;
	v1 =	vld [tilespmem:s25+$0x83E0];
	_ =	sdelay $0x3  }
0x21f: {  	[tilespmem:$0x1F220] =	vst v0;
	v0 =	vld [tilespmem:s25+$0x8980]  }
0x220: {  	[tilespmem:$0x1F6C0] =	vst v1;
	v1 =	vld [tilespmem:s25+$0x450];
	_ =	sdelay $0x3  }
0x221: {  	[tilespmem:$0x1F230] =	vst v0;
	v0 =	vld [tilespmem:s25+$0x670]  }
0x222: {  	[tilespmem:$0x1F910] =	vst v1;
	v1 =	vld [tilespmem:s25+$0x8450];
	_ =	sdelay $0x3  }
0x223: {  	[tilespmem:$0x1F2E0] =	vst v0;
	v0 =	vld [tilespmem:s25+$0x8670]  }
0x224: {  	[tilespmem:$0x1F920] =	vst v1;
	v1 =	vld [tilespmem:s25+$0x4C0];
	_ =	sdelay $0x3  }
0x225: {  	[tilespmem:$0x1F2F0] =	vst v0;
	v0 =	vld [tilespmem:s25+$0x6E0]  }
0x226: {  	[tilespmem:$0x1F6D0] =	vst v1;
	v1 =	vld [tilespmem:s25+$0x530];
	_ =	sdelay $0x3  }
0x227: {  	[tilespmem:$0x1F300] =	vst v0;
	v0 =	vld [tilespmem:s25+$0x86E0]  }
0x228: {  	[tilespmem:$0x1F6E0] =	vst v1;
	v1 =	vld [tilespmem:s25+$0x8530];
	_ =	sdelay $0x3  }
0x229: {  	[tilespmem:$0x1F310] =	vst v0;
	v0 =	vld [tilespmem:s25+$0x750]  }
0x22a: {  	[tilespmem:$0x1F6F0] =	vst v1;
	v1 =	vld [tilespmem:s25+$0x5A0];
	_ =	sdelay $0x3  }
0x22b: {  	[tilespmem:$0x1F8B0] =	vst v0;
	v0 =	vld [tilespmem:s25+$0x8750]  }
0x22c: {  	[tilespmem:$0x1F700] =	vst v1;
	v1 =	vld [tilespmem:s25+$0x85A0];
	_ =	sdelay $0x3  }
0x22d: {  	[tilespmem:$0x1F8C0] =	vst v0;
	v0 =	vld [tilespmem:s25+$0x7C0]  }
0x22e: {  	[tilespmem:$0x1F710] =	vst v1;
	v1 =	vld [tilespmem:s25+$0x270];
	_ =	sdelay $0x3  }
0x22f: {  	[tilespmem:$0x1F320] =	vst v0;
	v0 =	vld [tilespmem:s25+$0x87C0]  }
0x230: {  	[tilespmem:$0x1F720] =	vst v1;
	v1 =	vld [tilespmem:s25+$0x360];
	_ =	sdelay $0x3  }
0x231: {  	[tilespmem:$0x1F330] =	vst v0;
	v0 =	vld [tilespmem:s25+$0x830]  }
0x232: {  	[tilespmem:$0x1F730] =	vst v1;
	v1 =	vld [tilespmem:s25+$0x8360];
	_ =	sdelay $0x3  }
0x233: {  	[tilespmem:$0x1F340] =	vst v0;
	v0 =	vld [tilespmem:s25+$0x8830]  }
0x234: {  	[tilespmem:$0x1F740] =	vst v1;
	v1 =	vld [tilespmem:s25+$0x3D0];
	_ =	sdelay $0x3  }
0x235: {  	[tilespmem:$0x1F350] =	vst v0;
	v0 =	vld [tilespmem:s25+$0x8A0]  }
0x236: {  	[tilespmem:$0x1F750] =	vst v1;
	v1 =	vld [tilespmem:s25+$0x83D0];
	_ =	sdelay $0x3  }
0x237: {  	[tilespmem:$0x1F380] =	vst v0;
	v0 =	vld [tilespmem:s25+$0x88A0]  }
0x238: {  	[tilespmem:$0x1F760] =	vst v1;
	v1 =	vld [tilespmem:s25+$0x440];
	_ =	sdelay $0x3  }
0x239: {  	[tilespmem:$0x1F390] =	vst v0;
	v0 =	vld [tilespmem:s25+$0x660]  }
0x23a: {  	[tilespmem:$0x1F930] =	vst v1;
	v1 =	vld [tilespmem:s25+$0x8440];
	_ =	sdelay $0x3  }
0x23b: {  	[tilespmem:$0x1F360] =	vst v0;
	v0 =	vld [tilespmem:s25+$0x8660]  }
0x23c: {  	[tilespmem:$0x1F940] =	vst v1;
	v1 =	vld [tilespmem:s25+$0x4B0];
	_ =	sdelay $0x3  }
0x23d: {  	[tilespmem:$0x1F370] =	vst v0;
	v0 =	vld [tilespmem:s25+$0x6D0]  }
0x23e: {  	[tilespmem:$0x1F770] =	vst v1;
	v1 =	vld [tilespmem:s25+$0x84B0];
	_ =	sdelay $0x3  }
0x23f: {  	[tilespmem:$0x1F3A0] =	vst v0;
	v0 =	vld [tilespmem:s25+$0x86D0]  }
0x240: {  	[tilespmem:$0x1F780] =	vst v1;
	v1 =	vld [tilespmem:s25+$0x590];
	_ =	sdelay $0x3  }
0x241: {  	[tilespmem:$0x1F3B0] =	vst v0;
	v0 =	vld [tilespmem:s25+$0x740]  }
0x242: {  	[tilespmem:$0x1F790] =	vst v1;
	v1 =	vld [tilespmem:s25+$0x8590];
	_ =	sdelay $0x3  }
0x243: {  	[tilespmem:$0x1F3D0] =	vst v0;
	v0 =	vld [tilespmem:s25+$0x8740]  }
0x244: {  	[tilespmem:$0x1F7A0] =	vst v1;
	v1 =	vld [tilespmem:s25+$0x260];
	_ =	sdelay $0x3  }
0x245: {  	[tilespmem:$0x1F3E0] =	vst v0;
	v0 =	vld [tilespmem:s25+$0x7B0]  }
0x246: {  	[tilespmem:$0x1F7B0] =	vst v1;
	v1 =	vld [tilespmem:s25+$0x8260];
	_ =	sdelay $0x3  }
0x247: {  	[tilespmem:$0x1F3F0] =	vst v0;
	v0 =	vld [tilespmem:s25+$0x87B0]  }
0x248: {  	[tilespmem:$0x1F7C0] =	vst v1;
	v1 =	vld [tilespmem:s25+$0x350];
	_ =	sdelay $0x3  }
0x249: {  	[tilespmem:$0x1F400] =	vst v0;
	v0 =	vld [tilespmem:s25+$0x820]  }
0x24a: {  	[tilespmem:$0x1F7D0] =	vst v1;
	v1 =	vld [tilespmem:s25+$0x8350];
	_ =	sdelay $0x3  }
0x24b: {  	[tilespmem:$0x1F3C0] =	vst v0;
	v0 =	vld [tilespmem:s25+$0x890]  }
0x24c: {  	[tilespmem:$0x1F7E0] =	vst v1;
	v1 =	vld [tilespmem:s25+$0x3C0];
	_ =	sdelay $0x1  }
0x24d: {  	v12 =	vld [tilespmem:s25+$0x9B0]  }
0x24e: {  	v18 =	vld [tilespmem:s25+$0x89B0]  }
0x24f: {  	[tilespmem:$0x1F410] =	vst v0;
	v0 =	vld [tilespmem:s25+$0x8890]  }
0x250: {  	[tilespmem:$0x1F7F0] =	vst v1;
	v1 =	vld [tilespmem:s25+$0x83C0]  }
0x251: {  	v32 =	vld [tilespmem:s25+$0x9A0]  }
0x252: {  	v49 =	vld [tilespmem:s25+$0x89A0]  }
0x253: {  	v4 =	vld [tilespmem:s25+$0x8900]  }
0x254: {  	[tilespmem:$0x1F420] =	vst v0;
	v0 =	vld [tilespmem:s25+$0x900]  }
0x255: {  	[tilespmem:$0x1F800] =	vst v1;
	v1 =	vmul.f32 v18, v12;
	_ =	sdelay $0x1  }
0x256: {  	[tilespmem:$0x1F9A0] =	vst v1;
	v1 =	vld [tilespmem:s25+$0x430]  }
0x257: {  	v5 =	vld [tilespmem:s25+$0x960]  }
0x258: {  	v6 =	vld [tilespmem:s25+$0x8960];
	v4 =	vmul.f32 v4, v0;
	v0 =	vmul.f32 v49, v32  }
0x259: {  	v56 =	vld [tilespmem:s25+$0x850]  }
0x25a: {  	[tilespmem:$0x1F9E0] =	vst v0;
	v0 =	vld [tilespmem:$0x1F1D0]  }
0x25b: {  	[tilespmem:$0x1F9D0] =	vst v1;
	v1 =	vld [tilespmem:s25+$0x8430];
	_ =	sdelay $0x3  }
0x25c: {  	v44 =	vmul.f32 v6, v5;
	v6 =	vmul.f32 v0, v56;
	v0 =	vld [tilespmem:$0x1F1E0]  }
0x25d: {  	[tilespmem:$0x1F9F0] =	vst v1;
	v1 =	vld [tilespmem:$0x1F1F0];
	_ =	sdelay $0x4  }
0x25e: {  	v0 =	vmul.f32 v1, v0  }
0x25f: {  	v1 =	vld [tilespmem:$0x1F210]  }
0x260: {  	[tilespmem:$0x1FA00] =	vst v0;
	v0 =	vld [tilespmem:$0x1F200];
	_ =	sdelay $0x2  }
0x261: {  	v16 =	vld [tilespmem:s25+$0x910]  }
0x262: {  	v29 =	vld [tilespmem:s25+$0x8910]  }
0x263: {  	v12 =	vmul.f32 v1, v0;
	v0 =	vld [tilespmem:$0x1F220]  }
0x264: {  	v1 =	vld [tilespmem:$0x1F230];
	_ =	sdelay $0x2  }
0x265: {  	v42 =	vld [tilespmem:s25+$0x7E0]  }
0x266: {  	v55 =	vld [tilespmem:s25+$0x87E0]  }
0x267: {  	v16 =	vmul.f32 v29, v16;
	v29 =	vmul.f32 v1, v0;
	v0 =	vld [tilespmem:$0x1F240]  }
0x268: {  	v1 =	vld [tilespmem:$0x1F250];
	_ =	sdelay $0x1  }
0x269: {  	v2 =	vld [tilespmem:s25+$0x970]  }
0x26a: {  	v3 =	vld [tilespmem:s25+$0x8970]  }
0x26b: {  	v57 =	vld [tilespmem:s25+$0x990]  }
0x26c: {  	v49 =	vmul.f32 v55, v42;
	v42 =	vmul.f32 v1, v0;
	v0 =	vld [tilespmem:$0x1F260];
	_ =	sdelay $0x1  }
0x26d: {  	v9 =	vld [tilespmem:s25+$0x950]  }
0x26e: {  	v17 =	vld [tilespmem:s25+$0x8950]  }
0x26f: {  	v60 =	vld [tilespmem:s25+$0x6F0]  }
0x270: {  	v46 =	vmul.f32 v3, v2;
	v3 =	vmul.f32 v0, v57;
	v0 =	vld [tilespmem:$0x1F270];
	_ =	sdelay $0x1  }
0x271: {  	v7 =	vld [tilespmem:s25+$0x870]  }
0x272: {  	v8 =	vld [tilespmem:s25+$0x8870]  }
0x273: {  	v1 =	vld [tilespmem:$0x1F290]  }
0x274: {  	v51 =	vmul.f32 v17, v9;
	v17 =	vmul.f32 v0, v60;
	v0 =	vld [tilespmem:$0x1F280];
	_ =	sdelay $0x1  }
0x275: {  	v19 =	vld [tilespmem:s25+$0x7F0]  }
0x276: {  	v22 =	vld [tilespmem:s25+$0x87F0]  }
0x277: {  	v21 =	vld [tilespmem:s25+$0x860]  }
0x278: {  	v15 =	vmul.f32 v8, v7;
	v7 =	vmul.f32 v1, v0;
	v0 =	vld [tilespmem:$0x1F2A0]  }
0x279: {  	v1 =	vld [tilespmem:$0x1F2B0]  }
0x27a: {  	v26 =	vld [tilespmem:s25+$0x8860]  }
0x27b: {  	v27 =	vld [tilespmem:s25+$0x940]  }
0x27c: {  	v43 =	vld [tilespmem:s25+$0x8940];
	v4 =	vadd.f32 $0.0e+00, v4  }
0x27d: {  	v31 =	vld [tilespmem:s25+$0x8820]  }
0x27e: {  	v16 =	vadd.f32 v16, v4;
	v4 =	vmul.f32 v1, v0;
	v0 =	vld [tilespmem:$0x1F2C0]  }
0x27f: {  	v1 =	vld [tilespmem:$0x1F2D0]  }
0x280: {  	v53 =	vld [tilespmem:s25+$0x810];
	v2 =	vadd.f32 $0.0e+00, v29  }
0x281: {  	v62 =	vld [tilespmem:s25+$0x8810]  }
0x282: {  	v34 =	vld [tilespmem:s25+$0x880];
	v2 =	vadd.f32 v3, v2  }
0x283: {  	v3 =	vld [tilespmem:$0x1F310]  }
0x284: {  	[tilespmem:$0x1F820] =	vst v2;
	v2 =	vld [tilespmem:$0x1F300];
	v0 =	vmul.f32 v1, v0  }
0x285: {  	v33 =	vld [tilespmem:s25+$0x8880]  }
0x286: {  	[tilespmem:$0x1FAC0] =	vst v0;
	v0 =	vld [tilespmem:s25+$0x250]  }
0x287: {  	v39 =	vld [tilespmem:s25+$0x84F0]  }
0x288: {  	v5 =	vld [tilespmem:$0x1F2F0]  }
0x289: {  	v1 =	vadd.f32 v42, v16;
	v16 =	vmul.f32 v3, v2;
	v2 =	vld [tilespmem:$0x1F320]  }
0x28a: {  	v3 =	vld [tilespmem:$0x1F330]  }
0x28b: {  	[tilespmem:$0x1F810] =	vst v0;
	v0 =	vld [tilespmem:$0x1F2E0]  }
0x28c: {  	v48 =	vld [tilespmem:s25+$0x790]  }
0x28d: {  	v50 =	vld [tilespmem:s25+$0x8790]  }
0x28e: {  	v63 =	vld [tilespmem:s25+$0x800]  }
0x28f: {  	v8 =	vld [tilespmem:$0x1F350]  }
0x290: {  	v55 =	vmul.f32 v5, v0;
	v5 =	vmul.f32 v3, v2;
	v2 =	vld [tilespmem:$0x1F340]  }
0x291: {  	v61 =	vld [tilespmem:s25+$0x8800]  }
0x292: {  	v45 =	vld [tilespmem:s25+$0x86A0]  }
0x293: {  	v58 =	vld [tilespmem:s25+$0x780]  }
0x294: {  	v30 =	vld [tilespmem:s25+$0x8780]  }
0x295: {  	v3 =	vmul.f32 v62, v53;
	v62 =	vmul.f32 v8, v2;
	v2 =	vld [tilespmem:$0x1F360]  }
0x296: {  	v8 =	vld [tilespmem:$0x1F370]  }
0x297: {  	v37 =	vld [tilespmem:s25+$0x83F0]  }
0x298: {  	v25 =	vld [tilespmem:s25+$0x690]  }
0x299: {  	v23 =	vld [tilespmem:s25+$0x8690]  }
0x29a: {  	v36 =	vld [tilespmem:s25+$0x700]  }
0x29b: {  	v53 =	vmul.f32 v8, v2;
	v2 =	vld [tilespmem:$0x1F380]  }
0x29c: {  	v8 =	vld [tilespmem:$0x1F390]  }
0x29d: {  	v35 =	vld [tilespmem:s25+$0x8700]  }
0x29e: {  	v38 =	vld [tilespmem:s25+$0x8370]  }
0x29f: {  	v40 =	vld [tilespmem:s25+$0x84C0]  }
0x2a0: {  	v24 =	vld [tilespmem:s25+$0x610]  }
0x2a1: {  	v20 =	vld [tilespmem:s25+$0x8610];
	v2 =	vmul.f32 v8, v2  }
0x2a2: {  	v8 =	vld [tilespmem:$0x1F3B0]  }
0x2a3: {  	[tilespmem:$0x1FB20] =	vst v2;
	v2 =	vld [tilespmem:$0x1F3A0]  }
0x2a4: {  	v14 =	vld [tilespmem:s25+$0x680]  }
0x2a5: {  	v13 =	vld [tilespmem:s25+$0x8680]  }
0x2a6: {  	v41 =	vld [tilespmem:s25+$0x8270]  }
0x2a7: {  	v47 =	vld [tilespmem:s25+$0x520]  }
0x2a8: {  	v0 =	vmul.f32 v61, v63;
	v8 =	vmul.f32 v8, v2;
	v2 =	vld [tilespmem:$0x1F3C0]  }
0x2a9: {  	v28 =	vld [tilespmem:s25+$0x8520];
	v59 =	vmul.f32 v43, v27;
	v1 =	vadd.f32 v12, v1  }
0x2aa: {  	v11 =	vld [tilespmem:s25+$0x600];
	v0 =	vadd.f32 $0.0e+00, v0  }
0x2ab: {  	v10 =	vld [tilespmem:s25+$0x8600];
	v1 =	vadd.f32 v59, v1  }
0x2ac: {  	v0 =	vadd.f32 v3, v0;
	v3 =	vld [tilespmem:$0x1F3E0]  }
0x2ad: {  	v30 =	vmul.f32 v30, v58;
	v1 =	vadd.f32 v51, v1;
	v31 =	vmul.f32 v31, v2;
	v2 =	vld [tilespmem:$0x1F3D0]  }
0x2ae: {  	v54 =	vmul.f32 v22, v19;
	v43 =	vld [tilespmem:s25+$0x4A0]  }
0x2af: {  	v22 =	vld [tilespmem:s25+$0x84A0];
	v30 =	vadd.f32 $0.0e+00, v30;
	v59 =	vmul.f32 v50, v48;
	v1 =	vadd.f32 v44, v1  }
0x2b0: {  	v44 =	vld [tilespmem:$0x1F4A0]  }
0x2b1: {  	v50 =	vadd.f32 v46, v1;
	v1 =	vadd.f32 v59, v30;
	v30 =	vld [tilespmem:$0x1F490]  }
0x2b2: {  	v12 =	vmul.f32 v3, v2;
	v2 =	vld [tilespmem:$0x1F3F0]  }
0x2b3: {  	v3 =	vld [tilespmem:$0x1F400]  }
0x2b4: {  	v19 =	vld [tilespmem:s25+$0x580]  }
0x2b5: {  	v52 =	vmul.f32 v26, v21;
	v26 =	vld [tilespmem:s25+$0x8250];
	v0 =	vadd.f32 v31, v0  }
0x2b6: {  	v48 =	vld [tilespmem:$0x1F4D0]  }
0x2b7: {  	v33 =	vmul.f32 v33, v34;
	v34 =	vmul.f32 v44, v30;
	v30 =	vld [tilespmem:$0x1F4C0];
	v0 =	vadd.f32 v62, v0  }
0x2b8: {  	v2 =	vmul.f32 v3, v2;
	v3 =	vld [tilespmem:s25+$0x420]  }
0x2b9: {  	v27 =	vld [tilespmem:s25+$0x8340];
	v0 =	vadd.f32 v4, v0  }
0x2ba: {  	v21 =	vld [tilespmem:s25+$0x83B0]  }
0x2bb: {  	v9 =	vld [tilespmem:$0x1F420];
	v0 =	vadd.f32 v6, v0  }
0x2bc: {  	v61 =	vld [tilespmem:$0x1F4F0];
	v1 =	vadd.f32 v34, v1;
	v30 =	vmul.f32 v48, v30  }
0x2bd: {  	v0 =	vadd.f32 v52, v0;
	[tilespmem:$0x1FB60] =	vst v3;
	v3 =	vld [tilespmem:$0x1F410]  }
0x2be: {  	[tilespmem:$0x1FBF0] =	vst v30;
	v30 =	vld [tilespmem:$0x1F4E0];
	v1 =	vadd.f32 v2, v1  }
0x2bf: {  	v32 =	vadd.f32 v15, v0;
	v0 =	vld [tilespmem:$0x1F580]  }
0x2c0: {  	v1 =	vadd.f32 v5, v1;
	v5 =	vld [tilespmem:$0x1F590]  }
0x2c1: {  	v13 =	vmul.f32 v13, v14;
	v56 =	vld [tilespmem:s25+$0x8510]  }
0x2c2: {  	v51 =	vmul.f32 v9, v3;
	v3 =	vld [tilespmem:s25+$0x8420]  }
0x2c3: {  	v18 =	vld [tilespmem:s25+$0x510];
	v2 =	vadd.f32 $0.0e+00, v13;
	v13 =	vmul.f32 v23, v25  }
0x2c4: {  	v29 =	vld [tilespmem:s25+$0x340]  }
0x2c5: {  	v30 =	vmul.f32 v61, v30;
	v61 =	vmul.f32 v5, v0;
	v0 =	vadd.f32 v13, v2;
	v2 =	vld [tilespmem:$0x1F5A0]  }
0x2c6: {  	v9 =	vld [tilespmem:$0x1F440]  }
0x2c7: {  	[tilespmem:$0x1FB70] =	vst v3;
	v3 =	vld [tilespmem:$0x1F430]  }
0x2c8: {  	v57 =	vld [tilespmem:s25+$0x8580]  }
0x2c9: {  	v60 =	vld [tilespmem:s25+$0x240]  }
0x2ca: {  	v42 =	vld [tilespmem:s25+$0x3B0]  }
0x2cb: {  	v1 =	vadd.f32 v7, v1;
	v7 =	vmul.f32 v10, v11;
	v10 =	vld [tilespmem:$0x1F600]  }
0x2cc: {  	v2 =	vmul.f32 v45, v2;
	v58 =	vmul.f32 v9, v3;
	v3 =	vld [tilespmem:$0x1F450]  }
0x2cd: {  	v9 =	vld [tilespmem:$0x1F460]  }
0x2ce: {  	v0 =	vadd.f32 v2, v0;
	v2 =	vld [tilespmem:$0x1F5F0]  }
0x2cf: {  	v63 =	vld [tilespmem:$0x1F480]  }
0x2d0: {  	v23 =	vld [tilespmem:$0x1F540]  }
0x2d1: {  	v25 =	vld [tilespmem:$0x1F550]  }
0x2d2: {  	v31 =	vmul.f32 v9, v3;
	v3 =	vld [tilespmem:$0x1F470]  }
0x2d3: {  	v10 =	vmul.f32 v10, v2;
	v2 =	vld [tilespmem:$0x1F610]  }
0x2d4: {  	v46 =	vld [tilespmem:s25+$0x500]  }
0x2d5: {  	v6 =	vld [tilespmem:$0x1F500]  }
0x2d6: {  	v11 =	vld [tilespmem:$0x1F630]  }
0x2d7: {  	v3 =	vmul.f32 v63, v3;
	v63 =	vld [tilespmem:$0x1F510]  }
0x2d8: {  	v23 =	vmul.f32 v25, v23;
	v37 =	vmul.f32 v37, v2;
	v2 =	vld [tilespmem:$0x1F620]  }
0x2d9: {  	v25 =	vld [tilespmem:$0x1F570]  }
0x2da: {  	[tilespmem:$0x1FC90] =	vst v23;
	v23 =	vld [tilespmem:$0x1F560]  }
0x2db: {  	v59 =	vadd.f32 $0.0e+00, v33;
	v33 =	vld [tilespmem:s25+$0x8330]  }
0x2dc: {  	v44 =	vld [tilespmem:$0x1F530];
	v1 =	vadd.f32 v49, v1;
	v6 =	vmul.f32 v63, v6  }
0x2dd: {  	v34 =	vld [tilespmem:s25+$0x8240];
	v7 =	vadd.f32 $0.0e+00, v7;
	v63 =	vmul.f32 v11, v2;
	v11 =	vmul.f32 v20, v24  }
0x2de: {  	v54 =	vadd.f32 v54, v1;
	v1 =	vld [tilespmem:$0x1F660]  }
0x2df: {  	v14 =	vadd.f32 v51, v59;
	v52 =	vmul.f32 v25, v23;
	v25 =	vadd.f32 v11, v7;
	v7 =	vld [tilespmem:$0x1F670]  }
0x2e0: {  	v48 =	vld [tilespmem:s25+$0x330]  }
0x2e1: {  	[tilespmem:$0x1FC40] =	vst v14;
	v14 =	vld [tilespmem:$0x1F520]  }
0x2e2: {  	v4 =	vld [tilespmem:$0x1F4B0]  }
0x2e3: {  	v62 =	vld [tilespmem:s25+$0x8490]  }
0x2e4: {  	v49 =	vmul.f32 v7, v1;
	v1 =	vld [tilespmem:$0x1F680]  }
0x2e5: {  	v2 =	vld [tilespmem:$0x1F640]  }
0x2e6: {  	v14 =	vmul.f32 v44, v14;
	v20 =	vld [tilespmem:$0x1F650]  }
0x2e7: {  	v39 =	vmul.f32 v39, v4;
	v4 =	vld [tilespmem:s25+$0x8500]  }
0x2e8: {  	v14 =	vadd.f32 v14, v0;
	v7 =	vld [tilespmem:$0x1F6A0]  }
0x2e9: {  	v38 =	vmul.f32 v38, v1;
	v1 =	vld [tilespmem:$0x1F690]  }
0x2ea: {  	v5 =	vld [tilespmem:$0x1F5B0];
	v3 =	vadd.f32 v3, v14  }
0x2eb: {  	v13 =	vld [tilespmem:$0x1F5C0];
	v24 =	vmul.f32 v20, v2;
	v20 =	vmul.f32 v35, v36  }
0x2ec: {  	v3 =	vadd.f32 v8, v3;
	v8 =	vld [tilespmem:$0x1F6D0]  }
0x2ed: {  	v14 =	vadd.f32 $0.0e+00, v20;
	v20 =	vld [tilespmem:$0x1F6C0]  }
0x2ee: {  	v35 =	vmul.f32 v7, v1;
	v1 =	vld [tilespmem:$0x1F6B0]  }
0x2ef: {  	v15 =	vld [tilespmem:s25+$0x410]  }
0x2f0: {  	v4 =	vmul.f32 v4, v46;
	v46 =	vld [tilespmem:s25+$0x8390]  }
0x2f1: {  	v51 =	vld [tilespmem:s25+$0x3A0]  }
0x2f2: {  	v5 =	vmul.f32 v13, v5;
	v36 =	vadd.f32 v10, v14;
	v10 =	vld [tilespmem:$0x1F6F0]  }
0x2f3: {  	v1 =	vmul.f32 v20, v1;
	v20 =	vadd.f32 v49, v25;
	v49 =	vmul.f32 v40, v8;
	v8 =	vld [tilespmem:$0x1F6E0]  }
0x2f4: {  	v13 =	vld [tilespmem:$0x1F5E0]  }
0x2f5: {  	[tilespmem:$0x1FD20] =	vst v5;
	v5 =	vld [tilespmem:$0x1F5D0]  }
0x2f6: {  	v59 =	vld [tilespmem:s25+$0x390]  }
0x2f7: {  	v3 =	vadd.f32 v16, v3;
	v16 =	vld [tilespmem:$0x1F710]  }
0x2f8: {  	v10 =	vmul.f32 v10, v8;
	v8 =	vld [tilespmem:$0x1F700]  }
0x2f9: {  	v23 =	vld [tilespmem:s25+$0x8480]  }
0x2fa: {  	v5 =	vmul.f32 v13, v5;
	v13 =	vld [tilespmem:s25+$0x480]  }
0x2fb: {  	v45 =	vld [tilespmem:s25+$0x8410]  }
0x2fc: {  	v9 =	vld [tilespmem:s25+$0x490]  }
0x2fd: {  	v40 =	vmul.f32 v16, v8;
	v8 =	vadd.f32 v17, v3;
	v3 =	vld [tilespmem:$0x1F720]  }
0x2fe: {  	v44 =	vld [tilespmem:s25+$0x83A0]  }
0x2ff: {  	v0 =	vld [tilespmem:s25+$0x230];
	v13 =	vmul.f32 v23, v13;
	v5 =	vadd.f32 v5, v20  }
0x300: {  	v4 =	vadd.f32 $0.0e+00, v4;
	v23 =	vld [tilespmem:s25+$0x8220];
	v14 =	vmul.f32 v56, v18  }
0x301: {  	v13 =	vadd.f32 $0.0e+00, v13;
	v11 =	vld [tilespmem:s25+$0x320];
	v5 =	vadd.f32 v6, v5;
	v6 =	vmul.f32 v28, v47  }
0x302: {  	v2 =	vld [tilespmem:s25+$0x8230];
	v41 =	vmul.f32 v41, v3;
	v3 =	vadd.f32 v14, v4;
	v14 =	vmul.f32 v62, v9  }
0x303: {  	v18 =	vld [tilespmem:s25+$0x8380]  }
0x304: {  	v3 =	vadd.f32 v6, v3;
	v6 =	vadd.f32 v14, v13;
	v14 =	vld [tilespmem:$0x1F770]  }
0x305: {  	v13 =	vmul.f32 v22, v43;
	v22 =	vld [tilespmem:$0x1F780]  }
0x306: {  	v7 =	vld [tilespmem:s25+$0x8320]  }
0x307: {  	v25 =	vld [tilespmem:s25+$0x8400]  }
0x308: {  	v20 =	vld [tilespmem:s25+$0x400]  }
0x309: {  	v6 =	vadd.f32 v13, v6;
	v13 =	vld [tilespmem:$0x1F790]  }
0x30a: {  	v5 =	vadd.f32 v31, v5;
	v31 =	vmul.f32 v22, v14;
	v14 =	vld [tilespmem:$0x1F7A0]  }
0x30b: {  	v28 =	vld [tilespmem:s25+$0x310]  }
0x30c: {  	v5 =	vadd.f32 v53, v5;
	v53 =	vld [tilespmem:s25+$0x300]  }
0x30d: {  	v4 =	vld [tilespmem:$0x1F730]  }
0x30e: {  	v3 =	vadd.f32 v10, v3;
	v10 =	vmul.f32 v57, v19;
	v19 =	vadd.f32 v55, v5;
	v5 =	vld [tilespmem:$0x1F7B0]  }
0x30f: {  	v13 =	vmul.f32 v14, v13;
	v14 =	vld [tilespmem:$0x1F7C0]  }
0x310: {  	v9 =	vld [tilespmem:$0x1F740]  }
0x311: {  	v16 =	vld [tilespmem:s25+$0x220]  }
0x312: {  	v17 =	vld [tilespmem:$0x1F760]  }
0x313: {  	v56 =	vadd.f32 $0.0e+00, v10;
	v10 =	vld [tilespmem:$0x1F7D0]  }
0x314: {  	v5 =	vmul.f32 v14, v5;
	v14 =	vld [tilespmem:$0x1F7E0]  }
0x315: {  	v4 =	vmul.f32 v9, v4;
	v9 =	vld [tilespmem:$0x1F750]  }
0x316: {  	v43 =	vld [tilespmem:s25+$0x8310]  }
0x317: {  	v22 =	vld [tilespmem:$0x1F800]  }
0x318: {  	v31 =	vadd.f32 v31, v6;
	v6 =	vld [tilespmem:$0x1F810]  }
0x319: {  	v3 =	vadd.f32 v24, v3;
	v14 =	vmul.f32 v14, v10;
	v10 =	vld [tilespmem:$0x1F7F0]  }
0x31a: {  	v9 =	vmul.f32 v17, v9;
	v17 =	vld [tilespmem:s25+$0x380]  }
0x31b: {  	v57 =	vld [tilespmem:s25+$0x8300];
	v3 =	vadd.f32 v61, v3  }
0x31c: {  	p0 =	sne.s32 s28, $0xF;
	v24 =	vld [tilespmem:s25+$0x210];
	v31 =	vadd.f32 v49, v31  }
.Ltmp0:
0x31d: {  	v61 =	vmovc v12;
	v12 =	vmul.f32 v27, v29;
	v29 =	vld [tilespmem:s25+$0x200];
	v3 =	vadd.f32 v30, v3;
	v30 =	vmul.f32 v44, v51;
	(pc) =	sbr.rel @p0 .LBB2_3-.Ltmp0, $4  }
0x31e: {  	v27 =	vld [tilespmem:s25+$0x8210];
	v47 =	vadd.f32 v63, v31;
	v22 =	vmul.f32 v22, v10;
	v10 =	vmul.f32 v26, v6  }
0x31f: {  	(xrf2) =	vadd.scan.msk.f32 $0xffff, v50;
	v63 =	vld [tilespmem:$0x1F820];
	v6 =	vadd.f32 v13, v56;
	v13 =	vmul.f32 v18, v17;
	v17 =	vmul.f32 v33, v48  }
0x320: {  	(xrf2) =	vadd.scan.msk.f32 $0xffff, v32;
	v26 =	vld [tilespmem:s25+$0x8200];
	v18 =	vmul.f32 v21, v42;
	v48 =	vmul.f32 v46, v59  }
0x321: {  	s26 =	smov.u32 s28;
	s28 =	sadd.s32 $0x1, s28;
	(xrf2) =	vadd.scan.msk.f32 $0xffff, v54;
	v21 =	vld [tilespmem:s25+$0x280];
	v42 =	vmul.f32 v57, v53;
	v49 =	vadd.f32 $0.0e+00, v13;
	v13 =	vadd.f32 v58, v3  }
0x322: {  	v32 =	vld [tilespmem:s25+$0x8280]  }
0x323: {  	v33 =	vld [tilespmem:s25+$0x290]  }
0x324: {  	v28 =	vmul.f32 v43, v28;
	v43 =	vld [tilespmem:s25+$0x2A0]  }
0x325: {  	v15 =	vmul.f32 v45, v15;
	v45 =	vld [tilespmem:s25+$0x82A0]  }
0x326: {  	v46 =	vld [tilespmem:s25+$0x2B0]  }
0x327: {  	v31 =	vadd.f32 v52, v47;
	v47 =	vld [tilespmem:s25+$0x82B0]  }
0x328: {  	v50 =	vld [tilespmem:s25+$0x2C0]  }
0x329: {  	v52 =	vld [tilespmem:s25+$0x82C0]  }
0x32a: {  	v55 =	vld [tilespmem:s25+$0x2D0]  }
0x32b: {  	v57 =	vld [tilespmem:s25+$0x82D0]  }
0x32c: {  	v58 =	vld [tilespmem:s25+$0x2E0]  }
0x32d: {  	v59 =	vld [tilespmem:$0x1FB60]  }
0x32e: {  	v56 =	vmul.f32 v34, v60;
	v60 =	vld [tilespmem:$0x1FB70]  }
0x32f: {  	v16 =	vmul.f32 v23, v16;
	v23 =	vld [tilespmem:s25+$0x82F0]  }
0x330: {  	v34 =	vld [tilespmem:s25+$0x85E0]  }
0x331: {  	v6 =	vadd.f32 v40, v6;
	v40 =	vld [tilespmem:$0x1F900]  }
0x332: {  	v24 =	vmul.f32 v27, v24;
	v27 =	vld [tilespmem:$0x1F940]  }
0x333: {  	v62 =	vadd.f32 $0.0e+00, v42;
	v6 =	vadd.f32 v35, v6;
	v35 =	vld [tilespmem:$0x1F9A0]  }
0x334: {  	v20 =	vmul.f32 v25, v20;
	v26 =	vmul.f32 v26, v29;
	v29 =	vadd.f32 v39, v31;
	v39 =	vld [tilespmem:s25+$0x8290]  }
0x335: {  	v25 =	vadd.f32 v28, v62;
	v62 =	vld [tilespmem:s25+$0x82E0]  }
0x336: {  	v42 =	vadd.f32 $0.0e+00, v20;
	v28 =	vld [tilespmem:s25+$0x470]  }
0x337: {  	v31 =	vld [tilespmem:s25+$0x8470]  }
0x338: {  	v7 =	vmul.f32 v7, v11;
	v11 =	vadd.f32 v15, v42;
	v42 =	vld [tilespmem:s25+$0x85F0]  }
0x339: {  	v44 =	vadd.f32 $0.0e+00, v26;
	v26 =	vld [tilespmem:$0x1F930]  }
0x33a: {  	v3 =	vadd.f32 v48, v49;
	v21 =	vmul.f32 v32, v21;
	v32 =	vld [tilespmem:$0x1F910]  }
0x33b: {  	v54 =	vmul.f32 v45, v43;
	v43 =	vld [tilespmem:$0x1FD20]  }
0x33c: {  	v3 =	vadd.f32 v30, v3;
	v45 =	vld [tilespmem:$0x1F8F0]  }
0x33d: {  	v15 =	vmul.f32 v47, v46;
	v46 =	vld [tilespmem:s25+$0x8760]  }
0x33e: {  	v0 =	vmul.f32 v2, v0;
	v3 =	vadd.f32 v18, v3;
	v2 =	vmul.f32 v57, v55;
	v57 =	vld [tilespmem:$0x1F8C0]  }
0x33f: {  	v49 =	vadd.f32 $0.0e+00, v21;
	v21 =	vld [tilespmem:$0x1F9D0]  }
0x340: {  	v18 =	vadd.f32 v24, v44;
	v3 =	vadd.f32 v22, v3;
	v22 =	vld [tilespmem:$0x1F9F0]  }
0x341: {  	v24 =	vld [tilespmem:s25+$0x8460]  }
0x342: {  	v44 =	vld [tilespmem:$0x1F8E0];
	v16 =	vadd.f32 v16, v18  }
0x343: {  	v48 =	vmul.f32 v39, v33;
	v33 =	vld [tilespmem:$0x1F920]  }
0x344: {  	v30 =	vmul.f32 v62, v58;
	v58 =	vld [tilespmem:s25+$0x88E0];
	v0 =	vadd.f32 v0, v16  }
0x345: {  	v62 =	vld [tilespmem:s25+$0x8F0]  }
0x346: {  	v7 =	vadd.f32 v7, v25;
	v18 =	vld [tilespmem:s25+$0x2F0];
	v0 =	vadd.f32 v56, v0  }
0x347: {  	v51 =	vadd.f32 v9, v3;
	v3 =	vmul.f32 v52, v50;
	v50 =	vld [tilespmem:s25+$0x770]  }
0x348: {  	v7 =	vadd.f32 v17, v7;
	v52 =	vld [tilespmem:$0x1FB20];
	v0 =	vadd.f32 v10, v0  }
0x349: {  	v53 =	vadd.f32 v48, v49;
	v49 =	vld [tilespmem:$0x1FBF0];
	v16 =	vmul.f32 v60, v59  }
0x34a: {  	(xrf2) =	vadd.scan.msk.f32 $0xffff, v8;
	v7 =	vadd.f32 v12, v7;
	v8 =	vmul.f32 v27, v26;
	v27 =	vld [tilespmem:$0x1F880];
	v0 =	vadd.f32 v5, v0  }
0x34b: {  	v48 =	vmul.f32 v31, v28;
	v28 =	vld [tilespmem:$0x1F890];
	v20 =	vadd.f32 v16, v11;
	v11 =	vmul.f32 v22, v21  }
0x34c: {  	v9 =	vadd.f32 v54, v53;
	v0 =	vadd.f32 v41, v0;
	v41 =	vld [tilespmem:$0x1FC90]  }
0x34d: {  	v31 =	vld [tilespmem:$0x1F850];
	v1 =	vadd.f32 v1, v51;
	v25 =	vadd.f32 v11, v20  }
0x34e: {  	v7 =	vadd.f32 v14, v7;
	v51 =	vld [tilespmem:$0x1F8D0];
	v9 =	vadd.f32 v15, v9  }
0x34f: {  	v53 =	vld [tilespmem:$0x1FC40];
	v1 =	vadd.f32 v37, v1;
	v5 =	vadd.f32 v8, v25;
	v8 =	vmul.f32 v33, v32  }
0x350: {  	v54 =	vld [tilespmem:s25+$0x8770];
	v4 =	vadd.f32 v4, v7;
	v3 =	vadd.f32 v3, v9  }
0x351: {  	(xrf2) =	vadd.scan.msk.f32 $0xffff, v19;
	v56 =	vld [tilespmem:$0x1F8B0];
	v39 =	vadd.f32 v8, v5;
	v5 =	vmul.f32 v24, v40;
	v8 =	vadd.f32 v41, v36  }
0x352: {  	(xrf2) =	vadd.scan.msk.f32 $0xffff, v13;
	v21 =	vld [tilespmem:$0x1F8A0];
	v4 =	vadd.f32 v38, v4;
	v2 =	vadd.f32 v2, v3  }
0x353: {  	(xrf2) =	vadd.scan.msk.f32 $0xffff, v29;
	v22 =	vld [tilespmem:$0x1F9E0];
	v47 =	vadd.f32 v5, v39;
	v5 =	vadd.f32 v49, v8  }
0x354: {  	v37 =	vmul.f32 v23, v18;
	v38 =	vld [tilespmem:s25+$0x5F0];
	(xrf2) =	vadd.scan.msk.f32 $0xffff, v1;
	v2 =	vadd.f32 v30, v2  }
0x355: {  	(xrf2) =	vadd.scan.msk.f32 $0xffff, v4;
	v4 =	vmul.f32 v45, v44;
	v3 =	vadd.f32 v43, v6;
	v55 =	vadd.f32 v61, v5;
	v61 =	vld [tilespmem:$0x1FAC0]  }
0x356: {  	v25 =	vld [tilespmem:$0x1FA00];
	v2 =	vadd.f32 v37, v2  }
0x357: {  	v32 =	vld [tilespmem:$0x1F860];
	v3 =	vadd.f32 v4, v3;
	v4 =	vmul.f32 v34, v51;
	(xrf2) =	vadd.scan.msk.f32 $0xffff, v0  }
0x358: {  	v10 =	vadd.f32 v52, v53;
	v11, _, _ =	vpop (xrf2);
	v12 =	vmul.f32 v57, v56;
	v34 =	vld [tilespmem:$0x1F870];
	(xrf2) =	vadd.scan.msk.f32 $0xffff, v2  }
0x359: {  	v40 =	vld [tilespmem:$0x1F840];
	v59 =	vmul.f32 v42, v38;
	v3 =	vadd.f32 v4, v3;
	v0 =	vadd.f32 v48, v47;
	v5, _, _ =	vpop (xrf2)  }
0x35a: {  	v39 =	vld [tilespmem:$0x1F830];
	v60, _, _ =	vpop (xrf2);
	v9 =	vadd.f32 v61, v10  }
0x35b: {  	v6 =	vmul.f32 v46, v21;
	v24 =	vld [tilespmem:s25+$0x88F0];
	v3 =	vadd.f32 v59, v3;
	v1 =	vadd.f32 v12, v55;
	(xrf2) =	vadd.scan.msk.f32 $0xffff, v0;
	v23, _, _ =	vpop (xrf2)  }
0x35c: {  	v29 =	vld [tilespmem:s25+$0x9E0];
	v15 =	vmul.f32 v28, v27;
	v12 =	vadd.f32 v22, v63;
	v26, _, _ =	vpop (xrf2);
	v4 =	vadd.f32 v25, v9  }
0x35d: {  	v33 =	vld [tilespmem:s25+$0x89E0];
	v2 =	vmul.f32 v54, v50;
	v13 =	vmul.f32 v58, v34;
	v1 =	vadd.f32 v6, v1;
	v30, _, _ =	vpop (xrf2)  }
0x35e: {  	v37 =	vld [tilespmem:s25+$0x9F0];
	v8 =	vmul.f32 v32, v31;
	(xrf2) =	vadd.scan.msk.f32 $0xffff, v3;
	v12 =	vadd.f32 v35, v12;
	v36, _, _ =	vpop (xrf2);
	v4 =	vadd.f32 v15, v4  }
0x35f: {  	v41 =	vld [tilespmem:s25+$0x89F0];
	v18 =	vmul.f32 v40, v39;
	v1 =	vadd.f32 v2, v1;
	v38, _, _ =	vpop (xrf2)  }
0x360: {  	v0 =	vmul.f32 v24, v62;
	v8 =	vadd.f32 v8, v12;
	v42, _, _ =	vpop (xrf2);
	v4 =	vadd.f32 v13, v4  }
0x361: {  	(xrf2) =	vadd.scan.msk.f32 $0xffff, v1;
	v43, _, _ =	vpop (xrf2)  }
0x362: {  	v45 =	vmul.f32 v33, v29;
	v44 =	vadd.f32 v18, v8;
	v46, _, _ =	vpop (xrf2);
	v0 =	vadd.f32 v0, v4  }
0x363: {  	v1 =	vbroadcast v43, $0xF;
	v12 =	vbroadcast v46, $0xF  }
0x364: {  	v3 =	vmul.f32 v41, v37;
	v47 =	vbroadcast v42, $0xF;
	v4 =	vadd.f32 v45, v44;
	(xrf2) =	vadd.scan.msk.f32 $0xffff, v0  }
0x365: {  	v2 =	vbroadcast v38, $0xF;
	v48, _, _ =	vpop (xrf2);
	v1 =	vsel vm0, v1, v12  }
0x366: {  	v50 =	vbroadcast v48, $0xF;
	v0 =	vsel vm1, v1, v47;
	v49 =	vadd.f32 v3, v4  }
0x367: {  	v51 =	vbroadcast v36, $0xF;
	v0 =	vsel vm2, v0, v2  }
0x368: {  	v52 =	vbroadcast v30, $0xF;
	v53, _, _ =	vpop (xrf2);
	v0 =	vsel vm3, v0, v50;
	(xrf2) =	vadd.scan.msk.f32 $0xffff, v49  }
0x369: {  	v1 =	vbroadcast v53, $0xF;
	v0 =	vsel vm4, v0, v51  }
0x36a: {  	v54 =	vbroadcast v26, $0xF;
	v0 =	vsel vm5, v0, v52  }
0x36b: {  	v55 =	vbroadcast v23, $0xF;
	v56, _, _ =	vpop (xrf2);
	v0 =	vsel vm6, v0, v1  }
0x36c: {  	v57 =	vbroadcast v56, $0xF;
	v0 =	vsel vm7, v0, v54  }
0x36d: {  	v58 =	vbroadcast v60, $0xF;
	v0 =	vsel vm8, v0, v55  }
0x36e: {  	v59 =	vbroadcast v5, $0xF;
	v0 =	vsel vm9, v0, v57;
	v60, _, _ =	vpop (xrf2)  }
0x36f: {  	v0 =	vsel vm10, v0, v58;
	v61 =	vbroadcast v60, $0xF  }
0x370: {  	p0 =	sne.s32 s23, s9;
	v62 =	vbroadcast v11, $0xF;
	v0 =	vsel vm11, v0, v59  }
.Ltmp1:
0x371: {  	v0 =	vsel vm12, v0, v61;
	(pc) =	sbr.rel @p0 .LBB2_2-.Ltmp1, $4  }
0x372: {  	s30 =	sshll.u32 s26, $0x4;
	v63, _, _ =	vpop (xrf2);
	v0 =	vsel vm13, v0, v62  }
0x373: {  	s31 =	sadd.s32 $0x1, s23;
	s25 =	sand.u32 $0x3FFFFFF0, s30;
	v0 =	vsel vm14, v0, v63  }
0x374: {  	s24 =	sadd.s32 s7, s24;
	s23 =	smov.u32 s31;
	[tilespmem:s25+$0x10200] =	vst v0  }
0x375: {  	[hbm4b:s24+s2] =	stream.linear.scatter [tilespmem:s20], [sflag:$0x3], $0x100, $0x38;
	[tilespmem:$0x10300] =	vst v63  }
0x376: {  	s22 =	sadd.s32 $0x1, s22  }
0x377: {  	p0 =	sne.s32 s22, s10  }
.Ltmp2:
0x378: {  	_ = 	snop;
	(pc) =	sbr.rel @p0 .LBB2_1-.Ltmp2, $4  }
0x379: {  	_ = 	snop  }
0x37a: {  	_ =	swait.ge [sflag:s21], $0x100  }
0x37b: {  	[sflag:s21] =	ssyncset.done $0x0  }
0x37c: {  	[sflag:s21] =	ssyncadd.s32 $0xFFFFFF00  }
0x37d: {  	_ =	sfence.sel $0x180000  }
0x37e: {  	[bflag:$0x0] =	sbarrier.arrive $0xFFFF  }
0x37f: {  	p0 =	sne.s32 s3, $0x0;
	_ =	strace $0x90000047  }
0x380: {  	s0 =	sadd.s32 @!p0 $0x100000, s0;
	[bflag:$0x2] =	sbarrier.arrive $0xFFFF  }
0x381: {  	[sflag:s0] =	ssyncadd.tile.s32 @!p0 $0x1;
	_ =	shalt  }
.Lfunc_end2:
_tile_overlayer_lowered:
.L_overlay_start_2:
0x382: {  	(tag) =	ssettag $0x2  }
0x383: {  	s0 =	rddreg [dreg:$0x0];
	s2 =	stileid.u32  }
0x384: {  	s1 =	rddreg [dreg:$0x1];
	p0 =	sne.s32 s2, $0x0  }
0x385: {  	s3 =	rddreg [dreg:$0x2];
	[bflag:$0x3] =	sbarrier.arrive $0xFFFF;
	s2 =	simm.s32 @!p0 $0x1C04  }
0x386: {  	[timem:s3], [sflag:s2] =	dma.local @!p0 [hbm:s0], s1  }
0x387: {  	s0 =	simm.s32 @!p0 $0x4  }
0x388: {  	_ =	swait.ge @!p0 [sflag:s0], s1  }
0x389: {  	s1 =	ssub.s32 @!p0 $0x0, s1;
	[sflag:s0] =	ssyncset.done @!p0 $0x0  }
0x38a: {  	[sflag:s0] =	ssyncadd.s32 @!p0 s1  }
0x38b: {  	[bflag:$0x3] =	sbarrier.arrive $0xFFFF  }
0x38c: {  	_ =	shalt  }

</sc_bundles>
